<compile_context>
chip_gen: v7x
topology: tpu7x:2x2x1
jax: 0.10.2.dev20260603
libtpu: 0.0.44.dev20260713+nightly
codegen_flags: <defaults>
</compile_context>

<pallas_src>
import jax
import jax.numpy as jnp
from jax import lax
from jax.experimental import pallas as pl
from jax.experimental.pallas import tpu as pltpu
from jax.experimental.pallas import tpu_sc as plsc

N = 200000
C = 128
SCALE_SHIFT = 2
GLOBAL_SIZE = 64

NC = 2
NS = 16
NW = NC * NS

BLK = 160
NBLK = N // BLK
IDX_CHUNK = 80
N_CHUNKS = BLK // IDX_CHUNK
LANES = 16
IDX_STEPS = BLK // LANES
NSLOT = 3
NB_MAX = (NBLK + NW - 1) // NW
UB = (NB_MAX + NSLOT - 1) // NSLOT


def _fusion_body(co_hbm, lf_hbm, gf_hbm, base_hbm, out_hbm,
                 cob0, cob1, cob2, lb0_, lb1_, lb2_, gb0_, gb1_, gb2_,
                 ix00, ix01, ix10, ix11, ix20, ix21, basev,
                 sc0, sc1, sc2, sl0, sl1, sl2, sg00, sg01, sg10, sg11,
                 sg20, sg21, so0, so1, so2):
    cob = (cob0, cob1, cob2)
    lbuf = (lb0_, lb1_, lb2_)
    gbuf = (gb0_, gb1_, gb2_)
    ixb = ((ix00, ix01), (ix10, ix11), (ix20, ix21))
    sem_c = (sc0, sc1, sc2)
    sem_l = (sl0, sl1, sl2)
    sem_g = ((sg00, sg01), (sg10, sg11), (sg20, sg21))
    sem_o = (so0, so1, so2)

    wid = lax.axis_index("s") * NC + lax.axis_index("c")
    nb_w = (NBLK - wid + NW - 1) // NW

    pltpu.sync_copy(base_hbm, basev)
    bvec = basev[pl.ds(0, 16)]
    lb = (bvec[0], bvec[1], bvec[2])
    gb = (bvec[3], bvec[4], bvec[5])

    def fire_inputs(s, k):
        b = wid + k * NW
        pltpu.async_copy(co_hbm.at[b], cob[s], sem_c[s])
        pltpu.async_copy(lf_hbm.at[pl.ds(b * BLK, BLK)], lbuf[s], sem_l[s])

    def wait_coords(s, k):
        b = wid + k * NW
        pltpu.make_async_copy(co_hbm.at[b], cob[s], sem_c[s]).wait()

    def wait_local(s, k):
        b = wid + k * NW
        pltpu.make_async_copy(
            lf_hbm.at[pl.ds(b * BLK, BLK)], lbuf[s], sem_l[s]).wait()

    def wait_out(s, k):
        b = wid + k * NW
        pltpu.make_async_copy(
            lbuf[s], out_hbm.at[pl.ds(b * BLK, BLK)], sem_o[s]).wait()

    def idx_and_gather(s):
        for st in range(IDX_STEPS):
            gx = jnp.clip(((cob[s][pl.ds(st * LANES, LANES)] + lb[0])
                           >> SCALE_SHIFT) + gb[0], 0, GLOBAL_SIZE - 1)
            gy = jnp.clip(((cob[s][pl.ds(BLK + st * LANES, LANES)] + lb[1])
                           >> SCALE_SHIFT) + gb[1], 0, GLOBAL_SIZE - 1)
            gz = jnp.clip(((cob[s][pl.ds(2 * BLK + st * LANES, LANES)] + lb[2])
                           >> SCALE_SHIFT) + gb[2], 0, GLOBAL_SIZE - 1)
            flat = gx * (GLOBAL_SIZE * GLOBAL_SIZE) + gy * GLOBAL_SIZE + gz
            j, col = divmod(st * LANES, IDX_CHUNK)
            ixb[s][j][pl.ds(col, LANES)] = flat
        for j in range(N_CHUNKS):
            pltpu.async_copy(
                gf_hbm.at[ixb[s][j]],
                gbuf[s].at[pl.ds(j * IDX_CHUNK, IDX_CHUNK)],
                sem_g[s][j],
            )

    def process(s, k):
        b = wid + k * NW
        wait_local(s, k)
        for j in range(N_CHUNKS):
            pltpu.make_async_copy(
                gf_hbm.at[ixb[s][j]],
                gbuf[s].at[pl.ds(j * IDX_CHUNK, IDX_CHUNK)],
                sem_g[s][j],
            ).wait()

            def row_add(r, acc):
                for col in range(C // LANES):
                    sl = pl.ds(col * LANES, LANES)
                    plsc.addupdate(lbuf[s].at[r, sl], gbuf[s][r, sl])
                return acc

            lax.fori_loop(j * IDX_CHUNK, (j + 1) * IDX_CHUNK, row_add, 0)
        pltpu.async_copy(lbuf[s], out_hbm.at[pl.ds(b * BLK, BLK)], sem_o[s])

    fire_inputs(0, 0)
    fire_inputs(1, 1)
    wait_coords(0, 0)
    idx_and_gather(0)

    def body(i, carry):
        for j in range(NSLOT):
            k = i * NSLOT + j
            s = j
            s1 = (j + 1) % NSLOT
            s2 = (j + 2) % NSLOT

            @pl.when(k < nb_w)
            def _():
                process(s, k)

            @pl.when(k + 2 < nb_w)
            def _():
                @pl.when(k >= 1)
                def _():
                    wait_out(s2, k - 1)
                fire_inputs(s2, k + 2)

            @pl.when(k + 1 < nb_w)
            def _():
                wait_coords(s1, k + 1)
                idx_and_gather(s1)
        return carry

    lax.fori_loop(0, UB, body, 0)

    for s in range(NSLOT):
        pltpu.make_async_copy(
            lbuf[s], out_hbm.at[pl.ds(0, BLK)], sem_o[s]).wait()


@jax.jit
def _fusion(co, lf, gf, base16):
    mesh = plsc.VectorSubcoreMesh(core_axis_name="c", subcore_axis_name="s")
    semt = pltpu.SemaphoreType.DMA
    return pl.kernel(
        _fusion_body,
        mesh=mesh,
        out_type=jax.ShapeDtypeStruct((N, C), jnp.float32),
        scratch_types=(
            [pltpu.VMEM((3 * BLK,), jnp.int32) for _ in range(3)]
            + [pltpu.VMEM((BLK, C), jnp.float32) for _ in range(6)]
            + [pltpu.VMEM((IDX_CHUNK,), jnp.int32) for _ in range(6)]
            + [pltpu.VMEM((16,), jnp.int32)]
            + [semt] * 15
        ),
    )(co, lf, gf, base16)


def kernel(local_features, local_coords, global_features, local_base, global_base):
    coords = local_coords.astype(jnp.int32)
    co = coords.reshape(NBLK, BLK, 3).transpose(0, 2, 1).reshape(NBLK, 3 * BLK)
    base16 = jnp.zeros((16,), jnp.int32)
    base16 = base16.at[0:3].set(local_base.astype(jnp.int32))
    base16 = base16.at[3:6].set(global_base.astype(jnp.int32))
    return _fusion(co, local_features, global_features, base16)

# --- scband reference (transcript-rebuilt; emitter-appended) ---
"""Pipeline reference for scband-global-fusion-18107582120748 (READ-ONLY COPY).

The authoritative reference and input builder live on the scoring server;
editing this copy changes nothing except your own understanding.
"""

import jax, jax.numpy as jnp
import numpy as np

N_LOCAL = 200000
C = 128
LOCAL_SIZE = 256
SCALE = 4
GLOBAL_SIZE = LOCAL_SIZE // SCALE  # 64
DIM = 3


def setup_inputs(seed: int = 0) -> dict:
    key = jax.random.key(seed)
    k1, k2, k3 = jax.random.split(key, 3)
    local_features = jax.random.normal(k1, (N_LOCAL, C), dtype=jnp.float32)
    local_coords = jax.random.randint(k2, (N_LOCAL, DIM), 0, LOCAL_SIZE, dtype=jnp.int64)
    global_features = jax.random.normal(k3, (GLOBAL_SIZE ** 3, C), dtype=jnp.float32)
    local_base = jnp.zeros((DIM,), dtype=jnp.int64)
    global_base = jnp.zeros((DIM,), dtype=jnp.int64)
    return {
        'local_features': local_features,
        'local_coords': local_coords,
        'global_features': global_features,
        'local_base': local_base,
        'global_base': global_base,
    }


def reference(local_features, local_coords, global_features, local_base, global_base):
    # GlobalFusion: for each local active site, map its coordinate (offset by
    # local_base) down by scale_ratio into the global spatial grid (offset by
    # global_base), gather the corresponding global feature, and fuse (add)
    # with the local feature. Output keeps local metadata / spatial size.
    g = (local_coords + local_base[None, :]) // SCALE  # scale_ratio = 4 per dim
    g = g + global_base[None, :]
    g = jnp.clip(g, 0, GLOBAL_SIZE - 1)
    flat_idx = g[:, 0] * (GLOBAL_SIZE * GLOBAL_SIZE) + g[:, 1] * GLOBAL_SIZE + g[:, 2]
    gathered = jnp.take(global_features, flat_idx, axis=0)
    output_features = local_features + gathered
    return output_features

if __name__ == "__main__":
    import jax
    _d = setup_inputs()
    print(jax.jit(kernel)(*tuple(_d.values())))

</pallas_src>

<mosaic_0001>
#map = affine_map<(d0, d1) -> (0, 0)>
#map1 = affine_map<(d0, d1) -> (0)>
module attributes {stable_mosaic.version = 14 : i64} {
  func.func @_fusion_body(%arg0: i32, %arg1: i32, %arg2: memref<1250x480xi32, #tpu.memory_space<hbm>>, %arg3: memref<200000x128xf32, #tpu.memory_space<hbm>>, %arg4: memref<262144x128xf32, #tpu.memory_space<hbm>>, %arg5: memref<16xi32, #tpu.memory_space<hbm>>, %arg6: memref<200000x128xf32, #tpu.memory_space<hbm>>, %arg7: memref<480xi32, #tpu.memory_space<vmem>>, %arg8: memref<480xi32, #tpu.memory_space<vmem>>, %arg9: memref<480xi32, #tpu.memory_space<vmem>>, %arg10: memref<160x128xf32, #tpu.memory_space<vmem>>, %arg11: memref<160x128xf32, #tpu.memory_space<vmem>>, %arg12: memref<160x128xf32, #tpu.memory_space<vmem>>, %arg13: memref<160x128xf32, #tpu.memory_space<vmem>>, %arg14: memref<160x128xf32, #tpu.memory_space<vmem>>, %arg15: memref<160x128xf32, #tpu.memory_space<vmem>>, %arg16: memref<80xi32, #tpu.memory_space<vmem>>, %arg17: memref<80xi32, #tpu.memory_space<vmem>>, %arg18: memref<80xi32, #tpu.memory_space<vmem>>, %arg19: memref<80xi32, #tpu.memory_space<vmem>>, %arg20: memref<80xi32, #tpu.memory_space<vmem>>, %arg21: memref<80xi32, #tpu.memory_space<vmem>>, %arg22: memref<16xi32, #tpu.memory_space<vmem>>, %arg23: memref<!tpu.dma_semaphore, #tpu.memory_space<semaphore_mem>>, %arg24: memref<!tpu.dma_semaphore, #tpu.memory_space<semaphore_mem>>, %arg25: memref<!tpu.dma_semaphore, #tpu.memory_space<semaphore_mem>>, %arg26: memref<!tpu.dma_semaphore, #tpu.memory_space<semaphore_mem>>, %arg27: memref<!tpu.dma_semaphore, #tpu.memory_space<semaphore_mem>>, %arg28: memref<!tpu.dma_semaphore, #tpu.memory_space<semaphore_mem>>, %arg29: memref<!tpu.dma_semaphore, #tpu.memory_space<semaphore_mem>>, %arg30: memref<!tpu.dma_semaphore, #tpu.memory_space<semaphore_mem>>, %arg31: memref<!tpu.dma_semaphore, #tpu.memory_space<semaphore_mem>>, %arg32: memref<!tpu.dma_semaphore, #tpu.memory_space<semaphore_mem>>, %arg33: memref<!tpu.dma_semaphore, #tpu.memory_space<semaphore_mem>>, %arg34: memref<!tpu.dma_semaphore, #tpu.memory_space<semaphore_mem>>, %arg35: memref<!tpu.dma_semaphore, #tpu.memory_space<semaphore_mem>>, %arg36: memref<!tpu.dma_semaphore, #tpu.memory_space<semaphore_mem>>, %arg37: memref<!tpu.dma_semaphore, #tpu.memory_space<semaphore_mem>>) attributes {dimension_semantics = [#tpu.dimension_semantics<core_parallel>, #tpu.dimension_semantics<subcore_parallel>], iteration_bounds = array<i64: 2, 16>, scalar_prefetch = 0 : i64, scratch_operands = 31 : i64, tpu.core_type = #tpu.core_type<sc_vector_subcore>, window_params = [{transform_indices = #map}, {transform_indices = #map}, {transform_indices = #map}, {transform_indices = #map1}, {transform_indices = #map}]} {
    %mul3A = arith.constant 2 : i32
    %mul3A_0 = arith.muli %arg1, %mul3A : i32
    %add3A = arith.addi %mul3A_0, %arg0 : i32
    %sub3A = arith.constant 1250 : i32
    %sub3A_1 = arith.subi %sub3A, %add3A : i32
    %add3A_2 = arith.constant 32 : i32
    %add3A_3 = arith.addi %sub3A_1, %add3A_2 : i32
    %sub3A_4 = arith.constant 1 : i32
    %sub3A_5 = arith.subi %add3A_3, %sub3A_4 : i32
    %jit3A = arith.constant 32 : i32
    %div3A = arith.divsi %sub3A_5, %jit3A : i32
    %sign3A = arith.constant 0 : i32
    %sign3A_6 = arith.cmpi sgt, %sub3A_5, %sign3A : i32
    %sign3A_7 = arith.extui %sign3A_6 : i1 to i32
    %sign3A_8 = arith.constant 0 : i32
    %sign3A_9 = arith.cmpi slt, %sub3A_5, %sign3A_8 : i32
    %sign3A_10 = arith.extui %sign3A_9 : i1 to i32
    %sign3A_11 = arith.subi %sign3A_7, %sign3A_10 : i32
    %sign3A_12 = arith.constant 0 : i32
    %sign3A_13 = arith.cmpi sgt, %jit3A, %sign3A_12 : i32
    %sign3A_14 = arith.extui %sign3A_13 : i1 to i32
    %sign3A_15 = arith.constant 0 : i32
    %sign3A_16 = arith.cmpi slt, %jit3A, %sign3A_15 : i32
    %sign3A_17 = arith.extui %sign3A_16 : i1 to i32
    %sign3A_18 = arith.subi %sign3A_14, %sign3A_17 : i32
    %ne3A = arith.cmpi ne, %sign3A_11, %sign3A_18 : i32
    %rem3A = arith.remsi %sub3A_5, %jit3A : i32
    %ne3A_19 = arith.constant 0 : i32
    %ne3A_20 = arith.cmpi ne, %rem3A, %ne3A_19 : i32
    %and3A = arith.andi %ne3A, %ne3A_20 : i1
    %sub3A_21 = arith.constant 1 : i32
    %sub3A_22 = arith.subi %div3A, %sub3A_21 : i32
    %select_n3A = arith.select %and3A, %sub3A_22, %div3A : i32
    "tpu.region"() ({
      %run_scoped3A = tpu.sem_alloc : memref<!tpu.dma_semaphore, #tpu.memory_space<semaphore_mem>>
      tpu.enqueue_dma source(%arg5 : memref<16xi32, #tpu.memory_space<hbm>>) target(%arg22 : memref<16xi32, #tpu.memory_space<vmem>>) target_semaphore(%run_scoped3A : memref<!tpu.dma_semaphore, #tpu.memory_space<semaphore_mem>>)
      tpu.wait_dma2 semaphore(%run_scoped3A : memref<!tpu.dma_semaphore, #tpu.memory_space<semaphore_mem>>) src(%arg5 : memref<16xi32, #tpu.memory_space<hbm>>) dst(%arg22 : memref<16xi32, #tpu.memory_space<vmem>>)
      tpu.yield
    }) : () -> ()
    %get3A = arith.constant 0 : index
    %get3A_23 = tpu.vector_load %arg22[%get3A] {strides = array<i32>} : memref<16xi32, #tpu.memory_space<vmem>>, vector<16xi32>,
    %get3A_24 = vector.shape_cast %get3A_23 : vector<16xi32> to vector<16xi32>
    %slice3A = vector.extract_strided_slice %get3A_24 {offsets = [0], sizes = [1], strides = [1]} : vector<16xi32> to vector<1xi32>
    %squeeze3A = vector.extract %slice3A[0] : i32 from vector<1xi32>
    %slice3A_25 = vector.extract_strided_slice %get3A_24 {offsets = [1], sizes = [1], strides = [1]} : vector<16xi32> to vector<1xi32>
    %squeeze3A_26 = vector.extract %slice3A_25[0] : i32 from vector<1xi32>
    %slice3A_27 = vector.extract_strided_slice %get3A_24 {offsets = [2], sizes = [1], strides = [1]} : vector<16xi32> to vector<1xi32>
    %squeeze3A_28 = vector.extract %slice3A_27[0] : i32 from vector<1xi32>
    %slice3A_29 = vector.extract_strided_slice %get3A_24 {offsets = [3], sizes = [1], strides = [1]} : vector<16xi32> to vector<1xi32>
    %squeeze3A_30 = vector.extract %slice3A_29[0] : i32 from vector<1xi32>
    %slice3A_31 = vector.extract_strided_slice %get3A_24 {offsets = [4], sizes = [1], strides = [1]} : vector<16xi32> to vector<1xi32>
    %squeeze3A_32 = vector.extract %slice3A_31[0] : i32 from vector<1xi32>
    %slice3A_33 = vector.extract_strided_slice %get3A_24 {offsets = [5], sizes = [1], strides = [1]} : vector<16xi32> to vector<1xi32>
    %squeeze3A_34 = vector.extract %slice3A_33[0] : i32 from vector<1xi32>
    %add3A_35 = arith.constant 0 : i32
    %add3A_36 = arith.addi %add3A, %add3A_35 : i32
    %dma_start3A = arith.constant 0 : i32
    %dma_start3A_37 = tpu.memref_slice %arg2[%add3A_36, %dma_start3A] : memref<1250x480xi32, #tpu.memory_space<hbm>> -> memref<1x480xi32, #tpu.memory_space<hbm>>
    %dma_start3A_38 = tpu.memref_squeeze %dma_start3A_37 : memref<1x480xi32, #tpu.memory_space<hbm>> -> memref<480xi32, #tpu.memory_space<hbm>>
    %dma_start3A_39 = arith.constant 0 : i32
    %dma_start3A_40 = tpu.memref_slice %arg2[%add3A_36, %dma_start3A_39] : memref<1250x480xi32, #tpu.memory_space<hbm>> -> memref<1x480xi32, #tpu.memory_space<hbm>>
    %dma_start3A_41 = tpu.memref_squeeze %dma_start3A_40 : memref<1x480xi32, #tpu.memory_space<hbm>> -> memref<480xi32, #tpu.memory_space<hbm>>
    tpu.enqueue_dma source(%dma_start3A_41 : memref<480xi32, #tpu.memory_space<hbm>>) target(%arg7 : memref<480xi32, #tpu.memory_space<vmem>>) target_semaphore(%arg23 : memref<!tpu.dma_semaphore, #tpu.memory_space<semaphore_mem>>)
    %mul3A_42 = arith.constant 160 : i32
    %mul3A_43 = arith.muli %add3A_36, %mul3A_42 : i32
    %dma_start3A_44 = arith.constant 0 : i32
    %dma_start3A_45 = tpu.memref_slice %arg3[%mul3A_43, %dma_start3A_44] : memref<200000x128xf32, #tpu.memory_space<hbm>> -> memref<160x128xf32, #tpu.memory_space<hbm>>
    %dma_start3A_46 = arith.constant 0 : i32
    %dma_start3A_47 = tpu.memref_slice %arg3[%mul3A_43, %dma_start3A_46] : memref<200000x128xf32, #tpu.memory_space<hbm>> -> memref<160x128xf32, #tpu.memory_space<hbm>>
    tpu.enqueue_dma source(%dma_start3A_47 : memref<160x128xf32, #tpu.memory_space<hbm>>) target(%arg10 : memref<160x128xf32, #tpu.memory_space<vmem>>) target_semaphore(%arg26 : memref<!tpu.dma_semaphore, #tpu.memory_space<semaphore_mem>>)
    %add3A_48 = arith.constant 32 : i32
    %add3A_49 = arith.addi %add3A, %add3A_48 : i32
    %dma_start3A_50 = arith.constant 0 : i32
    %dma_start3A_51 = tpu.memref_slice %arg2[%add3A_49, %dma_start3A_50] : memref<1250x480xi32, #tpu.memory_space<hbm>> -> memref<1x480xi32, #tpu.memory_space<hbm>>
    %dma_start3A_52 = tpu.memref_squeeze %dma_start3A_51 : memref<1x480xi32, #tpu.memory_space<hbm>> -> memref<480xi32, #tpu.memory_space<hbm>>
    %dma_start3A_53 = arith.constant 0 : i32
    %dma_start3A_54 = tpu.memref_slice %arg2[%add3A_49, %dma_start3A_53] : memref<1250x480xi32, #tpu.memory_space<hbm>> -> memref<1x480xi32, #tpu.memory_space<hbm>>
    %dma_start3A_55 = tpu.memref_squeeze %dma_start3A_54 : memref<1x480xi32, #tpu.memory_space<hbm>> -> memref<480xi32, #tpu.memory_space<hbm>>
    tpu.enqueue_dma source(%dma_start3A_55 : memref<480xi32, #tpu.memory_space<hbm>>) target(%arg8 : memref<480xi32, #tpu.memory_space<vmem>>) target_semaphore(%arg24 : memref<!tpu.dma_semaphore, #tpu.memory_space<semaphore_mem>>)
    %mul3A_56 = arith.constant 160 : i32
    %mul3A_57 = arith.muli %add3A_49, %mul3A_56 : i32
    %dma_start3A_58 = arith.constant 0 : i32
    %dma_start3A_59 = tpu.memref_slice %arg3[%mul3A_57, %dma_start3A_58] : memref<200000x128xf32, #tpu.memory_space<hbm>> -> memref<160x128xf32, #tpu.memory_space<hbm>>
    %dma_start3A_60 = arith.constant 0 : i32
    %dma_start3A_61 = tpu.memref_slice %arg3[%mul3A_57, %dma_start3A_60] : memref<200000x128xf32, #tpu.memory_space<hbm>> -> memref<160x128xf32, #tpu.memory_space<hbm>>
    tpu.enqueue_dma source(%dma_start3A_61 : memref<160x128xf32, #tpu.memory_space<hbm>>) target(%arg11 : memref<160x128xf32, #tpu.memory_space<vmem>>) target_semaphore(%arg27 : memref<!tpu.dma_semaphore, #tpu.memory_space<semaphore_mem>>)
    %add3A_62 = arith.constant 0 : i32
    %add3A_63 = arith.addi %add3A, %add3A_62 : i32
    %dma_wait3A = arith.constant 0 : i32
    %dma_wait3A_64 = tpu.memref_slice %arg2[%add3A_63, %dma_wait3A] : memref<1250x480xi32, #tpu.memory_space<hbm>> -> memref<1x480xi32, #tpu.memory_space<hbm>>
    %dma_wait3A_65 = tpu.memref_squeeze %dma_wait3A_64 : memref<1x480xi32, #tpu.memory_space<hbm>> -> memref<480xi32, #tpu.memory_space<hbm>>
    %dma_wait3A_66 = arith.constant 0 : i32
    %dma_wait3A_67 = tpu.memref_slice %arg2[%add3A_63, %dma_wait3A_66] : memref<1250x480xi32, #tpu.memory_space<hbm>> -> memref<1x480xi32, #tpu.memory_space<hbm>>
    %dma_wait3A_68 = tpu.memref_squeeze %dma_wait3A_67 : memref<1x480xi32, #tpu.memory_space<hbm>> -> memref<480xi32, #tpu.memory_space<hbm>>
    tpu.wait_dma2 semaphore(%arg23 : memref<!tpu.dma_semaphore, #tpu.memory_space<semaphore_mem>>) src(%dma_wait3A_68 : memref<480xi32, #tpu.memory_space<hbm>>) dst(%arg7 : memref<480xi32, #tpu.memory_space<vmem>>)
    %get3A_69 = arith.constant 0 : index
    %get3A_70 = tpu.vector_load %arg7[%get3A_69] {strides = array<i32>} : memref<480xi32, #tpu.memory_space<vmem>>, vector<16xi32>,
    %get3A_71 = vector.shape_cast %get3A_70 : vector<16xi32> to vector<16xi32>
    %add3A_72 = vector.broadcast %squeeze3A : i32 to vector<16xi32>
    %add3A_73 = arith.addi %get3A_71, %add3A_72 : vector<16xi32>
    %shift_right_arithmetic3A = arith.constant 2 : i32
    %shift_right_arithmetic3A_74 = vector.broadcast %shift_right_arithmetic3A : i32 to vector<16xi32>
    %shift_right_arithmetic3A_75 = arith.shrsi %add3A_73, %shift_right_arithmetic3A_74 : vector<16xi32>
    %add3A_76 = vector.broadcast %squeeze3A_30 : i32 to vector<16xi32>
    %add3A_77 = arith.addi %shift_right_arithmetic3A_75, %add3A_76 : vector<16xi32>
    %jit3A_78 = arith.constant 0 : i32
    %jit3A_79 = arith.constant 63 : i32
    %max3A = vector.broadcast %jit3A_78 : i32 to vector<16xi32>
    %max3A_80 = arith.maxsi %max3A, %add3A_77 : vector<16xi32>
    %min3A = vector.broadcast %jit3A_79 : i32 to vector<16xi32>
    %min3A_81 = arith.minsi %min3A, %max3A_80 : vector<16xi32>
    %get3A_82 = arith.constant 160 : index
    %get3A_83 = tpu.vector_load %arg7[%get3A_82] {strides = array<i32>} : memref<480xi32, #tpu.memory_space<vmem>>, vector<16xi32>,
    %get3A_84 = vector.shape_cast %get3A_83 : vector<16xi32> to vector<16xi32>
    %add3A_85 = vector.broadcast %squeeze3A_26 : i32 to vector<16xi32>
    %add3A_86 = arith.addi %get3A_84, %add3A_85 : vector<16xi32>
    %shift_right_arithmetic3A_87 = arith.constant 2 : i32
    %shift_right_arithmetic3A_88 = vector.broadcast %shift_right_arithmetic3A_87 : i32 to vector<16xi32>
    %shift_right_arithmetic3A_89 = arith.shrsi %add3A_86, %shift_right_arithmetic3A_88 : vector<16xi32>
    %add3A_90 = vector.broadcast %squeeze3A_32 : i32 to vector<16xi32>
    %add3A_91 = arith.addi %shift_right_arithmetic3A_89, %add3A_90 : vector<16xi32>
    %jit3A_92 = arith.constant 0 : i32
    %jit3A_93 = arith.constant 63 : i32
    %max3A_94 = vector.broadcast %jit3A_92 : i32 to vector<16xi32>
    %max3A_95 = arith.maxsi %max3A_94, %add3A_91 : vector<16xi32>
    %min3A_96 = vector.broadcast %jit3A_93 : i32 to vector<16xi32>
    %min3A_97 = arith.minsi %min3A_96, %max3A_95 : vector<16xi32>
    %get3A_98 = arith.constant 320 : index
    %get3A_99 = tpu.vector_load %arg7[%get3A_98] {strides = array<i32>} : memref<480xi32, #tpu.memory_space<vmem>>, vector<16xi32>,
    %get3A_100 = vector.shape_cast %get3A_99 : vector<16xi32> to vector<16xi32>
    %add3A_101 = vector.broadcast %squeeze3A_28 : i32 to vector<16xi32>
    %add3A_102 = arith.addi %get3A_100, %add3A_101 : vector<16xi32>
    %shift_right_arithmetic3A_103 = arith.constant 2 : i32
    %shift_right_arithmetic3A_104 = vector.broadcast %shift_right_arithmetic3A_103 : i32 to vector<16xi32>
    %shift_right_arithmetic3A_105 = arith.shrsi %add3A_102, %shift_right_arithmetic3A_104 : vector<16xi32>
    %add3A_106 = vector.broadcast %squeeze3A_34 : i32 to vector<16xi32>
    %add3A_107 = arith.addi %shift_right_arithmetic3A_105, %add3A_106 : vector<16xi32>
    %jit3A_108 = arith.constant 0 : i32
    %jit3A_109 = arith.constant 63 : i32
    %max3A_110 = vector.broadcast %jit3A_108 : i32 to vector<16xi32>
    %max3A_111 = arith.maxsi %max3A_110, %add3A_107 : vector<16xi32>
    %min3A_112 = vector.broadcast %jit3A_109 : i32 to vector<16xi32>
    %min3A_113 = arith.minsi %min3A_112, %max3A_111 : vector<16xi32>
    %mul3A_114 = arith.constant 4096 : i32
    %mul3A_115 = vector.broadcast %mul3A_114 : i32 to vector<16xi32>
    %mul3A_116 = arith.muli %min3A_81, %mul3A_115 : vector<16xi32>
    %mul3A_117 = arith.constant 64 : i32
    %mul3A_118 = vector.broadcast %mul3A_117 : i32 to vector<16xi32>
    %mul3A_119 = arith.muli %min3A_97, %mul3A_118 : vector<16xi32>
    %add3A_120 = arith.addi %mul3A_116, %mul3A_119 : vector<16xi32>
    %add3A_121 = arith.addi %add3A_120, %min3A_113 : vector<16xi32>
    %swap3A = arith.constant 0 : index
    %swap3A_122 = tpu.vector_load %arg16[%swap3A] {strides = array<i32>} : memref<80xi32, #tpu.memory_space<vmem>>, vector<16xi32>,
    %swap3A_123 = vector.shape_cast %swap3A_122 : vector<16xi32> to vector<16xi32>
    %swap3A_124 = vector.shape_cast %add3A_121 : vector<16xi32> to vector<16xi32>
    tpu.vector_store %arg16[%swap3A], %swap3A_124 {strides = array<i32>} : memref<80xi32, #tpu.memory_space<vmem>>, vector<16xi32>,
    %get3A_125 = arith.constant 16 : index
    %get3A_126 = tpu.vector_load %arg7[%get3A_125] {strides = array<i32>} : memref<480xi32, #tpu.memory_space<vmem>>, vector<16xi32>,
    %get3A_127 = vector.shape_cast %get3A_126 : vector<16xi32> to vector<16xi32>
    %add3A_128 = vector.broadcast %squeeze3A : i32 to vector<16xi32>
    %add3A_129 = arith.addi %get3A_127, %add3A_128 : vector<16xi32>
    %shift_right_arithmetic3A_130 = arith.constant 2 : i32
    %shift_right_arithmetic3A_131 = vector.broadcast %shift_right_arithmetic3A_130 : i32 to vector<16xi32>
    %shift_right_arithmetic3A_132 = arith.shrsi %add3A_129, %shift_right_arithmetic3A_131 : vector<16xi32>
    %add3A_133 = vector.broadcast %squeeze3A_30 : i32 to vector<16xi32>
    %add3A_134 = arith.addi %shift_right_arithmetic3A_132, %add3A_133 : vector<16xi32>
    %jit3A_135 = arith.constant 0 : i32
    %jit3A_136 = arith.constant 63 : i32
    %max3A_137 = vector.broadcast %jit3A_135 : i32 to vector<16xi32>
    %max3A_138 = arith.maxsi %max3A_137, %add3A_134 : vector<16xi32>
    %min3A_139 = vector.broadcast %jit3A_136 : i32 to vector<16xi32>
    %min3A_140 = arith.minsi %min3A_139, %max3A_138 : vector<16xi32>
    %get3A_141 = arith.constant 176 : index
    %get3A_142 = tpu.vector_load %arg7[%get3A_141] {strides = array<i32>} : memref<480xi32, #tpu.memory_space<vmem>>, vector<16xi32>,
    %get3A_143 = vector.shape_cast %get3A_142 : vector<16xi32> to vector<16xi32>
    %add3A_144 = vector.broadcast %squeeze3A_26 : i32 to vector<16xi32>
    %add3A_145 = arith.addi %get3A_143, %add3A_144 : vector<16xi32>
    %shift_right_arithmetic3A_146 = arith.constant 2 : i32
    %shift_right_arithmetic3A_147 = vector.broadcast %shift_right_arithmetic3A_146 : i32 to vector<16xi32>
    %shift_right_arithmetic3A_148 = arith.shrsi %add3A_145, %shift_right_arithmetic3A_147 : vector<16xi32>
    %add3A_149 = vector.broadcast %squeeze3A_32 : i32 to vector<16xi32>
    %add3A_150 = arith.addi %shift_right_arithmetic3A_148, %add3A_149 : vector<16xi32>
    %jit3A_151 = arith.constant 0 : i32
    %jit3A_152 = arith.constant 63 : i32
    %max3A_153 = vector.broadcast %jit3A_151 : i32 to vector<16xi32>
    %max3A_154 = arith.maxsi %max3A_153, %add3A_150 : vector<16xi32>
    %min3A_155 = vector.broadcast %jit3A_152 : i32 to vector<16xi32>
    %min3A_156 = arith.minsi %min3A_155, %max3A_154 : vector<16xi32>
    %get3A_157 = arith.constant 336 : index
    %get3A_158 = tpu.vector_load %arg7[%get3A_157] {strides = array<i32>} : memref<480xi32, #tpu.memory_space<vmem>>, vector<16xi32>,
    %get3A_159 = vector.shape_cast %get3A_158 : vector<16xi32> to vector<16xi32>
    %add3A_160 = vector.broadcast %squeeze3A_28 : i32 to vector<16xi32>
    %add3A_161 = arith.addi %get3A_159, %add3A_160 : vector<16xi32>
    %shift_right_arithmetic3A_162 = arith.constant 2 : i32
    %shift_right_arithmetic3A_163 = vector.broadcast %shift_right_arithmetic3A_162 : i32 to vector<16xi32>
    %shift_right_arithmetic3A_164 = arith.shrsi %add3A_161, %shift_right_arithmetic3A_163 : vector<16xi32>
    %add3A_165 = vector.broadcast %squeeze3A_34 : i32 to vector<16xi32>
    %add3A_166 = arith.addi %shift_right_arithmetic3A_164, %add3A_165 : vector<16xi32>
    %jit3A_167 = arith.constant 0 : i32
    %jit3A_168 = arith.constant 63 : i32
    %max3A_169 = vector.broadcast %jit3A_167 : i32 to vector<16xi32>
    %max3A_170 = arith.maxsi %max3A_169, %add3A_166 : vector<16xi32>
    %min3A_171 = vector.broadcast %jit3A_168 : i32 to vector<16xi32>
    %min3A_172 = arith.minsi %min3A_171, %max3A_170 : vector<16xi32>
    %mul3A_173 = arith.constant 4096 : i32
    %mul3A_174 = vector.broadcast %mul3A_173 : i32 to vector<16xi32>
    %mul3A_175 = arith.muli %min3A_140, %mul3A_174 : vector<16xi32>
    %mul3A_176 = arith.constant 64 : i32
    %mul3A_177 = vector.broadcast %mul3A_176 : i32 to vector<16xi32>
    %mul3A_178 = arith.muli %min3A_156, %mul3A_177 : vector<16xi32>
    %add3A_179 = arith.addi %mul3A_175, %mul3A_178 : vector<16xi32>
    %add3A_180 = arith.addi %add3A_179, %min3A_172 : vector<16xi32>
    %swap3A_181 = arith.constant 16 : index
    %swap3A_182 = tpu.vector_load %arg16[%swap3A_181] {strides = array<i32>} : memref<80xi32, #tpu.memory_space<vmem>>, vector<16xi32>,
    %swap3A_183 = vector.shape_cast %swap3A_182 : vector<16xi32> to vector<16xi32>
    %swap3A_184 = vector.shape_cast %add3A_180 : vector<16xi32> to vector<16xi32>
    tpu.vector_store %arg16[%swap3A_181], %swap3A_184 {strides = array<i32>} : memref<80xi32, #tpu.memory_space<vmem>>, vector<16xi32>,
    %get3A_185 = arith.constant 32 : index
    %get3A_186 = tpu.vector_load %arg7[%get3A_185] {strides = array<i32>} : memref<480xi32, #tpu.memory_space<vmem>>, vector<16xi32>,
    %get3A_187 = vector.shape_cast %get3A_186 : vector<16xi32> to vector<16xi32>
    %add3A_188 = vector.broadcast %squeeze3A : i32 to vector<16xi32>
    %add3A_189 = arith.addi %get3A_187, %add3A_188 : vector<16xi32>
    %shift_right_arithmetic3A_190 = arith.constant 2 : i32
    %shift_right_arithmetic3A_191 = vector.broadcast %shift_right_arithmetic3A_190 : i32 to vector<16xi32>
    %shift_right_arithmetic3A_192 = arith.shrsi %add3A_189, %shift_right_arithmetic3A_191 : vector<16xi32>
    %add3A_193 = vector.broadcast %squeeze3A_30 : i32 to vector<16xi32>
    %add3A_194 = arith.addi %shift_right_arithmetic3A_192, %add3A_193 : vector<16xi32>
    %jit3A_195 = arith.constant 0 : i32
    %jit3A_196 = arith.constant 63 : i32
    %max3A_197 = vector.broadcast %jit3A_195 : i32 to vector<16xi32>
    %max3A_198 = arith.maxsi %max3A_197, %add3A_194 : vector<16xi32>
    %min3A_199 = vector.broadcast %jit3A_196 : i32 to vector<16xi32>
    %min3A_200 = arith.minsi %min3A_199, %max3A_198 : vector<16xi32>
    %get3A_201 = arith.constant 192 : index
    %get3A_202 = tpu.vector_load %arg7[%get3A_201] {strides = array<i32>} : memref<480xi32, #tpu.memory_space<vmem>>, vector<16xi32>,
    %get3A_203 = vector.shape_cast %get3A_202 : vector<16xi32> to vector<16xi32>
    %add3A_204 = vector.broadcast %squeeze3A_26 : i32 to vector<16xi32>
    %add3A_205 = arith.addi %get3A_203, %add3A_204 : vector<16xi32>
    %shift_right_arithmetic3A_206 = arith.constant 2 : i32
    %shift_right_arithmetic3A_207 = vector.broadcast %shift_right_arithmetic3A_206 : i32 to vector<16xi32>
    %shift_right_arithmetic3A_208 = arith.shrsi %add3A_205, %shift_right_arithmetic3A_207 : vector<16xi32>
    %add3A_209 = vector.broadcast %squeeze3A_32 : i32 to vector<16xi32>
    %add3A_210 = arith.addi %shift_right_arithmetic3A_208, %add3A_209 : vector<16xi32>
    %jit3A_211 = arith.constant 0 : i32
    %jit3A_212 = arith.constant 63 : i32
    %max3A_213 = vector.broadcast %jit3A_211 : i32 to vector<16xi32>
    %max3A_214 = arith.maxsi %max3A_213, %add3A_210 : vector<16xi32>
    %min3A_215 = vector.broadcast %jit3A_212 : i32 to vector<16xi32>
    %min3A_216 = arith.minsi %min3A_215, %max3A_214 : vector<16xi32>
    %get3A_217 = arith.constant 352 : index
    %get3A_218 = tpu.vector_load %arg7[%get3A_217] {strides = array<i32>} : memref<480xi32, #tpu.memory_space<vmem>>, vector<16xi32>,
    %get3A_219 = vector.shape_cast %get3A_218 : vector<16xi32> to vector<16xi32>
    %add3A_220 = vector.broadcast %squeeze3A_28 : i32 to vector<16xi32>
    %add3A_221 = arith.addi %get3A_219, %add3A_220 : vector<16xi32>
    %shift_right_arithmetic3A_222 = arith.constant 2 : i32
    %shift_right_arithmetic3A_223 = vector.broadcast %shift_right_arithmetic3A_222 : i32 to vector<16xi32>
    %shift_right_arithmetic3A_224 = arith.shrsi %add3A_221, %shift_right_arithmetic3A_223 : vector<16xi32>
    %add3A_225 = vector.broadcast %squeeze3A_34 : i32 to vector<16xi32>
    %add3A_226 = arith.addi %shift_right_arithmetic3A_224, %add3A_225 : vector<16xi32>
    %jit3A_227 = arith.constant 0 : i32
    %jit3A_228 = arith.constant 63 : i32
    %max3A_229 = vector.broadcast %jit3A_227 : i32 to vector<16xi32>
    %max3A_230 = arith.maxsi %max3A_229, %add3A_226 : vector<16xi32>
    %min3A_231 = vector.broadcast %jit3A_228 : i32 to vector<16xi32>
    %min3A_232 = arith.minsi %min3A_231, %max3A_230 : vector<16xi32>
    %mul3A_233 = arith.constant 4096 : i32
    %mul3A_234 = vector.broadcast %mul3A_233 : i32 to vector<16xi32>
    %mul3A_235 = arith.muli %min3A_200, %mul3A_234 : vector<16xi32>
    %mul3A_236 = arith.constant 64 : i32
    %mul3A_237 = vector.broadcast %mul3A_236 : i32 to vector<16xi32>
    %mul3A_238 = arith.muli %min3A_216, %mul3A_237 : vector<16xi32>
    %add3A_239 = arith.addi %mul3A_235, %mul3A_238 : vector<16xi32>
    %add3A_240 = arith.addi %add3A_239, %min3A_232 : vector<16xi32>
    %swap3A_241 = arith.constant 32 : index
    %swap3A_242 = tpu.vector_load %arg16[%swap3A_241] {strides = array<i32>} : memref<80xi32, #tpu.memory_space<vmem>>, vector<16xi32>,
    %swap3A_243 = vector.shape_cast %swap3A_242 : vector<16xi32> to vector<16xi32>
    %swap3A_244 = vector.shape_cast %add3A_240 : vector<16xi32> to vector<16xi32>
    tpu.vector_store %arg16[%swap3A_241], %swap3A_244 {strides = array<i32>} : memref<80xi32, #tpu.memory_space<vmem>>, vector<16xi32>,
    %get3A_245 = arith.constant 48 : index
    %get3A_246 = tpu.vector_load %arg7[%get3A_245] {strides = array<i32>} : memref<480xi32, #tpu.memory_space<vmem>>, vector<16xi32>,
    %get3A_247 = vector.shape_cast %get3A_246 : vector<16xi32> to vector<16xi32>
    %add3A_248 = vector.broadcast %squeeze3A : i32 to vector<16xi32>
    %add3A_249 = arith.addi %get3A_247, %add3A_248 : vector<16xi32>
    %shift_right_arithmetic3A_250 = arith.constant 2 : i32
    %shift_right_arithmetic3A_251 = vector.broadcast %shift_right_arithmetic3A_250 : i32 to vector<16xi32>
    %shift_right_arithmetic3A_252 = arith.shrsi %add3A_249, %shift_right_arithmetic3A_251 : vector<16xi32>
    %add3A_253 = vector.broadcast %squeeze3A_30 : i32 to vector<16xi32>
    %add3A_254 = arith.addi %shift_right_arithmetic3A_252, %add3A_253 : vector<16xi32>
    %jit3A_255 = arith.constant 0 : i32
    %jit3A_256 = arith.constant 63 : i32
    %max3A_257 = vector.broadcast %jit3A_255 : i32 to vector<16xi32>
    %max3A_258 = arith.maxsi %max3A_257, %add3A_254 : vector<16xi32>
    %min3A_259 = vector.broadcast %jit3A_256 : i32 to vector<16xi32>
    %min3A_260 = arith.minsi %min3A_259, %max3A_258 : vector<16xi32>
    %get3A_261 = arith.constant 208 : index
    %get3A_262 = tpu.vector_load %arg7[%get3A_261] {strides = array<i32>} : memref<480xi32, #tpu.memory_space<vmem>>, vector<16xi32>,
    %get3A_263 = vector.shape_cast %get3A_262 : vector<16xi32> to vector<16xi32>
    %add3A_264 = vector.broadcast %squeeze3A_26 : i32 to vector<16xi32>
    %add3A_265 = arith.addi %get3A_263, %add3A_264 : vector<16xi32>
    %shift_right_arithmetic3A_266 = arith.constant 2 : i32
    %shift_right_arithmetic3A_267 = vector.broadcast %shift_right_arithmetic3A_266 : i32 to vector<16xi32>
    %shift_right_arithmetic3A_268 = arith.shrsi %add3A_265, %shift_right_arithmetic3A_267 : vector<16xi32>
    %add3A_269 = vector.broadcast %squeeze3A_32 : i32 to vector<16xi32>
    %add3A_270 = arith.addi %shift_right_arithmetic3A_268, %add3A_269 : vector<16xi32>
    %jit3A_271 = arith.constant 0 : i32
    %jit3A_272 = arith.constant 63 : i32
    %max3A_273 = vector.broadcast %jit3A_271 : i32 to vector<16xi32>
    %max3A_274 = arith.maxsi %max3A_273, %add3A_270 : vector<16xi32>
    %min3A_275 = vector.broadcast %jit3A_272 : i32 to vector<16xi32>
    %min3A_276 = arith.minsi %min3A_275, %max3A_274 : vector<16xi32>
    %get3A_277 = arith.constant 368 : index
    %get3A_278 = tpu.vector_load %arg7[%get3A_277] {strides = array<i32>} : memref<480xi32, #tpu.memory_space<vmem>>, vector<16xi32>,
    %get3A_279 = vector.shape_cast %get3A_278 : vector<16xi32> to vector<16xi32>
    %add3A_280 = vector.broadcast %squeeze3A_28 : i32 to vector<16xi32>
    %add3A_281 = arith.addi %get3A_279, %add3A_280 : vector<16xi32>
    %shift_right_arithmetic3A_282 = arith.constant 2 : i32
    %shift_right_arithmetic3A_283 = vector.broadcast %shift_right_arithmetic3A_282 : i32 to vector<16xi32>
    %shift_right_arithmetic3A_284 = arith.shrsi %add3A_281, %shift_right_arithmetic3A_283 : vector<16xi32>
    %add3A_285 = vector.broadcast %squeeze3A_34 : i32 to vector<16xi32>
    %add3A_286 = arith.addi %shift_right_arithmetic3A_284, %add3A_285 : vector<16xi32>
    %jit3A_287 = arith.constant 0 : i32
    %jit3A_288 = arith.constant 63 : i32
    %max3A_289 = vector.broadcast %jit3A_287 : i32 to vector<16xi32>
    %max3A_290 = arith.maxsi %max3A_289, %add3A_286 : vector<16xi32>
    %min3A_291 = vector.broadcast %jit3A_288 : i32 to vector<16xi32>
    %min3A_292 = arith.minsi %min3A_291, %max3A_290 : vector<16xi32>
    %mul3A_293 = arith.constant 4096 : i32
    %mul3A_294 = vector.broadcast %mul3A_293 : i32 to vector<16xi32>
    %mul3A_295 = arith.muli %min3A_260, %mul3A_294 : vector<16xi32>
    %mul3A_296 = arith.constant 64 : i32
    %mul3A_297 = vector.broadcast %mul3A_296 : i32 to vector<16xi32>
    %mul3A_298 = arith.muli %min3A_276, %mul3A_297 : vector<16xi32>
    %add3A_299 = arith.addi %mul3A_295, %mul3A_298 : vector<16xi32>
    %add3A_300 = arith.addi %add3A_299, %min3A_292 : vector<16xi32>
    %swap3A_301 = arith.constant 48 : index
    %swap3A_302 = tpu.vector_load %arg16[%swap3A_301] {strides = array<i32>} : memref<80xi32, #tpu.memory_space<vmem>>, vector<16xi32>,
    %swap3A_303 = vector.shape_cast %swap3A_302 : vector<16xi32> to vector<16xi32>
    %swap3A_304 = vector.shape_cast %add3A_300 : vector<16xi32> to vector<16xi32>
    tpu.vector_store %arg16[%swap3A_301], %swap3A_304 {strides = array<i32>} : memref<80xi32, #tpu.memory_space<vmem>>, vector<16xi32>,
    %get3A_305 = arith.constant 64 : index
    %get3A_306 = tpu.vector_load %arg7[%get3A_305] {strides = array<i32>} : memref<480xi32, #tpu.memory_space<vmem>>, vector<16xi32>,
    %get3A_307 = vector.shape_cast %get3A_306 : vector<16xi32> to vector<16xi32>
    %add3A_308 = vector.broadcast %squeeze3A : i32 to vector<16xi32>
    %add3A_309 = arith.addi %get3A_307, %add3A_308 : vector<16xi32>
    %shift_right_arithmetic3A_310 = arith.constant 2 : i32
    %shift_right_arithmetic3A_311 = vector.broadcast %shift_right_arithmetic3A_310 : i32 to vector<16xi32>
    %shift_right_arithmetic3A_312 = arith.shrsi %add3A_309, %shift_right_arithmetic3A_311 : vector<16xi32>
    %add3A_313 = vector.broadcast %squeeze3A_30 : i32 to vector<16xi32>
    %add3A_314 = arith.addi %shift_right_arithmetic3A_312, %add3A_313 : vector<16xi32>
    %jit3A_315 = arith.constant 0 : i32
    %jit3A_316 = arith.constant 63 : i32
    %max3A_317 = vector.broadcast %jit3A_315 : i32 to vector<16xi32>
    %max3A_318 = arith.maxsi %max3A_317, %add3A_314 : vector<16xi32>
    %min3A_319 = vector.broadcast %jit3A_316 : i32 to vector<16xi32>
    %min3A_320 = arith.minsi %min3A_319, %max3A_318 : vector<16xi32>
    %get3A_321 = arith.constant 224 : index
    %get3A_322 = tpu.vector_load %arg7[%get3A_321] {strides = array<i32>} : memref<480xi32, #tpu.memory_space<vmem>>, vector<16xi32>,
    %get3A_323 = vector.shape_cast %get3A_322 : vector<16xi32> to vector<16xi32>
    %add3A_324 = vector.broadcast %squeeze3A_26 : i32 to vector<16xi32>
    %add3A_325 = arith.addi %get3A_323, %add3A_324 : vector<16xi32>
    %shift_right_arithmetic3A_326 = arith.constant 2 : i32
    %shift_right_arithmetic3A_327 = vector.broadcast %shift_right_arithmetic3A_326 : i32 to vector<16xi32>
    %shift_right_arithmetic3A_328 = arith.shrsi %add3A_325, %shift_right_arithmetic3A_327 : vector<16xi32>
    %add3A_329 = vector.broadcast %squeeze3A_32 : i32 to vector<16xi32>
    %add3A_330 = arith.addi %shift_right_arithmetic3A_328, %add3A_329 : vector<16xi32>
    %jit3A_331 = arith.constant 0 : i32
    %jit3A_332 = arith.constant 63 : i32
    %max3A_333 = vector.broadcast %jit3A_331 : i32 to vector<16xi32>
    %max3A_334 = arith.maxsi %max3A_333, %add3A_330 : vector<16xi32>
    %min3A_335 = vector.broadcast %jit3A_332 : i32 to vector<16xi32>
    %min3A_336 = arith.minsi %min3A_335, %max3A_334 : vector<16xi32>
    %get3A_337 = arith.constant 384 : index
    %get3A_338 = tpu.vector_load %arg7[%get3A_337] {strides = array<i32>} : memref<480xi32, #tpu.memory_space<vmem>>, vector<16xi32>,
    %get3A_339 = vector.shape_cast %get3A_338 : vector<16xi32> to vector<16xi32>
    %add3A_340 = vector.broadcast %squeeze3A_28 : i32 to vector<16xi32>
    %add3A_341 = arith.addi %get3A_339, %add3A_340 : vector<16xi32>
    %shift_right_arithmetic3A_342 = arith.constant 2 : i32
    %shift_right_arithmetic3A_343 = vector.broadcast %shift_right_arithmetic3A_342 : i32 to vector<16xi32>
    %shift_right_arithmetic3A_344 = arith.shrsi %add3A_341, %shift_right_arithmetic3A_343 : vector<16xi32>
    %add3A_345 = vector.broadcast %squeeze3A_34 : i32 to vector<16xi32>
    %add3A_346 = arith.addi %shift_right_arithmetic3A_344, %add3A_345 : vector<16xi32>
    %jit3A_347 = arith.constant 0 : i32
    %jit3A_348 = arith.constant 63 : i32
    %max3A_349 = vector.broadcast %jit3A_347 : i32 to vector<16xi32>
    %max3A_350 = arith.maxsi %max3A_349, %add3A_346 : vector<16xi32>
    %min3A_351 = vector.broadcast %jit3A_348 : i32 to vector<16xi32>
    %min3A_352 = arith.minsi %min3A_351, %max3A_350 : vector<16xi32>
    %mul3A_353 = arith.constant 4096 : i32
    %mul3A_354 = vector.broadcast %mul3A_353 : i32 to vector<16xi32>
    %mul3A_355 = arith.muli %min3A_320, %mul3A_354 : vector<16xi32>
    %mul3A_356 = arith.constant 64 : i32
    %mul3A_357 = vector.broadcast %mul3A_356 : i32 to vector<16xi32>
    %mul3A_358 = arith.muli %min3A_336, %mul3A_357 : vector<16xi32>
    %add3A_359 = arith.addi %mul3A_355, %mul3A_358 : vector<16xi32>
    %add3A_360 = arith.addi %add3A_359, %min3A_352 : vector<16xi32>
    %swap3A_361 = arith.constant 64 : index
    %swap3A_362 = tpu.vector_load %arg16[%swap3A_361] {strides = array<i32>} : memref<80xi32, #tpu.memory_space<vmem>>, vector<16xi32>,
    %swap3A_363 = vector.shape_cast %swap3A_362 : vector<16xi32> to vector<16xi32>
    %swap3A_364 = vector.shape_cast %add3A_360 : vector<16xi32> to vector<16xi32>
    tpu.vector_store %arg16[%swap3A_361], %swap3A_364 {strides = array<i32>} : memref<80xi32, #tpu.memory_space<vmem>>, vector<16xi32>,
    %get3A_365 = arith.constant 80 : index
    %get3A_366 = tpu.vector_load %arg7[%get3A_365] {strides = array<i32>} : memref<480xi32, #tpu.memory_space<vmem>>, vector<16xi32>,
    %get3A_367 = vector.shape_cast %get3A_366 : vector<16xi32> to vector<16xi32>
    %add3A_368 = vector.broadcast %squeeze3A : i32 to vector<16xi32>
    %add3A_369 = arith.addi %get3A_367, %add3A_368 : vector<16xi32>
    %shift_right_arithmetic3A_370 = arith.constant 2 : i32
    %shift_right_arithmetic3A_371 = vector.broadcast %shift_right_arithmetic3A_370 : i32 to vector<16xi32>
    %shift_right_arithmetic3A_372 = arith.shrsi %add3A_369, %shift_right_arithmetic3A_371 : vector<16xi32>
    %add3A_373 = vector.broadcast %squeeze3A_30 : i32 to vector<16xi32>
    %add3A_374 = arith.addi %shift_right_arithmetic3A_372, %add3A_373 : vector<16xi32>
    %jit3A_375 = arith.constant 0 : i32
    %jit3A_376 = arith.constant 63 : i32
    %max3A_377 = vector.broadcast %jit3A_375 : i32 to vector<16xi32>
    %max3A_378 = arith.maxsi %max3A_377, %add3A_374 : vector<16xi32>
    %min3A_379 = vector.broadcast %jit3A_376 : i32 to vector<16xi32>
    %min3A_380 = arith.minsi %min3A_379, %max3A_378 : vector<16xi32>
    %get3A_381 = arith.constant 240 : index
    %get3A_382 = tpu.vector_load %arg7[%get3A_381] {strides = array<i32>} : memref<480xi32, #tpu.memory_space<vmem>>, vector<16xi32>,
    %get3A_383 = vector.shape_cast %get3A_382 : vector<16xi32> to vector<16xi32>
    %add3A_384 = vector.broadcast %squeeze3A_26 : i32 to vector<16xi32>
    %add3A_385 = arith.addi %get3A_383, %add3A_384 : vector<16xi32>
    %shift_right_arithmetic3A_386 = arith.constant 2 : i32
    %shift_right_arithmetic3A_387 = vector.broadcast %shift_right_arithmetic3A_386 : i32 to vector<16xi32>
    %shift_right_arithmetic3A_388 = arith.shrsi %add3A_385, %shift_right_arithmetic3A_387 : vector<16xi32>
    %add3A_389 = vector.broadcast %squeeze3A_32 : i32 to vector<16xi32>
    %add3A_390 = arith.addi %shift_right_arithmetic3A_388, %add3A_389 : vector<16xi32>
    %jit3A_391 = arith.constant 0 : i32
    %jit3A_392 = arith.constant 63 : i32
    %max3A_393 = vector.broadcast %jit3A_391 : i32 to vector<16xi32>
    %max3A_394 = arith.maxsi %max3A_393, %add3A_390 : vector<16xi32>
    %min3A_395 = vector.broadcast %jit3A_392 : i32 to vector<16xi32>
    %min3A_396 = arith.minsi %min3A_395, %max3A_394 : vector<16xi32>
    %get3A_397 = arith.constant 400 : index
    %get3A_398 = tpu.vector_load %arg7[%get3A_397] {strides = array<i32>} : memref<480xi32, #tpu.memory_space<vmem>>, vector<16xi32>,
    %get3A_399 = vector.shape_cast %get3A_398 : vector<16xi32> to vector<16xi32>
    %add3A_400 = vector.broadcast %squeeze3A_28 : i32 to vector<16xi32>
    %add3A_401 = arith.addi %get3A_399, %add3A_400 : vector<16xi32>
    %shift_right_arithmetic3A_402 = arith.constant 2 : i32
    %shift_right_arithmetic3A_403 = vector.broadcast %shift_right_arithmetic3A_402 : i32 to vector<16xi32>
    %shift_right_arithmetic3A_404 = arith.shrsi %add3A_401, %shift_right_arithmetic3A_403 : vector<16xi32>
    %add3A_405 = vector.broadcast %squeeze3A_34 : i32 to vector<16xi32>
    %add3A_406 = arith.addi %shift_right_arithmetic3A_404, %add3A_405 : vector<16xi32>
    %jit3A_407 = arith.constant 0 : i32
    %jit3A_408 = arith.constant 63 : i32
    %max3A_409 = vector.broadcast %jit3A_407 : i32 to vector<16xi32>
    %max3A_410 = arith.maxsi %max3A_409, %add3A_406 : vector<16xi32>
    %min3A_411 = vector.broadcast %jit3A_408 : i32 to vector<16xi32>
    %min3A_412 = arith.minsi %min3A_411, %max3A_410 : vector<16xi32>
    %mul3A_413 = arith.constant 4096 : i32
    %mul3A_414 = vector.broadcast %mul3A_413 : i32 to vector<16xi32>
    %mul3A_415 = arith.muli %min3A_380, %mul3A_414 : vector<16xi32>
    %mul3A_416 = arith.constant 64 : i32
    %mul3A_417 = vector.broadcast %mul3A_416 : i32 to vector<16xi32>
    %mul3A_418 = arith.muli %min3A_396, %mul3A_417 : vector<16xi32>
    %add3A_419 = arith.addi %mul3A_415, %mul3A_418 : vector<16xi32>
    %add3A_420 = arith.addi %add3A_419, %min3A_412 : vector<16xi32>
    %swap3A_421 = arith.constant 0 : index
    %swap3A_422 = tpu.vector_load %arg17[%swap3A_421] {strides = array<i32>} : memref<80xi32, #tpu.memory_space<vmem>>, vector<16xi32>,
    %swap3A_423 = vector.shape_cast %swap3A_422 : vector<16xi32> to vector<16xi32>
    %swap3A_424 = vector.shape_cast %add3A_420 : vector<16xi32> to vector<16xi32>
    tpu.vector_store %arg17[%swap3A_421], %swap3A_424 {strides = array<i32>} : memref<80xi32, #tpu.memory_space<vmem>>, vector<16xi32>,
    %get3A_425 = arith.constant 96 : index
    %get3A_426 = tpu.vector_load %arg7[%get3A_425] {strides = array<i32>} : memref<480xi32, #tpu.memory_space<vmem>>, vector<16xi32>,
    %get3A_427 = vector.shape_cast %get3A_426 : vector<16xi32> to vector<16xi32>
    %add3A_428 = vector.broadcast %squeeze3A : i32 to vector<16xi32>
    %add3A_429 = arith.addi %get3A_427, %add3A_428 : vector<16xi32>
    %shift_right_arithmetic3A_430 = arith.constant 2 : i32
    %shift_right_arithmetic3A_431 = vector.broadcast %shift_right_arithmetic3A_430 : i32 to vector<16xi32>
    %shift_right_arithmetic3A_432 = arith.shrsi %add3A_429, %shift_right_arithmetic3A_431 : vector<16xi32>
    %add3A_433 = vector.broadcast %squeeze3A_30 : i32 to vector<16xi32>
    %add3A_434 = arith.addi %shift_right_arithmetic3A_432, %add3A_433 : vector<16xi32>
    %jit3A_435 = arith.constant 0 : i32
    %jit3A_436 = arith.constant 63 : i32
    %max3A_437 = vector.broadcast %jit3A_435 : i32 to vector<16xi32>
    %max3A_438 = arith.maxsi %max3A_437, %add3A_434 : vector<16xi32>
    %min3A_439 = vector.broadcast %jit3A_436 : i32 to vector<16xi32>
    %min3A_440 = arith.minsi %min3A_439, %max3A_438 : vector<16xi32>
    %get3A_441 = arith.constant 256 : index
    %get3A_442 = tpu.vector_load %arg7[%get3A_441] {strides = array<i32>} : memref<480xi32, #tpu.memory_space<vmem>>, vector<16xi32>,
    %get3A_443 = vector.shape_cast %get3A_442 : vector<16xi32> to vector<16xi32>
    %add3A_444 = vector.broadcast %squeeze3A_26 : i32 to vector<16xi32>
    %add3A_445 = arith.addi %get3A_443, %add3A_444 : vector<16xi32>
    %shift_right_arithmetic3A_446 = arith.constant 2 : i32
    %shift_right_arithmetic3A_447 = vector.broadcast %shift_right_arithmetic3A_446 : i32 to vector<16xi32>
    %shift_right_arithmetic3A_448 = arith.shrsi %add3A_445, %shift_right_arithmetic3A_447 : vector<16xi32>
    %add3A_449 = vector.broadcast %squeeze3A_32 : i32 to vector<16xi32>
    %add3A_450 = arith.addi %shift_right_arithmetic3A_448, %add3A_449 : vector<16xi32>
    %jit3A_451 = arith.constant 0 : i32
    %jit3A_452 = arith.constant 63 : i32
    %max3A_453 = vector.broadcast %jit3A_451 : i32 to vector<16xi32>
    %max3A_454 = arith.maxsi %max3A_453, %add3A_450 : vector<16xi32>
    %min3A_455 = vector.broadcast %jit3A_452 : i32 to vector<16xi32>
    %min3A_456 = arith.minsi %min3A_455, %max3A_454 : vector<16xi32>
    %get3A_457 = arith.constant 416 : index
    %get3A_458 = tpu.vector_load %arg7[%get3A_457] {strides = array<i32>} : memref<480xi32, #tpu.memory_space<vmem>>, vector<16xi32>,
    %get3A_459 = vector.shape_cast %get3A_458 : vector<16xi32> to vector<16xi32>
    %add3A_460 = vector.broadcast %squeeze3A_28 : i32 to vector<16xi32>
    %add3A_461 = arith.addi %get3A_459, %add3A_460 : vector<16xi32>
    %shift_right_arithmetic3A_462 = arith.constant 2 : i32
    %shift_right_arithmetic3A_463 = vector.broadcast %shift_right_arithmetic3A_462 : i32 to vector<16xi32>
    %shift_right_arithmetic3A_464 = arith.shrsi %add3A_461, %shift_right_arithmetic3A_463 : vector<16xi32>
    %add3A_465 = vector.broadcast %squeeze3A_34 : i32 to vector<16xi32>
    %add3A_466 = arith.addi %shift_right_arithmetic3A_464, %add3A_465 : vector<16xi32>
    %jit3A_467 = arith.constant 0 : i32
    %jit3A_468 = arith.constant 63 : i32
    %max3A_469 = vector.broadcast %jit3A_467 : i32 to vector<16xi32>
    %max3A_470 = arith.maxsi %max3A_469, %add3A_466 : vector<16xi32>
    %min3A_471 = vector.broadcast %jit3A_468 : i32 to vector<16xi32>
    %min3A_472 = arith.minsi %min3A_471, %max3A_470 : vector<16xi32>
    %mul3A_473 = arith.constant 4096 : i32
    %mul3A_474 = vector.broadcast %mul3A_473 : i32 to vector<16xi32>
    %mul3A_475 = arith.muli %min3A_440, %mul3A_474 : vector<16xi32>
    %mul3A_476 = arith.constant 64 : i32
    %mul3A_477 = vector.broadcast %mul3A_476 : i32 to vector<16xi32>
    %mul3A_478 = arith.muli %min3A_456, %mul3A_477 : vector<16xi32>
    %add3A_479 = arith.addi %mul3A_475, %mul3A_478 : vector<16xi32>
    %add3A_480 = arith.addi %add3A_479, %min3A_472 : vector<16xi32>
    %swap3A_481 = arith.constant 16 : index
    %swap3A_482 = tpu.vector_load %arg17[%swap3A_481] {strides = array<i32>} : memref<80xi32, #tpu.memory_space<vmem>>, vector<16xi32>,
    %swap3A_483 = vector.shape_cast %swap3A_482 : vector<16xi32> to vector<16xi32>
    %swap3A_484 = vector.shape_cast %add3A_480 : vector<16xi32> to vector<16xi32>
    tpu.vector_store %arg17[%swap3A_481], %swap3A_484 {strides = array<i32>} : memref<80xi32, #tpu.memory_space<vmem>>, vector<16xi32>,
    %get3A_485 = arith.constant 112 : index
    %get3A_486 = tpu.vector_load %arg7[%get3A_485] {strides = array<i32>} : memref<480xi32, #tpu.memory_space<vmem>>, vector<16xi32>,
    %get3A_487 = vector.shape_cast %get3A_486 : vector<16xi32> to vector<16xi32>
    %add3A_488 = vector.broadcast %squeeze3A : i32 to vector<16xi32>
    %add3A_489 = arith.addi %get3A_487, %add3A_488 : vector<16xi32>
    %shift_right_arithmetic3A_490 = arith.constant 2 : i32
    %shift_right_arithmetic3A_491 = vector.broadcast %shift_right_arithmetic3A_490 : i32 to vector<16xi32>
    %shift_right_arithmetic3A_492 = arith.shrsi %add3A_489, %shift_right_arithmetic3A_491 : vector<16xi32>
    %add3A_493 = vector.broadcast %squeeze3A_30 : i32 to vector<16xi32>
    %add3A_494 = arith.addi %shift_right_arithmetic3A_492, %add3A_493 : vector<16xi32>
    %jit3A_495 = arith.constant 0 : i32
    %jit3A_496 = arith.constant 63 : i32
    %max3A_497 = vector.broadcast %jit3A_495 : i32 to vector<16xi32>
    %max3A_498 = arith.maxsi %max3A_497, %add3A_494 : vector<16xi32>
    %min3A_499 = vector.broadcast %jit3A_496 : i32 to vector<16xi32>
    %min3A_500 = arith.minsi %min3A_499, %max3A_498 : vector<16xi32>
    %get3A_501 = arith.constant 272 : index
    %get3A_502 = tpu.vector_load %arg7[%get3A_501] {strides = array<i32>} : memref<480xi32, #tpu.memory_space<vmem>>, vector<16xi32>,
    %get3A_503 = vector.shape_cast %get3A_502 : vector<16xi32> to vector<16xi32>
    %add3A_504 = vector.broadcast %squeeze3A_26 : i32 to vector<16xi32>
    %add3A_505 = arith.addi %get3A_503, %add3A_504 : vector<16xi32>
    %shift_right_arithmetic3A_506 = arith.constant 2 : i32
    %shift_right_arithmetic3A_507 = vector.broadcast %shift_right_arithmetic3A_506 : i32 to vector<16xi32>
    %shift_right_arithmetic3A_508 = arith.shrsi %add3A_505, %shift_right_arithmetic3A_507 : vector<16xi32>
    %add3A_509 = vector.broadcast %squeeze3A_32 : i32 to vector<16xi32>
    %add3A_510 = arith.addi %shift_right_arithmetic3A_508, %add3A_509 : vector<16xi32>
    %jit3A_511 = arith.constant 0 : i32
    %jit3A_512 = arith.constant 63 : i32
    %max3A_513 = vector.broadcast %jit3A_511 : i32 to vector<16xi32>
    %max3A_514 = arith.maxsi %max3A_513, %add3A_510 : vector<16xi32>
    %min3A_515 = vector.broadcast %jit3A_512 : i32 to vector<16xi32>
    %min3A_516 = arith.minsi %min3A_515, %max3A_514 : vector<16xi32>
    %get3A_517 = arith.constant 432 : index
    %get3A_518 = tpu.vector_load %arg7[%get3A_517] {strides = array<i32>} : memref<480xi32, #tpu.memory_space<vmem>>, vector<16xi32>,
    %get3A_519 = vector.shape_cast %get3A_518 : vector<16xi32> to vector<16xi32>
    %add3A_520 = vector.broadcast %squeeze3A_28 : i32 to vector<16xi32>
    %add3A_521 = arith.addi %get3A_519, %add3A_520 : vector<16xi32>
    %shift_right_arithmetic3A_522 = arith.constant 2 : i32
    %shift_right_arithmetic3A_523 = vector.broadcast %shift_right_arithmetic3A_522 : i32 to vector<16xi32>
    %shift_right_arithmetic3A_524 = arith.shrsi %add3A_521, %shift_right_arithmetic3A_523 : vector<16xi32>
    %add3A_525 = vector.broadcast %squeeze3A_34 : i32 to vector<16xi32>
    %add3A_526 = arith.addi %shift_right_arithmetic3A_524, %add3A_525 : vector<16xi32>
    %jit3A_527 = arith.constant 0 : i32
    %jit3A_528 = arith.constant 63 : i32
    %max3A_529 = vector.broadcast %jit3A_527 : i32 to vector<16xi32>
    %max3A_530 = arith.maxsi %max3A_529, %add3A_526 : vector<16xi32>
    %min3A_531 = vector.broadcast %jit3A_528 : i32 to vector<16xi32>
    %min3A_532 = arith.minsi %min3A_531, %max3A_530 : vector<16xi32>
    %mul3A_533 = arith.constant 4096 : i32
    %mul3A_534 = vector.broadcast %mul3A_533 : i32 to vector<16xi32>
    %mul3A_535 = arith.muli %min3A_500, %mul3A_534 : vector<16xi32>
    %mul3A_536 = arith.constant 64 : i32
    %mul3A_537 = vector.broadcast %mul3A_536 : i32 to vector<16xi32>
    %mul3A_538 = arith.muli %min3A_516, %mul3A_537 : vector<16xi32>
    %add3A_539 = arith.addi %mul3A_535, %mul3A_538 : vector<16xi32>
    %add3A_540 = arith.addi %add3A_539, %min3A_532 : vector<16xi32>
    %swap3A_541 = arith.constant 32 : index
    %swap3A_542 = tpu.vector_load %arg17[%swap3A_541] {strides = array<i32>} : memref<80xi32, #tpu.memory_space<vmem>>, vector<16xi32>,
    %swap3A_543 = vector.shape_cast %swap3A_542 : vector<16xi32> to vector<16xi32>
    %swap3A_544 = vector.shape_cast %add3A_540 : vector<16xi32> to vector<16xi32>
    tpu.vector_store %arg17[%swap3A_541], %swap3A_544 {strides = array<i32>} : memref<80xi32, #tpu.memory_space<vmem>>, vector<16xi32>,
    %get3A_545 = arith.constant 128 : index
    %get3A_546 = tpu.vector_load %arg7[%get3A_545] {strides = array<i32>} : memref<480xi32, #tpu.memory_space<vmem>>, vector<16xi32>,
    %get3A_547 = vector.shape_cast %get3A_546 : vector<16xi32> to vector<16xi32>
    %add3A_548 = vector.broadcast %squeeze3A : i32 to vector<16xi32>
    %add3A_549 = arith.addi %get3A_547, %add3A_548 : vector<16xi32>
    %shift_right_arithmetic3A_550 = arith.constant 2 : i32
    %shift_right_arithmetic3A_551 = vector.broadcast %shift_right_arithmetic3A_550 : i32 to vector<16xi32>
    %shift_right_arithmetic3A_552 = arith.shrsi %add3A_549, %shift_right_arithmetic3A_551 : vector<16xi32>
    %add3A_553 = vector.broadcast %squeeze3A_30 : i32 to vector<16xi32>
    %add3A_554 = arith.addi %shift_right_arithmetic3A_552, %add3A_553 : vector<16xi32>
    %jit3A_555 = arith.constant 0 : i32
    %jit3A_556 = arith.constant 63 : i32
    %max3A_557 = vector.broadcast %jit3A_555 : i32 to vector<16xi32>
    %max3A_558 = arith.maxsi %max3A_557, %add3A_554 : vector<16xi32>
    %min3A_559 = vector.broadcast %jit3A_556 : i32 to vector<16xi32>
    %min3A_560 = arith.minsi %min3A_559, %max3A_558 : vector<16xi32>
    %get3A_561 = arith.constant 288 : index
    %get3A_562 = tpu.vector_load %arg7[%get3A_561] {strides = array<i32>} : memref<480xi32, #tpu.memory_space<vmem>>, vector<16xi32>,
    %get3A_563 = vector.shape_cast %get3A_562 : vector<16xi32> to vector<16xi32>
    %add3A_564 = vector.broadcast %squeeze3A_26 : i32 to vector<16xi32>
    %add3A_565 = arith.addi %get3A_563, %add3A_564 : vector<16xi32>
    %shift_right_arithmetic3A_566 = arith.constant 2 : i32
    %shift_right_arithmetic3A_567 = vector.broadcast %shift_right_arithmetic3A_566 : i32 to vector<16xi32>
    %shift_right_arithmetic3A_568 = arith.shrsi %add3A_565, %shift_right_arithmetic3A_567 : vector<16xi32>
    %add3A_569 = vector.broadcast %squeeze3A_32 : i32 to vector<16xi32>
    %add3A_570 = arith.addi %shift_right_arithmetic3A_568, %add3A_569 : vector<16xi32>
    %jit3A_571 = arith.constant 0 : i32
    %jit3A_572 = arith.constant 63 : i32
    %max3A_573 = vector.broadcast %jit3A_571 : i32 to vector<16xi32>
    %max3A_574 = arith.maxsi %max3A_573, %add3A_570 : vector<16xi32>
    %min3A_575 = vector.broadcast %jit3A_572 : i32 to vector<16xi32>
    %min3A_576 = arith.minsi %min3A_575, %max3A_574 : vector<16xi32>
    %get3A_577 = arith.constant 448 : index
    %get3A_578 = tpu.vector_load %arg7[%get3A_577] {strides = array<i32>} : memref<480xi32, #tpu.memory_space<vmem>>, vector<16xi32>,
    %get3A_579 = vector.shape_cast %get3A_578 : vector<16xi32> to vector<16xi32>
    %add3A_580 = vector.broadcast %squeeze3A_28 : i32 to vector<16xi32>
    %add3A_581 = arith.addi %get3A_579, %add3A_580 : vector<16xi32>
    %shift_right_arithmetic3A_582 = arith.constant 2 : i32
    %shift_right_arithmetic3A_583 = vector.broadcast %shift_right_arithmetic3A_582 : i32 to vector<16xi32>
    %shift_right_arithmetic3A_584 = arith.shrsi %add3A_581, %shift_right_arithmetic3A_583 : vector<16xi32>
    %add3A_585 = vector.broadcast %squeeze3A_34 : i32 to vector<16xi32>
    %add3A_586 = arith.addi %shift_right_arithmetic3A_584, %add3A_585 : vector<16xi32>
    %jit3A_587 = arith.constant 0 : i32
    %jit3A_588 = arith.constant 63 : i32
    %max3A_589 = vector.broadcast %jit3A_587 : i32 to vector<16xi32>
    %max3A_590 = arith.maxsi %max3A_589, %add3A_586 : vector<16xi32>
    %min3A_591 = vector.broadcast %jit3A_588 : i32 to vector<16xi32>
    %min3A_592 = arith.minsi %min3A_591, %max3A_590 : vector<16xi32>
    %mul3A_593 = arith.constant 4096 : i32
    %mul3A_594 = vector.broadcast %mul3A_593 : i32 to vector<16xi32>
    %mul3A_595 = arith.muli %min3A_560, %mul3A_594 : vector<16xi32>
    %mul3A_596 = arith.constant 64 : i32
    %mul3A_597 = vector.broadcast %mul3A_596 : i32 to vector<16xi32>
    %mul3A_598 = arith.muli %min3A_576, %mul3A_597 : vector<16xi32>
    %add3A_599 = arith.addi %mul3A_595, %mul3A_598 : vector<16xi32>
    %add3A_600 = arith.addi %add3A_599, %min3A_592 : vector<16xi32>
    %swap3A_601 = arith.constant 48 : index
    %swap3A_602 = tpu.vector_load %arg17[%swap3A_601] {strides = array<i32>} : memref<80xi32, #tpu.memory_space<vmem>>, vector<16xi32>,
    %swap3A_603 = vector.shape_cast %swap3A_602 : vector<16xi32> to vector<16xi32>
    %swap3A_604 = vector.shape_cast %add3A_600 : vector<16xi32> to vector<16xi32>
    tpu.vector_store %arg17[%swap3A_601], %swap3A_604 {strides = array<i32>} : memref<80xi32, #tpu.memory_space<vmem>>, vector<16xi32>,
    %get3A_605 = arith.constant 144 : index
    %get3A_606 = tpu.vector_load %arg7[%get3A_605] {strides = array<i32>} : memref<480xi32, #tpu.memory_space<vmem>>, vector<16xi32>,
    %get3A_607 = vector.shape_cast %get3A_606 : vector<16xi32> to vector<16xi32>
    %add3A_608 = vector.broadcast %squeeze3A : i32 to vector<16xi32>
    %add3A_609 = arith.addi %get3A_607, %add3A_608 : vector<16xi32>
    %shift_right_arithmetic3A_610 = arith.constant 2 : i32
    %shift_right_arithmetic3A_611 = vector.broadcast %shift_right_arithmetic3A_610 : i32 to vector<16xi32>
    %shift_right_arithmetic3A_612 = arith.shrsi %add3A_609, %shift_right_arithmetic3A_611 : vector<16xi32>
    %add3A_613 = vector.broadcast %squeeze3A_30 : i32 to vector<16xi32>
    %add3A_614 = arith.addi %shift_right_arithmetic3A_612, %add3A_613 : vector<16xi32>
    %jit3A_615 = arith.constant 0 : i32
    %jit3A_616 = arith.constant 63 : i32
    %max3A_617 = vector.broadcast %jit3A_615 : i32 to vector<16xi32>
    %max3A_618 = arith.maxsi %max3A_617, %add3A_614 : vector<16xi32>
    %min3A_619 = vector.broadcast %jit3A_616 : i32 to vector<16xi32>
    %min3A_620 = arith.minsi %min3A_619, %max3A_618 : vector<16xi32>
    %get3A_621 = arith.constant 304 : index
    %get3A_622 = tpu.vector_load %arg7[%get3A_621] {strides = array<i32>} : memref<480xi32, #tpu.memory_space<vmem>>, vector<16xi32>,
    %get3A_623 = vector.shape_cast %get3A_622 : vector<16xi32> to vector<16xi32>
    %add3A_624 = vector.broadcast %squeeze3A_26 : i32 to vector<16xi32>
    %add3A_625 = arith.addi %get3A_623, %add3A_624 : vector<16xi32>
    %shift_right_arithmetic3A_626 = arith.constant 2 : i32
    %shift_right_arithmetic3A_627 = vector.broadcast %shift_right_arithmetic3A_626 : i32 to vector<16xi32>
    %shift_right_arithmetic3A_628 = arith.shrsi %add3A_625, %shift_right_arithmetic3A_627 : vector<16xi32>
    %add3A_629 = vector.broadcast %squeeze3A_32 : i32 to vector<16xi32>
    %add3A_630 = arith.addi %shift_right_arithmetic3A_628, %add3A_629 : vector<16xi32>
    %jit3A_631 = arith.constant 0 : i32
    %jit3A_632 = arith.constant 63 : i32
    %max3A_633 = vector.broadcast %jit3A_631 : i32 to vector<16xi32>
    %max3A_634 = arith.maxsi %max3A_633, %add3A_630 : vector<16xi32>
    %min3A_635 = vector.broadcast %jit3A_632 : i32 to vector<16xi32>
    %min3A_636 = arith.minsi %min3A_635, %max3A_634 : vector<16xi32>
    %get3A_637 = arith.constant 464 : index
    %get3A_638 = tpu.vector_load %arg7[%get3A_637] {strides = array<i32>} : memref<480xi32, #tpu.memory_space<vmem>>, vector<16xi32>,
    %get3A_639 = vector.shape_cast %get3A_638 : vector<16xi32> to vector<16xi32>
    %add3A_640 = vector.broadcast %squeeze3A_28 : i32 to vector<16xi32>
    %add3A_641 = arith.addi %get3A_639, %add3A_640 : vector<16xi32>
    %shift_right_arithmetic3A_642 = arith.constant 2 : i32
    %shift_right_arithmetic3A_643 = vector.broadcast %shift_right_arithmetic3A_642 : i32 to vector<16xi32>
    %shift_right_arithmetic3A_644 = arith.shrsi %add3A_641, %shift_right_arithmetic3A_643 : vector<16xi32>
    %add3A_645 = vector.broadcast %squeeze3A_34 : i32 to vector<16xi32>
    %add3A_646 = arith.addi %shift_right_arithmetic3A_644, %add3A_645 : vector<16xi32>
    %jit3A_647 = arith.constant 0 : i32
    %jit3A_648 = arith.constant 63 : i32
    %max3A_649 = vector.broadcast %jit3A_647 : i32 to vector<16xi32>
    %max3A_650 = arith.maxsi %max3A_649, %add3A_646 : vector<16xi32>
    %min3A_651 = vector.broadcast %jit3A_648 : i32 to vector<16xi32>
    %min3A_652 = arith.minsi %min3A_651, %max3A_650 : vector<16xi32>
    %mul3A_653 = arith.constant 4096 : i32
    %mul3A_654 = vector.broadcast %mul3A_653 : i32 to vector<16xi32>
    %mul3A_655 = arith.muli %min3A_620, %mul3A_654 : vector<16xi32>
    %mul3A_656 = arith.constant 64 : i32
    %mul3A_657 = vector.broadcast %mul3A_656 : i32 to vector<16xi32>
    %mul3A_658 = arith.muli %min3A_636, %mul3A_657 : vector<16xi32>
    %add3A_659 = arith.addi %mul3A_655, %mul3A_658 : vector<16xi32>
    %add3A_660 = arith.addi %add3A_659, %min3A_652 : vector<16xi32>
    %swap3A_661 = arith.constant 64 : index
    %swap3A_662 = tpu.vector_load %arg17[%swap3A_661] {strides = array<i32>} : memref<80xi32, #tpu.memory_space<vmem>>, vector<16xi32>,
    %swap3A_663 = vector.shape_cast %swap3A_662 : vector<16xi32> to vector<16xi32>
    %swap3A_664 = vector.shape_cast %add3A_660 : vector<16xi32> to vector<16xi32>
    tpu.vector_store %arg17[%swap3A_661], %swap3A_664 {strides = array<i32>} : memref<80xi32, #tpu.memory_space<vmem>>, vector<16xi32>,
    %dma_start3A_665 = arith.constant 0 : i32
    %dma_start3A_666 = arith.constant 0 : i32
    %dma_start3A_667 = tpu.memref_slice %arg13[%dma_start3A_665, %dma_start3A_666] : memref<160x128xf32, #tpu.memory_space<vmem>> -> memref<80x128xf32, #tpu.memory_space<vmem>>
    %dma_start3A_668 = arith.constant 0 : i32
    %dma_start3A_669 = arith.constant 0 : i32
    %dma_start3A_670 = tpu.memref_slice %arg4[%dma_start3A_668, %dma_start3A_669] : memref<262144x128xf32, #tpu.memory_space<hbm>> -> memref<262144x128xf32, #tpu.memory_space<hbm>>
    tpu.enqueue_indirect_dma source(%dma_start3A_670 : memref<262144x128xf32, #tpu.memory_space<hbm>>) target(%dma_start3A_667 : memref<80x128xf32, #tpu.memory_space<vmem>>) offsets(%arg16 : memref<80xi32, #tpu.memory_space<vmem>>) semaphore(%arg29 : memref<!tpu.dma_semaphore, #tpu.memory_space<semaphore_mem>>)
    %dma_start3A_671 = arith.constant 80 : i32
    %dma_start3A_672 = arith.constant 0 : i32
    %dma_start3A_673 = tpu.memref_slice %arg13[%dma_start3A_671, %dma_start3A_672] : memref<160x128xf32, #tpu.memory_space<vmem>> -> memref<80x128xf32, #tpu.memory_space<vmem>>
    %dma_start3A_674 = arith.constant 0 : i32
    %dma_start3A_675 = arith.constant 0 : i32
    %dma_start3A_676 = tpu.memref_slice %arg4[%dma_start3A_674, %dma_start3A_675] : memref<262144x128xf32, #tpu.memory_space<hbm>> -> memref<262144x128xf32, #tpu.memory_space<hbm>>
    tpu.enqueue_indirect_dma source(%dma_start3A_676 : memref<262144x128xf32, #tpu.memory_space<hbm>>) target(%dma_start3A_673 : memref<80x128xf32, #tpu.memory_space<vmem>>) offsets(%arg17 : memref<80xi32, #tpu.memory_space<vmem>>) semaphore(%arg30 : memref<!tpu.dma_semaphore, #tpu.memory_space<semaphore_mem>>)
    %scan3A = arith.constant 0 : i32
    %scan3A_677 = arith.constant 0 : i32
    %scan3A_678 = arith.constant 14 : i32
    %scan3A_679 = arith.addi %scan3A_677, %scan3A_678 : i32
    %scan3A_680 = arith.constant 1 : i32
    scf.for %scan3A_700 = %scan3A_677 to %scan3A_679 step %scan3A_680  : i32 {
      %mul3A_701 = arith.constant 3 : i32
      %mul3A_702 = arith.muli %scan3A_700, %mul3A_701 : i32
      %add3A_703 = arith.constant 0 : i32
      %add3A_704 = arith.addi %mul3A_702, %add3A_703 : i32
      %lt3A = arith.cmpi slt, %add3A_704, %select_n3A : i32
      %convert_element_type3A = arith.extui %lt3A : i1 to i32
      %cond3A = arith.constant 0 : i32
      %cond3A_705 = arith.cmpi ne, %convert_element_type3A, %cond3A : i32
      scf.if %cond3A_705 {
        %mul3A_758 = arith.constant 32 : i32
        %mul3A_759 = arith.muli %add3A_704, %mul3A_758 : i32
        %add3A_760 = arith.addi %add3A, %mul3A_759 : i32
        %mul3A_761 = arith.constant 32 : i32
        %mul3A_762 = arith.muli %add3A_704, %mul3A_761 : i32
        %add3A_763 = arith.addi %add3A, %mul3A_762 : i32
        %mul3A_764 = arith.constant 160 : i32
        %mul3A_765 = arith.muli %add3A_763, %mul3A_764 : i32
        %dma_wait3A_766 = arith.constant 0 : i32
        %dma_wait3A_767 = tpu.memref_slice %arg3[%mul3A_765, %dma_wait3A_766] : memref<200000x128xf32, #tpu.memory_space<hbm>> -> memref<160x128xf32, #tpu.memory_space<hbm>>
        %dma_wait3A_768 = arith.constant 0 : i32
        %dma_wait3A_769 = tpu.memref_slice %arg3[%mul3A_765, %dma_wait3A_768] : memref<200000x128xf32, #tpu.memory_space<hbm>> -> memref<160x128xf32, #tpu.memory_space<hbm>>
        tpu.wait_dma2 semaphore(%arg26 : memref<!tpu.dma_semaphore, #tpu.memory_space<semaphore_mem>>) src(%dma_wait3A_769 : memref<160x128xf32, #tpu.memory_space<hbm>>) dst(%arg10 : memref<160x128xf32, #tpu.memory_space<vmem>>)
        %dma_wait3A_770 = arith.constant 0 : i32
        %dma_wait3A_771 = arith.constant 0 : i32
        %dma_wait3A_772 = tpu.memref_slice %arg13[%dma_wait3A_770, %dma_wait3A_771] : memref<160x128xf32, #tpu.memory_space<vmem>> -> memref<80x128xf32, #tpu.memory_space<vmem>>
        %dma_wait3A_773 = arith.constant 0 : i32
        %dma_wait3A_774 = arith.constant 0 : i32
        %dma_wait3A_775 = tpu.memref_slice %arg4[%dma_wait3A_773, %dma_wait3A_774] : memref<262144x128xf32, #tpu.memory_space<hbm>> -> memref<262144x128xf32, #tpu.memory_space<hbm>>
        tpu.wait_indirect_dma semaphore(%arg29 : memref<!tpu.dma_semaphore, #tpu.memory_space<semaphore_mem>>) src(%dma_wait3A_775 : memref<262144x128xf32, #tpu.memory_space<hbm>>) dst(%dma_wait3A_772 : memref<80x128xf32, #tpu.memory_space<vmem>>)
        %scan3A_776 = arith.constant 0 : i32
        %scan3A_777 = arith.constant 0 : i32
        %scan3A_778 = arith.constant 80 : i32
        %scan3A_779 = arith.addi %scan3A_777, %scan3A_778 : i32
        %scan3A_780 = arith.constant 1 : i32
        scf.for %scan3A_800 = %scan3A_777 to %scan3A_779 step %scan3A_780  : i32 {
          %get3A_801 = arith.index_cast %scan3A_800 : i32 to index
          %get3A_802 = arith.constant 0 : index
          %get3A_803 = tpu.vector_load %arg13[%get3A_801, %get3A_802] {strides = array<i32>} : memref<160x128xf32, #tpu.memory_space<vmem>>, vector<1x16xf32>,
          %get3A_804 = vector.shape_cast %get3A_803 : vector<1x16xf32> to vector<16xf32>
          %swap3A_805 = arith.index_cast %scan3A_800 : i32 to index
          %swap3A_806 = arith.constant 0 : index
          %swap3A_807 = tpu.vector_load %arg10[%swap3A_805, %swap3A_806] {strides = array<i32>} : memref<160x128xf32, #tpu.memory_space<vmem>>, vector<1x16xf32>,
          %swap3A_808 = vector.shape_cast %swap3A_807 : vector<1x16xf32> to vector<16xf32>
          %swap3A_809 = vector.shape_cast %get3A_804 : vector<16xf32> to vector<1x16xf32>
          tpu.vector_store %arg10[%swap3A_805, %swap3A_806], %swap3A_809 {add = true, strides = array<i32>} : memref<160x128xf32, #tpu.memory_space<vmem>>, vector<1x16xf32>,
          %get3A_810 = arith.index_cast %scan3A_800 : i32 to index
          %get3A_811 = arith.constant 16 : index
          %get3A_812 = tpu.vector_load %arg13[%get3A_810, %get3A_811] {strides = array<i32>} : memref<160x128xf32, #tpu.memory_space<vmem>>, vector<1x16xf32>,
          %get3A_813 = vector.shape_cast %get3A_812 : vector<1x16xf32> to vector<16xf32>
          %swap3A_814 = arith.index_cast %scan3A_800 : i32 to index
          %swap3A_815 = arith.constant 16 : index
          %swap3A_816 = tpu.vector_load %arg10[%swap3A_814, %swap3A_815] {strides = array<i32>} : memref<160x128xf32, #tpu.memory_space<vmem>>, vector<1x16xf32>,
          %swap3A_817 = vector.shape_cast %swap3A_816 : vector<1x16xf32> to vector<16xf32>
          %swap3A_818 = vector.shape_cast %get3A_813 : vector<16xf32> to vector<1x16xf32>
          tpu.vector_store %arg10[%swap3A_814, %swap3A_815], %swap3A_818 {add = true, strides = array<i32>} : memref<160x128xf32, #tpu.memory_space<vmem>>, vector<1x16xf32>,
          %get3A_819 = arith.index_cast %scan3A_800 : i32 to index
          %get3A_820 = arith.constant 32 : index
          %get3A_821 = tpu.vector_load %arg13[%get3A_819, %get3A_820] {strides = array<i32>} : memref<160x128xf32, #tpu.memory_space<vmem>>, vector<1x16xf32>,
          %get3A_822 = vector.shape_cast %get3A_821 : vector<1x16xf32> to vector<16xf32>
          %swap3A_823 = arith.index_cast %scan3A_800 : i32 to index
          %swap3A_824 = arith.constant 32 : index
          %swap3A_825 = tpu.vector_load %arg10[%swap3A_823, %swap3A_824] {strides = array<i32>} : memref<160x128xf32, #tpu.memory_space<vmem>>, vector<1x16xf32>,
          %swap3A_826 = vector.shape_cast %swap3A_825 : vector<1x16xf32> to vector<16xf32>
          %swap3A_827 = vector.shape_cast %get3A_822 : vector<16xf32> to vector<1x16xf32>
          tpu.vector_store %arg10[%swap3A_823, %swap3A_824], %swap3A_827 {add = true, strides = array<i32>} : memref<160x128xf32, #tpu.memory_space<vmem>>, vector<1x16xf32>,
          %get3A_828 = arith.index_cast %scan3A_800 : i32 to index
          %get3A_829 = arith.constant 48 : index
          %get3A_830 = tpu.vector_load %arg13[%get3A_828, %get3A_829] {strides = array<i32>} : memref<160x128xf32, #tpu.memory_space<vmem>>, vector<1x16xf32>,
          %get3A_831 = vector.shape_cast %get3A_830 : vector<1x16xf32> to vector<16xf32>
          %swap3A_832 = arith.index_cast %scan3A_800 : i32 to index
          %swap3A_833 = arith.constant 48 : index
          %swap3A_834 = tpu.vector_load %arg10[%swap3A_832, %swap3A_833] {strides = array<i32>} : memref<160x128xf32, #tpu.memory_space<vmem>>, vector<1x16xf32>,
          %swap3A_835 = vector.shape_cast %swap3A_834 : vector<1x16xf32> to vector<16xf32>
          %swap3A_836 = vector.shape_cast %get3A_831 : vector<16xf32> to vector<1x16xf32>
          tpu.vector_store %arg10[%swap3A_832, %swap3A_833], %swap3A_836 {add = true, strides = array<i32>} : memref<160x128xf32, #tpu.memory_space<vmem>>, vector<1x16xf32>,
          %get3A_837 = arith.index_cast %scan3A_800 : i32 to index
          %get3A_838 = arith.constant 64 : index
          %get3A_839 = tpu.vector_load %arg13[%get3A_837, %get3A_838] {strides = array<i32>} : memref<160x128xf32, #tpu.memory_space<vmem>>, vector<1x16xf32>,
          %get3A_840 = vector.shape_cast %get3A_839 : vector<1x16xf32> to vector<16xf32>
          %swap3A_841 = arith.index_cast %scan3A_800 : i32 to index
          %swap3A_842 = arith.constant 64 : index
          %swap3A_843 = tpu.vector_load %arg10[%swap3A_841, %swap3A_842] {strides = array<i32>} : memref<160x128xf32, #tpu.memory_space<vmem>>, vector<1x16xf32>,
          %swap3A_844 = vector.shape_cast %swap3A_843 : vector<1x16xf32> to vector<16xf32>
          %swap3A_845 = vector.shape_cast %get3A_840 : vector<16xf32> to vector<1x16xf32>
          tpu.vector_store %arg10[%swap3A_841, %swap3A_842], %swap3A_845 {add = true, strides = array<i32>} : memref<160x128xf32, #tpu.memory_space<vmem>>, vector<1x16xf32>,
          %get3A_846 = arith.index_cast %scan3A_800 : i32 to index
          %get3A_847 = arith.constant 80 : index
          %get3A_848 = tpu.vector_load %arg13[%get3A_846, %get3A_847] {strides = array<i32>} : memref<160x128xf32, #tpu.memory_space<vmem>>, vector<1x16xf32>,
          %get3A_849 = vector.shape_cast %get3A_848 : vector<1x16xf32> to vector<16xf32>
          %swap3A_850 = arith.index_cast %scan3A_800 : i32 to index
          %swap3A_851 = arith.constant 80 : index
          %swap3A_852 = tpu.vector_load %arg10[%swap3A_850, %swap3A_851] {strides = array<i32>} : memref<160x128xf32, #tpu.memory_space<vmem>>, vector<1x16xf32>,
          %swap3A_853 = vector.shape_cast %swap3A_852 : vector<1x16xf32> to vector<16xf32>
          %swap3A_854 = vector.shape_cast %get3A_849 : vector<16xf32> to vector<1x16xf32>
          tpu.vector_store %arg10[%swap3A_850, %swap3A_851], %swap3A_854 {add = true, strides = array<i32>} : memref<160x128xf32, #tpu.memory_space<vmem>>, vector<1x16xf32>,
          %get3A_855 = arith.index_cast %scan3A_800 : i32 to index
          %get3A_856 = arith.constant 96 : index
          %get3A_857 = tpu.vector_load %arg13[%get3A_855, %get3A_856] {strides = array<i32>} : memref<160x128xf32, #tpu.memory_space<vmem>>, vector<1x16xf32>,
          %get3A_858 = vector.shape_cast %get3A_857 : vector<1x16xf32> to vector<16xf32>
          %swap3A_859 = arith.index_cast %scan3A_800 : i32 to index
          %swap3A_860 = arith.constant 96 : index
          %swap3A_861 = tpu.vector_load %arg10[%swap3A_859, %swap3A_860] {strides = array<i32>} : memref<160x128xf32, #tpu.memory_space<vmem>>, vector<1x16xf32>,
          %swap3A_862 = vector.shape_cast %swap3A_861 : vector<1x16xf32> to vector<16xf32>
          %swap3A_863 = vector.shape_cast %get3A_858 : vector<16xf32> to vector<1x16xf32>
          tpu.vector_store %arg10[%swap3A_859, %swap3A_860], %swap3A_863 {add = true, strides = array<i32>} : memref<160x128xf32, #tpu.memory_space<vmem>>, vector<1x16xf32>,
          %get3A_864 = arith.index_cast %scan3A_800 : i32 to index
          %get3A_865 = arith.constant 112 : index
          %get3A_866 = tpu.vector_load %arg13[%get3A_864, %get3A_865] {strides = array<i32>} : memref<160x128xf32, #tpu.memory_space<vmem>>, vector<1x16xf32>,
          %get3A_867 = vector.shape_cast %get3A_866 : vector<1x16xf32> to vector<16xf32>
          %swap3A_868 = arith.index_cast %scan3A_800 : i32 to index
          %swap3A_869 = arith.constant 112 : index
          %swap3A_870 = tpu.vector_load %arg10[%swap3A_868, %swap3A_869] {strides = array<i32>} : memref<160x128xf32, #tpu.memory_space<vmem>>, vector<1x16xf32>,
          %swap3A_871 = vector.shape_cast %swap3A_870 : vector<1x16xf32> to vector<16xf32>
          %swap3A_872 = vector.shape_cast %get3A_867 : vector<16xf32> to vector<1x16xf32>
          tpu.vector_store %arg10[%swap3A_868, %swap3A_869], %swap3A_872 {add = true, strides = array<i32>} : memref<160x128xf32, #tpu.memory_space<vmem>>, vector<1x16xf32>,
        }
        %scan3A_781 = arith.constant 80 : i32
        %dma_wait3A_782 = arith.constant 80 : i32
        %dma_wait3A_783 = arith.constant 0 : i32
        %dma_wait3A_784 = tpu.memref_slice %arg13[%dma_wait3A_782, %dma_wait3A_783] : memref<160x128xf32, #tpu.memory_space<vmem>> -> memref<80x128xf32, #tpu.memory_space<vmem>>
        %dma_wait3A_785 = arith.constant 0 : i32
        %dma_wait3A_786 = arith.constant 0 : i32
        %dma_wait3A_787 = tpu.memref_slice %arg4[%dma_wait3A_785, %dma_wait3A_786] : memref<262144x128xf32, #tpu.memory_space<hbm>> -> memref<262144x128xf32, #tpu.memory_space<hbm>>
        tpu.wait_indirect_dma semaphore(%arg30 : memref<!tpu.dma_semaphore, #tpu.memory_space<semaphore_mem>>) src(%dma_wait3A_787 : memref<262144x128xf32, #tpu.memory_space<hbm>>) dst(%dma_wait3A_784 : memref<80x128xf32, #tpu.memory_space<vmem>>)
        %scan3A_788 = arith.constant 0 : i32
        %scan3A_789 = arith.constant 80 : i32
        %scan3A_790 = arith.constant 80 : i32
        %scan3A_791 = arith.addi %scan3A_789, %scan3A_790 : i32
        %scan3A_792 = arith.constant 1 : i32
        scf.for %scan3A_800 = %scan3A_789 to %scan3A_791 step %scan3A_792  : i32 {
          %get3A_801 = arith.index_cast %scan3A_800 : i32 to index
          %get3A_802 = arith.constant 0 : index
          %get3A_803 = tpu.vector_load %arg13[%get3A_801, %get3A_802] {strides = array<i32>} : memref<160x128xf32, #tpu.memory_space<vmem>>, vector<1x16xf32>,
          %get3A_804 = vector.shape_cast %get3A_803 : vector<1x16xf32> to vector<16xf32>
          %swap3A_805 = arith.index_cast %scan3A_800 : i32 to index
          %swap3A_806 = arith.constant 0 : index
          %swap3A_807 = tpu.vector_load %arg10[%swap3A_805, %swap3A_806] {strides = array<i32>} : memref<160x128xf32, #tpu.memory_space<vmem>>, vector<1x16xf32>,
          %swap3A_808 = vector.shape_cast %swap3A_807 : vector<1x16xf32> to vector<16xf32>
          %swap3A_809 = vector.shape_cast %get3A_804 : vector<16xf32> to vector<1x16xf32>
          tpu.vector_store %arg10[%swap3A_805, %swap3A_806], %swap3A_809 {add = true, strides = array<i32>} : memref<160x128xf32, #tpu.memory_space<vmem>>, vector<1x16xf32>,
          %get3A_810 = arith.index_cast %scan3A_800 : i32 to index
          %get3A_811 = arith.constant 16 : index
          %get3A_812 = tpu.vector_load %arg13[%get3A_810, %get3A_811] {strides = array<i32>} : memref<160x128xf32, #tpu.memory_space<vmem>>, vector<1x16xf32>,
          %get3A_813 = vector.shape_cast %get3A_812 : vector<1x16xf32> to vector<16xf32>
          %swap3A_814 = arith.index_cast %scan3A_800 : i32 to index
          %swap3A_815 = arith.constant 16 : index
          %swap3A_816 = tpu.vector_load %arg10[%swap3A_814, %swap3A_815] {strides = array<i32>} : memref<160x128xf32, #tpu.memory_space<vmem>>, vector<1x16xf32>,
          %swap3A_817 = vector.shape_cast %swap3A_816 : vector<1x16xf32> to vector<16xf32>
          %swap3A_818 = vector.shape_cast %get3A_813 : vector<16xf32> to vector<1x16xf32>
          tpu.vector_store %arg10[%swap3A_814, %swap3A_815], %swap3A_818 {add = true, strides = array<i32>} : memref<160x128xf32, #tpu.memory_space<vmem>>, vector<1x16xf32>,
          %get3A_819 = arith.index_cast %scan3A_800 : i32 to index
          %get3A_820 = arith.constant 32 : index
          %get3A_821 = tpu.vector_load %arg13[%get3A_819, %get3A_820] {strides = array<i32>} : memref<160x128xf32, #tpu.memory_space<vmem>>, vector<1x16xf32>,
          %get3A_822 = vector.shape_cast %get3A_821 : vector<1x16xf32> to vector<16xf32>
          %swap3A_823 = arith.index_cast %scan3A_800 : i32 to index
          %swap3A_824 = arith.constant 32 : index
          %swap3A_825 = tpu.vector_load %arg10[%swap3A_823, %swap3A_824] {strides = array<i32>} : memref<160x128xf32, #tpu.memory_space<vmem>>, vector<1x16xf32>,
          %swap3A_826 = vector.shape_cast %swap3A_825 : vector<1x16xf32> to vector<16xf32>
          %swap3A_827 = vector.shape_cast %get3A_822 : vector<16xf32> to vector<1x16xf32>
          tpu.vector_store %arg10[%swap3A_823, %swap3A_824], %swap3A_827 {add = true, strides = array<i32>} : memref<160x128xf32, #tpu.memory_space<vmem>>, vector<1x16xf32>,
          %get3A_828 = arith.index_cast %scan3A_800 : i32 to index
          %get3A_829 = arith.constant 48 : index
          %get3A_830 = tpu.vector_load %arg13[%get3A_828, %get3A_829] {strides = array<i32>} : memref<160x128xf32, #tpu.memory_space<vmem>>, vector<1x16xf32>,
          %get3A_831 = vector.shape_cast %get3A_830 : vector<1x16xf32> to vector<16xf32>
          %swap3A_832 = arith.index_cast %scan3A_800 : i32 to index
          %swap3A_833 = arith.constant 48 : index
          %swap3A_834 = tpu.vector_load %arg10[%swap3A_832, %swap3A_833] {strides = array<i32>} : memref<160x128xf32, #tpu.memory_space<vmem>>, vector<1x16xf32>,
          %swap3A_835 = vector.shape_cast %swap3A_834 : vector<1x16xf32> to vector<16xf32>
          %swap3A_836 = vector.shape_cast %get3A_831 : vector<16xf32> to vector<1x16xf32>
          tpu.vector_store %arg10[%swap3A_832, %swap3A_833], %swap3A_836 {add = true, strides = array<i32>} : memref<160x128xf32, #tpu.memory_space<vmem>>, vector<1x16xf32>,
          %get3A_837 = arith.index_cast %scan3A_800 : i32 to index
          %get3A_838 = arith.constant 64 : index
          %get3A_839 = tpu.vector_load %arg13[%get3A_837, %get3A_838] {strides = array<i32>} : memref<160x128xf32, #tpu.memory_space<vmem>>, vector<1x16xf32>,
          %get3A_840 = vector.shape_cast %get3A_839 : vector<1x16xf32> to vector<16xf32>
          %swap3A_841 = arith.index_cast %scan3A_800 : i32 to index
          %swap3A_842 = arith.constant 64 : index
          %swap3A_843 = tpu.vector_load %arg10[%swap3A_841, %swap3A_842] {strides = array<i32>} : memref<160x128xf32, #tpu.memory_space<vmem>>, vector<1x16xf32>,
          %swap3A_844 = vector.shape_cast %swap3A_843 : vector<1x16xf32> to vector<16xf32>
          %swap3A_845 = vector.shape_cast %get3A_840 : vector<16xf32> to vector<1x16xf32>
          tpu.vector_store %arg10[%swap3A_841, %swap3A_842], %swap3A_845 {add = true, strides = array<i32>} : memref<160x128xf32, #tpu.memory_space<vmem>>, vector<1x16xf32>,
          %get3A_846 = arith.index_cast %scan3A_800 : i32 to index
          %get3A_847 = arith.constant 80 : index
          %get3A_848 = tpu.vector_load %arg13[%get3A_846, %get3A_847] {strides = array<i32>} : memref<160x128xf32, #tpu.memory_space<vmem>>, vector<1x16xf32>,
          %get3A_849 = vector.shape_cast %get3A_848 : vector<1x16xf32> to vector<16xf32>
          %swap3A_850 = arith.index_cast %scan3A_800 : i32 to index
          %swap3A_851 = arith.constant 80 : index
          %swap3A_852 = tpu.vector_load %arg10[%swap3A_850, %swap3A_851] {strides = array<i32>} : memref<160x128xf32, #tpu.memory_space<vmem>>, vector<1x16xf32>,
          %swap3A_853 = vector.shape_cast %swap3A_852 : vector<1x16xf32> to vector<16xf32>
          %swap3A_854 = vector.shape_cast %get3A_849 : vector<16xf32> to vector<1x16xf32>
          tpu.vector_store %arg10[%swap3A_850, %swap3A_851], %swap3A_854 {add = true, strides = array<i32>} : memref<160x128xf32, #tpu.memory_space<vmem>>, vector<1x16xf32>,
          %get3A_855 = arith.index_cast %scan3A_800 : i32 to index
          %get3A_856 = arith.constant 96 : index
          %get3A_857 = tpu.vector_load %arg13[%get3A_855, %get3A_856] {strides = array<i32>} : memref<160x128xf32, #tpu.memory_space<vmem>>, vector<1x16xf32>,
          %get3A_858 = vector.shape_cast %get3A_857 : vector<1x16xf32> to vector<16xf32>
          %swap3A_859 = arith.index_cast %scan3A_800 : i32 to index
          %swap3A_860 = arith.constant 96 : index
          %swap3A_861 = tpu.vector_load %arg10[%swap3A_859, %swap3A_860] {strides = array<i32>} : memref<160x128xf32, #tpu.memory_space<vmem>>, vector<1x16xf32>,
          %swap3A_862 = vector.shape_cast %swap3A_861 : vector<1x16xf32> to vector<16xf32>
          %swap3A_863 = vector.shape_cast %get3A_858 : vector<16xf32> to vector<1x16xf32>
          tpu.vector_store %arg10[%swap3A_859, %swap3A_860], %swap3A_863 {add = true, strides = array<i32>} : memref<160x128xf32, #tpu.memory_space<vmem>>, vector<1x16xf32>,
          %get3A_864 = arith.index_cast %scan3A_800 : i32 to index
          %get3A_865 = arith.constant 112 : index
          %get3A_866 = tpu.vector_load %arg13[%get3A_864, %get3A_865] {strides = array<i32>} : memref<160x128xf32, #tpu.memory_space<vmem>>, vector<1x16xf32>,
          %get3A_867 = vector.shape_cast %get3A_866 : vector<1x16xf32> to vector<16xf32>
          %swap3A_868 = arith.index_cast %scan3A_800 : i32 to index
          %swap3A_869 = arith.constant 112 : index
          %swap3A_870 = tpu.vector_load %arg10[%swap3A_868, %swap3A_869] {strides = array<i32>} : memref<160x128xf32, #tpu.memory_space<vmem>>, vector<1x16xf32>,
          %swap3A_871 = vector.shape_cast %swap3A_870 : vector<1x16xf32> to vector<16xf32>
          %swap3A_872 = vector.shape_cast %get3A_867 : vector<16xf32> to vector<1x16xf32>
          tpu.vector_store %arg10[%swap3A_868, %swap3A_869], %swap3A_872 {add = true, strides = array<i32>} : memref<160x128xf32, #tpu.memory_space<vmem>>, vector<1x16xf32>,
        }
        %scan3A_793 = arith.constant 80 : i32
        %mul3A_794 = arith.constant 160 : i32
        %mul3A_795 = arith.muli %add3A_760, %mul3A_794 : i32
        %dma_start3A_796 = arith.constant 0 : i32
        %dma_start3A_797 = tpu.memref_slice %arg6[%mul3A_795, %dma_start3A_796] : memref<200000x128xf32, #tpu.memory_space<hbm>> -> memref<160x128xf32, #tpu.memory_space<hbm>>
        %dma_start3A_798 = arith.constant 0 : i32
        %dma_start3A_799 = tpu.memref_slice %arg6[%mul3A_795, %dma_start3A_798] : memref<200000x128xf32, #tpu.memory_space<hbm>> -> memref<160x128xf32, #tpu.memory_space<hbm>>
        tpu.enqueue_dma source(%arg10 : memref<160x128xf32, #tpu.memory_space<vmem>>) target(%dma_start3A_799 : memref<160x128xf32, #tpu.memory_space<hbm>>) target_semaphore(%arg35 : memref<!tpu.dma_semaphore, #tpu.memory_space<semaphore_mem>>)
      } else {
      }
      %add3A_706 = arith.constant 2 : i32
      %add3A_707 = arith.addi %add3A_704, %add3A_706 : i32
      %lt3A_708 = arith.cmpi slt, %add3A_707, %select_n3A : i32
      %convert_element_type3A_709 = arith.extui %lt3A_708 : i1 to i32
      %cond3A_710 = arith.constant 0 : i32
      %cond3A_711 = arith.cmpi ne, %convert_element_type3A_709, %cond3A_710 : i32
      scf.if %cond3A_711 {
        %ge3A = arith.constant 1 : i32
        %ge3A_758 = arith.cmpi sge, %add3A_704, %ge3A : i32
        %convert_element_type3A_759 = arith.extui %ge3A_758 : i1 to i32
        %cond3A_760 = arith.constant 0 : i32
        %cond3A_761 = arith.cmpi ne, %convert_element_type3A_759, %cond3A_760 : i32
        scf.if %cond3A_761 {
          %sub3A_779 = arith.constant 1 : i32
          %sub3A_780 = arith.subi %add3A_704, %sub3A_779 : i32
          %mul3A_781 = arith.constant 32 : i32
          %mul3A_782 = arith.muli %sub3A_780, %mul3A_781 : i32
          %add3A_783 = arith.addi %add3A, %mul3A_782 : i32
          %mul3A_784 = arith.constant 160 : i32
          %mul3A_785 = arith.muli %add3A_783, %mul3A_784 : i32
          %dma_wait3A_786 = arith.constant 0 : i32
          %dma_wait3A_787 = tpu.memref_slice %arg6[%mul3A_785, %dma_wait3A_786] : memref<200000x128xf32, #tpu.memory_space<hbm>> -> memref<160x128xf32, #tpu.memory_space<hbm>>
          %dma_wait3A_788 = arith.constant 0 : i32
          %dma_wait3A_789 = tpu.memref_slice %arg6[%mul3A_785, %dma_wait3A_788] : memref<200000x128xf32, #tpu.memory_space<hbm>> -> memref<160x128xf32, #tpu.memory_space<hbm>>
          tpu.wait_dma2 semaphore(%arg37 : memref<!tpu.dma_semaphore, #tpu.memory_space<semaphore_mem>>) src(%arg12 : memref<160x128xf32, #tpu.memory_space<vmem>>) dst(%dma_wait3A_789 : memref<160x128xf32, #tpu.memory_space<hbm>>)
        } else {
        }
        %add3A_762 = arith.constant 2 : i32
        %add3A_763 = arith.addi %add3A_704, %add3A_762 : i32
        %mul3A_764 = arith.constant 32 : i32
        %mul3A_765 = arith.muli %add3A_763, %mul3A_764 : i32
        %add3A_766 = arith.addi %add3A, %mul3A_765 : i32
        %dma_start3A_767 = arith.constant 0 : i32
        %dma_start3A_768 = tpu.memref_slice %arg2[%add3A_766, %dma_start3A_767] : memref<1250x480xi32, #tpu.memory_space<hbm>> -> memref<1x480xi32, #tpu.memory_space<hbm>>
        %dma_start3A_769 = tpu.memref_squeeze %dma_start3A_768 : memref<1x480xi32, #tpu.memory_space<hbm>> -> memref<480xi32, #tpu.memory_space<hbm>>
        %dma_start3A_770 = arith.constant 0 : i32
        %dma_start3A_771 = tpu.memref_slice %arg2[%add3A_766, %dma_start3A_770] : memref<1250x480xi32, #tpu.memory_space<hbm>> -> memref<1x480xi32, #tpu.memory_space<hbm>>
        %dma_start3A_772 = tpu.memref_squeeze %dma_start3A_771 : memref<1x480xi32, #tpu.memory_space<hbm>> -> memref<480xi32, #tpu.memory_space<hbm>>
        tpu.enqueue_dma source(%dma_start3A_772 : memref<480xi32, #tpu.memory_space<hbm>>) target(%arg9 : memref<480xi32, #tpu.memory_space<vmem>>) target_semaphore(%arg25 : memref<!tpu.dma_semaphore, #tpu.memory_space<semaphore_mem>>)
        %mul3A_773 = arith.constant 160 : i32
        %mul3A_774 = arith.muli %add3A_766, %mul3A_773 : i32
        %dma_start3A_775 = arith.constant 0 : i32
        %dma_start3A_776 = tpu.memref_slice %arg3[%mul3A_774, %dma_start3A_775] : memref<200000x128xf32, #tpu.memory_space<hbm>> -> memref<160x128xf32, #tpu.memory_space<hbm>>
        %dma_start3A_777 = arith.constant 0 : i32
        %dma_start3A_778 = tpu.memref_slice %arg3[%mul3A_774, %dma_start3A_777] : memref<200000x128xf32, #tpu.memory_space<hbm>> -> memref<160x128xf32, #tpu.memory_space<hbm>>
        tpu.enqueue_dma source(%dma_start3A_778 : memref<160x128xf32, #tpu.memory_space<hbm>>) target(%arg12 : memref<160x128xf32, #tpu.memory_space<vmem>>) target_semaphore(%arg28 : memref<!tpu.dma_semaphore, #tpu.memory_space<semaphore_mem>>)
      } else {
      }
      %add3A_712 = arith.constant 1 : i32
      %add3A_713 = arith.addi %add3A_704, %add3A_712 : i32
      %lt3A_714 = arith.cmpi slt, %add3A_713, %select_n3A : i32
      %convert_element_type3A_715 = arith.extui %lt3A_714 : i1 to i32
      %cond3A_716 = arith.constant 0 : i32
      %cond3A_717 = arith.cmpi ne, %convert_element_type3A_715, %cond3A_716 : i32
      scf.if %cond3A_717 {
        %add3A_758 = arith.constant 1 : i32
        %add3A_759 = arith.addi %add3A_704, %add3A_758 : i32
        %mul3A_760 = arith.constant 32 : i32
        %mul3A_761 = arith.muli %add3A_759, %mul3A_760 : i32
        %add3A_762 = arith.addi %add3A, %mul3A_761 : i32
        %dma_wait3A_763 = arith.constant 0 : i32
        %dma_wait3A_764 = tpu.memref_slice %arg2[%add3A_762, %dma_wait3A_763] : memref<1250x480xi32, #tpu.memory_space<hbm>> -> memref<1x480xi32, #tpu.memory_space<hbm>>
        %dma_wait3A_765 = tpu.memref_squeeze %dma_wait3A_764 : memref<1x480xi32, #tpu.memory_space<hbm>> -> memref<480xi32, #tpu.memory_space<hbm>>
        %dma_wait3A_766 = arith.constant 0 : i32
        %dma_wait3A_767 = tpu.memref_slice %arg2[%add3A_762, %dma_wait3A_766] : memref<1250x480xi32, #tpu.memory_space<hbm>> -> memref<1x480xi32, #tpu.memory_space<hbm>>
        %dma_wait3A_768 = tpu.memref_squeeze %dma_wait3A_767 : memref<1x480xi32, #tpu.memory_space<hbm>> -> memref<480xi32, #tpu.memory_space<hbm>>
        tpu.wait_dma2 semaphore(%arg24 : memref<!tpu.dma_semaphore, #tpu.memory_space<semaphore_mem>>) src(%dma_wait3A_768 : memref<480xi32, #tpu.memory_space<hbm>>) dst(%arg8 : memref<480xi32, #tpu.memory_space<vmem>>)
        %get3A_769 = arith.constant 0 : index
        %get3A_770 = tpu.vector_load %arg8[%get3A_769] {strides = array<i32>} : memref<480xi32, #tpu.memory_space<vmem>>, vector<16xi32>,
        %get3A_771 = vector.shape_cast %get3A_770 : vector<16xi32> to vector<16xi32>
        %add3A_772 = vector.broadcast %squeeze3A : i32 to vector<16xi32>
        %add3A_773 = arith.addi %get3A_771, %add3A_772 : vector<16xi32>
        %shift_right_arithmetic3A_774 = arith.constant 2 : i32
        %shift_right_arithmetic3A_775 = vector.broadcast %shift_right_arithmetic3A_774 : i32 to vector<16xi32>
        %shift_right_arithmetic3A_776 = arith.shrsi %add3A_773, %shift_right_arithmetic3A_775 : vector<16xi32>
        %add3A_777 = vector.broadcast %squeeze3A_30 : i32 to vector<16xi32>
        %add3A_778 = arith.addi %shift_right_arithmetic3A_776, %add3A_777 : vector<16xi32>
        %jit3A_779 = arith.constant 0 : i32
        %jit3A_780 = arith.constant 63 : i32
        %max3A_781 = vector.broadcast %jit3A_779 : i32 to vector<16xi32>
        %max3A_782 = arith.maxsi %max3A_781, %add3A_778 : vector<16xi32>
        %min3A_783 = vector.broadcast %jit3A_780 : i32 to vector<16xi32>
        %min3A_784 = arith.minsi %min3A_783, %max3A_782 : vector<16xi32>
        %get3A_785 = arith.constant 160 : index
        %get3A_786 = tpu.vector_load %arg8[%get3A_785] {strides = array<i32>} : memref<480xi32, #tpu.memory_space<vmem>>, vector<16xi32>,
        %get3A_787 = vector.shape_cast %get3A_786 : vector<16xi32> to vector<16xi32>
        %add3A_788 = vector.broadcast %squeeze3A_26 : i32 to vector<16xi32>
        %add3A_789 = arith.addi %get3A_787, %add3A_788 : vector<16xi32>
        %shift_right_arithmetic3A_790 = arith.constant 2 : i32
        %shift_right_arithmetic3A_791 = vector.broadcast %shift_right_arithmetic3A_790 : i32 to vector<16xi32>
        %shift_right_arithmetic3A_792 = arith.shrsi %add3A_789, %shift_right_arithmetic3A_791 : vector<16xi32>
        %add3A_793 = vector.broadcast %squeeze3A_32 : i32 to vector<16xi32>
        %add3A_794 = arith.addi %shift_right_arithmetic3A_792, %add3A_793 : vector<16xi32>
        %jit3A_795 = arith.constant 0 : i32
        %jit3A_796 = arith.constant 63 : i32
        %max3A_797 = vector.broadcast %jit3A_795 : i32 to vector<16xi32>
        %max3A_798 = arith.maxsi %max3A_797, %add3A_794 : vector<16xi32>
        %min3A_799 = vector.broadcast %jit3A_796 : i32 to vector<16xi32>
        %min3A_800 = arith.minsi %min3A_799, %max3A_798 : vector<16xi32>
        %get3A_801 = arith.constant 320 : index
        %get3A_802 = tpu.vector_load %arg8[%get3A_801] {strides = array<i32>} : memref<480xi32, #tpu.memory_space<vmem>>, vector<16xi32>,
        %get3A_803 = vector.shape_cast %get3A_802 : vector<16xi32> to vector<16xi32>
        %add3A_804 = vector.broadcast %squeeze3A_28 : i32 to vector<16xi32>
        %add3A_805 = arith.addi %get3A_803, %add3A_804 : vector<16xi32>
        %shift_right_arithmetic3A_806 = arith.constant 2 : i32
        %shift_right_arithmetic3A_807 = vector.broadcast %shift_right_arithmetic3A_806 : i32 to vector<16xi32>
        %shift_right_arithmetic3A_808 = arith.shrsi %add3A_805, %shift_right_arithmetic3A_807 : vector<16xi32>
        %add3A_809 = vector.broadcast %squeeze3A_34 : i32 to vector<16xi32>
        %add3A_810 = arith.addi %shift_right_arithmetic3A_808, %add3A_809 : vector<16xi32>
        %jit3A_811 = arith.constant 0 : i32
        %jit3A_812 = arith.constant 63 : i32
        %max3A_813 = vector.broadcast %jit3A_811 : i32 to vector<16xi32>
        %max3A_814 = arith.maxsi %max3A_813, %add3A_810 : vector<16xi32>
        %min3A_815 = vector.broadcast %jit3A_812 : i32 to vector<16xi32>
        %min3A_816 = arith.minsi %min3A_815, %max3A_814 : vector<16xi32>
        %mul3A_817 = arith.constant 4096 : i32
        %mul3A_818 = vector.broadcast %mul3A_817 : i32 to vector<16xi32>
        %mul3A_819 = arith.muli %min3A_784, %mul3A_818 : vector<16xi32>
        %mul3A_820 = arith.constant 64 : i32
        %mul3A_821 = vector.broadcast %mul3A_820 : i32 to vector<16xi32>
        %mul3A_822 = arith.muli %min3A_800, %mul3A_821 : vector<16xi32>
        %add3A_823 = arith.addi %mul3A_819, %mul3A_822 : vector<16xi32>
        %add3A_824 = arith.addi %add3A_823, %min3A_816 : vector<16xi32>
        %swap3A_825 = arith.constant 0 : index
        %swap3A_826 = tpu.vector_load %arg18[%swap3A_825] {strides = array<i32>} : memref<80xi32, #tpu.memory_space<vmem>>, vector<16xi32>,
        %swap3A_827 = vector.shape_cast %swap3A_826 : vector<16xi32> to vector<16xi32>
        %swap3A_828 = vector.shape_cast %add3A_824 : vector<16xi32> to vector<16xi32>
        tpu.vector_store %arg18[%swap3A_825], %swap3A_828 {strides = array<i32>} : memref<80xi32, #tpu.memory_space<vmem>>, vector<16xi32>,
        %get3A_829 = arith.constant 16 : index
        %get3A_830 = tpu.vector_load %arg8[%get3A_829] {strides = array<i32>} : memref<480xi32, #tpu.memory_space<vmem>>, vector<16xi32>,
        %get3A_831 = vector.shape_cast %get3A_830 : vector<16xi32> to vector<16xi32>
        %add3A_832 = vector.broadcast %squeeze3A : i32 to vector<16xi32>
        %add3A_833 = arith.addi %get3A_831, %add3A_832 : vector<16xi32>
        %shift_right_arithmetic3A_834 = arith.constant 2 : i32
        %shift_right_arithmetic3A_835 = vector.broadcast %shift_right_arithmetic3A_834 : i32 to vector<16xi32>
        %shift_right_arithmetic3A_836 = arith.shrsi %add3A_833, %shift_right_arithmetic3A_835 : vector<16xi32>
        %add3A_837 = vector.broadcast %squeeze3A_30 : i32 to vector<16xi32>
        %add3A_838 = arith.addi %shift_right_arithmetic3A_836, %add3A_837 : vector<16xi32>
        %jit3A_839 = arith.constant 0 : i32
        %jit3A_840 = arith.constant 63 : i32
        %max3A_841 = vector.broadcast %jit3A_839 : i32 to vector<16xi32>
        %max3A_842 = arith.maxsi %max3A_841, %add3A_838 : vector<16xi32>
        %min3A_843 = vector.broadcast %jit3A_840 : i32 to vector<16xi32>
        %min3A_844 = arith.minsi %min3A_843, %max3A_842 : vector<16xi32>
        %get3A_845 = arith.constant 176 : index
        %get3A_846 = tpu.vector_load %arg8[%get3A_845] {strides = array<i32>} : memref<480xi32, #tpu.memory_space<vmem>>, vector<16xi32>,
        %get3A_847 = vector.shape_cast %get3A_846 : vector<16xi32> to vector<16xi32>
        %add3A_848 = vector.broadcast %squeeze3A_26 : i32 to vector<16xi32>
        %add3A_849 = arith.addi %get3A_847, %add3A_848 : vector<16xi32>
        %shift_right_arithmetic3A_850 = arith.constant 2 : i32
        %shift_right_arithmetic3A_851 = vector.broadcast %shift_right_arithmetic3A_850 : i32 to vector<16xi32>
        %shift_right_arithmetic3A_852 = arith.shrsi %add3A_849, %shift_right_arithmetic3A_851 : vector<16xi32>
        %add3A_853 = vector.broadcast %squeeze3A_32 : i32 to vector<16xi32>
        %add3A_854 = arith.addi %shift_right_arithmetic3A_852, %add3A_853 : vector<16xi32>
        %jit3A_855 = arith.constant 0 : i32
        %jit3A_856 = arith.constant 63 : i32
        %max3A_857 = vector.broadcast %jit3A_855 : i32 to vector<16xi32>
        %max3A_858 = arith.maxsi %max3A_857, %add3A_854 : vector<16xi32>
        %min3A_859 = vector.broadcast %jit3A_856 : i32 to vector<16xi32>
        %min3A_860 = arith.minsi %min3A_859, %max3A_858 : vector<16xi32>
        %get3A_861 = arith.constant 336 : index
        %get3A_862 = tpu.vector_load %arg8[%get3A_861] {strides = array<i32>} : memref<480xi32, #tpu.memory_space<vmem>>, vector<16xi32>,
        %get3A_863 = vector.shape_cast %get3A_862 : vector<16xi32> to vector<16xi32>
        %add3A_864 = vector.broadcast %squeeze3A_28 : i32 to vector<16xi32>
        %add3A_865 = arith.addi %get3A_863, %add3A_864 : vector<16xi32>
        %shift_right_arithmetic3A_866 = arith.constant 2 : i32
        %shift_right_arithmetic3A_867 = vector.broadcast %shift_right_arithmetic3A_866 : i32 to vector<16xi32>
        %shift_right_arithmetic3A_868 = arith.shrsi %add3A_865, %shift_right_arithmetic3A_867 : vector<16xi32>
        %add3A_869 = vector.broadcast %squeeze3A_34 : i32 to vector<16xi32>
        %add3A_870 = arith.addi %shift_right_arithmetic3A_868, %add3A_869 : vector<16xi32>
        %jit3A_871 = arith.constant 0 : i32
        %jit3A_872 = arith.constant 63 : i32
        %max3A_873 = vector.broadcast %jit3A_871 : i32 to vector<16xi32>
        %max3A_874 = arith.maxsi %max3A_873, %add3A_870 : vector<16xi32>
        %min3A_875 = vector.broadcast %jit3A_872 : i32 to vector<16xi32>
        %min3A_876 = arith.minsi %min3A_875, %max3A_874 : vector<16xi32>
        %mul3A_877 = arith.constant 4096 : i32
        %mul3A_878 = vector.broadcast %mul3A_877 : i32 to vector<16xi32>
        %mul3A_879 = arith.muli %min3A_844, %mul3A_878 : vector<16xi32>
        %mul3A_880 = arith.constant 64 : i32
        %mul3A_881 = vector.broadcast %mul3A_880 : i32 to vector<16xi32>
        %mul3A_882 = arith.muli %min3A_860, %mul3A_881 : vector<16xi32>
        %add3A_883 = arith.addi %mul3A_879, %mul3A_882 : vector<16xi32>
        %add3A_884 = arith.addi %add3A_883, %min3A_876 : vector<16xi32>
        %swap3A_885 = arith.constant 16 : index
        %swap3A_886 = tpu.vector_load %arg18[%swap3A_885] {strides = array<i32>} : memref<80xi32, #tpu.memory_space<vmem>>, vector<16xi32>,
        %swap3A_887 = vector.shape_cast %swap3A_886 : vector<16xi32> to vector<16xi32>
        %swap3A_888 = vector.shape_cast %add3A_884 : vector<16xi32> to vector<16xi32>
        tpu.vector_store %arg18[%swap3A_885], %swap3A_888 {strides = array<i32>} : memref<80xi32, #tpu.memory_space<vmem>>, vector<16xi32>,
        %get3A_889 = arith.constant 32 : index
        %get3A_890 = tpu.vector_load %arg8[%get3A_889] {strides = array<i32>} : memref<480xi32, #tpu.memory_space<vmem>>, vector<16xi32>,
        %get3A_891 = vector.shape_cast %get3A_890 : vector<16xi32> to vector<16xi32>
        %add3A_892 = vector.broadcast %squeeze3A : i32 to vector<16xi32>
        %add3A_893 = arith.addi %get3A_891, %add3A_892 : vector<16xi32>
        %shift_right_arithmetic3A_894 = arith.constant 2 : i32
        %shift_right_arithmetic3A_895 = vector.broadcast %shift_right_arithmetic3A_894 : i32 to vector<16xi32>
        %shift_right_arithmetic3A_896 = arith.shrsi %add3A_893, %shift_right_arithmetic3A_895 : vector<16xi32>
        %add3A_897 = vector.broadcast %squeeze3A_30 : i32 to vector<16xi32>
        %add3A_898 = arith.addi %shift_right_arithmetic3A_896, %add3A_897 : vector<16xi32>
        %jit3A_899 = arith.constant 0 : i32
        %jit3A_900 = arith.constant 63 : i32
        %max3A_901 = vector.broadcast %jit3A_899 : i32 to vector<16xi32>
        %max3A_902 = arith.maxsi %max3A_901, %add3A_898 : vector<16xi32>
        %min3A_903 = vector.broadcast %jit3A_900 : i32 to vector<16xi32>
        %min3A_904 = arith.minsi %min3A_903, %max3A_902 : vector<16xi32>
        %get3A_905 = arith.constant 192 : index
        %get3A_906 = tpu.vector_load %arg8[%get3A_905] {strides = array<i32>} : memref<480xi32, #tpu.memory_space<vmem>>, vector<16xi32>,
        %get3A_907 = vector.shape_cast %get3A_906 : vector<16xi32> to vector<16xi32>
        %add3A_908 = vector.broadcast %squeeze3A_26 : i32 to vector<16xi32>
        %add3A_909 = arith.addi %get3A_907, %add3A_908 : vector<16xi32>
        %shift_right_arithmetic3A_910 = arith.constant 2 : i32
        %shift_right_arithmetic3A_911 = vector.broadcast %shift_right_arithmetic3A_910 : i32 to vector<16xi32>
        %shift_right_arithmetic3A_912 = arith.shrsi %add3A_909, %shift_right_arithmetic3A_911 : vector<16xi32>
        %add3A_913 = vector.broadcast %squeeze3A_32 : i32 to vector<16xi32>
        %add3A_914 = arith.addi %shift_right_arithmetic3A_912, %add3A_913 : vector<16xi32>
        %jit3A_915 = arith.constant 0 : i32
        %jit3A_916 = arith.constant 63 : i32
        %max3A_917 = vector.broadcast %jit3A_915 : i32 to vector<16xi32>
        %max3A_918 = arith.maxsi %max3A_917, %add3A_914 : vector<16xi32>
        %min3A_919 = vector.broadcast %jit3A_916 : i32 to vector<16xi32>
        %min3A_920 = arith.minsi %min3A_919, %max3A_918 : vector<16xi32>
        %get3A_921 = arith.constant 352 : index
        %get3A_922 = tpu.vector_load %arg8[%get3A_921] {strides = array<i32>} : memref<480xi32, #tpu.memory_space<vmem>>, vector<16xi32>,
        %get3A_923 = vector.shape_cast %get3A_922 : vector<16xi32> to vector<16xi32>
        %add3A_924 = vector.broadcast %squeeze3A_28 : i32 to vector<16xi32>
        %add3A_925 = arith.addi %get3A_923, %add3A_924 : vector<16xi32>
        %shift_right_arithmetic3A_926 = arith.constant 2 : i32
        %shift_right_arithmetic3A_927 = vector.broadcast %shift_right_arithmetic3A_926 : i32 to vector<16xi32>
        %shift_right_arithmetic3A_928 = arith.shrsi %add3A_925, %shift_right_arithmetic3A_927 : vector<16xi32>
        %add3A_929 = vector.broadcast %squeeze3A_34 : i32 to vector<16xi32>
        %add3A_930 = arith.addi %shift_right_arithmetic3A_928, %add3A_929 : vector<16xi32>
        %jit3A_931 = arith.constant 0 : i32
        %jit3A_932 = arith.constant 63 : i32
        %max3A_933 = vector.broadcast %jit3A_931 : i32 to vector<16xi32>
        %max3A_934 = arith.maxsi %max3A_933, %add3A_930 : vector<16xi32>
        %min3A_935 = vector.broadcast %jit3A_932 : i32 to vector<16xi32>
        %min3A_936 = arith.minsi %min3A_935, %max3A_934 : vector<16xi32>
        %mul3A_937 = arith.constant 4096 : i32
        %mul3A_938 = vector.broadcast %mul3A_937 : i32 to vector<16xi32>
        %mul3A_939 = arith.muli %min3A_904, %mul3A_938 : vector<16xi32>
        %mul3A_940 = arith.constant 64 : i32
        %mul3A_941 = vector.broadcast %mul3A_940 : i32 to vector<16xi32>
        %mul3A_942 = arith.muli %min3A_920, %mul3A_941 : vector<16xi32>
        %add3A_943 = arith.addi %mul3A_939, %mul3A_942 : vector<16xi32>
        %add3A_944 = arith.addi %add3A_943, %min3A_936 : vector<16xi32>
        %swap3A_945 = arith.constant 32 : index
        %swap3A_946 = tpu.vector_load %arg18[%swap3A_945] {strides = array<i32>} : memref<80xi32, #tpu.memory_space<vmem>>, vector<16xi32>,
        %swap3A_947 = vector.shape_cast %swap3A_946 : vector<16xi32> to vector<16xi32>
        %swap3A_948 = vector.shape_cast %add3A_944 : vector<16xi32> to vector<16xi32>
        tpu.vector_store %arg18[%swap3A_945], %swap3A_948 {strides = array<i32>} : memref<80xi32, #tpu.memory_space<vmem>>, vector<16xi32>,
        %get3A_949 = arith.constant 48 : index
        %get3A_950 = tpu.vector_load %arg8[%get3A_949] {strides = array<i32>} : memref<480xi32, #tpu.memory_space<vmem>>, vector<16xi32>,
        %get3A_951 = vector.shape_cast %get3A_950 : vector<16xi32> to vector<16xi32>
        %add3A_952 = vector.broadcast %squeeze3A : i32 to vector<16xi32>
        %add3A_953 = arith.addi %get3A_951, %add3A_952 : vector<16xi32>
        %shift_right_arithmetic3A_954 = arith.constant 2 : i32
        %shift_right_arithmetic3A_955 = vector.broadcast %shift_right_arithmetic3A_954 : i32 to vector<16xi32>
        %shift_right_arithmetic3A_956 = arith.shrsi %add3A_953, %shift_right_arithmetic3A_955 : vector<16xi32>
        %add3A_957 = vector.broadcast %squeeze3A_30 : i32 to vector<16xi32>
        %add3A_958 = arith.addi %shift_right_arithmetic3A_956, %add3A_957 : vector<16xi32>
        %jit3A_959 = arith.constant 0 : i32
        %jit3A_960 = arith.constant 63 : i32
        %max3A_961 = vector.broadcast %jit3A_959 : i32 to vector<16xi32>
        %max3A_962 = arith.maxsi %max3A_961, %add3A_958 : vector<16xi32>
        %min3A_963 = vector.broadcast %jit3A_960 : i32 to vector<16xi32>
        %min3A_964 = arith.minsi %min3A_963, %max3A_962 : vector<16xi32>
        %get3A_965 = arith.constant 208 : index
        %get3A_966 = tpu.vector_load %arg8[%get3A_965] {strides = array<i32>} : memref<480xi32, #tpu.memory_space<vmem>>, vector<16xi32>,
        %get3A_967 = vector.shape_cast %get3A_966 : vector<16xi32> to vector<16xi32>
        %add3A_968 = vector.broadcast %squeeze3A_26 : i32 to vector<16xi32>
        %add3A_969 = arith.addi %get3A_967, %add3A_968 : vector<16xi32>
        %shift_right_arithmetic3A_970 = arith.constant 2 : i32
        %shift_right_arithmetic3A_971 = vector.broadcast %shift_right_arithmetic3A_970 : i32 to vector<16xi32>
        %shift_right_arithmetic3A_972 = arith.shrsi %add3A_969, %shift_right_arithmetic3A_971 : vector<16xi32>
        %add3A_973 = vector.broadcast %squeeze3A_32 : i32 to vector<16xi32>
        %add3A_974 = arith.addi %shift_right_arithmetic3A_972, %add3A_973 : vector<16xi32>
        %jit3A_975 = arith.constant 0 : i32
        %jit3A_976 = arith.constant 63 : i32
        %max3A_977 = vector.broadcast %jit3A_975 : i32 to vector<16xi32>
        %max3A_978 = arith.maxsi %max3A_977, %add3A_974 : vector<16xi32>
        %min3A_979 = vector.broadcast %jit3A_976 : i32 to vector<16xi32>
        %min3A_980 = arith.minsi %min3A_979, %max3A_978 : vector<16xi32>
        %get3A_981 = arith.constant 368 : index
        %get3A_982 = tpu.vector_load %arg8[%get3A_981] {strides = array<i32>} : memref<480xi32, #tpu.memory_space<vmem>>, vector<16xi32>,
        %get3A_983 = vector.shape_cast %get3A_982 : vector<16xi32> to vector<16xi32>
        %add3A_984 = vector.broadcast %squeeze3A_28 : i32 to vector<16xi32>
        %add3A_985 = arith.addi %get3A_983, %add3A_984 : vector<16xi32>
        %shift_right_arithmetic3A_986 = arith.constant 2 : i32
        %shift_right_arithmetic3A_987 = vector.broadcast %shift_right_arithmetic3A_986 : i32 to vector<16xi32>
        %shift_right_arithmetic3A_988 = arith.shrsi %add3A_985, %shift_right_arithmetic3A_987 : vector<16xi32>
        %add3A_989 = vector.broadcast %squeeze3A_34 : i32 to vector<16xi32>
        %add3A_990 = arith.addi %shift_right_arithmetic3A_988, %add3A_989 : vector<16xi32>
        %jit3A_991 = arith.constant 0 : i32
        %jit3A_992 = arith.constant 63 : i32
        %max3A_993 = vector.broadcast %jit3A_991 : i32 to vector<16xi32>
        %max3A_994 = arith.maxsi %max3A_993, %add3A_990 : vector<16xi32>
        %min3A_995 = vector.broadcast %jit3A_992 : i32 to vector<16xi32>
        %min3A_996 = arith.minsi %min3A_995, %max3A_994 : vector<16xi32>
        %mul3A_997 = arith.constant 4096 : i32
        %mul3A_998 = vector.broadcast %mul3A_997 : i32 to vector<16xi32>
        %mul3A_999 = arith.muli %min3A_964, %mul3A_998 : vector<16xi32>
        %mul3A_1000 = arith.constant 64 : i32
        %mul3A_1001 = vector.broadcast %mul3A_1000 : i32 to vector<16xi32>
        %mul3A_1002 = arith.muli %min3A_980, %mul3A_1001 : vector<16xi32>
        %add3A_1003 = arith.addi %mul3A_999, %mul3A_1002 : vector<16xi32>
        %add3A_1004 = arith.addi %add3A_1003, %min3A_996 : vector<16xi32>
        %swap3A_1005 = arith.constant 48 : index
        %swap3A_1006 = tpu.vector_load %arg18[%swap3A_1005] {strides = array<i32>} : memref<80xi32, #tpu.memory_space<vmem>>, vector<16xi32>,
        %swap3A_1007 = vector.shape_cast %swap3A_1006 : vector<16xi32> to vector<16xi32>
        %swap3A_1008 = vector.shape_cast %add3A_1004 : vector<16xi32> to vector<16xi32>
        tpu.vector_store %arg18[%swap3A_1005], %swap3A_1008 {strides = array<i32>} : memref<80xi32, #tpu.memory_space<vmem>>, vector<16xi32>,
        %get3A_1009 = arith.constant 64 : index
        %get3A_1010 = tpu.vector_load %arg8[%get3A_1009] {strides = array<i32>} : memref<480xi32, #tpu.memory_space<vmem>>, vector<16xi32>,
        %get3A_1011 = vector.shape_cast %get3A_1010 : vector<16xi32> to vector<16xi32>
        %add3A_1012 = vector.broadcast %squeeze3A : i32 to vector<16xi32>
        %add3A_1013 = arith.addi %get3A_1011, %add3A_1012 : vector<16xi32>
        %shift_right_arithmetic3A_1014 = arith.constant 2 : i32
        %shift_right_arithmetic3A_1015 = vector.broadcast %shift_right_arithmetic3A_1014 : i32 to vector<16xi32>
        %shift_right_arithmetic3A_1016 = arith.shrsi %add3A_1013, %shift_right_arithmetic3A_1015 : vector<16xi32>
        %add3A_1017 = vector.broadcast %squeeze3A_30 : i32 to vector<16xi32>
        %add3A_1018 = arith.addi %shift_right_arithmetic3A_1016, %add3A_1017 : vector<16xi32>
        %jit3A_1019 = arith.constant 0 : i32
        %jit3A_1020 = arith.constant 63 : i32
        %max3A_1021 = vector.broadcast %jit3A_1019 : i32 to vector<16xi32>
        %max3A_1022 = arith.maxsi %max3A_1021, %add3A_1018 : vector<16xi32>
        %min3A_1023 = vector.broadcast %jit3A_1020 : i32 to vector<16xi32>
        %min3A_1024 = arith.minsi %min3A_1023, %max3A_1022 : vector<16xi32>
        %get3A_1025 = arith.constant 224 : index
        %get3A_1026 = tpu.vector_load %arg8[%get3A_1025] {strides = array<i32>} : memref<480xi32, #tpu.memory_space<vmem>>, vector<16xi32>,
        %get3A_1027 = vector.shape_cast %get3A_1026 : vector<16xi32> to vector<16xi32>
        %add3A_1028 = vector.broadcast %squeeze3A_26 : i32 to vector<16xi32>
        %add3A_1029 = arith.addi %get3A_1027, %add3A_1028 : vector<16xi32>
        %shift_right_arithmetic3A_1030 = arith.constant 2 : i32
        %shift_right_arithmetic3A_1031 = vector.broadcast %shift_right_arithmetic3A_1030 : i32 to vector<16xi32>
        %shift_right_arithmetic3A_1032 = arith.shrsi %add3A_1029, %shift_right_arithmetic3A_1031 : vector<16xi32>
        %add3A_1033 = vector.broadcast %squeeze3A_32 : i32 to vector<16xi32>
        %add3A_1034 = arith.addi %shift_right_arithmetic3A_1032, %add3A_1033 : vector<16xi32>
        %jit3A_1035 = arith.constant 0 : i32
        %jit3A_1036 = arith.constant 63 : i32
        %max3A_1037 = vector.broadcast %jit3A_1035 : i32 to vector<16xi32>
        %max3A_1038 = arith.maxsi %max3A_1037, %add3A_1034 : vector<16xi32>
        %min3A_1039 = vector.broadcast %jit3A_1036 : i32 to vector<16xi32>
        %min3A_1040 = arith.minsi %min3A_1039, %max3A_1038 : vector<16xi32>
        %get3A_1041 = arith.constant 384 : index
        %get3A_1042 = tpu.vector_load %arg8[%get3A_1041] {strides = array<i32>} : memref<480xi32, #tpu.memory_space<vmem>>, vector<16xi32>,
        %get3A_1043 = vector.shape_cast %get3A_1042 : vector<16xi32> to vector<16xi32>
        %add3A_1044 = vector.broadcast %squeeze3A_28 : i32 to vector<16xi32>
        %add3A_1045 = arith.addi %get3A_1043, %add3A_1044 : vector<16xi32>
        %shift_right_arithmetic3A_1046 = arith.constant 2 : i32
        %shift_right_arithmetic3A_1047 = vector.broadcast %shift_right_arithmetic3A_1046 : i32 to vector<16xi32>
        %shift_right_arithmetic3A_1048 = arith.shrsi %add3A_1045, %shift_right_arithmetic3A_1047 : vector<16xi32>
        %add3A_1049 = vector.broadcast %squeeze3A_34 : i32 to vector<16xi32>
        %add3A_1050 = arith.addi %shift_right_arithmetic3A_1048, %add3A_1049 : vector<16xi32>
        %jit3A_1051 = arith.constant 0 : i32
        %jit3A_1052 = arith.constant 63 : i32
        %max3A_1053 = vector.broadcast %jit3A_1051 : i32 to vector<16xi32>
        %max3A_1054 = arith.maxsi %max3A_1053, %add3A_1050 : vector<16xi32>
        %min3A_1055 = vector.broadcast %jit3A_1052 : i32 to vector<16xi32>
        %min3A_1056 = arith.minsi %min3A_1055, %max3A_1054 : vector<16xi32>
        %mul3A_1057 = arith.constant 4096 : i32
        %mul3A_1058 = vector.broadcast %mul3A_1057 : i32 to vector<16xi32>
        %mul3A_1059 = arith.muli %min3A_1024, %mul3A_1058 : vector<16xi32>
        %mul3A_1060 = arith.constant 64 : i32
        %mul3A_1061 = vector.broadcast %mul3A_1060 : i32 to vector<16xi32>
        %mul3A_1062 = arith.muli %min3A_1040, %mul3A_1061 : vector<16xi32>
        %add3A_1063 = arith.addi %mul3A_1059, %mul3A_1062 : vector<16xi32>
        %add3A_1064 = arith.addi %add3A_1063, %min3A_1056 : vector<16xi32>
        %swap3A_1065 = arith.constant 64 : index
        %swap3A_1066 = tpu.vector_load %arg18[%swap3A_1065] {strides = array<i32>} : memref<80xi32, #tpu.memory_space<vmem>>, vector<16xi32>,
        %swap3A_1067 = vector.shape_cast %swap3A_1066 : vector<16xi32> to vector<16xi32>
        %swap3A_1068 = vector.shape_cast %add3A_1064 : vector<16xi32> to vector<16xi32>
        tpu.vector_store %arg18[%swap3A_1065], %swap3A_1068 {strides = array<i32>} : memref<80xi32, #tpu.memory_space<vmem>>, vector<16xi32>,
        %get3A_1069 = arith.constant 80 : index
        %get3A_1070 = tpu.vector_load %arg8[%get3A_1069] {strides = array<i32>} : memref<480xi32, #tpu.memory_space<vmem>>, vector<16xi32>,
        %get3A_1071 = vector.shape_cast %get3A_1070 : vector<16xi32> to vector<16xi32>
        %add3A_1072 = vector.broadcast %squeeze3A : i32 to vector<16xi32>
        %add3A_1073 = arith.addi %get3A_1071, %add3A_1072 : vector<16xi32>
        %shift_right_arithmetic3A_1074 = arith.constant 2 : i32
        %shift_right_arithmetic3A_1075 = vector.broadcast %shift_right_arithmetic3A_1074 : i32 to vector<16xi32>
        %shift_right_arithmetic3A_1076 = arith.shrsi %add3A_1073, %shift_right_arithmetic3A_1075 : vector<16xi32>
        %add3A_1077 = vector.broadcast %squeeze3A_30 : i32 to vector<16xi32>
        %add3A_1078 = arith.addi %shift_right_arithmetic3A_1076, %add3A_1077 : vector<16xi32>
        %jit3A_1079 = arith.constant 0 : i32
        %jit3A_1080 = arith.constant 63 : i32
        %max3A_1081 = vector.broadcast %jit3A_1079 : i32 to vector<16xi32>
        %max3A_1082 = arith.maxsi %max3A_1081, %add3A_1078 : vector<16xi32>
        %min3A_1083 = vector.broadcast %jit3A_1080 : i32 to vector<16xi32>
        %min3A_1084 = arith.minsi %min3A_1083, %max3A_1082 : vector<16xi32>
        %get3A_1085 = arith.constant 240 : index
        %get3A_1086 = tpu.vector_load %arg8[%get3A_1085] {strides = array<i32>} : memref<480xi32, #tpu.memory_space<vmem>>, vector<16xi32>,
        %get3A_1087 = vector.shape_cast %get3A_1086 : vector<16xi32> to vector<16xi32>
        %add3A_1088 = vector.broadcast %squeeze3A_26 : i32 to vector<16xi32>
        %add3A_1089 = arith.addi %get3A_1087, %add3A_1088 : vector<16xi32>
        %shift_right_arithmetic3A_1090 = arith.constant 2 : i32
        %shift_right_arithmetic3A_1091 = vector.broadcast %shift_right_arithmetic3A_1090 : i32 to vector<16xi32>
        %shift_right_arithmetic3A_1092 = arith.shrsi %add3A_1089, %shift_right_arithmetic3A_1091 : vector<16xi32>
        %add3A_1093 = vector.broadcast %squeeze3A_32 : i32 to vector<16xi32>
        %add3A_1094 = arith.addi %shift_right_arithmetic3A_1092, %add3A_1093 : vector<16xi32>
        %jit3A_1095 = arith.constant 0 : i32
        %jit3A_1096 = arith.constant 63 : i32
        %max3A_1097 = vector.broadcast %jit3A_1095 : i32 to vector<16xi32>
        %max3A_1098 = arith.maxsi %max3A_1097, %add3A_1094 : vector<16xi32>
        %min3A_1099 = vector.broadcast %jit3A_1096 : i32 to vector<16xi32>
        %min3A_1100 = arith.minsi %min3A_1099, %max3A_1098 : vector<16xi32>
        %get3A_1101 = arith.constant 400 : index
        %get3A_1102 = tpu.vector_load %arg8[%get3A_1101] {strides = array<i32>} : memref<480xi32, #tpu.memory_space<vmem>>, vector<16xi32>,
        %get3A_1103 = vector.shape_cast %get3A_1102 : vector<16xi32> to vector<16xi32>
        %add3A_1104 = vector.broadcast %squeeze3A_28 : i32 to vector<16xi32>
        %add3A_1105 = arith.addi %get3A_1103, %add3A_1104 : vector<16xi32>
        %shift_right_arithmetic3A_1106 = arith.constant 2 : i32
        %shift_right_arithmetic3A_1107 = vector.broadcast %shift_right_arithmetic3A_1106 : i32 to vector<16xi32>
        %shift_right_arithmetic3A_1108 = arith.shrsi %add3A_1105, %shift_right_arithmetic3A_1107 : vector<16xi32>
        %add3A_1109 = vector.broadcast %squeeze3A_34 : i32 to vector<16xi32>
        %add3A_1110 = arith.addi %shift_right_arithmetic3A_1108, %add3A_1109 : vector<16xi32>
        %jit3A_1111 = arith.constant 0 : i32
        %jit3A_1112 = arith.constant 63 : i32
        %max3A_1113 = vector.broadcast %jit3A_1111 : i32 to vector<16xi32>
        %max3A_1114 = arith.maxsi %max3A_1113, %add3A_1110 : vector<16xi32>
        %min3A_1115 = vector.broadcast %jit3A_1112 : i32 to vector<16xi32>
        %min3A_1116 = arith.minsi %min3A_1115, %max3A_1114 : vector<16xi32>
        %mul3A_1117 = arith.constant 4096 : i32
        %mul3A_1118 = vector.broadcast %mul3A_1117 : i32 to vector<16xi32>
        %mul3A_1119 = arith.muli %min3A_1084, %mul3A_1118 : vector<16xi32>
        %mul3A_1120 = arith.constant 64 : i32
        %mul3A_1121 = vector.broadcast %mul3A_1120 : i32 to vector<16xi32>
        %mul3A_1122 = arith.muli %min3A_1100, %mul3A_1121 : vector<16xi32>
        %add3A_1123 = arith.addi %mul3A_1119, %mul3A_1122 : vector<16xi32>
        %add3A_1124 = arith.addi %add3A_1123, %min3A_1116 : vector<16xi32>
        %swap3A_1125 = arith.constant 0 : index
        %swap3A_1126 = tpu.vector_load %arg19[%swap3A_1125] {strides = array<i32>} : memref<80xi32, #tpu.memory_space<vmem>>, vector<16xi32>,
        %swap3A_1127 = vector.shape_cast %swap3A_1126 : vector<16xi32> to vector<16xi32>
        %swap3A_1128 = vector.shape_cast %add3A_1124 : vector<16xi32> to vector<16xi32>
        tpu.vector_store %arg19[%swap3A_1125], %swap3A_1128 {strides = array<i32>} : memref<80xi32, #tpu.memory_space<vmem>>, vector<16xi32>,
        %get3A_1129 = arith.constant 96 : index
        %get3A_1130 = tpu.vector_load %arg8[%get3A_1129] {strides = array<i32>} : memref<480xi32, #tpu.memory_space<vmem>>, vector<16xi32>,
        %get3A_1131 = vector.shape_cast %get3A_1130 : vector<16xi32> to vector<16xi32>
        %add3A_1132 = vector.broadcast %squeeze3A : i32 to vector<16xi32>
        %add3A_1133 = arith.addi %get3A_1131, %add3A_1132 : vector<16xi32>
        %shift_right_arithmetic3A_1134 = arith.constant 2 : i32
        %shift_right_arithmetic3A_1135 = vector.broadcast %shift_right_arithmetic3A_1134 : i32 to vector<16xi32>
        %shift_right_arithmetic3A_1136 = arith.shrsi %add3A_1133, %shift_right_arithmetic3A_1135 : vector<16xi32>
        %add3A_1137 = vector.broadcast %squeeze3A_30 : i32 to vector<16xi32>
        %add3A_1138 = arith.addi %shift_right_arithmetic3A_1136, %add3A_1137 : vector<16xi32>
        %jit3A_1139 = arith.constant 0 : i32
        %jit3A_1140 = arith.constant 63 : i32
        %max3A_1141 = vector.broadcast %jit3A_1139 : i32 to vector<16xi32>
        %max3A_1142 = arith.maxsi %max3A_1141, %add3A_1138 : vector<16xi32>
        %min3A_1143 = vector.broadcast %jit3A_1140 : i32 to vector<16xi32>
        %min3A_1144 = arith.minsi %min3A_1143, %max3A_1142 : vector<16xi32>
        %get3A_1145 = arith.constant 256 : index
        %get3A_1146 = tpu.vector_load %arg8[%get3A_1145] {strides = array<i32>} : memref<480xi32, #tpu.memory_space<vmem>>, vector<16xi32>,
        %get3A_1147 = vector.shape_cast %get3A_1146 : vector<16xi32> to vector<16xi32>
        %add3A_1148 = vector.broadcast %squeeze3A_26 : i32 to vector<16xi32>
        %add3A_1149 = arith.addi %get3A_1147, %add3A_1148 : vector<16xi32>
        %shift_right_arithmetic3A_1150 = arith.constant 2 : i32
        %shift_right_arithmetic3A_1151 = vector.broadcast %shift_right_arithmetic3A_1150 : i32 to vector<16xi32>
        %shift_right_arithmetic3A_1152 = arith.shrsi %add3A_1149, %shift_right_arithmetic3A_1151 : vector<16xi32>
        %add3A_1153 = vector.broadcast %squeeze3A_32 : i32 to vector<16xi32>
        %add3A_1154 = arith.addi %shift_right_arithmetic3A_1152, %add3A_1153 : vector<16xi32>
        %jit3A_1155 = arith.constant 0 : i32
        %jit3A_1156 = arith.constant 63 : i32
        %max3A_1157 = vector.broadcast %jit3A_1155 : i32 to vector<16xi32>
        %max3A_1158 = arith.maxsi %max3A_1157, %add3A_1154 : vector<16xi32>
        %min3A_1159 = vector.broadcast %jit3A_1156 : i32 to vector<16xi32>
        %min3A_1160 = arith.minsi %min3A_1159, %max3A_1158 : vector<16xi32>
        %get3A_1161 = arith.constant 416 : index
        %get3A_1162 = tpu.vector_load %arg8[%get3A_1161] {strides = array<i32>} : memref<480xi32, #tpu.memory_space<vmem>>, vector<16xi32>,
        %get3A_1163 = vector.shape_cast %get3A_1162 : vector<16xi32> to vector<16xi32>
        %add3A_1164 = vector.broadcast %squeeze3A_28 : i32 to vector<16xi32>
        %add3A_1165 = arith.addi %get3A_1163, %add3A_1164 : vector<16xi32>
        %shift_right_arithmetic3A_1166 = arith.constant 2 : i32
        %shift_right_arithmetic3A_1167 = vector.broadcast %shift_right_arithmetic3A_1166 : i32 to vector<16xi32>
        %shift_right_arithmetic3A_1168 = arith.shrsi %add3A_1165, %shift_right_arithmetic3A_1167 : vector<16xi32>
        %add3A_1169 = vector.broadcast %squeeze3A_34 : i32 to vector<16xi32>
        %add3A_1170 = arith.addi %shift_right_arithmetic3A_1168, %add3A_1169 : vector<16xi32>
        %jit3A_1171 = arith.constant 0 : i32
        %jit3A_1172 = arith.constant 63 : i32
        %max3A_1173 = vector.broadcast %jit3A_1171 : i32 to vector<16xi32>
        %max3A_1174 = arith.maxsi %max3A_1173, %add3A_1170 : vector<16xi32>
        %min3A_1175 = vector.broadcast %jit3A_1172 : i32 to vector<16xi32>
        %min3A_1176 = arith.minsi %min3A_1175, %max3A_1174 : vector<16xi32>
        %mul3A_1177 = arith.constant 4096 : i32
        %mul3A_1178 = vector.broadcast %mul3A_1177 : i32 to vector<16xi32>
        %mul3A_1179 = arith.muli %min3A_1144, %mul3A_1178 : vector<16xi32>
        %mul3A_1180 = arith.constant 64 : i32
        %mul3A_1181 = vector.broadcast %mul3A_1180 : i32 to vector<16xi32>
        %mul3A_1182 = arith.muli %min3A_1160, %mul3A_1181 : vector<16xi32>
        %add3A_1183 = arith.addi %mul3A_1179, %mul3A_1182 : vector<16xi32>
        %add3A_1184 = arith.addi %add3A_1183, %min3A_1176 : vector<16xi32>
        %swap3A_1185 = arith.constant 16 : index
        %swap3A_1186 = tpu.vector_load %arg19[%swap3A_1185] {strides = array<i32>} : memref<80xi32, #tpu.memory_space<vmem>>, vector<16xi32>,
        %swap3A_1187 = vector.shape_cast %swap3A_1186 : vector<16xi32> to vector<16xi32>
        %swap3A_1188 = vector.shape_cast %add3A_1184 : vector<16xi32> to vector<16xi32>
        tpu.vector_store %arg19[%swap3A_1185], %swap3A_1188 {strides = array<i32>} : memref<80xi32, #tpu.memory_space<vmem>>, vector<16xi32>,
        %get3A_1189 = arith.constant 112 : index
        %get3A_1190 = tpu.vector_load %arg8[%get3A_1189] {strides = array<i32>} : memref<480xi32, #tpu.memory_space<vmem>>, vector<16xi32>,
        %get3A_1191 = vector.shape_cast %get3A_1190 : vector<16xi32> to vector<16xi32>
        %add3A_1192 = vector.broadcast %squeeze3A : i32 to vector<16xi32>
        %add3A_1193 = arith.addi %get3A_1191, %add3A_1192 : vector<16xi32>
        %shift_right_arithmetic3A_1194 = arith.constant 2 : i32
        %shift_right_arithmetic3A_1195 = vector.broadcast %shift_right_arithmetic3A_1194 : i32 to vector<16xi32>
        %shift_right_arithmetic3A_1196 = arith.shrsi %add3A_1193, %shift_right_arithmetic3A_1195 : vector<16xi32>
        %add3A_1197 = vector.broadcast %squeeze3A_30 : i32 to vector<16xi32>
        %add3A_1198 = arith.addi %shift_right_arithmetic3A_1196, %add3A_1197 : vector<16xi32>
        %jit3A_1199 = arith.constant 0 : i32
        %jit3A_1200 = arith.constant 63 : i32
        %max3A_1201 = vector.broadcast %jit3A_1199 : i32 to vector<16xi32>
        %max3A_1202 = arith.maxsi %max3A_1201, %add3A_1198 : vector<16xi32>
        %min3A_1203 = vector.broadcast %jit3A_1200 : i32 to vector<16xi32>
        %min3A_1204 = arith.minsi %min3A_1203, %max3A_1202 : vector<16xi32>
        %get3A_1205 = arith.constant 272 : index
        %get3A_1206 = tpu.vector_load %arg8[%get3A_1205] {strides = array<i32>} : memref<480xi32, #tpu.memory_space<vmem>>, vector<16xi32>,
        %get3A_1207 = vector.shape_cast %get3A_1206 : vector<16xi32> to vector<16xi32>
        %add3A_1208 = vector.broadcast %squeeze3A_26 : i32 to vector<16xi32>
        %add3A_1209 = arith.addi %get3A_1207, %add3A_1208 : vector<16xi32>
        %shift_right_arithmetic3A_1210 = arith.constant 2 : i32
        %shift_right_arithmetic3A_1211 = vector.broadcast %shift_right_arithmetic3A_1210 : i32 to vector<16xi32>
        %shift_right_arithmetic3A_1212 = arith.shrsi %add3A_1209, %shift_right_arithmetic3A_1211 : vector<16xi32>
        %add3A_1213 = vector.broadcast %squeeze3A_32 : i32 to vector<16xi32>
        %add3A_1214 = arith.addi %shift_right_arithmetic3A_1212, %add3A_1213 : vector<16xi32>
        %jit3A_1215 = arith.constant 0 : i32
        %jit3A_1216 = arith.constant 63 : i32
        %max3A_1217 = vector.broadcast %jit3A_1215 : i32 to vector<16xi32>
        %max3A_1218 = arith.maxsi %max3A_1217, %add3A_1214 : vector<16xi32>
        %min3A_1219 = vector.broadcast %jit3A_1216 : i32 to vector<16xi32>
        %min3A_1220 = arith.minsi %min3A_1219, %max3A_1218 : vector<16xi32>
        %get3A_1221 = arith.constant 432 : index
        %get3A_1222 = tpu.vector_load %arg8[%get3A_1221] {strides = array<i32>} : memref<480xi32, #tpu.memory_space<vmem>>, vector<16xi32>,
        %get3A_1223 = vector.shape_cast %get3A_1222 : vector<16xi32> to vector<16xi32>
        %add3A_1224 = vector.broadcast %squeeze3A_28 : i32 to vector<16xi32>
        %add3A_1225 = arith.addi %get3A_1223, %add3A_1224 : vector<16xi32>
        %shift_right_arithmetic3A_1226 = arith.constant 2 : i32
        %shift_right_arithmetic3A_1227 = vector.broadcast %shift_right_arithmetic3A_1226 : i32 to vector<16xi32>
        %shift_right_arithmetic3A_1228 = arith.shrsi %add3A_1225, %shift_right_arithmetic3A_1227 : vector<16xi32>
        %add3A_1229 = vector.broadcast %squeeze3A_34 : i32 to vector<16xi32>
        %add3A_1230 = arith.addi %shift_right_arithmetic3A_1228, %add3A_1229 : vector<16xi32>
        %jit3A_1231 = arith.constant 0 : i32
        %jit3A_1232 = arith.constant 63 : i32
        %max3A_1233 = vector.broadcast %jit3A_1231 : i32 to vector<16xi32>
        %max3A_1234 = arith.maxsi %max3A_1233, %add3A_1230 : vector<16xi32>
        %min3A_1235 = vector.broadcast %jit3A_1232 : i32 to vector<16xi32>
        %min3A_1236 = arith.minsi %min3A_1235, %max3A_1234 : vector<16xi32>
        %mul3A_1237 = arith.constant 4096 : i32
        %mul3A_1238 = vector.broadcast %mul3A_1237 : i32 to vector<16xi32>
        %mul3A_1239 = arith.muli %min3A_1204, %mul3A_1238 : vector<16xi32>
        %mul3A_1240 = arith.constant 64 : i32
        %mul3A_1241 = vector.broadcast %mul3A_1240 : i32 to vector<16xi32>
        %mul3A_1242 = arith.muli %min3A_1220, %mul3A_1241 : vector<16xi32>
        %add3A_1243 = arith.addi %mul3A_1239, %mul3A_1242 : vector<16xi32>
        %add3A_1244 = arith.addi %add3A_1243, %min3A_1236 : vector<16xi32>
        %swap3A_1245 = arith.constant 32 : index
        %swap3A_1246 = tpu.vector_load %arg19[%swap3A_1245] {strides = array<i32>} : memref<80xi32, #tpu.memory_space<vmem>>, vector<16xi32>,
        %swap3A_1247 = vector.shape_cast %swap3A_1246 : vector<16xi32> to vector<16xi32>
        %swap3A_1248 = vector.shape_cast %add3A_1244 : vector<16xi32> to vector<16xi32>
        tpu.vector_store %arg19[%swap3A_1245], %swap3A_1248 {strides = array<i32>} : memref<80xi32, #tpu.memory_space<vmem>>, vector<16xi32>,
        %get3A_1249 = arith.constant 128 : index
        %get3A_1250 = tpu.vector_load %arg8[%get3A_1249] {strides = array<i32>} : memref<480xi32, #tpu.memory_space<vmem>>, vector<16xi32>,
        %get3A_1251 = vector.shape_cast %get3A_1250 : vector<16xi32> to vector<16xi32>
        %add3A_1252 = vector.broadcast %squeeze3A : i32 to vector<16xi32>
        %add3A_1253 = arith.addi %get3A_1251, %add3A_1252 : vector<16xi32>
        %shift_right_arithmetic3A_1254 = arith.constant 2 : i32
        %shift_right_arithmetic3A_1255 = vector.broadcast %shift_right_arithmetic3A_1254 : i32 to vector<16xi32>
        %shift_right_arithmetic3A_1256 = arith.shrsi %add3A_1253, %shift_right_arithmetic3A_1255 : vector<16xi32>
        %add3A_1257 = vector.broadcast %squeeze3A_30 : i32 to vector<16xi32>
        %add3A_1258 = arith.addi %shift_right_arithmetic3A_1256, %add3A_1257 : vector<16xi32>
        %jit3A_1259 = arith.constant 0 : i32
        %jit3A_1260 = arith.constant 63 : i32
        %max3A_1261 = vector.broadcast %jit3A_1259 : i32 to vector<16xi32>
        %max3A_1262 = arith.maxsi %max3A_1261, %add3A_1258 : vector<16xi32>
        %min3A_1263 = vector.broadcast %jit3A_1260 : i32 to vector<16xi32>
        %min3A_1264 = arith.minsi %min3A_1263, %max3A_1262 : vector<16xi32>
        %get3A_1265 = arith.constant 288 : index
        %get3A_1266 = tpu.vector_load %arg8[%get3A_1265] {strides = array<i32>} : memref<480xi32, #tpu.memory_space<vmem>>, vector<16xi32>,
        %get3A_1267 = vector.shape_cast %get3A_1266 : vector<16xi32> to vector<16xi32>
        %add3A_1268 = vector.broadcast %squeeze3A_26 : i32 to vector<16xi32>
        %add3A_1269 = arith.addi %get3A_1267, %add3A_1268 : vector<16xi32>
        %shift_right_arithmetic3A_1270 = arith.constant 2 : i32
        %shift_right_arithmetic3A_1271 = vector.broadcast %shift_right_arithmetic3A_1270 : i32 to vector<16xi32>
        %shift_right_arithmetic3A_1272 = arith.shrsi %add3A_1269, %shift_right_arithmetic3A_1271 : vector<16xi32>
        %add3A_1273 = vector.broadcast %squeeze3A_32 : i32 to vector<16xi32>
        %add3A_1274 = arith.addi %shift_right_arithmetic3A_1272, %add3A_1273 : vector<16xi32>
        %jit3A_1275 = arith.constant 0 : i32
        %jit3A_1276 = arith.constant 63 : i32
        %max3A_1277 = vector.broadcast %jit3A_1275 : i32 to vector<16xi32>
        %max3A_1278 = arith.maxsi %max3A_1277, %add3A_1274 : vector<16xi32>
        %min3A_1279 = vector.broadcast %jit3A_1276 : i32 to vector<16xi32>
        %min3A_1280 = arith.minsi %min3A_1279, %max3A_1278 : vector<16xi32>
        %get3A_1281 = arith.constant 448 : index
        %get3A_1282 = tpu.vector_load %arg8[%get3A_1281] {strides = array<i32>} : memref<480xi32, #tpu.memory_space<vmem>>, vector<16xi32>,
        %get3A_1283 = vector.shape_cast %get3A_1282 : vector<16xi32> to vector<16xi32>
        %add3A_1284 = vector.broadcast %squeeze3A_28 : i32 to vector<16xi32>
        %add3A_1285 = arith.addi %get3A_1283, %add3A_1284 : vector<16xi32>
        %shift_right_arithmetic3A_1286 = arith.constant 2 : i32
        %shift_right_arithmetic3A_1287 = vector.broadcast %shift_right_arithmetic3A_1286 : i32 to vector<16xi32>
        %shift_right_arithmetic3A_1288 = arith.shrsi %add3A_1285, %shift_right_arithmetic3A_1287 : vector<16xi32>
        %add3A_1289 = vector.broadcast %squeeze3A_34 : i32 to vector<16xi32>
        %add3A_1290 = arith.addi %shift_right_arithmetic3A_1288, %add3A_1289 : vector<16xi32>
        %jit3A_1291 = arith.constant 0 : i32
        %jit3A_1292 = arith.constant 63 : i32
        %max3A_1293 = vector.broadcast %jit3A_1291 : i32 to vector<16xi32>
        %max3A_1294 = arith.maxsi %max3A_1293, %add3A_1290 : vector<16xi32>
        %min3A_1295 = vector.broadcast %jit3A_1292 : i32 to vector<16xi32>
        %min3A_1296 = arith.minsi %min3A_1295, %max3A_1294 : vector<16xi32>
        %mul3A_1297 = arith.constant 4096 : i32
        %mul3A_1298 = vector.broadcast %mul3A_1297 : i32 to vector<16xi32>
        %mul3A_1299 = arith.muli %min3A_1264, %mul3A_1298 : vector<16xi32>
        %mul3A_1300 = arith.constant 64 : i32
        %mul3A_1301 = vector.broadcast %mul3A_1300 : i32 to vector<16xi32>
        %mul3A_1302 = arith.muli %min3A_1280, %mul3A_1301 : vector<16xi32>
        %add3A_1303 = arith.addi %mul3A_1299, %mul3A_1302 : vector<16xi32>
        %add3A_1304 = arith.addi %add3A_1303, %min3A_1296 : vector<16xi32>
        %swap3A_1305 = arith.constant 48 : index
        %swap3A_1306 = tpu.vector_load %arg19[%swap3A_1305] {strides = array<i32>} : memref<80xi32, #tpu.memory_space<vmem>>, vector<16xi32>,
        %swap3A_1307 = vector.shape_cast %swap3A_1306 : vector<16xi32> to vector<16xi32>
        %swap3A_1308 = vector.shape_cast %add3A_1304 : vector<16xi32> to vector<16xi32>
        tpu.vector_store %arg19[%swap3A_1305], %swap3A_1308 {strides = array<i32>} : memref<80xi32, #tpu.memory_space<vmem>>, vector<16xi32>,
        %get3A_1309 = arith.constant 144 : index
        %get3A_1310 = tpu.vector_load %arg8[%get3A_1309] {strides = array<i32>} : memref<480xi32, #tpu.memory_space<vmem>>, vector<16xi32>,
        %get3A_1311 = vector.shape_cast %get3A_1310 : vector<16xi32> to vector<16xi32>
        %add3A_1312 = vector.broadcast %squeeze3A : i32 to vector<16xi32>
        %add3A_1313 = arith.addi %get3A_1311, %add3A_1312 : vector<16xi32>
        %shift_right_arithmetic3A_1314 = arith.constant 2 : i32
        %shift_right_arithmetic3A_1315 = vector.broadcast %shift_right_arithmetic3A_1314 : i32 to vector<16xi32>
        %shift_right_arithmetic3A_1316 = arith.shrsi %add3A_1313, %shift_right_arithmetic3A_1315 : vector<16xi32>
        %add3A_1317 = vector.broadcast %squeeze3A_30 : i32 to vector<16xi32>
        %add3A_1318 = arith.addi %shift_right_arithmetic3A_1316, %add3A_1317 : vector<16xi32>
        %jit3A_1319 = arith.constant 0 : i32
        %jit3A_1320 = arith.constant 63 : i32
        %max3A_1321 = vector.broadcast %jit3A_1319 : i32 to vector<16xi32>
        %max3A_1322 = arith.maxsi %max3A_1321, %add3A_1318 : vector<16xi32>
        %min3A_1323 = vector.broadcast %jit3A_1320 : i32 to vector<16xi32>
        %min3A_1324 = arith.minsi %min3A_1323, %max3A_1322 : vector<16xi32>
        %get3A_1325 = arith.constant 304 : index
        %get3A_1326 = tpu.vector_load %arg8[%get3A_1325] {strides = array<i32>} : memref<480xi32, #tpu.memory_space<vmem>>, vector<16xi32>,
        %get3A_1327 = vector.shape_cast %get3A_1326 : vector<16xi32> to vector<16xi32>
        %add3A_1328 = vector.broadcast %squeeze3A_26 : i32 to vector<16xi32>
        %add3A_1329 = arith.addi %get3A_1327, %add3A_1328 : vector<16xi32>
        %shift_right_arithmetic3A_1330 = arith.constant 2 : i32
        %shift_right_arithmetic3A_1331 = vector.broadcast %shift_right_arithmetic3A_1330 : i32 to vector<16xi32>
        %shift_right_arithmetic3A_1332 = arith.shrsi %add3A_1329, %shift_right_arithmetic3A_1331 : vector<16xi32>
        %add3A_1333 = vector.broadcast %squeeze3A_32 : i32 to vector<16xi32>
        %add3A_1334 = arith.addi %shift_right_arithmetic3A_1332, %add3A_1333 : vector<16xi32>
        %jit3A_1335 = arith.constant 0 : i32
        %jit3A_1336 = arith.constant 63 : i32
        %max3A_1337 = vector.broadcast %jit3A_1335 : i32 to vector<16xi32>
        %max3A_1338 = arith.maxsi %max3A_1337, %add3A_1334 : vector<16xi32>
        %min3A_1339 = vector.broadcast %jit3A_1336 : i32 to vector<16xi32>
        %min3A_1340 = arith.minsi %min3A_1339, %max3A_1338 : vector<16xi32>
        %get3A_1341 = arith.constant 464 : index
        %get3A_1342 = tpu.vector_load %arg8[%get3A_1341] {strides = array<i32>} : memref<480xi32, #tpu.memory_space<vmem>>, vector<16xi32>,
        %get3A_1343 = vector.shape_cast %get3A_1342 : vector<16xi32> to vector<16xi32>
        %add3A_1344 = vector.broadcast %squeeze3A_28 : i32 to vector<16xi32>
        %add3A_1345 = arith.addi %get3A_1343, %add3A_1344 : vector<16xi32>
        %shift_right_arithmetic3A_1346 = arith.constant 2 : i32
        %shift_right_arithmetic3A_1347 = vector.broadcast %shift_right_arithmetic3A_1346 : i32 to vector<16xi32>
        %shift_right_arithmetic3A_1348 = arith.shrsi %add3A_1345, %shift_right_arithmetic3A_1347 : vector<16xi32>
        %add3A_1349 = vector.broadcast %squeeze3A_34 : i32 to vector<16xi32>
        %add3A_1350 = arith.addi %shift_right_arithmetic3A_1348, %add3A_1349 : vector<16xi32>
        %jit3A_1351 = arith.constant 0 : i32
        %jit3A_1352 = arith.constant 63 : i32
        %max3A_1353 = vector.broadcast %jit3A_1351 : i32 to vector<16xi32>
        %max3A_1354 = arith.maxsi %max3A_1353, %add3A_1350 : vector<16xi32>
        %min3A_1355 = vector.broadcast %jit3A_1352 : i32 to vector<16xi32>
        %min3A_1356 = arith.minsi %min3A_1355, %max3A_1354 : vector<16xi32>
        %mul3A_1357 = arith.constant 4096 : i32
        %mul3A_1358 = vector.broadcast %mul3A_1357 : i32 to vector<16xi32>
        %mul3A_1359 = arith.muli %min3A_1324, %mul3A_1358 : vector<16xi32>
        %mul3A_1360 = arith.constant 64 : i32
        %mul3A_1361 = vector.broadcast %mul3A_1360 : i32 to vector<16xi32>
        %mul3A_1362 = arith.muli %min3A_1340, %mul3A_1361 : vector<16xi32>
        %add3A_1363 = arith.addi %mul3A_1359, %mul3A_1362 : vector<16xi32>
        %add3A_1364 = arith.addi %add3A_1363, %min3A_1356 : vector<16xi32>
        %swap3A_1365 = arith.constant 64 : index
        %swap3A_1366 = tpu.vector_load %arg19[%swap3A_1365] {strides = array<i32>} : memref<80xi32, #tpu.memory_space<vmem>>, vector<16xi32>,
        %swap3A_1367 = vector.shape_cast %swap3A_1366 : vector<16xi32> to vector<16xi32>
        %swap3A_1368 = vector.shape_cast %add3A_1364 : vector<16xi32> to vector<16xi32>
        tpu.vector_store %arg19[%swap3A_1365], %swap3A_1368 {strides = array<i32>} : memref<80xi32, #tpu.memory_space<vmem>>, vector<16xi32>,
        %dma_start3A_1369 = arith.constant 0 : i32
        %dma_start3A_1370 = arith.constant 0 : i32
        %dma_start3A_1371 = tpu.memref_slice %arg14[%dma_start3A_1369, %dma_start3A_1370] : memref<160x128xf32, #tpu.memory_space<vmem>> -> memref<80x128xf32, #tpu.memory_space<vmem>>
        %dma_start3A_1372 = arith.constant 0 : i32
        %dma_start3A_1373 = arith.constant 0 : i32
        %dma_start3A_1374 = tpu.memref_slice %arg4[%dma_start3A_1372, %dma_start3A_1373] : memref<262144x128xf32, #tpu.memory_space<hbm>> -> memref<262144x128xf32, #tpu.memory_space<hbm>>
        tpu.enqueue_indirect_dma source(%dma_start3A_1374 : memref<262144x128xf32, #tpu.memory_space<hbm>>) target(%dma_start3A_1371 : memref<80x128xf32, #tpu.memory_space<vmem>>) offsets(%arg18 : memref<80xi32, #tpu.memory_space<vmem>>) semaphore(%arg31 : memref<!tpu.dma_semaphore, #tpu.memory_space<semaphore_mem>>)
        %dma_start3A_1375 = arith.constant 80 : i32
        %dma_start3A_1376 = arith.constant 0 : i32
        %dma_start3A_1377 = tpu.memref_slice %arg14[%dma_start3A_1375, %dma_start3A_1376] : memref<160x128xf32, #tpu.memory_space<vmem>> -> memref<80x128xf32, #tpu.memory_space<vmem>>
        %dma_start3A_1378 = arith.constant 0 : i32
        %dma_start3A_1379 = arith.constant 0 : i32
        %dma_start3A_1380 = tpu.memref_slice %arg4[%dma_start3A_1378, %dma_start3A_1379] : memref<262144x128xf32, #tpu.memory_space<hbm>> -> memref<262144x128xf32, #tpu.memory_space<hbm>>
        tpu.enqueue_indirect_dma source(%dma_start3A_1380 : memref<262144x128xf32, #tpu.memory_space<hbm>>) target(%dma_start3A_1377 : memref<80x128xf32, #tpu.memory_space<vmem>>) offsets(%arg19 : memref<80xi32, #tpu.memory_space<vmem>>) semaphore(%arg32 : memref<!tpu.dma_semaphore, #tpu.memory_space<semaphore_mem>>)
      } else {
      }
      %mul3A_718 = arith.constant 3 : i32
      %mul3A_719 = arith.muli %scan3A_700, %mul3A_718 : i32
      %add3A_720 = arith.constant 1 : i32
      %add3A_721 = arith.addi %mul3A_719, %add3A_720 : i32
      %lt3A_722 = arith.cmpi slt, %add3A_721, %select_n3A : i32
      %convert_element_type3A_723 = arith.extui %lt3A_722 : i1 to i32
      %cond3A_724 = arith.constant 0 : i32
      %cond3A_725 = arith.cmpi ne, %convert_element_type3A_723, %cond3A_724 : i32
      scf.if %cond3A_725 {
        %mul3A_758 = arith.constant 32 : i32
        %mul3A_759 = arith.muli %add3A_721, %mul3A_758 : i32
        %add3A_760 = arith.addi %add3A, %mul3A_759 : i32
        %mul3A_761 = arith.constant 32 : i32
        %mul3A_762 = arith.muli %add3A_721, %mul3A_761 : i32
        %add3A_763 = arith.addi %add3A, %mul3A_762 : i32
        %mul3A_764 = arith.constant 160 : i32
        %mul3A_765 = arith.muli %add3A_763, %mul3A_764 : i32
        %dma_wait3A_766 = arith.constant 0 : i32
        %dma_wait3A_767 = tpu.memref_slice %arg3[%mul3A_765, %dma_wait3A_766] : memref<200000x128xf32, #tpu.memory_space<hbm>> -> memref<160x128xf32, #tpu.memory_space<hbm>>
        %dma_wait3A_768 = arith.constant 0 : i32
        %dma_wait3A_769 = tpu.memref_slice %arg3[%mul3A_765, %dma_wait3A_768] : memref<200000x128xf32, #tpu.memory_space<hbm>> -> memref<160x128xf32, #tpu.memory_space<hbm>>
        tpu.wait_dma2 semaphore(%arg27 : memref<!tpu.dma_semaphore, #tpu.memory_space<semaphore_mem>>) src(%dma_wait3A_769 : memref<160x128xf32, #tpu.memory_space<hbm>>) dst(%arg11 : memref<160x128xf32, #tpu.memory_space<vmem>>)
        %dma_wait3A_770 = arith.constant 0 : i32
        %dma_wait3A_771 = arith.constant 0 : i32
        %dma_wait3A_772 = tpu.memref_slice %arg14[%dma_wait3A_770, %dma_wait3A_771] : memref<160x128xf32, #tpu.memory_space<vmem>> -> memref<80x128xf32, #tpu.memory_space<vmem>>
        %dma_wait3A_773 = arith.constant 0 : i32
        %dma_wait3A_774 = arith.constant 0 : i32
        %dma_wait3A_775 = tpu.memref_slice %arg4[%dma_wait3A_773, %dma_wait3A_774] : memref<262144x128xf32, #tpu.memory_space<hbm>> -> memref<262144x128xf32, #tpu.memory_space<hbm>>
        tpu.wait_indirect_dma semaphore(%arg31 : memref<!tpu.dma_semaphore, #tpu.memory_space<semaphore_mem>>) src(%dma_wait3A_775 : memref<262144x128xf32, #tpu.memory_space<hbm>>) dst(%dma_wait3A_772 : memref<80x128xf32, #tpu.memory_space<vmem>>)
        %scan3A_776 = arith.constant 0 : i32
        %scan3A_777 = arith.constant 0 : i32
        %scan3A_778 = arith.constant 80 : i32
        %scan3A_779 = arith.addi %scan3A_777, %scan3A_778 : i32
        %scan3A_780 = arith.constant 1 : i32
        scf.for %scan3A_800 = %scan3A_777 to %scan3A_779 step %scan3A_780  : i32 {
          %get3A_801 = arith.index_cast %scan3A_800 : i32 to index
          %get3A_802 = arith.constant 0 : index
          %get3A_803 = tpu.vector_load %arg14[%get3A_801, %get3A_802] {strides = array<i32>} : memref<160x128xf32, #tpu.memory_space<vmem>>, vector<1x16xf32>,
          %get3A_804 = vector.shape_cast %get3A_803 : vector<1x16xf32> to vector<16xf32>
          %swap3A_805 = arith.index_cast %scan3A_800 : i32 to index
          %swap3A_806 = arith.constant 0 : index
          %swap3A_807 = tpu.vector_load %arg11[%swap3A_805, %swap3A_806] {strides = array<i32>} : memref<160x128xf32, #tpu.memory_space<vmem>>, vector<1x16xf32>,
          %swap3A_808 = vector.shape_cast %swap3A_807 : vector<1x16xf32> to vector<16xf32>
          %swap3A_809 = vector.shape_cast %get3A_804 : vector<16xf32> to vector<1x16xf32>
          tpu.vector_store %arg11[%swap3A_805, %swap3A_806], %swap3A_809 {add = true, strides = array<i32>} : memref<160x128xf32, #tpu.memory_space<vmem>>, vector<1x16xf32>,
          %get3A_810 = arith.index_cast %scan3A_800 : i32 to index
          %get3A_811 = arith.constant 16 : index
          %get3A_812 = tpu.vector_load %arg14[%get3A_810, %get3A_811] {strides = array<i32>} : memref<160x128xf32, #tpu.memory_space<vmem>>, vector<1x16xf32>,
          %get3A_813 = vector.shape_cast %get3A_812 : vector<1x16xf32> to vector<16xf32>
          %swap3A_814 = arith.index_cast %scan3A_800 : i32 to index
          %swap3A_815 = arith.constant 16 : index
          %swap3A_816 = tpu.vector_load %arg11[%swap3A_814, %swap3A_815] {strides = array<i32>} : memref<160x128xf32, #tpu.memory_space<vmem>>, vector<1x16xf32>,
          %swap3A_817 = vector.shape_cast %swap3A_816 : vector<1x16xf32> to vector<16xf32>
          %swap3A_818 = vector.shape_cast %get3A_813 : vector<16xf32> to vector<1x16xf32>
          tpu.vector_store %arg11[%swap3A_814, %swap3A_815], %swap3A_818 {add = true, strides = array<i32>} : memref<160x128xf32, #tpu.memory_space<vmem>>, vector<1x16xf32>,
          %get3A_819 = arith.index_cast %scan3A_800 : i32 to index
          %get3A_820 = arith.constant 32 : index
          %get3A_821 = tpu.vector_load %arg14[%get3A_819, %get3A_820] {strides = array<i32>} : memref<160x128xf32, #tpu.memory_space<vmem>>, vector<1x16xf32>,
          %get3A_822 = vector.shape_cast %get3A_821 : vector<1x16xf32> to vector<16xf32>
          %swap3A_823 = arith.index_cast %scan3A_800 : i32 to index
          %swap3A_824 = arith.constant 32 : index
          %swap3A_825 = tpu.vector_load %arg11[%swap3A_823, %swap3A_824] {strides = array<i32>} : memref<160x128xf32, #tpu.memory_space<vmem>>, vector<1x16xf32>,
          %swap3A_826 = vector.shape_cast %swap3A_825 : vector<1x16xf32> to vector<16xf32>
          %swap3A_827 = vector.shape_cast %get3A_822 : vector<16xf32> to vector<1x16xf32>
          tpu.vector_store %arg11[%swap3A_823, %swap3A_824], %swap3A_827 {add = true, strides = array<i32>} : memref<160x128xf32, #tpu.memory_space<vmem>>, vector<1x16xf32>,
          %get3A_828 = arith.index_cast %scan3A_800 : i32 to index
          %get3A_829 = arith.constant 48 : index
          %get3A_830 = tpu.vector_load %arg14[%get3A_828, %get3A_829] {strides = array<i32>} : memref<160x128xf32, #tpu.memory_space<vmem>>, vector<1x16xf32>,
          %get3A_831 = vector.shape_cast %get3A_830 : vector<1x16xf32> to vector<16xf32>
          %swap3A_832 = arith.index_cast %scan3A_800 : i32 to index
          %swap3A_833 = arith.constant 48 : index
          %swap3A_834 = tpu.vector_load %arg11[%swap3A_832, %swap3A_833] {strides = array<i32>} : memref<160x128xf32, #tpu.memory_space<vmem>>, vector<1x16xf32>,
          %swap3A_835 = vector.shape_cast %swap3A_834 : vector<1x16xf32> to vector<16xf32>
          %swap3A_836 = vector.shape_cast %get3A_831 : vector<16xf32> to vector<1x16xf32>
          tpu.vector_store %arg11[%swap3A_832, %swap3A_833], %swap3A_836 {add = true, strides = array<i32>} : memref<160x128xf32, #tpu.memory_space<vmem>>, vector<1x16xf32>,
          %get3A_837 = arith.index_cast %scan3A_800 : i32 to index
          %get3A_838 = arith.constant 64 : index
          %get3A_839 = tpu.vector_load %arg14[%get3A_837, %get3A_838] {strides = array<i32>} : memref<160x128xf32, #tpu.memory_space<vmem>>, vector<1x16xf32>,
          %get3A_840 = vector.shape_cast %get3A_839 : vector<1x16xf32> to vector<16xf32>
          %swap3A_841 = arith.index_cast %scan3A_800 : i32 to index
          %swap3A_842 = arith.constant 64 : index
          %swap3A_843 = tpu.vector_load %arg11[%swap3A_841, %swap3A_842] {strides = array<i32>} : memref<160x128xf32, #tpu.memory_space<vmem>>, vector<1x16xf32>,
          %swap3A_844 = vector.shape_cast %swap3A_843 : vector<1x16xf32> to vector<16xf32>
          %swap3A_845 = vector.shape_cast %get3A_840 : vector<16xf32> to vector<1x16xf32>
          tpu.vector_store %arg11[%swap3A_841, %swap3A_842], %swap3A_845 {add = true, strides = array<i32>} : memref<160x128xf32, #tpu.memory_space<vmem>>, vector<1x16xf32>,
          %get3A_846 = arith.index_cast %scan3A_800 : i32 to index
          %get3A_847 = arith.constant 80 : index
          %get3A_848 = tpu.vector_load %arg14[%get3A_846, %get3A_847] {strides = array<i32>} : memref<160x128xf32, #tpu.memory_space<vmem>>, vector<1x16xf32>,
          %get3A_849 = vector.shape_cast %get3A_848 : vector<1x16xf32> to vector<16xf32>
          %swap3A_850 = arith.index_cast %scan3A_800 : i32 to index
          %swap3A_851 = arith.constant 80 : index
          %swap3A_852 = tpu.vector_load %arg11[%swap3A_850, %swap3A_851] {strides = array<i32>} : memref<160x128xf32, #tpu.memory_space<vmem>>, vector<1x16xf32>,
          %swap3A_853 = vector.shape_cast %swap3A_852 : vector<1x16xf32> to vector<16xf32>
          %swap3A_854 = vector.shape_cast %get3A_849 : vector<16xf32> to vector<1x16xf32>
          tpu.vector_store %arg11[%swap3A_850, %swap3A_851], %swap3A_854 {add = true, strides = array<i32>} : memref<160x128xf32, #tpu.memory_space<vmem>>, vector<1x16xf32>,
          %get3A_855 = arith.index_cast %scan3A_800 : i32 to index
          %get3A_856 = arith.constant 96 : index
          %get3A_857 = tpu.vector_load %arg14[%get3A_855, %get3A_856] {strides = array<i32>} : memref<160x128xf32, #tpu.memory_space<vmem>>, vector<1x16xf32>,
          %get3A_858 = vector.shape_cast %get3A_857 : vector<1x16xf32> to vector<16xf32>
          %swap3A_859 = arith.index_cast %scan3A_800 : i32 to index
          %swap3A_860 = arith.constant 96 : index
          %swap3A_861 = tpu.vector_load %arg11[%swap3A_859, %swap3A_860] {strides = array<i32>} : memref<160x128xf32, #tpu.memory_space<vmem>>, vector<1x16xf32>,
          %swap3A_862 = vector.shape_cast %swap3A_861 : vector<1x16xf32> to vector<16xf32>
          %swap3A_863 = vector.shape_cast %get3A_858 : vector<16xf32> to vector<1x16xf32>
          tpu.vector_store %arg11[%swap3A_859, %swap3A_860], %swap3A_863 {add = true, strides = array<i32>} : memref<160x128xf32, #tpu.memory_space<vmem>>, vector<1x16xf32>,
          %get3A_864 = arith.index_cast %scan3A_800 : i32 to index
          %get3A_865 = arith.constant 112 : index
          %get3A_866 = tpu.vector_load %arg14[%get3A_864, %get3A_865] {strides = array<i32>} : memref<160x128xf32, #tpu.memory_space<vmem>>, vector<1x16xf32>,
          %get3A_867 = vector.shape_cast %get3A_866 : vector<1x16xf32> to vector<16xf32>
          %swap3A_868 = arith.index_cast %scan3A_800 : i32 to index
          %swap3A_869 = arith.constant 112 : index
          %swap3A_870 = tpu.vector_load %arg11[%swap3A_868, %swap3A_869] {strides = array<i32>} : memref<160x128xf32, #tpu.memory_space<vmem>>, vector<1x16xf32>,
          %swap3A_871 = vector.shape_cast %swap3A_870 : vector<1x16xf32> to vector<16xf32>
          %swap3A_872 = vector.shape_cast %get3A_867 : vector<16xf32> to vector<1x16xf32>
          tpu.vector_store %arg11[%swap3A_868, %swap3A_869], %swap3A_872 {add = true, strides = array<i32>} : memref<160x128xf32, #tpu.memory_space<vmem>>, vector<1x16xf32>,
        }
        %scan3A_781 = arith.constant 80 : i32
        %dma_wait3A_782 = arith.constant 80 : i32
        %dma_wait3A_783 = arith.constant 0 : i32
        %dma_wait3A_784 = tpu.memref_slice %arg14[%dma_wait3A_782, %dma_wait3A_783] : memref<160x128xf32, #tpu.memory_space<vmem>> -> memref<80x128xf32, #tpu.memory_space<vmem>>
        %dma_wait3A_785 = arith.constant 0 : i32
        %dma_wait3A_786 = arith.constant 0 : i32
        %dma_wait3A_787 = tpu.memref_slice %arg4[%dma_wait3A_785, %dma_wait3A_786] : memref<262144x128xf32, #tpu.memory_space<hbm>> -> memref<262144x128xf32, #tpu.memory_space<hbm>>
        tpu.wait_indirect_dma semaphore(%arg32 : memref<!tpu.dma_semaphore, #tpu.memory_space<semaphore_mem>>) src(%dma_wait3A_787 : memref<262144x128xf32, #tpu.memory_space<hbm>>) dst(%dma_wait3A_784 : memref<80x128xf32, #tpu.memory_space<vmem>>)
        %scan3A_788 = arith.constant 0 : i32
        %scan3A_789 = arith.constant 80 : i32
        %scan3A_790 = arith.constant 80 : i32
        %scan3A_791 = arith.addi %scan3A_789, %scan3A_790 : i32
        %scan3A_792 = arith.constant 1 : i32
        scf.for %scan3A_800 = %scan3A_789 to %scan3A_791 step %scan3A_792  : i32 {
          %get3A_801 = arith.index_cast %scan3A_800 : i32 to index
          %get3A_802 = arith.constant 0 : index
          %get3A_803 = tpu.vector_load %arg14[%get3A_801, %get3A_802] {strides = array<i32>} : memref<160x128xf32, #tpu.memory_space<vmem>>, vector<1x16xf32>,
          %get3A_804 = vector.shape_cast %get3A_803 : vector<1x16xf32> to vector<16xf32>
          %swap3A_805 = arith.index_cast %scan3A_800 : i32 to index
          %swap3A_806 = arith.constant 0 : index
          %swap3A_807 = tpu.vector_load %arg11[%swap3A_805, %swap3A_806] {strides = array<i32>} : memref<160x128xf32, #tpu.memory_space<vmem>>, vector<1x16xf32>,
          %swap3A_808 = vector.shape_cast %swap3A_807 : vector<1x16xf32> to vector<16xf32>
          %swap3A_809 = vector.shape_cast %get3A_804 : vector<16xf32> to vector<1x16xf32>
          tpu.vector_store %arg11[%swap3A_805, %swap3A_806], %swap3A_809 {add = true, strides = array<i32>} : memref<160x128xf32, #tpu.memory_space<vmem>>, vector<1x16xf32>,
          %get3A_810 = arith.index_cast %scan3A_800 : i32 to index
          %get3A_811 = arith.constant 16 : index
          %get3A_812 = tpu.vector_load %arg14[%get3A_810, %get3A_811] {strides = array<i32>} : memref<160x128xf32, #tpu.memory_space<vmem>>, vector<1x16xf32>,
          %get3A_813 = vector.shape_cast %get3A_812 : vector<1x16xf32> to vector<16xf32>
          %swap3A_814 = arith.index_cast %scan3A_800 : i32 to index
          %swap3A_815 = arith.constant 16 : index
          %swap3A_816 = tpu.vector_load %arg11[%swap3A_814, %swap3A_815] {strides = array<i32>} : memref<160x128xf32, #tpu.memory_space<vmem>>, vector<1x16xf32>,
          %swap3A_817 = vector.shape_cast %swap3A_816 : vector<1x16xf32> to vector<16xf32>
          %swap3A_818 = vector.shape_cast %get3A_813 : vector<16xf32> to vector<1x16xf32>
          tpu.vector_store %arg11[%swap3A_814, %swap3A_815], %swap3A_818 {add = true, strides = array<i32>} : memref<160x128xf32, #tpu.memory_space<vmem>>, vector<1x16xf32>,
          %get3A_819 = arith.index_cast %scan3A_800 : i32 to index
          %get3A_820 = arith.constant 32 : index
          %get3A_821 = tpu.vector_load %arg14[%get3A_819, %get3A_820] {strides = array<i32>} : memref<160x128xf32, #tpu.memory_space<vmem>>, vector<1x16xf32>,
          %get3A_822 = vector.shape_cast %get3A_821 : vector<1x16xf32> to vector<16xf32>
          %swap3A_823 = arith.index_cast %scan3A_800 : i32 to index
          %swap3A_824 = arith.constant 32 : index
          %swap3A_825 = tpu.vector_load %arg11[%swap3A_823, %swap3A_824] {strides = array<i32>} : memref<160x128xf32, #tpu.memory_space<vmem>>, vector<1x16xf32>,
          %swap3A_826 = vector.shape_cast %swap3A_825 : vector<1x16xf32> to vector<16xf32>
          %swap3A_827 = vector.shape_cast %get3A_822 : vector<16xf32> to vector<1x16xf32>
          tpu.vector_store %arg11[%swap3A_823, %swap3A_824], %swap3A_827 {add = true, strides = array<i32>} : memref<160x128xf32, #tpu.memory_space<vmem>>, vector<1x16xf32>,
          %get3A_828 = arith.index_cast %scan3A_800 : i32 to index
          %get3A_829 = arith.constant 48 : index
          %get3A_830 = tpu.vector_load %arg14[%get3A_828, %get3A_829] {strides = array<i32>} : memref<160x128xf32, #tpu.memory_space<vmem>>, vector<1x16xf32>,
          %get3A_831 = vector.shape_cast %get3A_830 : vector<1x16xf32> to vector<16xf32>
          %swap3A_832 = arith.index_cast %scan3A_800 : i32 to index
          %swap3A_833 = arith.constant 48 : index
          %swap3A_834 = tpu.vector_load %arg11[%swap3A_832, %swap3A_833] {strides = array<i32>} : memref<160x128xf32, #tpu.memory_space<vmem>>, vector<1x16xf32>,
          %swap3A_835 = vector.shape_cast %swap3A_834 : vector<1x16xf32> to vector<16xf32>
          %swap3A_836 = vector.shape_cast %get3A_831 : vector<16xf32> to vector<1x16xf32>
          tpu.vector_store %arg11[%swap3A_832, %swap3A_833], %swap3A_836 {add = true, strides = array<i32>} : memref<160x128xf32, #tpu.memory_space<vmem>>, vector<1x16xf32>,
          %get3A_837 = arith.index_cast %scan3A_800 : i32 to index
          %get3A_838 = arith.constant 64 : index
          %get3A_839 = tpu.vector_load %arg14[%get3A_837, %get3A_838] {strides = array<i32>} : memref<160x128xf32, #tpu.memory_space<vmem>>, vector<1x16xf32>,
          %get3A_840 = vector.shape_cast %get3A_839 : vector<1x16xf32> to vector<16xf32>
          %swap3A_841 = arith.index_cast %scan3A_800 : i32 to index
          %swap3A_842 = arith.constant 64 : index
          %swap3A_843 = tpu.vector_load %arg11[%swap3A_841, %swap3A_842] {strides = array<i32>} : memref<160x128xf32, #tpu.memory_space<vmem>>, vector<1x16xf32>,
          %swap3A_844 = vector.shape_cast %swap3A_843 : vector<1x16xf32> to vector<16xf32>
          %swap3A_845 = vector.shape_cast %get3A_840 : vector<16xf32> to vector<1x16xf32>
          tpu.vector_store %arg11[%swap3A_841, %swap3A_842], %swap3A_845 {add = true, strides = array<i32>} : memref<160x128xf32, #tpu.memory_space<vmem>>, vector<1x16xf32>,
          %get3A_846 = arith.index_cast %scan3A_800 : i32 to index
          %get3A_847 = arith.constant 80 : index
          %get3A_848 = tpu.vector_load %arg14[%get3A_846, %get3A_847] {strides = array<i32>} : memref<160x128xf32, #tpu.memory_space<vmem>>, vector<1x16xf32>,
          %get3A_849 = vector.shape_cast %get3A_848 : vector<1x16xf32> to vector<16xf32>
          %swap3A_850 = arith.index_cast %scan3A_800 : i32 to index
          %swap3A_851 = arith.constant 80 : index
          %swap3A_852 = tpu.vector_load %arg11[%swap3A_850, %swap3A_851] {strides = array<i32>} : memref<160x128xf32, #tpu.memory_space<vmem>>, vector<1x16xf32>,
          %swap3A_853 = vector.shape_cast %swap3A_852 : vector<1x16xf32> to vector<16xf32>
          %swap3A_854 = vector.shape_cast %get3A_849 : vector<16xf32> to vector<1x16xf32>
          tpu.vector_store %arg11[%swap3A_850, %swap3A_851], %swap3A_854 {add = true, strides = array<i32>} : memref<160x128xf32, #tpu.memory_space<vmem>>, vector<1x16xf32>,
          %get3A_855 = arith.index_cast %scan3A_800 : i32 to index
          %get3A_856 = arith.constant 96 : index
          %get3A_857 = tpu.vector_load %arg14[%get3A_855, %get3A_856] {strides = array<i32>} : memref<160x128xf32, #tpu.memory_space<vmem>>, vector<1x16xf32>,
          %get3A_858 = vector.shape_cast %get3A_857 : vector<1x16xf32> to vector<16xf32>
          %swap3A_859 = arith.index_cast %scan3A_800 : i32 to index
          %swap3A_860 = arith.constant 96 : index
          %swap3A_861 = tpu.vector_load %arg11[%swap3A_859, %swap3A_860] {strides = array<i32>} : memref<160x128xf32, #tpu.memory_space<vmem>>, vector<1x16xf32>,
          %swap3A_862 = vector.shape_cast %swap3A_861 : vector<1x16xf32> to vector<16xf32>
          %swap3A_863 = vector.shape_cast %get3A_858 : vector<16xf32> to vector<1x16xf32>
          tpu.vector_store %arg11[%swap3A_859, %swap3A_860], %swap3A_863 {add = true, strides = array<i32>} : memref<160x128xf32, #tpu.memory_space<vmem>>, vector<1x16xf32>,
          %get3A_864 = arith.index_cast %scan3A_800 : i32 to index
          %get3A_865 = arith.constant 112 : index
          %get3A_866 = tpu.vector_load %arg14[%get3A_864, %get3A_865] {strides = array<i32>} : memref<160x128xf32, #tpu.memory_space<vmem>>, vector<1x16xf32>,
          %get3A_867 = vector.shape_cast %get3A_866 : vector<1x16xf32> to vector<16xf32>
          %swap3A_868 = arith.index_cast %scan3A_800 : i32 to index
          %swap3A_869 = arith.constant 112 : index
          %swap3A_870 = tpu.vector_load %arg11[%swap3A_868, %swap3A_869] {strides = array<i32>} : memref<160x128xf32, #tpu.memory_space<vmem>>, vector<1x16xf32>,
          %swap3A_871 = vector.shape_cast %swap3A_870 : vector<1x16xf32> to vector<16xf32>
          %swap3A_872 = vector.shape_cast %get3A_867 : vector<16xf32> to vector<1x16xf32>
          tpu.vector_store %arg11[%swap3A_868, %swap3A_869], %swap3A_872 {add = true, strides = array<i32>} : memref<160x128xf32, #tpu.memory_space<vmem>>, vector<1x16xf32>,
        }
        %scan3A_793 = arith.constant 80 : i32
        %mul3A_794 = arith.constant 160 : i32
        %mul3A_795 = arith.muli %add3A_760, %mul3A_794 : i32
        %dma_start3A_796 = arith.constant 0 : i32
        %dma_start3A_797 = tpu.memref_slice %arg6[%mul3A_795, %dma_start3A_796] : memref<200000x128xf32, #tpu.memory_space<hbm>> -> memref<160x128xf32, #tpu.memory_space<hbm>>
        %dma_start3A_798 = arith.constant 0 : i32
        %dma_start3A_799 = tpu.memref_slice %arg6[%mul3A_795, %dma_start3A_798] : memref<200000x128xf32, #tpu.memory_space<hbm>> -> memref<160x128xf32, #tpu.memory_space<hbm>>
        tpu.enqueue_dma source(%arg11 : memref<160x128xf32, #tpu.memory_space<vmem>>) target(%dma_start3A_799 : memref<160x128xf32, #tpu.memory_space<hbm>>) target_semaphore(%arg36 : memref<!tpu.dma_semaphore, #tpu.memory_space<semaphore_mem>>)
      } else {
      }
      %add3A_726 = arith.constant 2 : i32
      %add3A_727 = arith.addi %add3A_721, %add3A_726 : i32
      %lt3A_728 = arith.cmpi slt, %add3A_727, %select_n3A : i32
      %convert_element_type3A_729 = arith.extui %lt3A_728 : i1 to i32
      %cond3A_730 = arith.constant 0 : i32
      %cond3A_731 = arith.cmpi ne, %convert_element_type3A_729, %cond3A_730 : i32
      scf.if %cond3A_731 {
        %ge3A = arith.constant 1 : i32
        %ge3A_758 = arith.cmpi sge, %add3A_721, %ge3A : i32
        %convert_element_type3A_759 = arith.extui %ge3A_758 : i1 to i32
        %cond3A_760 = arith.constant 0 : i32
        %cond3A_761 = arith.cmpi ne, %convert_element_type3A_759, %cond3A_760 : i32
        scf.if %cond3A_761 {
          %sub3A_779 = arith.constant 1 : i32
          %sub3A_780 = arith.subi %add3A_721, %sub3A_779 : i32
          %mul3A_781 = arith.constant 32 : i32
          %mul3A_782 = arith.muli %sub3A_780, %mul3A_781 : i32
          %add3A_783 = arith.addi %add3A, %mul3A_782 : i32
          %mul3A_784 = arith.constant 160 : i32
          %mul3A_785 = arith.muli %add3A_783, %mul3A_784 : i32
          %dma_wait3A_786 = arith.constant 0 : i32
          %dma_wait3A_787 = tpu.memref_slice %arg6[%mul3A_785, %dma_wait3A_786] : memref<200000x128xf32, #tpu.memory_space<hbm>> -> memref<160x128xf32, #tpu.memory_space<hbm>>
          %dma_wait3A_788 = arith.constant 0 : i32
          %dma_wait3A_789 = tpu.memref_slice %arg6[%mul3A_785, %dma_wait3A_788] : memref<200000x128xf32, #tpu.memory_space<hbm>> -> memref<160x128xf32, #tpu.memory_space<hbm>>
          tpu.wait_dma2 semaphore(%arg35 : memref<!tpu.dma_semaphore, #tpu.memory_space<semaphore_mem>>) src(%arg10 : memref<160x128xf32, #tpu.memory_space<vmem>>) dst(%dma_wait3A_789 : memref<160x128xf32, #tpu.memory_space<hbm>>)
        } else {
        }
        %add3A_762 = arith.constant 2 : i32
        %add3A_763 = arith.addi %add3A_721, %add3A_762 : i32
        %mul3A_764 = arith.constant 32 : i32
        %mul3A_765 = arith.muli %add3A_763, %mul3A_764 : i32
        %add3A_766 = arith.addi %add3A, %mul3A_765 : i32
        %dma_start3A_767 = arith.constant 0 : i32
        %dma_start3A_768 = tpu.memref_slice %arg2[%add3A_766, %dma_start3A_767] : memref<1250x480xi32, #tpu.memory_space<hbm>> -> memref<1x480xi32, #tpu.memory_space<hbm>>
        %dma_start3A_769 = tpu.memref_squeeze %dma_start3A_768 : memref<1x480xi32, #tpu.memory_space<hbm>> -> memref<480xi32, #tpu.memory_space<hbm>>
        %dma_start3A_770 = arith.constant 0 : i32
        %dma_start3A_771 = tpu.memref_slice %arg2[%add3A_766, %dma_start3A_770] : memref<1250x480xi32, #tpu.memory_space<hbm>> -> memref<1x480xi32, #tpu.memory_space<hbm>>
        %dma_start3A_772 = tpu.memref_squeeze %dma_start3A_771 : memref<1x480xi32, #tpu.memory_space<hbm>> -> memref<480xi32, #tpu.memory_space<hbm>>
        tpu.enqueue_dma source(%dma_start3A_772 : memref<480xi32, #tpu.memory_space<hbm>>) target(%arg7 : memref<480xi32, #tpu.memory_space<vmem>>) target_semaphore(%arg23 : memref<!tpu.dma_semaphore, #tpu.memory_space<semaphore_mem>>)
        %mul3A_773 = arith.constant 160 : i32
        %mul3A_774 = arith.muli %add3A_766, %mul3A_773 : i32
        %dma_start3A_775 = arith.constant 0 : i32
        %dma_start3A_776 = tpu.memref_slice %arg3[%mul3A_774, %dma_start3A_775] : memref<200000x128xf32, #tpu.memory_space<hbm>> -> memref<160x128xf32, #tpu.memory_space<hbm>>
        %dma_start3A_777 = arith.constant 0 : i32
        %dma_start3A_778 = tpu.memref_slice %arg3[%mul3A_774, %dma_start3A_777] : memref<200000x128xf32, #tpu.memory_space<hbm>> -> memref<160x128xf32, #tpu.memory_space<hbm>>
        tpu.enqueue_dma source(%dma_start3A_778 : memref<160x128xf32, #tpu.memory_space<hbm>>) target(%arg10 : memref<160x128xf32, #tpu.memory_space<vmem>>) target_semaphore(%arg26 : memref<!tpu.dma_semaphore, #tpu.memory_space<semaphore_mem>>)
      } else {
      }
      %add3A_732 = arith.constant 1 : i32
      %add3A_733 = arith.addi %add3A_721, %add3A_732 : i32
      %lt3A_734 = arith.cmpi slt, %add3A_733, %select_n3A : i32
      %convert_element_type3A_735 = arith.extui %lt3A_734 : i1 to i32
      %cond3A_736 = arith.constant 0 : i32
      %cond3A_737 = arith.cmpi ne, %convert_element_type3A_735, %cond3A_736 : i32
      scf.if %cond3A_737 {
        %add3A_758 = arith.constant 1 : i32
        %add3A_759 = arith.addi %add3A_721, %add3A_758 : i32
        %mul3A_760 = arith.constant 32 : i32
        %mul3A_761 = arith.muli %add3A_759, %mul3A_760 : i32
        %add3A_762 = arith.addi %add3A, %mul3A_761 : i32
        %dma_wait3A_763 = arith.constant 0 : i32
        %dma_wait3A_764 = tpu.memref_slice %arg2[%add3A_762, %dma_wait3A_763] : memref<1250x480xi32, #tpu.memory_space<hbm>> -> memref<1x480xi32, #tpu.memory_space<hbm>>
        %dma_wait3A_765 = tpu.memref_squeeze %dma_wait3A_764 : memref<1x480xi32, #tpu.memory_space<hbm>> -> memref<480xi32, #tpu.memory_space<hbm>>
        %dma_wait3A_766 = arith.constant 0 : i32
        %dma_wait3A_767 = tpu.memref_slice %arg2[%add3A_762, %dma_wait3A_766] : memref<1250x480xi32, #tpu.memory_space<hbm>> -> memref<1x480xi32, #tpu.memory_space<hbm>>
        %dma_wait3A_768 = tpu.memref_squeeze %dma_wait3A_767 : memref<1x480xi32, #tpu.memory_space<hbm>> -> memref<480xi32, #tpu.memory_space<hbm>>
        tpu.wait_dma2 semaphore(%arg25 : memref<!tpu.dma_semaphore, #tpu.memory_space<semaphore_mem>>) src(%dma_wait3A_768 : memref<480xi32, #tpu.memory_space<hbm>>) dst(%arg9 : memref<480xi32, #tpu.memory_space<vmem>>)
        %get3A_769 = arith.constant 0 : index
        %get3A_770 = tpu.vector_load %arg9[%get3A_769] {strides = array<i32>} : memref<480xi32, #tpu.memory_space<vmem>>, vector<16xi32>,
        %get3A_771 = vector.shape_cast %get3A_770 : vector<16xi32> to vector<16xi32>
        %add3A_772 = vector.broadcast %squeeze3A : i32 to vector<16xi32>
        %add3A_773 = arith.addi %get3A_771, %add3A_772 : vector<16xi32>
        %shift_right_arithmetic3A_774 = arith.constant 2 : i32
        %shift_right_arithmetic3A_775 = vector.broadcast %shift_right_arithmetic3A_774 : i32 to vector<16xi32>
        %shift_right_arithmetic3A_776 = arith.shrsi %add3A_773, %shift_right_arithmetic3A_775 : vector<16xi32>
        %add3A_777 = vector.broadcast %squeeze3A_30 : i32 to vector<16xi32>
        %add3A_778 = arith.addi %shift_right_arithmetic3A_776, %add3A_777 : vector<16xi32>
        %jit3A_779 = arith.constant 0 : i32
        %jit3A_780 = arith.constant 63 : i32
        %max3A_781 = vector.broadcast %jit3A_779 : i32 to vector<16xi32>
        %max3A_782 = arith.maxsi %max3A_781, %add3A_778 : vector<16xi32>
        %min3A_783 = vector.broadcast %jit3A_780 : i32 to vector<16xi32>
        %min3A_784 = arith.minsi %min3A_783, %max3A_782 : vector<16xi32>
        %get3A_785 = arith.constant 160 : index
        %get3A_786 = tpu.vector_load %arg9[%get3A_785] {strides = array<i32>} : memref<480xi32, #tpu.memory_space<vmem>>, vector<16xi32>,
        %get3A_787 = vector.shape_cast %get3A_786 : vector<16xi32> to vector<16xi32>
        %add3A_788 = vector.broadcast %squeeze3A_26 : i32 to vector<16xi32>
        %add3A_789 = arith.addi %get3A_787, %add3A_788 : vector<16xi32>
        %shift_right_arithmetic3A_790 = arith.constant 2 : i32
        %shift_right_arithmetic3A_791 = vector.broadcast %shift_right_arithmetic3A_790 : i32 to vector<16xi32>
        %shift_right_arithmetic3A_792 = arith.shrsi %add3A_789, %shift_right_arithmetic3A_791 : vector<16xi32>
        %add3A_793 = vector.broadcast %squeeze3A_32 : i32 to vector<16xi32>
        %add3A_794 = arith.addi %shift_right_arithmetic3A_792, %add3A_793 : vector<16xi32>
        %jit3A_795 = arith.constant 0 : i32
        %jit3A_796 = arith.constant 63 : i32
        %max3A_797 = vector.broadcast %jit3A_795 : i32 to vector<16xi32>
        %max3A_798 = arith.maxsi %max3A_797, %add3A_794 : vector<16xi32>
        %min3A_799 = vector.broadcast %jit3A_796 : i32 to vector<16xi32>
        %min3A_800 = arith.minsi %min3A_799, %max3A_798 : vector<16xi32>
        %get3A_801 = arith.constant 320 : index
        %get3A_802 = tpu.vector_load %arg9[%get3A_801] {strides = array<i32>} : memref<480xi32, #tpu.memory_space<vmem>>, vector<16xi32>,
        %get3A_803 = vector.shape_cast %get3A_802 : vector<16xi32> to vector<16xi32>
        %add3A_804 = vector.broadcast %squeeze3A_28 : i32 to vector<16xi32>
        %add3A_805 = arith.addi %get3A_803, %add3A_804 : vector<16xi32>
        %shift_right_arithmetic3A_806 = arith.constant 2 : i32
        %shift_right_arithmetic3A_807 = vector.broadcast %shift_right_arithmetic3A_806 : i32 to vector<16xi32>
        %shift_right_arithmetic3A_808 = arith.shrsi %add3A_805, %shift_right_arithmetic3A_807 : vector<16xi32>
        %add3A_809 = vector.broadcast %squeeze3A_34 : i32 to vector<16xi32>
        %add3A_810 = arith.addi %shift_right_arithmetic3A_808, %add3A_809 : vector<16xi32>
        %jit3A_811 = arith.constant 0 : i32
        %jit3A_812 = arith.constant 63 : i32
        %max3A_813 = vector.broadcast %jit3A_811 : i32 to vector<16xi32>
        %max3A_814 = arith.maxsi %max3A_813, %add3A_810 : vector<16xi32>
        %min3A_815 = vector.broadcast %jit3A_812 : i32 to vector<16xi32>
        %min3A_816 = arith.minsi %min3A_815, %max3A_814 : vector<16xi32>
        %mul3A_817 = arith.constant 4096 : i32
        %mul3A_818 = vector.broadcast %mul3A_817 : i32 to vector<16xi32>
        %mul3A_819 = arith.muli %min3A_784, %mul3A_818 : vector<16xi32>
        %mul3A_820 = arith.constant 64 : i32
        %mul3A_821 = vector.broadcast %mul3A_820 : i32 to vector<16xi32>
        %mul3A_822 = arith.muli %min3A_800, %mul3A_821 : vector<16xi32>
        %add3A_823 = arith.addi %mul3A_819, %mul3A_822 : vector<16xi32>
        %add3A_824 = arith.addi %add3A_823, %min3A_816 : vector<16xi32>
        %swap3A_825 = arith.constant 0 : index
        %swap3A_826 = tpu.vector_load %arg20[%swap3A_825] {strides = array<i32>} : memref<80xi32, #tpu.memory_space<vmem>>, vector<16xi32>,
        %swap3A_827 = vector.shape_cast %swap3A_826 : vector<16xi32> to vector<16xi32>
        %swap3A_828 = vector.shape_cast %add3A_824 : vector<16xi32> to vector<16xi32>
        tpu.vector_store %arg20[%swap3A_825], %swap3A_828 {strides = array<i32>} : memref<80xi32, #tpu.memory_space<vmem>>, vector<16xi32>,
        %get3A_829 = arith.constant 16 : index
        %get3A_830 = tpu.vector_load %arg9[%get3A_829] {strides = array<i32>} : memref<480xi32, #tpu.memory_space<vmem>>, vector<16xi32>,
        %get3A_831 = vector.shape_cast %get3A_830 : vector<16xi32> to vector<16xi32>
        %add3A_832 = vector.broadcast %squeeze3A : i32 to vector<16xi32>
        %add3A_833 = arith.addi %get3A_831, %add3A_832 : vector<16xi32>
        %shift_right_arithmetic3A_834 = arith.constant 2 : i32
        %shift_right_arithmetic3A_835 = vector.broadcast %shift_right_arithmetic3A_834 : i32 to vector<16xi32>
        %shift_right_arithmetic3A_836 = arith.shrsi %add3A_833, %shift_right_arithmetic3A_835 : vector<16xi32>
        %add3A_837 = vector.broadcast %squeeze3A_30 : i32 to vector<16xi32>
        %add3A_838 = arith.addi %shift_right_arithmetic3A_836, %add3A_837 : vector<16xi32>
        %jit3A_839 = arith.constant 0 : i32
        %jit3A_840 = arith.constant 63 : i32
        %max3A_841 = vector.broadcast %jit3A_839 : i32 to vector<16xi32>
        %max3A_842 = arith.maxsi %max3A_841, %add3A_838 : vector<16xi32>
        %min3A_843 = vector.broadcast %jit3A_840 : i32 to vector<16xi32>
        %min3A_844 = arith.minsi %min3A_843, %max3A_842 : vector<16xi32>
        %get3A_845 = arith.constant 176 : index
        %get3A_846 = tpu.vector_load %arg9[%get3A_845] {strides = array<i32>} : memref<480xi32, #tpu.memory_space<vmem>>, vector<16xi32>,
        %get3A_847 = vector.shape_cast %get3A_846 : vector<16xi32> to vector<16xi32>
        %add3A_848 = vector.broadcast %squeeze3A_26 : i32 to vector<16xi32>
        %add3A_849 = arith.addi %get3A_847, %add3A_848 : vector<16xi32>
        %shift_right_arithmetic3A_850 = arith.constant 2 : i32
        %shift_right_arithmetic3A_851 = vector.broadcast %shift_right_arithmetic3A_850 : i32 to vector<16xi32>
        %shift_right_arithmetic3A_852 = arith.shrsi %add3A_849, %shift_right_arithmetic3A_851 : vector<16xi32>
        %add3A_853 = vector.broadcast %squeeze3A_32 : i32 to vector<16xi32>
        %add3A_854 = arith.addi %shift_right_arithmetic3A_852, %add3A_853 : vector<16xi32>
        %jit3A_855 = arith.constant 0 : i32
        %jit3A_856 = arith.constant 63 : i32
        %max3A_857 = vector.broadcast %jit3A_855 : i32 to vector<16xi32>
        %max3A_858 = arith.maxsi %max3A_857, %add3A_854 : vector<16xi32>
        %min3A_859 = vector.broadcast %jit3A_856 : i32 to vector<16xi32>
        %min3A_860 = arith.minsi %min3A_859, %max3A_858 : vector<16xi32>
        %get3A_861 = arith.constant 336 : index
        %get3A_862 = tpu.vector_load %arg9[%get3A_861] {strides = array<i32>} : memref<480xi32, #tpu.memory_space<vmem>>, vector<16xi32>,
        %get3A_863 = vector.shape_cast %get3A_862 : vector<16xi32> to vector<16xi32>
        %add3A_864 = vector.broadcast %squeeze3A_28 : i32 to vector<16xi32>
        %add3A_865 = arith.addi %get3A_863, %add3A_864 : vector<16xi32>
        %shift_right_arithmetic3A_866 = arith.constant 2 : i32
        %shift_right_arithmetic3A_867 = vector.broadcast %shift_right_arithmetic3A_866 : i32 to vector<16xi32>
        %shift_right_arithmetic3A_868 = arith.shrsi %add3A_865, %shift_right_arithmetic3A_867 : vector<16xi32>
        %add3A_869 = vector.broadcast %squeeze3A_34 : i32 to vector<16xi32>
        %add3A_870 = arith.addi %shift_right_arithmetic3A_868, %add3A_869 : vector<16xi32>
        %jit3A_871 = arith.constant 0 : i32
        %jit3A_872 = arith.constant 63 : i32
        %max3A_873 = vector.broadcast %jit3A_871 : i32 to vector<16xi32>
        %max3A_874 = arith.maxsi %max3A_873, %add3A_870 : vector<16xi32>
        %min3A_875 = vector.broadcast %jit3A_872 : i32 to vector<16xi32>
        %min3A_876 = arith.minsi %min3A_875, %max3A_874 : vector<16xi32>
        %mul3A_877 = arith.constant 4096 : i32
        %mul3A_878 = vector.broadcast %mul3A_877 : i32 to vector<16xi32>
        %mul3A_879 = arith.muli %min3A_844, %mul3A_878 : vector<16xi32>
        %mul3A_880 = arith.constant 64 : i32
        %mul3A_881 = vector.broadcast %mul3A_880 : i32 to vector<16xi32>
        %mul3A_882 = arith.muli %min3A_860, %mul3A_881 : vector<16xi32>
        %add3A_883 = arith.addi %mul3A_879, %mul3A_882 : vector<16xi32>
        %add3A_884 = arith.addi %add3A_883, %min3A_876 : vector<16xi32>
        %swap3A_885 = arith.constant 16 : index
        %swap3A_886 = tpu.vector_load %arg20[%swap3A_885] {strides = array<i32>} : memref<80xi32, #tpu.memory_space<vmem>>, vector<16xi32>,
        %swap3A_887 = vector.shape_cast %swap3A_886 : vector<16xi32> to vector<16xi32>
        %swap3A_888 = vector.shape_cast %add3A_884 : vector<16xi32> to vector<16xi32>
        tpu.vector_store %arg20[%swap3A_885], %swap3A_888 {strides = array<i32>} : memref<80xi32, #tpu.memory_space<vmem>>, vector<16xi32>,
        %get3A_889 = arith.constant 32 : index
        %get3A_890 = tpu.vector_load %arg9[%get3A_889] {strides = array<i32>} : memref<480xi32, #tpu.memory_space<vmem>>, vector<16xi32>,
        %get3A_891 = vector.shape_cast %get3A_890 : vector<16xi32> to vector<16xi32>
        %add3A_892 = vector.broadcast %squeeze3A : i32 to vector<16xi32>
        %add3A_893 = arith.addi %get3A_891, %add3A_892 : vector<16xi32>
        %shift_right_arithmetic3A_894 = arith.constant 2 : i32
        %shift_right_arithmetic3A_895 = vector.broadcast %shift_right_arithmetic3A_894 : i32 to vector<16xi32>
        %shift_right_arithmetic3A_896 = arith.shrsi %add3A_893, %shift_right_arithmetic3A_895 : vector<16xi32>
        %add3A_897 = vector.broadcast %squeeze3A_30 : i32 to vector<16xi32>
        %add3A_898 = arith.addi %shift_right_arithmetic3A_896, %add3A_897 : vector<16xi32>
        %jit3A_899 = arith.constant 0 : i32
        %jit3A_900 = arith.constant 63 : i32
        %max3A_901 = vector.broadcast %jit3A_899 : i32 to vector<16xi32>
        %max3A_902 = arith.maxsi %max3A_901, %add3A_898 : vector<16xi32>
        %min3A_903 = vector.broadcast %jit3A_900 : i32 to vector<16xi32>
        %min3A_904 = arith.minsi %min3A_903, %max3A_902 : vector<16xi32>
        %get3A_905 = arith.constant 192 : index
        %get3A_906 = tpu.vector_load %arg9[%get3A_905] {strides = array<i32>} : memref<480xi32, #tpu.memory_space<vmem>>, vector<16xi32>,
        %get3A_907 = vector.shape_cast %get3A_906 : vector<16xi32> to vector<16xi32>
        %add3A_908 = vector.broadcast %squeeze3A_26 : i32 to vector<16xi32>
        %add3A_909 = arith.addi %get3A_907, %add3A_908 : vector<16xi32>
        %shift_right_arithmetic3A_910 = arith.constant 2 : i32
        %shift_right_arithmetic3A_911 = vector.broadcast %shift_right_arithmetic3A_910 : i32 to vector<16xi32>
        %shift_right_arithmetic3A_912 = arith.shrsi %add3A_909, %shift_right_arithmetic3A_911 : vector<16xi32>
        %add3A_913 = vector.broadcast %squeeze3A_32 : i32 to vector<16xi32>
        %add3A_914 = arith.addi %shift_right_arithmetic3A_912, %add3A_913 : vector<16xi32>
        %jit3A_915 = arith.constant 0 : i32
        %jit3A_916 = arith.constant 63 : i32
        %max3A_917 = vector.broadcast %jit3A_915 : i32 to vector<16xi32>
        %max3A_918 = arith.maxsi %max3A_917, %add3A_914 : vector<16xi32>
        %min3A_919 = vector.broadcast %jit3A_916 : i32 to vector<16xi32>
        %min3A_920 = arith.minsi %min3A_919, %max3A_918 : vector<16xi32>
        %get3A_921 = arith.constant 352 : index
        %get3A_922 = tpu.vector_load %arg9[%get3A_921] {strides = array<i32>} : memref<480xi32, #tpu.memory_space<vmem>>, vector<16xi32>,
        %get3A_923 = vector.shape_cast %get3A_922 : vector<16xi32> to vector<16xi32>
        %add3A_924 = vector.broadcast %squeeze3A_28 : i32 to vector<16xi32>
        %add3A_925 = arith.addi %get3A_923, %add3A_924 : vector<16xi32>
        %shift_right_arithmetic3A_926 = arith.constant 2 : i32
        %shift_right_arithmetic3A_927 = vector.broadcast %shift_right_arithmetic3A_926 : i32 to vector<16xi32>
        %shift_right_arithmetic3A_928 = arith.shrsi %add3A_925, %shift_right_arithmetic3A_927 : vector<16xi32>
        %add3A_929 = vector.broadcast %squeeze3A_34 : i32 to vector<16xi32>
        %add3A_930 = arith.addi %shift_right_arithmetic3A_928, %add3A_929 : vector<16xi32>
        %jit3A_931 = arith.constant 0 : i32
        %jit3A_932 = arith.constant 63 : i32
        %max3A_933 = vector.broadcast %jit3A_931 : i32 to vector<16xi32>
        %max3A_934 = arith.maxsi %max3A_933, %add3A_930 : vector<16xi32>
        %min3A_935 = vector.broadcast %jit3A_932 : i32 to vector<16xi32>
        %min3A_936 = arith.minsi %min3A_935, %max3A_934 : vector<16xi32>
        %mul3A_937 = arith.constant 4096 : i32
        %mul3A_938 = vector.broadcast %mul3A_937 : i32 to vector<16xi32>
        %mul3A_939 = arith.muli %min3A_904, %mul3A_938 : vector<16xi32>
        %mul3A_940 = arith.constant 64 : i32
        %mul3A_941 = vector.broadcast %mul3A_940 : i32 to vector<16xi32>
        %mul3A_942 = arith.muli %min3A_920, %mul3A_941 : vector<16xi32>
        %add3A_943 = arith.addi %mul3A_939, %mul3A_942 : vector<16xi32>
        %add3A_944 = arith.addi %add3A_943, %min3A_936 : vector<16xi32>
        %swap3A_945 = arith.constant 32 : index
        %swap3A_946 = tpu.vector_load %arg20[%swap3A_945] {strides = array<i32>} : memref<80xi32, #tpu.memory_space<vmem>>, vector<16xi32>,
        %swap3A_947 = vector.shape_cast %swap3A_946 : vector<16xi32> to vector<16xi32>
        %swap3A_948 = vector.shape_cast %add3A_944 : vector<16xi32> to vector<16xi32>
        tpu.vector_store %arg20[%swap3A_945], %swap3A_948 {strides = array<i32>} : memref<80xi32, #tpu.memory_space<vmem>>, vector<16xi32>,
        %get3A_949 = arith.constant 48 : index
        %get3A_950 = tpu.vector_load %arg9[%get3A_949] {strides = array<i32>} : memref<480xi32, #tpu.memory_space<vmem>>, vector<16xi32>,
        %get3A_951 = vector.shape_cast %get3A_950 : vector<16xi32> to vector<16xi32>
        %add3A_952 = vector.broadcast %squeeze3A : i32 to vector<16xi32>
        %add3A_953 = arith.addi %get3A_951, %add3A_952 : vector<16xi32>
        %shift_right_arithmetic3A_954 = arith.constant 2 : i32
        %shift_right_arithmetic3A_955 = vector.broadcast %shift_right_arithmetic3A_954 : i32 to vector<16xi32>
        %shift_right_arithmetic3A_956 = arith.shrsi %add3A_953, %shift_right_arithmetic3A_955 : vector<16xi32>
        %add3A_957 = vector.broadcast %squeeze3A_30 : i32 to vector<16xi32>
        %add3A_958 = arith.addi %shift_right_arithmetic3A_956, %add3A_957 : vector<16xi32>
        %jit3A_959 = arith.constant 0 : i32
        %jit3A_960 = arith.constant 63 : i32
        %max3A_961 = vector.broadcast %jit3A_959 : i32 to vector<16xi32>
        %max3A_962 = arith.maxsi %max3A_961, %add3A_958 : vector<16xi32>
        %min3A_963 = vector.broadcast %jit3A_960 : i32 to vector<16xi32>
        %min3A_964 = arith.minsi %min3A_963, %max3A_962 : vector<16xi32>
        %get3A_965 = arith.constant 208 : index
        %get3A_966 = tpu.vector_load %arg9[%get3A_965] {strides = array<i32>} : memref<480xi32, #tpu.memory_space<vmem>>, vector<16xi32>,
        %get3A_967 = vector.shape_cast %get3A_966 : vector<16xi32> to vector<16xi32>
        %add3A_968 = vector.broadcast %squeeze3A_26 : i32 to vector<16xi32>
        %add3A_969 = arith.addi %get3A_967, %add3A_968 : vector<16xi32>
        %shift_right_arithmetic3A_970 = arith.constant 2 : i32
        %shift_right_arithmetic3A_971 = vector.broadcast %shift_right_arithmetic3A_970 : i32 to vector<16xi32>
        %shift_right_arithmetic3A_972 = arith.shrsi %add3A_969, %shift_right_arithmetic3A_971 : vector<16xi32>
        %add3A_973 = vector.broadcast %squeeze3A_32 : i32 to vector<16xi32>
        %add3A_974 = arith.addi %shift_right_arithmetic3A_972, %add3A_973 : vector<16xi32>
        %jit3A_975 = arith.constant 0 : i32
        %jit3A_976 = arith.constant 63 : i32
        %max3A_977 = vector.broadcast %jit3A_975 : i32 to vector<16xi32>
        %max3A_978 = arith.maxsi %max3A_977, %add3A_974 : vector<16xi32>
        %min3A_979 = vector.broadcast %jit3A_976 : i32 to vector<16xi32>
        %min3A_980 = arith.minsi %min3A_979, %max3A_978 : vector<16xi32>
        %get3A_981 = arith.constant 368 : index
        %get3A_982 = tpu.vector_load %arg9[%get3A_981] {strides = array<i32>} : memref<480xi32, #tpu.memory_space<vmem>>, vector<16xi32>,
        %get3A_983 = vector.shape_cast %get3A_982 : vector<16xi32> to vector<16xi32>
        %add3A_984 = vector.broadcast %squeeze3A_28 : i32 to vector<16xi32>
        %add3A_985 = arith.addi %get3A_983, %add3A_984 : vector<16xi32>
        %shift_right_arithmetic3A_986 = arith.constant 2 : i32
        %shift_right_arithmetic3A_987 = vector.broadcast %shift_right_arithmetic3A_986 : i32 to vector<16xi32>
        %shift_right_arithmetic3A_988 = arith.shrsi %add3A_985, %shift_right_arithmetic3A_987 : vector<16xi32>
        %add3A_989 = vector.broadcast %squeeze3A_34 : i32 to vector<16xi32>
        %add3A_990 = arith.addi %shift_right_arithmetic3A_988, %add3A_989 : vector<16xi32>
        %jit3A_991 = arith.constant 0 : i32
        %jit3A_992 = arith.constant 63 : i32
        %max3A_993 = vector.broadcast %jit3A_991 : i32 to vector<16xi32>
        %max3A_994 = arith.maxsi %max3A_993, %add3A_990 : vector<16xi32>
        %min3A_995 = vector.broadcast %jit3A_992 : i32 to vector<16xi32>
        %min3A_996 = arith.minsi %min3A_995, %max3A_994 : vector<16xi32>
        %mul3A_997 = arith.constant 4096 : i32
        %mul3A_998 = vector.broadcast %mul3A_997 : i32 to vector<16xi32>
        %mul3A_999 = arith.muli %min3A_964, %mul3A_998 : vector<16xi32>
        %mul3A_1000 = arith.constant 64 : i32
        %mul3A_1001 = vector.broadcast %mul3A_1000 : i32 to vector<16xi32>
        %mul3A_1002 = arith.muli %min3A_980, %mul3A_1001 : vector<16xi32>
        %add3A_1003 = arith.addi %mul3A_999, %mul3A_1002 : vector<16xi32>
        %add3A_1004 = arith.addi %add3A_1003, %min3A_996 : vector<16xi32>
        %swap3A_1005 = arith.constant 48 : index
        %swap3A_1006 = tpu.vector_load %arg20[%swap3A_1005] {strides = array<i32>} : memref<80xi32, #tpu.memory_space<vmem>>, vector<16xi32>,
        %swap3A_1007 = vector.shape_cast %swap3A_1006 : vector<16xi32> to vector<16xi32>
        %swap3A_1008 = vector.shape_cast %add3A_1004 : vector<16xi32> to vector<16xi32>
        tpu.vector_store %arg20[%swap3A_1005], %swap3A_1008 {strides = array<i32>} : memref<80xi32, #tpu.memory_space<vmem>>, vector<16xi32>,
        %get3A_1009 = arith.constant 64 : index
        %get3A_1010 = tpu.vector_load %arg9[%get3A_1009] {strides = array<i32>} : memref<480xi32, #tpu.memory_space<vmem>>, vector<16xi32>,
        %get3A_1011 = vector.shape_cast %get3A_1010 : vector<16xi32> to vector<16xi32>
        %add3A_1012 = vector.broadcast %squeeze3A : i32 to vector<16xi32>
        %add3A_1013 = arith.addi %get3A_1011, %add3A_1012 : vector<16xi32>
        %shift_right_arithmetic3A_1014 = arith.constant 2 : i32
        %shift_right_arithmetic3A_1015 = vector.broadcast %shift_right_arithmetic3A_1014 : i32 to vector<16xi32>
        %shift_right_arithmetic3A_1016 = arith.shrsi %add3A_1013, %shift_right_arithmetic3A_1015 : vector<16xi32>
        %add3A_1017 = vector.broadcast %squeeze3A_30 : i32 to vector<16xi32>
        %add3A_1018 = arith.addi %shift_right_arithmetic3A_1016, %add3A_1017 : vector<16xi32>
        %jit3A_1019 = arith.constant 0 : i32
        %jit3A_1020 = arith.constant 63 : i32
        %max3A_1021 = vector.broadcast %jit3A_1019 : i32 to vector<16xi32>
        %max3A_1022 = arith.maxsi %max3A_1021, %add3A_1018 : vector<16xi32>
        %min3A_1023 = vector.broadcast %jit3A_1020 : i32 to vector<16xi32>
        %min3A_1024 = arith.minsi %min3A_1023, %max3A_1022 : vector<16xi32>
        %get3A_1025 = arith.constant 224 : index
        %get3A_1026 = tpu.vector_load %arg9[%get3A_1025] {strides = array<i32>} : memref<480xi32, #tpu.memory_space<vmem>>, vector<16xi32>,
        %get3A_1027 = vector.shape_cast %get3A_1026 : vector<16xi32> to vector<16xi32>
        %add3A_1028 = vector.broadcast %squeeze3A_26 : i32 to vector<16xi32>
        %add3A_1029 = arith.addi %get3A_1027, %add3A_1028 : vector<16xi32>
        %shift_right_arithmetic3A_1030 = arith.constant 2 : i32
        %shift_right_arithmetic3A_1031 = vector.broadcast %shift_right_arithmetic3A_1030 : i32 to vector<16xi32>
        %shift_right_arithmetic3A_1032 = arith.shrsi %add3A_1029, %shift_right_arithmetic3A_1031 : vector<16xi32>
        %add3A_1033 = vector.broadcast %squeeze3A_32 : i32 to vector<16xi32>
        %add3A_1034 = arith.addi %shift_right_arithmetic3A_1032, %add3A_1033 : vector<16xi32>
        %jit3A_1035 = arith.constant 0 : i32
        %jit3A_1036 = arith.constant 63 : i32
        %max3A_1037 = vector.broadcast %jit3A_1035 : i32 to vector<16xi32>
        %max3A_1038 = arith.maxsi %max3A_1037, %add3A_1034 : vector<16xi32>
        %min3A_1039 = vector.broadcast %jit3A_1036 : i32 to vector<16xi32>
        %min3A_1040 = arith.minsi %min3A_1039, %max3A_1038 : vector<16xi32>
        %get3A_1041 = arith.constant 384 : index
        %get3A_1042 = tpu.vector_load %arg9[%get3A_1041] {strides = array<i32>} : memref<480xi32, #tpu.memory_space<vmem>>, vector<16xi32>,
        %get3A_1043 = vector.shape_cast %get3A_1042 : vector<16xi32> to vector<16xi32>
        %add3A_1044 = vector.broadcast %squeeze3A_28 : i32 to vector<16xi32>
        %add3A_1045 = arith.addi %get3A_1043, %add3A_1044 : vector<16xi32>
        %shift_right_arithmetic3A_1046 = arith.constant 2 : i32
        %shift_right_arithmetic3A_1047 = vector.broadcast %shift_right_arithmetic3A_1046 : i32 to vector<16xi32>
        %shift_right_arithmetic3A_1048 = arith.shrsi %add3A_1045, %shift_right_arithmetic3A_1047 : vector<16xi32>
        %add3A_1049 = vector.broadcast %squeeze3A_34 : i32 to vector<16xi32>
        %add3A_1050 = arith.addi %shift_right_arithmetic3A_1048, %add3A_1049 : vector<16xi32>
        %jit3A_1051 = arith.constant 0 : i32
        %jit3A_1052 = arith.constant 63 : i32
        %max3A_1053 = vector.broadcast %jit3A_1051 : i32 to vector<16xi32>
        %max3A_1054 = arith.maxsi %max3A_1053, %add3A_1050 : vector<16xi32>
        %min3A_1055 = vector.broadcast %jit3A_1052 : i32 to vector<16xi32>
        %min3A_1056 = arith.minsi %min3A_1055, %max3A_1054 : vector<16xi32>
        %mul3A_1057 = arith.constant 4096 : i32
        %mul3A_1058 = vector.broadcast %mul3A_1057 : i32 to vector<16xi32>
        %mul3A_1059 = arith.muli %min3A_1024, %mul3A_1058 : vector<16xi32>
        %mul3A_1060 = arith.constant 64 : i32
        %mul3A_1061 = vector.broadcast %mul3A_1060 : i32 to vector<16xi32>
        %mul3A_1062 = arith.muli %min3A_1040, %mul3A_1061 : vector<16xi32>
        %add3A_1063 = arith.addi %mul3A_1059, %mul3A_1062 : vector<16xi32>
        %add3A_1064 = arith.addi %add3A_1063, %min3A_1056 : vector<16xi32>
        %swap3A_1065 = arith.constant 64 : index
        %swap3A_1066 = tpu.vector_load %arg20[%swap3A_1065] {strides = array<i32>} : memref<80xi32, #tpu.memory_space<vmem>>, vector<16xi32>,
        %swap3A_1067 = vector.shape_cast %swap3A_1066 : vector<16xi32> to vector<16xi32>
        %swap3A_1068 = vector.shape_cast %add3A_1064 : vector<16xi32> to vector<16xi32>
        tpu.vector_store %arg20[%swap3A_1065], %swap3A_1068 {strides = array<i32>} : memref<80xi32, #tpu.memory_space<vmem>>, vector<16xi32>,
        %get3A_1069 = arith.constant 80 : index
        %get3A_1070 = tpu.vector_load %arg9[%get3A_1069] {strides = array<i32>} : memref<480xi32, #tpu.memory_space<vmem>>, vector<16xi32>,
        %get3A_1071 = vector.shape_cast %get3A_1070 : vector<16xi32> to vector<16xi32>
        %add3A_1072 = vector.broadcast %squeeze3A : i32 to vector<16xi32>
        %add3A_1073 = arith.addi %get3A_1071, %add3A_1072 : vector<16xi32>
        %shift_right_arithmetic3A_1074 = arith.constant 2 : i32
        %shift_right_arithmetic3A_1075 = vector.broadcast %shift_right_arithmetic3A_1074 : i32 to vector<16xi32>
        %shift_right_arithmetic3A_1076 = arith.shrsi %add3A_1073, %shift_right_arithmetic3A_1075 : vector<16xi32>
        %add3A_1077 = vector.broadcast %squeeze3A_30 : i32 to vector<16xi32>
        %add3A_1078 = arith.addi %shift_right_arithmetic3A_1076, %add3A_1077 : vector<16xi32>
        %jit3A_1079 = arith.constant 0 : i32
        %jit3A_1080 = arith.constant 63 : i32
        %max3A_1081 = vector.broadcast %jit3A_1079 : i32 to vector<16xi32>
        %max3A_1082 = arith.maxsi %max3A_1081, %add3A_1078 : vector<16xi32>
        %min3A_1083 = vector.broadcast %jit3A_1080 : i32 to vector<16xi32>
        %min3A_1084 = arith.minsi %min3A_1083, %max3A_1082 : vector<16xi32>
        %get3A_1085 = arith.constant 240 : index
        %get3A_1086 = tpu.vector_load %arg9[%get3A_1085] {strides = array<i32>} : memref<480xi32, #tpu.memory_space<vmem>>, vector<16xi32>,
        %get3A_1087 = vector.shape_cast %get3A_1086 : vector<16xi32> to vector<16xi32>
        %add3A_1088 = vector.broadcast %squeeze3A_26 : i32 to vector<16xi32>
        %add3A_1089 = arith.addi %get3A_1087, %add3A_1088 : vector<16xi32>
        %shift_right_arithmetic3A_1090 = arith.constant 2 : i32
        %shift_right_arithmetic3A_1091 = vector.broadcast %shift_right_arithmetic3A_1090 : i32 to vector<16xi32>
        %shift_right_arithmetic3A_1092 = arith.shrsi %add3A_1089, %shift_right_arithmetic3A_1091 : vector<16xi32>
        %add3A_1093 = vector.broadcast %squeeze3A_32 : i32 to vector<16xi32>
        %add3A_1094 = arith.addi %shift_right_arithmetic3A_1092, %add3A_1093 : vector<16xi32>
        %jit3A_1095 = arith.constant 0 : i32
        %jit3A_1096 = arith.constant 63 : i32
        %max3A_1097 = vector.broadcast %jit3A_1095 : i32 to vector<16xi32>
        %max3A_1098 = arith.maxsi %max3A_1097, %add3A_1094 : vector<16xi32>
        %min3A_1099 = vector.broadcast %jit3A_1096 : i32 to vector<16xi32>
        %min3A_1100 = arith.minsi %min3A_1099, %max3A_1098 : vector<16xi32>
        %get3A_1101 = arith.constant 400 : index
        %get3A_1102 = tpu.vector_load %arg9[%get3A_1101] {strides = array<i32>} : memref<480xi32, #tpu.memory_space<vmem>>, vector<16xi32>,
        %get3A_1103 = vector.shape_cast %get3A_1102 : vector<16xi32> to vector<16xi32>
        %add3A_1104 = vector.broadcast %squeeze3A_28 : i32 to vector<16xi32>
        %add3A_1105 = arith.addi %get3A_1103, %add3A_1104 : vector<16xi32>
        %shift_right_arithmetic3A_1106 = arith.constant 2 : i32
        %shift_right_arithmetic3A_1107 = vector.broadcast %shift_right_arithmetic3A_1106 : i32 to vector<16xi32>
        %shift_right_arithmetic3A_1108 = arith.shrsi %add3A_1105, %shift_right_arithmetic3A_1107 : vector<16xi32>
        %add3A_1109 = vector.broadcast %squeeze3A_34 : i32 to vector<16xi32>
        %add3A_1110 = arith.addi %shift_right_arithmetic3A_1108, %add3A_1109 : vector<16xi32>
        %jit3A_1111 = arith.constant 0 : i32
        %jit3A_1112 = arith.constant 63 : i32
        %max3A_1113 = vector.broadcast %jit3A_1111 : i32 to vector<16xi32>
        %max3A_1114 = arith.maxsi %max3A_1113, %add3A_1110 : vector<16xi32>
        %min3A_1115 = vector.broadcast %jit3A_1112 : i32 to vector<16xi32>
        %min3A_1116 = arith.minsi %min3A_1115, %max3A_1114 : vector<16xi32>
        %mul3A_1117 = arith.constant 4096 : i32
        %mul3A_1118 = vector.broadcast %mul3A_1117 : i32 to vector<16xi32>
        %mul3A_1119 = arith.muli %min3A_1084, %mul3A_1118 : vector<16xi32>
        %mul3A_1120 = arith.constant 64 : i32
        %mul3A_1121 = vector.broadcast %mul3A_1120 : i32 to vector<16xi32>
        %mul3A_1122 = arith.muli %min3A_1100, %mul3A_1121 : vector<16xi32>
        %add3A_1123 = arith.addi %mul3A_1119, %mul3A_1122 : vector<16xi32>
        %add3A_1124 = arith.addi %add3A_1123, %min3A_1116 : vector<16xi32>
        %swap3A_1125 = arith.constant 0 : index
        %swap3A_1126 = tpu.vector_load %arg21[%swap3A_1125] {strides = array<i32>} : memref<80xi32, #tpu.memory_space<vmem>>, vector<16xi32>,
        %swap3A_1127 = vector.shape_cast %swap3A_1126 : vector<16xi32> to vector<16xi32>
        %swap3A_1128 = vector.shape_cast %add3A_1124 : vector<16xi32> to vector<16xi32>
        tpu.vector_store %arg21[%swap3A_1125], %swap3A_1128 {strides = array<i32>} : memref<80xi32, #tpu.memory_space<vmem>>, vector<16xi32>,
        %get3A_1129 = arith.constant 96 : index
        %get3A_1130 = tpu.vector_load %arg9[%get3A_1129] {strides = array<i32>} : memref<480xi32, #tpu.memory_space<vmem>>, vector<16xi32>,
        %get3A_1131 = vector.shape_cast %get3A_1130 : vector<16xi32> to vector<16xi32>
        %add3A_1132 = vector.broadcast %squeeze3A : i32 to vector<16xi32>
        %add3A_1133 = arith.addi %get3A_1131, %add3A_1132 : vector<16xi32>
        %shift_right_arithmetic3A_1134 = arith.constant 2 : i32
        %shift_right_arithmetic3A_1135 = vector.broadcast %shift_right_arithmetic3A_1134 : i32 to vector<16xi32>
        %shift_right_arithmetic3A_1136 = arith.shrsi %add3A_1133, %shift_right_arithmetic3A_1135 : vector<16xi32>
        %add3A_1137 = vector.broadcast %squeeze3A_30 : i32 to vector<16xi32>
        %add3A_1138 = arith.addi %shift_right_arithmetic3A_1136, %add3A_1137 : vector<16xi32>
        %jit3A_1139 = arith.constant 0 : i32
        %jit3A_1140 = arith.constant 63 : i32
        %max3A_1141 = vector.broadcast %jit3A_1139 : i32 to vector<16xi32>
        %max3A_1142 = arith.maxsi %max3A_1141, %add3A_1138 : vector<16xi32>
        %min3A_1143 = vector.broadcast %jit3A_1140 : i32 to vector<16xi32>
        %min3A_1144 = arith.minsi %min3A_1143, %max3A_1142 : vector<16xi32>
        %get3A_1145 = arith.constant 256 : index
        %get3A_1146 = tpu.vector_load %arg9[%get3A_1145] {strides = array<i32>} : memref<480xi32, #tpu.memory_space<vmem>>, vector<16xi32>,
        %get3A_1147 = vector.shape_cast %get3A_1146 : vector<16xi32> to vector<16xi32>
        %add3A_1148 = vector.broadcast %squeeze3A_26 : i32 to vector<16xi32>
        %add3A_1149 = arith.addi %get3A_1147, %add3A_1148 : vector<16xi32>
        %shift_right_arithmetic3A_1150 = arith.constant 2 : i32
        %shift_right_arithmetic3A_1151 = vector.broadcast %shift_right_arithmetic3A_1150 : i32 to vector<16xi32>
        %shift_right_arithmetic3A_1152 = arith.shrsi %add3A_1149, %shift_right_arithmetic3A_1151 : vector<16xi32>
        %add3A_1153 = vector.broadcast %squeeze3A_32 : i32 to vector<16xi32>
        %add3A_1154 = arith.addi %shift_right_arithmetic3A_1152, %add3A_1153 : vector<16xi32>
        %jit3A_1155 = arith.constant 0 : i32
        %jit3A_1156 = arith.constant 63 : i32
        %max3A_1157 = vector.broadcast %jit3A_1155 : i32 to vector<16xi32>
        %max3A_1158 = arith.maxsi %max3A_1157, %add3A_1154 : vector<16xi32>
        %min3A_1159 = vector.broadcast %jit3A_1156 : i32 to vector<16xi32>
        %min3A_1160 = arith.minsi %min3A_1159, %max3A_1158 : vector<16xi32>
        %get3A_1161 = arith.constant 416 : index
        %get3A_1162 = tpu.vector_load %arg9[%get3A_1161] {strides = array<i32>} : memref<480xi32, #tpu.memory_space<vmem>>, vector<16xi32>,
        %get3A_1163 = vector.shape_cast %get3A_1162 : vector<16xi32> to vector<16xi32>
        %add3A_1164 = vector.broadcast %squeeze3A_28 : i32 to vector<16xi32>
        %add3A_1165 = arith.addi %get3A_1163, %add3A_1164 : vector<16xi32>
        %shift_right_arithmetic3A_1166 = arith.constant 2 : i32
        %shift_right_arithmetic3A_1167 = vector.broadcast %shift_right_arithmetic3A_1166 : i32 to vector<16xi32>
        %shift_right_arithmetic3A_1168 = arith.shrsi %add3A_1165, %shift_right_arithmetic3A_1167 : vector<16xi32>
        %add3A_1169 = vector.broadcast %squeeze3A_34 : i32 to vector<16xi32>
        %add3A_1170 = arith.addi %shift_right_arithmetic3A_1168, %add3A_1169 : vector<16xi32>
        %jit3A_1171 = arith.constant 0 : i32
        %jit3A_1172 = arith.constant 63 : i32
        %max3A_1173 = vector.broadcast %jit3A_1171 : i32 to vector<16xi32>
        %max3A_1174 = arith.maxsi %max3A_1173, %add3A_1170 : vector<16xi32>
        %min3A_1175 = vector.broadcast %jit3A_1172 : i32 to vector<16xi32>
        %min3A_1176 = arith.minsi %min3A_1175, %max3A_1174 : vector<16xi32>
        %mul3A_1177 = arith.constant 4096 : i32
        %mul3A_1178 = vector.broadcast %mul3A_1177 : i32 to vector<16xi32>
        %mul3A_1179 = arith.muli %min3A_1144, %mul3A_1178 : vector<16xi32>
        %mul3A_1180 = arith.constant 64 : i32
        %mul3A_1181 = vector.broadcast %mul3A_1180 : i32 to vector<16xi32>
        %mul3A_1182 = arith.muli %min3A_1160, %mul3A_1181 : vector<16xi32>
        %add3A_1183 = arith.addi %mul3A_1179, %mul3A_1182 : vector<16xi32>
        %add3A_1184 = arith.addi %add3A_1183, %min3A_1176 : vector<16xi32>
        %swap3A_1185 = arith.constant 16 : index
        %swap3A_1186 = tpu.vector_load %arg21[%swap3A_1185] {strides = array<i32>} : memref<80xi32, #tpu.memory_space<vmem>>, vector<16xi32>,
        %swap3A_1187 = vector.shape_cast %swap3A_1186 : vector<16xi32> to vector<16xi32>
        %swap3A_1188 = vector.shape_cast %add3A_1184 : vector<16xi32> to vector<16xi32>
        tpu.vector_store %arg21[%swap3A_1185], %swap3A_1188 {strides = array<i32>} : memref<80xi32, #tpu.memory_space<vmem>>, vector<16xi32>,
        %get3A_1189 = arith.constant 112 : index
        %get3A_1190 = tpu.vector_load %arg9[%get3A_1189] {strides = array<i32>} : memref<480xi32, #tpu.memory_space<vmem>>, vector<16xi32>,
        %get3A_1191 = vector.shape_cast %get3A_1190 : vector<16xi32> to vector<16xi32>
        %add3A_1192 = vector.broadcast %squeeze3A : i32 to vector<16xi32>
        %add3A_1193 = arith.addi %get3A_1191, %add3A_1192 : vector<16xi32>
        %shift_right_arithmetic3A_1194 = arith.constant 2 : i32
        %shift_right_arithmetic3A_1195 = vector.broadcast %shift_right_arithmetic3A_1194 : i32 to vector<16xi32>
        %shift_right_arithmetic3A_1196 = arith.shrsi %add3A_1193, %shift_right_arithmetic3A_1195 : vector<16xi32>
        %add3A_1197 = vector.broadcast %squeeze3A_30 : i32 to vector<16xi32>
        %add3A_1198 = arith.addi %shift_right_arithmetic3A_1196, %add3A_1197 : vector<16xi32>
        %jit3A_1199 = arith.constant 0 : i32
        %jit3A_1200 = arith.constant 63 : i32
        %max3A_1201 = vector.broadcast %jit3A_1199 : i32 to vector<16xi32>
        %max3A_1202 = arith.maxsi %max3A_1201, %add3A_1198 : vector<16xi32>
        %min3A_1203 = vector.broadcast %jit3A_1200 : i32 to vector<16xi32>
        %min3A_1204 = arith.minsi %min3A_1203, %max3A_1202 : vector<16xi32>
        %get3A_1205 = arith.constant 272 : index
        %get3A_1206 = tpu.vector_load %arg9[%get3A_1205] {strides = array<i32>} : memref<480xi32, #tpu.memory_space<vmem>>, vector<16xi32>,
        %get3A_1207 = vector.shape_cast %get3A_1206 : vector<16xi32> to vector<16xi32>
        %add3A_1208 = vector.broadcast %squeeze3A_26 : i32 to vector<16xi32>
        %add3A_1209 = arith.addi %get3A_1207, %add3A_1208 : vector<16xi32>
        %shift_right_arithmetic3A_1210 = arith.constant 2 : i32
        %shift_right_arithmetic3A_1211 = vector.broadcast %shift_right_arithmetic3A_1210 : i32 to vector<16xi32>
        %shift_right_arithmetic3A_1212 = arith.shrsi %add3A_1209, %shift_right_arithmetic3A_1211 : vector<16xi32>
        %add3A_1213 = vector.broadcast %squeeze3A_32 : i32 to vector<16xi32>
        %add3A_1214 = arith.addi %shift_right_arithmetic3A_1212, %add3A_1213 : vector<16xi32>
        %jit3A_1215 = arith.constant 0 : i32
        %jit3A_1216 = arith.constant 63 : i32
        %max3A_1217 = vector.broadcast %jit3A_1215 : i32 to vector<16xi32>
        %max3A_1218 = arith.maxsi %max3A_1217, %add3A_1214 : vector<16xi32>
        %min3A_1219 = vector.broadcast %jit3A_1216 : i32 to vector<16xi32>
        %min3A_1220 = arith.minsi %min3A_1219, %max3A_1218 : vector<16xi32>
        %get3A_1221 = arith.constant 432 : index
        %get3A_1222 = tpu.vector_load %arg9[%get3A_1221] {strides = array<i32>} : memref<480xi32, #tpu.memory_space<vmem>>, vector<16xi32>,
        %get3A_1223 = vector.shape_cast %get3A_1222 : vector<16xi32> to vector<16xi32>
        %add3A_1224 = vector.broadcast %squeeze3A_28 : i32 to vector<16xi32>
        %add3A_1225 = arith.addi %get3A_1223, %add3A_1224 : vector<16xi32>
        %shift_right_arithmetic3A_1226 = arith.constant 2 : i32
        %shift_right_arithmetic3A_1227 = vector.broadcast %shift_right_arithmetic3A_1226 : i32 to vector<16xi32>
        %shift_right_arithmetic3A_1228 = arith.shrsi %add3A_1225, %shift_right_arithmetic3A_1227 : vector<16xi32>
        %add3A_1229 = vector.broadcast %squeeze3A_34 : i32 to vector<16xi32>
        %add3A_1230 = arith.addi %shift_right_arithmetic3A_1228, %add3A_1229 : vector<16xi32>
        %jit3A_1231 = arith.constant 0 : i32
        %jit3A_1232 = arith.constant 63 : i32
        %max3A_1233 = vector.broadcast %jit3A_1231 : i32 to vector<16xi32>
        %max3A_1234 = arith.maxsi %max3A_1233, %add3A_1230 : vector<16xi32>
        %min3A_1235 = vector.broadcast %jit3A_1232 : i32 to vector<16xi32>
        %min3A_1236 = arith.minsi %min3A_1235, %max3A_1234 : vector<16xi32>
        %mul3A_1237 = arith.constant 4096 : i32
        %mul3A_1238 = vector.broadcast %mul3A_1237 : i32 to vector<16xi32>
        %mul3A_1239 = arith.muli %min3A_1204, %mul3A_1238 : vector<16xi32>
        %mul3A_1240 = arith.constant 64 : i32
        %mul3A_1241 = vector.broadcast %mul3A_1240 : i32 to vector<16xi32>
        %mul3A_1242 = arith.muli %min3A_1220, %mul3A_1241 : vector<16xi32>
        %add3A_1243 = arith.addi %mul3A_1239, %mul3A_1242 : vector<16xi32>
        %add3A_1244 = arith.addi %add3A_1243, %min3A_1236 : vector<16xi32>
        %swap3A_1245 = arith.constant 32 : index
        %swap3A_1246 = tpu.vector_load %arg21[%swap3A_1245] {strides = array<i32>} : memref<80xi32, #tpu.memory_space<vmem>>, vector<16xi32>,
        %swap3A_1247 = vector.shape_cast %swap3A_1246 : vector<16xi32> to vector<16xi32>
        %swap3A_1248 = vector.shape_cast %add3A_1244 : vector<16xi32> to vector<16xi32>
        tpu.vector_store %arg21[%swap3A_1245], %swap3A_1248 {strides = array<i32>} : memref<80xi32, #tpu.memory_space<vmem>>, vector<16xi32>,
        %get3A_1249 = arith.constant 128 : index
        %get3A_1250 = tpu.vector_load %arg9[%get3A_1249] {strides = array<i32>} : memref<480xi32, #tpu.memory_space<vmem>>, vector<16xi32>,
        %get3A_1251 = vector.shape_cast %get3A_1250 : vector<16xi32> to vector<16xi32>
        %add3A_1252 = vector.broadcast %squeeze3A : i32 to vector<16xi32>
        %add3A_1253 = arith.addi %get3A_1251, %add3A_1252 : vector<16xi32>
        %shift_right_arithmetic3A_1254 = arith.constant 2 : i32
        %shift_right_arithmetic3A_1255 = vector.broadcast %shift_right_arithmetic3A_1254 : i32 to vector<16xi32>
        %shift_right_arithmetic3A_1256 = arith.shrsi %add3A_1253, %shift_right_arithmetic3A_1255 : vector<16xi32>
        %add3A_1257 = vector.broadcast %squeeze3A_30 : i32 to vector<16xi32>
        %add3A_1258 = arith.addi %shift_right_arithmetic3A_1256, %add3A_1257 : vector<16xi32>
        %jit3A_1259 = arith.constant 0 : i32
        %jit3A_1260 = arith.constant 63 : i32
        %max3A_1261 = vector.broadcast %jit3A_1259 : i32 to vector<16xi32>
        %max3A_1262 = arith.maxsi %max3A_1261, %add3A_1258 : vector<16xi32>
        %min3A_1263 = vector.broadcast %jit3A_1260 : i32 to vector<16xi32>
        %min3A_1264 = arith.minsi %min3A_1263, %max3A_1262 : vector<16xi32>
        %get3A_1265 = arith.constant 288 : index
        %get3A_1266 = tpu.vector_load %arg9[%get3A_1265] {strides = array<i32>} : memref<480xi32, #tpu.memory_space<vmem>>, vector<16xi32>,
        %get3A_1267 = vector.shape_cast %get3A_1266 : vector<16xi32> to vector<16xi32>
        %add3A_1268 = vector.broadcast %squeeze3A_26 : i32 to vector<16xi32>
        %add3A_1269 = arith.addi %get3A_1267, %add3A_1268 : vector<16xi32>
        %shift_right_arithmetic3A_1270 = arith.constant 2 : i32
        %shift_right_arithmetic3A_1271 = vector.broadcast %shift_right_arithmetic3A_1270 : i32 to vector<16xi32>
        %shift_right_arithmetic3A_1272 = arith.shrsi %add3A_1269, %shift_right_arithmetic3A_1271 : vector<16xi32>
        %add3A_1273 = vector.broadcast %squeeze3A_32 : i32 to vector<16xi32>
        %add3A_1274 = arith.addi %shift_right_arithmetic3A_1272, %add3A_1273 : vector<16xi32>
        %jit3A_1275 = arith.constant 0 : i32
        %jit3A_1276 = arith.constant 63 : i32
        %max3A_1277 = vector.broadcast %jit3A_1275 : i32 to vector<16xi32>
        %max3A_1278 = arith.maxsi %max3A_1277, %add3A_1274 : vector<16xi32>
        %min3A_1279 = vector.broadcast %jit3A_1276 : i32 to vector<16xi32>
        %min3A_1280 = arith.minsi %min3A_1279, %max3A_1278 : vector<16xi32>
        %get3A_1281 = arith.constant 448 : index
        %get3A_1282 = tpu.vector_load %arg9[%get3A_1281] {strides = array<i32>} : memref<480xi32, #tpu.memory_space<vmem>>, vector<16xi32>,
        %get3A_1283 = vector.shape_cast %get3A_1282 : vector<16xi32> to vector<16xi32>
        %add3A_1284 = vector.broadcast %squeeze3A_28 : i32 to vector<16xi32>
        %add3A_1285 = arith.addi %get3A_1283, %add3A_1284 : vector<16xi32>
        %shift_right_arithmetic3A_1286 = arith.constant 2 : i32
        %shift_right_arithmetic3A_1287 = vector.broadcast %shift_right_arithmetic3A_1286 : i32 to vector<16xi32>
        %shift_right_arithmetic3A_1288 = arith.shrsi %add3A_1285, %shift_right_arithmetic3A_1287 : vector<16xi32>
        %add3A_1289 = vector.broadcast %squeeze3A_34 : i32 to vector<16xi32>
        %add3A_1290 = arith.addi %shift_right_arithmetic3A_1288, %add3A_1289 : vector<16xi32>
        %jit3A_1291 = arith.constant 0 : i32
        %jit3A_1292 = arith.constant 63 : i32
        %max3A_1293 = vector.broadcast %jit3A_1291 : i32 to vector<16xi32>
        %max3A_1294 = arith.maxsi %max3A_1293, %add3A_1290 : vector<16xi32>
        %min3A_1295 = vector.broadcast %jit3A_1292 : i32 to vector<16xi32>
        %min3A_1296 = arith.minsi %min3A_1295, %max3A_1294 : vector<16xi32>
        %mul3A_1297 = arith.constant 4096 : i32
        %mul3A_1298 = vector.broadcast %mul3A_1297 : i32 to vector<16xi32>
        %mul3A_1299 = arith.muli %min3A_1264, %mul3A_1298 : vector<16xi32>
        %mul3A_1300 = arith.constant 64 : i32
        %mul3A_1301 = vector.broadcast %mul3A_1300 : i32 to vector<16xi32>
        %mul3A_1302 = arith.muli %min3A_1280, %mul3A_1301 : vector<16xi32>
        %add3A_1303 = arith.addi %mul3A_1299, %mul3A_1302 : vector<16xi32>
        %add3A_1304 = arith.addi %add3A_1303, %min3A_1296 : vector<16xi32>
        %swap3A_1305 = arith.constant 48 : index
        %swap3A_1306 = tpu.vector_load %arg21[%swap3A_1305] {strides = array<i32>} : memref<80xi32, #tpu.memory_space<vmem>>, vector<16xi32>,
        %swap3A_1307 = vector.shape_cast %swap3A_1306 : vector<16xi32> to vector<16xi32>
        %swap3A_1308 = vector.shape_cast %add3A_1304 : vector<16xi32> to vector<16xi32>
        tpu.vector_store %arg21[%swap3A_1305], %swap3A_1308 {strides = array<i32>} : memref<80xi32, #tpu.memory_space<vmem>>, vector<16xi32>,
        %get3A_1309 = arith.constant 144 : index
        %get3A_1310 = tpu.vector_load %arg9[%get3A_1309] {strides = array<i32>} : memref<480xi32, #tpu.memory_space<vmem>>, vector<16xi32>,
        %get3A_1311 = vector.shape_cast %get3A_1310 : vector<16xi32> to vector<16xi32>
        %add3A_1312 = vector.broadcast %squeeze3A : i32 to vector<16xi32>
        %add3A_1313 = arith.addi %get3A_1311, %add3A_1312 : vector<16xi32>
        %shift_right_arithmetic3A_1314 = arith.constant 2 : i32
        %shift_right_arithmetic3A_1315 = vector.broadcast %shift_right_arithmetic3A_1314 : i32 to vector<16xi32>
        %shift_right_arithmetic3A_1316 = arith.shrsi %add3A_1313, %shift_right_arithmetic3A_1315 : vector<16xi32>
        %add3A_1317 = vector.broadcast %squeeze3A_30 : i32 to vector<16xi32>
        %add3A_1318 = arith.addi %shift_right_arithmetic3A_1316, %add3A_1317 : vector<16xi32>
        %jit3A_1319 = arith.constant 0 : i32
        %jit3A_1320 = arith.constant 63 : i32
        %max3A_1321 = vector.broadcast %jit3A_1319 : i32 to vector<16xi32>
        %max3A_1322 = arith.maxsi %max3A_1321, %add3A_1318 : vector<16xi32>
        %min3A_1323 = vector.broadcast %jit3A_1320 : i32 to vector<16xi32>
        %min3A_1324 = arith.minsi %min3A_1323, %max3A_1322 : vector<16xi32>
        %get3A_1325 = arith.constant 304 : index
        %get3A_1326 = tpu.vector_load %arg9[%get3A_1325] {strides = array<i32>} : memref<480xi32, #tpu.memory_space<vmem>>, vector<16xi32>,
        %get3A_1327 = vector.shape_cast %get3A_1326 : vector<16xi32> to vector<16xi32>
        %add3A_1328 = vector.broadcast %squeeze3A_26 : i32 to vector<16xi32>
        %add3A_1329 = arith.addi %get3A_1327, %add3A_1328 : vector<16xi32>
        %shift_right_arithmetic3A_1330 = arith.constant 2 : i32
        %shift_right_arithmetic3A_1331 = vector.broadcast %shift_right_arithmetic3A_1330 : i32 to vector<16xi32>
        %shift_right_arithmetic3A_1332 = arith.shrsi %add3A_1329, %shift_right_arithmetic3A_1331 : vector<16xi32>
        %add3A_1333 = vector.broadcast %squeeze3A_32 : i32 to vector<16xi32>
        %add3A_1334 = arith.addi %shift_right_arithmetic3A_1332, %add3A_1333 : vector<16xi32>
        %jit3A_1335 = arith.constant 0 : i32
        %jit3A_1336 = arith.constant 63 : i32
        %max3A_1337 = vector.broadcast %jit3A_1335 : i32 to vector<16xi32>
        %max3A_1338 = arith.maxsi %max3A_1337, %add3A_1334 : vector<16xi32>
        %min3A_1339 = vector.broadcast %jit3A_1336 : i32 to vector<16xi32>
        %min3A_1340 = arith.minsi %min3A_1339, %max3A_1338 : vector<16xi32>
        %get3A_1341 = arith.constant 464 : index
        %get3A_1342 = tpu.vector_load %arg9[%get3A_1341] {strides = array<i32>} : memref<480xi32, #tpu.memory_space<vmem>>, vector<16xi32>,
        %get3A_1343 = vector.shape_cast %get3A_1342 : vector<16xi32> to vector<16xi32>
        %add3A_1344 = vector.broadcast %squeeze3A_28 : i32 to vector<16xi32>
        %add3A_1345 = arith.addi %get3A_1343, %add3A_1344 : vector<16xi32>
        %shift_right_arithmetic3A_1346 = arith.constant 2 : i32
        %shift_right_arithmetic3A_1347 = vector.broadcast %shift_right_arithmetic3A_1346 : i32 to vector<16xi32>
        %shift_right_arithmetic3A_1348 = arith.shrsi %add3A_1345, %shift_right_arithmetic3A_1347 : vector<16xi32>
        %add3A_1349 = vector.broadcast %squeeze3A_34 : i32 to vector<16xi32>
        %add3A_1350 = arith.addi %shift_right_arithmetic3A_1348, %add3A_1349 : vector<16xi32>
        %jit3A_1351 = arith.constant 0 : i32
        %jit3A_1352 = arith.constant 63 : i32
        %max3A_1353 = vector.broadcast %jit3A_1351 : i32 to vector<16xi32>
        %max3A_1354 = arith.maxsi %max3A_1353, %add3A_1350 : vector<16xi32>
        %min3A_1355 = vector.broadcast %jit3A_1352 : i32 to vector<16xi32>
        %min3A_1356 = arith.minsi %min3A_1355, %max3A_1354 : vector<16xi32>
        %mul3A_1357 = arith.constant 4096 : i32
        %mul3A_1358 = vector.broadcast %mul3A_1357 : i32 to vector<16xi32>
        %mul3A_1359 = arith.muli %min3A_1324, %mul3A_1358 : vector<16xi32>
        %mul3A_1360 = arith.constant 64 : i32
        %mul3A_1361 = vector.broadcast %mul3A_1360 : i32 to vector<16xi32>
        %mul3A_1362 = arith.muli %min3A_1340, %mul3A_1361 : vector<16xi32>
        %add3A_1363 = arith.addi %mul3A_1359, %mul3A_1362 : vector<16xi32>
        %add3A_1364 = arith.addi %add3A_1363, %min3A_1356 : vector<16xi32>
        %swap3A_1365 = arith.constant 64 : index
        %swap3A_1366 = tpu.vector_load %arg21[%swap3A_1365] {strides = array<i32>} : memref<80xi32, #tpu.memory_space<vmem>>, vector<16xi32>,
        %swap3A_1367 = vector.shape_cast %swap3A_1366 : vector<16xi32> to vector<16xi32>
        %swap3A_1368 = vector.shape_cast %add3A_1364 : vector<16xi32> to vector<16xi32>
        tpu.vector_store %arg21[%swap3A_1365], %swap3A_1368 {strides = array<i32>} : memref<80xi32, #tpu.memory_space<vmem>>, vector<16xi32>,
        %dma_start3A_1369 = arith.constant 0 : i32
        %dma_start3A_1370 = arith.constant 0 : i32
        %dma_start3A_1371 = tpu.memref_slice %arg15[%dma_start3A_1369, %dma_start3A_1370] : memref<160x128xf32, #tpu.memory_space<vmem>> -> memref<80x128xf32, #tpu.memory_space<vmem>>
        %dma_start3A_1372 = arith.constant 0 : i32
        %dma_start3A_1373 = arith.constant 0 : i32
        %dma_start3A_1374 = tpu.memref_slice %arg4[%dma_start3A_1372, %dma_start3A_1373] : memref<262144x128xf32, #tpu.memory_space<hbm>> -> memref<262144x128xf32, #tpu.memory_space<hbm>>
        tpu.enqueue_indirect_dma source(%dma_start3A_1374 : memref<262144x128xf32, #tpu.memory_space<hbm>>) target(%dma_start3A_1371 : memref<80x128xf32, #tpu.memory_space<vmem>>) offsets(%arg20 : memref<80xi32, #tpu.memory_space<vmem>>) semaphore(%arg33 : memref<!tpu.dma_semaphore, #tpu.memory_space<semaphore_mem>>)
        %dma_start3A_1375 = arith.constant 80 : i32
        %dma_start3A_1376 = arith.constant 0 : i32
        %dma_start3A_1377 = tpu.memref_slice %arg15[%dma_start3A_1375, %dma_start3A_1376] : memref<160x128xf32, #tpu.memory_space<vmem>> -> memref<80x128xf32, #tpu.memory_space<vmem>>
        %dma_start3A_1378 = arith.constant 0 : i32
        %dma_start3A_1379 = arith.constant 0 : i32
        %dma_start3A_1380 = tpu.memref_slice %arg4[%dma_start3A_1378, %dma_start3A_1379] : memref<262144x128xf32, #tpu.memory_space<hbm>> -> memref<262144x128xf32, #tpu.memory_space<hbm>>
        tpu.enqueue_indirect_dma source(%dma_start3A_1380 : memref<262144x128xf32, #tpu.memory_space<hbm>>) target(%dma_start3A_1377 : memref<80x128xf32, #tpu.memory_space<vmem>>) offsets(%arg21 : memref<80xi32, #tpu.memory_space<vmem>>) semaphore(%arg34 : memref<!tpu.dma_semaphore, #tpu.memory_space<semaphore_mem>>)
      } else {
      }
      %mul3A_738 = arith.constant 3 : i32
      %mul3A_739 = arith.muli %scan3A_700, %mul3A_738 : i32
      %add3A_740 = arith.constant 2 : i32
      %add3A_741 = arith.addi %mul3A_739, %add3A_740 : i32
      %lt3A_742 = arith.cmpi slt, %add3A_741, %select_n3A : i32
      %convert_element_type3A_743 = arith.extui %lt3A_742 : i1 to i32
      %cond3A_744 = arith.constant 0 : i32
      %cond3A_745 = arith.cmpi ne, %convert_element_type3A_743, %cond3A_744 : i32
      scf.if %cond3A_745 {
        %mul3A_758 = arith.constant 32 : i32
        %mul3A_759 = arith.muli %add3A_741, %mul3A_758 : i32
        %add3A_760 = arith.addi %add3A, %mul3A_759 : i32
        %mul3A_761 = arith.constant 32 : i32
        %mul3A_762 = arith.muli %add3A_741, %mul3A_761 : i32
        %add3A_763 = arith.addi %add3A, %mul3A_762 : i32
        %mul3A_764 = arith.constant 160 : i32
        %mul3A_765 = arith.muli %add3A_763, %mul3A_764 : i32
        %dma_wait3A_766 = arith.constant 0 : i32
        %dma_wait3A_767 = tpu.memref_slice %arg3[%mul3A_765, %dma_wait3A_766] : memref<200000x128xf32, #tpu.memory_space<hbm>> -> memref<160x128xf32, #tpu.memory_space<hbm>>
        %dma_wait3A_768 = arith.constant 0 : i32
        %dma_wait3A_769 = tpu.memref_slice %arg3[%mul3A_765, %dma_wait3A_768] : memref<200000x128xf32, #tpu.memory_space<hbm>> -> memref<160x128xf32, #tpu.memory_space<hbm>>
        tpu.wait_dma2 semaphore(%arg28 : memref<!tpu.dma_semaphore, #tpu.memory_space<semaphore_mem>>) src(%dma_wait3A_769 : memref<160x128xf32, #tpu.memory_space<hbm>>) dst(%arg12 : memref<160x128xf32, #tpu.memory_space<vmem>>)
        %dma_wait3A_770 = arith.constant 0 : i32
        %dma_wait3A_771 = arith.constant 0 : i32
        %dma_wait3A_772 = tpu.memref_slice %arg15[%dma_wait3A_770, %dma_wait3A_771] : memref<160x128xf32, #tpu.memory_space<vmem>> -> memref<80x128xf32, #tpu.memory_space<vmem>>
        %dma_wait3A_773 = arith.constant 0 : i32
        %dma_wait3A_774 = arith.constant 0 : i32
        %dma_wait3A_775 = tpu.memref_slice %arg4[%dma_wait3A_773, %dma_wait3A_774] : memref<262144x128xf32, #tpu.memory_space<hbm>> -> memref<262144x128xf32, #tpu.memory_space<hbm>>
        tpu.wait_indirect_dma semaphore(%arg33 : memref<!tpu.dma_semaphore, #tpu.memory_space<semaphore_mem>>) src(%dma_wait3A_775 : memref<262144x128xf32, #tpu.memory_space<hbm>>) dst(%dma_wait3A_772 : memref<80x128xf32, #tpu.memory_space<vmem>>)
        %scan3A_776 = arith.constant 0 : i32
        %scan3A_777 = arith.constant 0 : i32
        %scan3A_778 = arith.constant 80 : i32
        %scan3A_779 = arith.addi %scan3A_777, %scan3A_778 : i32
        %scan3A_780 = arith.constant 1 : i32
        scf.for %scan3A_800 = %scan3A_777 to %scan3A_779 step %scan3A_780  : i32 {
          %get3A_801 = arith.index_cast %scan3A_800 : i32 to index
          %get3A_802 = arith.constant 0 : index
          %get3A_803 = tpu.vector_load %arg15[%get3A_801, %get3A_802] {strides = array<i32>} : memref<160x128xf32, #tpu.memory_space<vmem>>, vector<1x16xf32>,
          %get3A_804 = vector.shape_cast %get3A_803 : vector<1x16xf32> to vector<16xf32>
          %swap3A_805 = arith.index_cast %scan3A_800 : i32 to index
          %swap3A_806 = arith.constant 0 : index
          %swap3A_807 = tpu.vector_load %arg12[%swap3A_805, %swap3A_806] {strides = array<i32>} : memref<160x128xf32, #tpu.memory_space<vmem>>, vector<1x16xf32>,
          %swap3A_808 = vector.shape_cast %swap3A_807 : vector<1x16xf32> to vector<16xf32>
          %swap3A_809 = vector.shape_cast %get3A_804 : vector<16xf32> to vector<1x16xf32>
          tpu.vector_store %arg12[%swap3A_805, %swap3A_806], %swap3A_809 {add = true, strides = array<i32>} : memref<160x128xf32, #tpu.memory_space<vmem>>, vector<1x16xf32>,
          %get3A_810 = arith.index_cast %scan3A_800 : i32 to index
          %get3A_811 = arith.constant 16 : index
          %get3A_812 = tpu.vector_load %arg15[%get3A_810, %get3A_811] {strides = array<i32>} : memref<160x128xf32, #tpu.memory_space<vmem>>, vector<1x16xf32>,
          %get3A_813 = vector.shape_cast %get3A_812 : vector<1x16xf32> to vector<16xf32>
          %swap3A_814 = arith.index_cast %scan3A_800 : i32 to index
          %swap3A_815 = arith.constant 16 : index
          %swap3A_816 = tpu.vector_load %arg12[%swap3A_814, %swap3A_815] {strides = array<i32>} : memref<160x128xf32, #tpu.memory_space<vmem>>, vector<1x16xf32>,
          %swap3A_817 = vector.shape_cast %swap3A_816 : vector<1x16xf32> to vector<16xf32>
          %swap3A_818 = vector.shape_cast %get3A_813 : vector<16xf32> to vector<1x16xf32>
          tpu.vector_store %arg12[%swap3A_814, %swap3A_815], %swap3A_818 {add = true, strides = array<i32>} : memref<160x128xf32, #tpu.memory_space<vmem>>, vector<1x16xf32>,
          %get3A_819 = arith.index_cast %scan3A_800 : i32 to index
          %get3A_820 = arith.constant 32 : index
          %get3A_821 = tpu.vector_load %arg15[%get3A_819, %get3A_820] {strides = array<i32>} : memref<160x128xf32, #tpu.memory_space<vmem>>, vector<1x16xf32>,
          %get3A_822 = vector.shape_cast %get3A_821 : vector<1x16xf32> to vector<16xf32>
          %swap3A_823 = arith.index_cast %scan3A_800 : i32 to index
          %swap3A_824 = arith.constant 32 : index
          %swap3A_825 = tpu.vector_load %arg12[%swap3A_823, %swap3A_824] {strides = array<i32>} : memref<160x128xf32, #tpu.memory_space<vmem>>, vector<1x16xf32>,
          %swap3A_826 = vector.shape_cast %swap3A_825 : vector<1x16xf32> to vector<16xf32>
          %swap3A_827 = vector.shape_cast %get3A_822 : vector<16xf32> to vector<1x16xf32>
          tpu.vector_store %arg12[%swap3A_823, %swap3A_824], %swap3A_827 {add = true, strides = array<i32>} : memref<160x128xf32, #tpu.memory_space<vmem>>, vector<1x16xf32>,
          %get3A_828 = arith.index_cast %scan3A_800 : i32 to index
          %get3A_829 = arith.constant 48 : index
          %get3A_830 = tpu.vector_load %arg15[%get3A_828, %get3A_829] {strides = array<i32>} : memref<160x128xf32, #tpu.memory_space<vmem>>, vector<1x16xf32>,
          %get3A_831 = vector.shape_cast %get3A_830 : vector<1x16xf32> to vector<16xf32>
          %swap3A_832 = arith.index_cast %scan3A_800 : i32 to index
          %swap3A_833 = arith.constant 48 : index
          %swap3A_834 = tpu.vector_load %arg12[%swap3A_832, %swap3A_833] {strides = array<i32>} : memref<160x128xf32, #tpu.memory_space<vmem>>, vector<1x16xf32>,
          %swap3A_835 = vector.shape_cast %swap3A_834 : vector<1x16xf32> to vector<16xf32>
          %swap3A_836 = vector.shape_cast %get3A_831 : vector<16xf32> to vector<1x16xf32>
          tpu.vector_store %arg12[%swap3A_832, %swap3A_833], %swap3A_836 {add = true, strides = array<i32>} : memref<160x128xf32, #tpu.memory_space<vmem>>, vector<1x16xf32>,
          %get3A_837 = arith.index_cast %scan3A_800 : i32 to index
          %get3A_838 = arith.constant 64 : index
          %get3A_839 = tpu.vector_load %arg15[%get3A_837, %get3A_838] {strides = array<i32>} : memref<160x128xf32, #tpu.memory_space<vmem>>, vector<1x16xf32>,
          %get3A_840 = vector.shape_cast %get3A_839 : vector<1x16xf32> to vector<16xf32>
          %swap3A_841 = arith.index_cast %scan3A_800 : i32 to index
          %swap3A_842 = arith.constant 64 : index
          %swap3A_843 = tpu.vector_load %arg12[%swap3A_841, %swap3A_842] {strides = array<i32>} : memref<160x128xf32, #tpu.memory_space<vmem>>, vector<1x16xf32>,
          %swap3A_844 = vector.shape_cast %swap3A_843 : vector<1x16xf32> to vector<16xf32>
          %swap3A_845 = vector.shape_cast %get3A_840 : vector<16xf32> to vector<1x16xf32>
          tpu.vector_store %arg12[%swap3A_841, %swap3A_842], %swap3A_845 {add = true, strides = array<i32>} : memref<160x128xf32, #tpu.memory_space<vmem>>, vector<1x16xf32>,
          %get3A_846 = arith.index_cast %scan3A_800 : i32 to index
          %get3A_847 = arith.constant 80 : index
          %get3A_848 = tpu.vector_load %arg15[%get3A_846, %get3A_847] {strides = array<i32>} : memref<160x128xf32, #tpu.memory_space<vmem>>, vector<1x16xf32>,
          %get3A_849 = vector.shape_cast %get3A_848 : vector<1x16xf32> to vector<16xf32>
          %swap3A_850 = arith.index_cast %scan3A_800 : i32 to index
          %swap3A_851 = arith.constant 80 : index
          %swap3A_852 = tpu.vector_load %arg12[%swap3A_850, %swap3A_851] {strides = array<i32>} : memref<160x128xf32, #tpu.memory_space<vmem>>, vector<1x16xf32>,
          %swap3A_853 = vector.shape_cast %swap3A_852 : vector<1x16xf32> to vector<16xf32>
          %swap3A_854 = vector.shape_cast %get3A_849 : vector<16xf32> to vector<1x16xf32>
          tpu.vector_store %arg12[%swap3A_850, %swap3A_851], %swap3A_854 {add = true, strides = array<i32>} : memref<160x128xf32, #tpu.memory_space<vmem>>, vector<1x16xf32>,
          %get3A_855 = arith.index_cast %scan3A_800 : i32 to index
          %get3A_856 = arith.constant 96 : index
          %get3A_857 = tpu.vector_load %arg15[%get3A_855, %get3A_856] {strides = array<i32>} : memref<160x128xf32, #tpu.memory_space<vmem>>, vector<1x16xf32>,
          %get3A_858 = vector.shape_cast %get3A_857 : vector<1x16xf32> to vector<16xf32>
          %swap3A_859 = arith.index_cast %scan3A_800 : i32 to index
          %swap3A_860 = arith.constant 96 : index
          %swap3A_861 = tpu.vector_load %arg12[%swap3A_859, %swap3A_860] {strides = array<i32>} : memref<160x128xf32, #tpu.memory_space<vmem>>, vector<1x16xf32>,
          %swap3A_862 = vector.shape_cast %swap3A_861 : vector<1x16xf32> to vector<16xf32>
          %swap3A_863 = vector.shape_cast %get3A_858 : vector<16xf32> to vector<1x16xf32>
          tpu.vector_store %arg12[%swap3A_859, %swap3A_860], %swap3A_863 {add = true, strides = array<i32>} : memref<160x128xf32, #tpu.memory_space<vmem>>, vector<1x16xf32>,
          %get3A_864 = arith.index_cast %scan3A_800 : i32 to index
          %get3A_865 = arith.constant 112 : index
          %get3A_866 = tpu.vector_load %arg15[%get3A_864, %get3A_865] {strides = array<i32>} : memref<160x128xf32, #tpu.memory_space<vmem>>, vector<1x16xf32>,
          %get3A_867 = vector.shape_cast %get3A_866 : vector<1x16xf32> to vector<16xf32>
          %swap3A_868 = arith.index_cast %scan3A_800 : i32 to index
          %swap3A_869 = arith.constant 112 : index
          %swap3A_870 = tpu.vector_load %arg12[%swap3A_868, %swap3A_869] {strides = array<i32>} : memref<160x128xf32, #tpu.memory_space<vmem>>, vector<1x16xf32>,
          %swap3A_871 = vector.shape_cast %swap3A_870 : vector<1x16xf32> to vector<16xf32>
          %swap3A_872 = vector.shape_cast %get3A_867 : vector<16xf32> to vector<1x16xf32>
          tpu.vector_store %arg12[%swap3A_868, %swap3A_869], %swap3A_872 {add = true, strides = array<i32>} : memref<160x128xf32, #tpu.memory_space<vmem>>, vector<1x16xf32>,
        }
        %scan3A_781 = arith.constant 80 : i32
        %dma_wait3A_782 = arith.constant 80 : i32
        %dma_wait3A_783 = arith.constant 0 : i32
        %dma_wait3A_784 = tpu.memref_slice %arg15[%dma_wait3A_782, %dma_wait3A_783] : memref<160x128xf32, #tpu.memory_space<vmem>> -> memref<80x128xf32, #tpu.memory_space<vmem>>
        %dma_wait3A_785 = arith.constant 0 : i32
        %dma_wait3A_786 = arith.constant 0 : i32
        %dma_wait3A_787 = tpu.memref_slice %arg4[%dma_wait3A_785, %dma_wait3A_786] : memref<262144x128xf32, #tpu.memory_space<hbm>> -> memref<262144x128xf32, #tpu.memory_space<hbm>>
        tpu.wait_indirect_dma semaphore(%arg34 : memref<!tpu.dma_semaphore, #tpu.memory_space<semaphore_mem>>) src(%dma_wait3A_787 : memref<262144x128xf32, #tpu.memory_space<hbm>>) dst(%dma_wait3A_784 : memref<80x128xf32, #tpu.memory_space<vmem>>)
        %scan3A_788 = arith.constant 0 : i32
        %scan3A_789 = arith.constant 80 : i32
        %scan3A_790 = arith.constant 80 : i32
        %scan3A_791 = arith.addi %scan3A_789, %scan3A_790 : i32
        %scan3A_792 = arith.constant 1 : i32
        scf.for %scan3A_800 = %scan3A_789 to %scan3A_791 step %scan3A_792  : i32 {
          %get3A_801 = arith.index_cast %scan3A_800 : i32 to index
          %get3A_802 = arith.constant 0 : index
          %get3A_803 = tpu.vector_load %arg15[%get3A_801, %get3A_802] {strides = array<i32>} : memref<160x128xf32, #tpu.memory_space<vmem>>, vector<1x16xf32>,
          %get3A_804 = vector.shape_cast %get3A_803 : vector<1x16xf32> to vector<16xf32>
          %swap3A_805 = arith.index_cast %scan3A_800 : i32 to index
          %swap3A_806 = arith.constant 0 : index
          %swap3A_807 = tpu.vector_load %arg12[%swap3A_805, %swap3A_806] {strides = array<i32>} : memref<160x128xf32, #tpu.memory_space<vmem>>, vector<1x16xf32>,
          %swap3A_808 = vector.shape_cast %swap3A_807 : vector<1x16xf32> to vector<16xf32>
          %swap3A_809 = vector.shape_cast %get3A_804 : vector<16xf32> to vector<1x16xf32>
          tpu.vector_store %arg12[%swap3A_805, %swap3A_806], %swap3A_809 {add = true, strides = array<i32>} : memref<160x128xf32, #tpu.memory_space<vmem>>, vector<1x16xf32>,
          %get3A_810 = arith.index_cast %scan3A_800 : i32 to index
          %get3A_811 = arith.constant 16 : index
          %get3A_812 = tpu.vector_load %arg15[%get3A_810, %get3A_811] {strides = array<i32>} : memref<160x128xf32, #tpu.memory_space<vmem>>, vector<1x16xf32>,
          %get3A_813 = vector.shape_cast %get3A_812 : vector<1x16xf32> to vector<16xf32>
          %swap3A_814 = arith.index_cast %scan3A_800 : i32 to index
          %swap3A_815 = arith.constant 16 : index
          %swap3A_816 = tpu.vector_load %arg12[%swap3A_814, %swap3A_815] {strides = array<i32>} : memref<160x128xf32, #tpu.memory_space<vmem>>, vector<1x16xf32>,
          %swap3A_817 = vector.shape_cast %swap3A_816 : vector<1x16xf32> to vector<16xf32>
          %swap3A_818 = vector.shape_cast %get3A_813 : vector<16xf32> to vector<1x16xf32>
          tpu.vector_store %arg12[%swap3A_814, %swap3A_815], %swap3A_818 {add = true, strides = array<i32>} : memref<160x128xf32, #tpu.memory_space<vmem>>, vector<1x16xf32>,
          %get3A_819 = arith.index_cast %scan3A_800 : i32 to index
          %get3A_820 = arith.constant 32 : index
          %get3A_821 = tpu.vector_load %arg15[%get3A_819, %get3A_820] {strides = array<i32>} : memref<160x128xf32, #tpu.memory_space<vmem>>, vector<1x16xf32>,
          %get3A_822 = vector.shape_cast %get3A_821 : vector<1x16xf32> to vector<16xf32>
          %swap3A_823 = arith.index_cast %scan3A_800 : i32 to index
          %swap3A_824 = arith.constant 32 : index
          %swap3A_825 = tpu.vector_load %arg12[%swap3A_823, %swap3A_824] {strides = array<i32>} : memref<160x128xf32, #tpu.memory_space<vmem>>, vector<1x16xf32>,
          %swap3A_826 = vector.shape_cast %swap3A_825 : vector<1x16xf32> to vector<16xf32>
          %swap3A_827 = vector.shape_cast %get3A_822 : vector<16xf32> to vector<1x16xf32>
          tpu.vector_store %arg12[%swap3A_823, %swap3A_824], %swap3A_827 {add = true, strides = array<i32>} : memref<160x128xf32, #tpu.memory_space<vmem>>, vector<1x16xf32>,
          %get3A_828 = arith.index_cast %scan3A_800 : i32 to index
          %get3A_829 = arith.constant 48 : index
          %get3A_830 = tpu.vector_load %arg15[%get3A_828, %get3A_829] {strides = array<i32>} : memref<160x128xf32, #tpu.memory_space<vmem>>, vector<1x16xf32>,
          %get3A_831 = vector.shape_cast %get3A_830 : vector<1x16xf32> to vector<16xf32>
          %swap3A_832 = arith.index_cast %scan3A_800 : i32 to index
          %swap3A_833 = arith.constant 48 : index
          %swap3A_834 = tpu.vector_load %arg12[%swap3A_832, %swap3A_833] {strides = array<i32>} : memref<160x128xf32, #tpu.memory_space<vmem>>, vector<1x16xf32>,
          %swap3A_835 = vector.shape_cast %swap3A_834 : vector<1x16xf32> to vector<16xf32>
          %swap3A_836 = vector.shape_cast %get3A_831 : vector<16xf32> to vector<1x16xf32>
          tpu.vector_store %arg12[%swap3A_832, %swap3A_833], %swap3A_836 {add = true, strides = array<i32>} : memref<160x128xf32, #tpu.memory_space<vmem>>, vector<1x16xf32>,
          %get3A_837 = arith.index_cast %scan3A_800 : i32 to index
          %get3A_838 = arith.constant 64 : index
          %get3A_839 = tpu.vector_load %arg15[%get3A_837, %get3A_838] {strides = array<i32>} : memref<160x128xf32, #tpu.memory_space<vmem>>, vector<1x16xf32>,
          %get3A_840 = vector.shape_cast %get3A_839 : vector<1x16xf32> to vector<16xf32>
          %swap3A_841 = arith.index_cast %scan3A_800 : i32 to index
          %swap3A_842 = arith.constant 64 : index
          %swap3A_843 = tpu.vector_load %arg12[%swap3A_841, %swap3A_842] {strides = array<i32>} : memref<160x128xf32, #tpu.memory_space<vmem>>, vector<1x16xf32>,
          %swap3A_844 = vector.shape_cast %swap3A_843 : vector<1x16xf32> to vector<16xf32>
          %swap3A_845 = vector.shape_cast %get3A_840 : vector<16xf32> to vector<1x16xf32>
          tpu.vector_store %arg12[%swap3A_841, %swap3A_842], %swap3A_845 {add = true, strides = array<i32>} : memref<160x128xf32, #tpu.memory_space<vmem>>, vector<1x16xf32>,
          %get3A_846 = arith.index_cast %scan3A_800 : i32 to index
          %get3A_847 = arith.constant 80 : index
          %get3A_848 = tpu.vector_load %arg15[%get3A_846, %get3A_847] {strides = array<i32>} : memref<160x128xf32, #tpu.memory_space<vmem>>, vector<1x16xf32>,
          %get3A_849 = vector.shape_cast %get3A_848 : vector<1x16xf32> to vector<16xf32>
          %swap3A_850 = arith.index_cast %scan3A_800 : i32 to index
          %swap3A_851 = arith.constant 80 : index
          %swap3A_852 = tpu.vector_load %arg12[%swap3A_850, %swap3A_851] {strides = array<i32>} : memref<160x128xf32, #tpu.memory_space<vmem>>, vector<1x16xf32>,
          %swap3A_853 = vector.shape_cast %swap3A_852 : vector<1x16xf32> to vector<16xf32>
          %swap3A_854 = vector.shape_cast %get3A_849 : vector<16xf32> to vector<1x16xf32>
          tpu.vector_store %arg12[%swap3A_850, %swap3A_851], %swap3A_854 {add = true, strides = array<i32>} : memref<160x128xf32, #tpu.memory_space<vmem>>, vector<1x16xf32>,
          %get3A_855 = arith.index_cast %scan3A_800 : i32 to index
          %get3A_856 = arith.constant 96 : index
          %get3A_857 = tpu.vector_load %arg15[%get3A_855, %get3A_856] {strides = array<i32>} : memref<160x128xf32, #tpu.memory_space<vmem>>, vector<1x16xf32>,
          %get3A_858 = vector.shape_cast %get3A_857 : vector<1x16xf32> to vector<16xf32>
          %swap3A_859 = arith.index_cast %scan3A_800 : i32 to index
          %swap3A_860 = arith.constant 96 : index
          %swap3A_861 = tpu.vector_load %arg12[%swap3A_859, %swap3A_860] {strides = array<i32>} : memref<160x128xf32, #tpu.memory_space<vmem>>, vector<1x16xf32>,
          %swap3A_862 = vector.shape_cast %swap3A_861 : vector<1x16xf32> to vector<16xf32>
          %swap3A_863 = vector.shape_cast %get3A_858 : vector<16xf32> to vector<1x16xf32>
          tpu.vector_store %arg12[%swap3A_859, %swap3A_860], %swap3A_863 {add = true, strides = array<i32>} : memref<160x128xf32, #tpu.memory_space<vmem>>, vector<1x16xf32>,
          %get3A_864 = arith.index_cast %scan3A_800 : i32 to index
          %get3A_865 = arith.constant 112 : index
          %get3A_866 = tpu.vector_load %arg15[%get3A_864, %get3A_865] {strides = array<i32>} : memref<160x128xf32, #tpu.memory_space<vmem>>, vector<1x16xf32>,
          %get3A_867 = vector.shape_cast %get3A_866 : vector<1x16xf32> to vector<16xf32>
          %swap3A_868 = arith.index_cast %scan3A_800 : i32 to index
          %swap3A_869 = arith.constant 112 : index
          %swap3A_870 = tpu.vector_load %arg12[%swap3A_868, %swap3A_869] {strides = array<i32>} : memref<160x128xf32, #tpu.memory_space<vmem>>, vector<1x16xf32>,
          %swap3A_871 = vector.shape_cast %swap3A_870 : vector<1x16xf32> to vector<16xf32>
          %swap3A_872 = vector.shape_cast %get3A_867 : vector<16xf32> to vector<1x16xf32>
          tpu.vector_store %arg12[%swap3A_868, %swap3A_869], %swap3A_872 {add = true, strides = array<i32>} : memref<160x128xf32, #tpu.memory_space<vmem>>, vector<1x16xf32>,
        }
        %scan3A_793 = arith.constant 80 : i32
        %mul3A_794 = arith.constant 160 : i32
        %mul3A_795 = arith.muli %add3A_760, %mul3A_794 : i32
        %dma_start3A_796 = arith.constant 0 : i32
        %dma_start3A_797 = tpu.memref_slice %arg6[%mul3A_795, %dma_start3A_796] : memref<200000x128xf32, #tpu.memory_space<hbm>> -> memref<160x128xf32, #tpu.memory_space<hbm>>
        %dma_start3A_798 = arith.constant 0 : i32
        %dma_start3A_799 = tpu.memref_slice %arg6[%mul3A_795, %dma_start3A_798] : memref<200000x128xf32, #tpu.memory_space<hbm>> -> memref<160x128xf32, #tpu.memory_space<hbm>>
        tpu.enqueue_dma source(%arg12 : memref<160x128xf32, #tpu.memory_space<vmem>>) target(%dma_start3A_799 : memref<160x128xf32, #tpu.memory_space<hbm>>) target_semaphore(%arg37 : memref<!tpu.dma_semaphore, #tpu.memory_space<semaphore_mem>>)
      } else {
      }
      %add3A_746 = arith.constant 2 : i32
      %add3A_747 = arith.addi %add3A_741, %add3A_746 : i32
      %lt3A_748 = arith.cmpi slt, %add3A_747, %select_n3A : i32
      %convert_element_type3A_749 = arith.extui %lt3A_748 : i1 to i32
      %cond3A_750 = arith.constant 0 : i32
      %cond3A_751 = arith.cmpi ne, %convert_element_type3A_749, %cond3A_750 : i32
      scf.if %cond3A_751 {
        %ge3A = arith.constant 1 : i32
        %ge3A_758 = arith.cmpi sge, %add3A_741, %ge3A : i32
        %convert_element_type3A_759 = arith.extui %ge3A_758 : i1 to i32
        %cond3A_760 = arith.constant 0 : i32
        %cond3A_761 = arith.cmpi ne, %convert_element_type3A_759, %cond3A_760 : i32
        scf.if %cond3A_761 {
          %sub3A_779 = arith.constant 1 : i32
          %sub3A_780 = arith.subi %add3A_741, %sub3A_779 : i32
          %mul3A_781 = arith.constant 32 : i32
          %mul3A_782 = arith.muli %sub3A_780, %mul3A_781 : i32
          %add3A_783 = arith.addi %add3A, %mul3A_782 : i32
          %mul3A_784 = arith.constant 160 : i32
          %mul3A_785 = arith.muli %add3A_783, %mul3A_784 : i32
          %dma_wait3A_786 = arith.constant 0 : i32
          %dma_wait3A_787 = tpu.memref_slice %arg6[%mul3A_785, %dma_wait3A_786] : memref<200000x128xf32, #tpu.memory_space<hbm>> -> memref<160x128xf32, #tpu.memory_space<hbm>>
          %dma_wait3A_788 = arith.constant 0 : i32
          %dma_wait3A_789 = tpu.memref_slice %arg6[%mul3A_785, %dma_wait3A_788] : memref<200000x128xf32, #tpu.memory_space<hbm>> -> memref<160x128xf32, #tpu.memory_space<hbm>>
          tpu.wait_dma2 semaphore(%arg36 : memref<!tpu.dma_semaphore, #tpu.memory_space<semaphore_mem>>) src(%arg11 : memref<160x128xf32, #tpu.memory_space<vmem>>) dst(%dma_wait3A_789 : memref<160x128xf32, #tpu.memory_space<hbm>>)
        } else {
        }
        %add3A_762 = arith.constant 2 : i32
        %add3A_763 = arith.addi %add3A_741, %add3A_762 : i32
        %mul3A_764 = arith.constant 32 : i32
        %mul3A_765 = arith.muli %add3A_763, %mul3A_764 : i32
        %add3A_766 = arith.addi %add3A, %mul3A_765 : i32
        %dma_start3A_767 = arith.constant 0 : i32
        %dma_start3A_768 = tpu.memref_slice %arg2[%add3A_766, %dma_start3A_767] : memref<1250x480xi32, #tpu.memory_space<hbm>> -> memref<1x480xi32, #tpu.memory_space<hbm>>
        %dma_start3A_769 = tpu.memref_squeeze %dma_start3A_768 : memref<1x480xi32, #tpu.memory_space<hbm>> -> memref<480xi32, #tpu.memory_space<hbm>>
        %dma_start3A_770 = arith.constant 0 : i32
        %dma_start3A_771 = tpu.memref_slice %arg2[%add3A_766, %dma_start3A_770] : memref<1250x480xi32, #tpu.memory_space<hbm>> -> memref<1x480xi32, #tpu.memory_space<hbm>>
        %dma_start3A_772 = tpu.memref_squeeze %dma_start3A_771 : memref<1x480xi32, #tpu.memory_space<hbm>> -> memref<480xi32, #tpu.memory_space<hbm>>
        tpu.enqueue_dma source(%dma_start3A_772 : memref<480xi32, #tpu.memory_space<hbm>>) target(%arg8 : memref<480xi32, #tpu.memory_space<vmem>>) target_semaphore(%arg24 : memref<!tpu.dma_semaphore, #tpu.memory_space<semaphore_mem>>)
        %mul3A_773 = arith.constant 160 : i32
        %mul3A_774 = arith.muli %add3A_766, %mul3A_773 : i32
        %dma_start3A_775 = arith.constant 0 : i32
        %dma_start3A_776 = tpu.memref_slice %arg3[%mul3A_774, %dma_start3A_775] : memref<200000x128xf32, #tpu.memory_space<hbm>> -> memref<160x128xf32, #tpu.memory_space<hbm>>
        %dma_start3A_777 = arith.constant 0 : i32
        %dma_start3A_778 = tpu.memref_slice %arg3[%mul3A_774, %dma_start3A_777] : memref<200000x128xf32, #tpu.memory_space<hbm>> -> memref<160x128xf32, #tpu.memory_space<hbm>>
        tpu.enqueue_dma source(%dma_start3A_778 : memref<160x128xf32, #tpu.memory_space<hbm>>) target(%arg11 : memref<160x128xf32, #tpu.memory_space<vmem>>) target_semaphore(%arg27 : memref<!tpu.dma_semaphore, #tpu.memory_space<semaphore_mem>>)
      } else {
      }
      %add3A_752 = arith.constant 1 : i32
      %add3A_753 = arith.addi %add3A_741, %add3A_752 : i32
      %lt3A_754 = arith.cmpi slt, %add3A_753, %select_n3A : i32
      %convert_element_type3A_755 = arith.extui %lt3A_754 : i1 to i32
      %cond3A_756 = arith.constant 0 : i32
      %cond3A_757 = arith.cmpi ne, %convert_element_type3A_755, %cond3A_756 : i32
      scf.if %cond3A_757 {
        %add3A_758 = arith.constant 1 : i32
        %add3A_759 = arith.addi %add3A_741, %add3A_758 : i32
        %mul3A_760 = arith.constant 32 : i32
        %mul3A_761 = arith.muli %add3A_759, %mul3A_760 : i32
        %add3A_762 = arith.addi %add3A, %mul3A_761 : i32
        %dma_wait3A_763 = arith.constant 0 : i32
        %dma_wait3A_764 = tpu.memref_slice %arg2[%add3A_762, %dma_wait3A_763] : memref<1250x480xi32, #tpu.memory_space<hbm>> -> memref<1x480xi32, #tpu.memory_space<hbm>>
        %dma_wait3A_765 = tpu.memref_squeeze %dma_wait3A_764 : memref<1x480xi32, #tpu.memory_space<hbm>> -> memref<480xi32, #tpu.memory_space<hbm>>
        %dma_wait3A_766 = arith.constant 0 : i32
        %dma_wait3A_767 = tpu.memref_slice %arg2[%add3A_762, %dma_wait3A_766] : memref<1250x480xi32, #tpu.memory_space<hbm>> -> memref<1x480xi32, #tpu.memory_space<hbm>>
        %dma_wait3A_768 = tpu.memref_squeeze %dma_wait3A_767 : memref<1x480xi32, #tpu.memory_space<hbm>> -> memref<480xi32, #tpu.memory_space<hbm>>
        tpu.wait_dma2 semaphore(%arg23 : memref<!tpu.dma_semaphore, #tpu.memory_space<semaphore_mem>>) src(%dma_wait3A_768 : memref<480xi32, #tpu.memory_space<hbm>>) dst(%arg7 : memref<480xi32, #tpu.memory_space<vmem>>)
        %get3A_769 = arith.constant 0 : index
        %get3A_770 = tpu.vector_load %arg7[%get3A_769] {strides = array<i32>} : memref<480xi32, #tpu.memory_space<vmem>>, vector<16xi32>,
        %get3A_771 = vector.shape_cast %get3A_770 : vector<16xi32> to vector<16xi32>
        %add3A_772 = vector.broadcast %squeeze3A : i32 to vector<16xi32>
        %add3A_773 = arith.addi %get3A_771, %add3A_772 : vector<16xi32>
        %shift_right_arithmetic3A_774 = arith.constant 2 : i32
        %shift_right_arithmetic3A_775 = vector.broadcast %shift_right_arithmetic3A_774 : i32 to vector<16xi32>
        %shift_right_arithmetic3A_776 = arith.shrsi %add3A_773, %shift_right_arithmetic3A_775 : vector<16xi32>
        %add3A_777 = vector.broadcast %squeeze3A_30 : i32 to vector<16xi32>
        %add3A_778 = arith.addi %shift_right_arithmetic3A_776, %add3A_777 : vector<16xi32>
        %jit3A_779 = arith.constant 0 : i32
        %jit3A_780 = arith.constant 63 : i32
        %max3A_781 = vector.broadcast %jit3A_779 : i32 to vector<16xi32>
        %max3A_782 = arith.maxsi %max3A_781, %add3A_778 : vector<16xi32>
        %min3A_783 = vector.broadcast %jit3A_780 : i32 to vector<16xi32>
        %min3A_784 = arith.minsi %min3A_783, %max3A_782 : vector<16xi32>
        %get3A_785 = arith.constant 160 : index
        %get3A_786 = tpu.vector_load %arg7[%get3A_785] {strides = array<i32>} : memref<480xi32, #tpu.memory_space<vmem>>, vector<16xi32>,
        %get3A_787 = vector.shape_cast %get3A_786 : vector<16xi32> to vector<16xi32>
        %add3A_788 = vector.broadcast %squeeze3A_26 : i32 to vector<16xi32>
        %add3A_789 = arith.addi %get3A_787, %add3A_788 : vector<16xi32>
        %shift_right_arithmetic3A_790 = arith.constant 2 : i32
        %shift_right_arithmetic3A_791 = vector.broadcast %shift_right_arithmetic3A_790 : i32 to vector<16xi32>
        %shift_right_arithmetic3A_792 = arith.shrsi %add3A_789, %shift_right_arithmetic3A_791 : vector<16xi32>
        %add3A_793 = vector.broadcast %squeeze3A_32 : i32 to vector<16xi32>
        %add3A_794 = arith.addi %shift_right_arithmetic3A_792, %add3A_793 : vector<16xi32>
        %jit3A_795 = arith.constant 0 : i32
        %jit3A_796 = arith.constant 63 : i32
        %max3A_797 = vector.broadcast %jit3A_795 : i32 to vector<16xi32>
        %max3A_798 = arith.maxsi %max3A_797, %add3A_794 : vector<16xi32>
        %min3A_799 = vector.broadcast %jit3A_796 : i32 to vector<16xi32>
        %min3A_800 = arith.minsi %min3A_799, %max3A_798 : vector<16xi32>
        %get3A_801 = arith.constant 320 : index
        %get3A_802 = tpu.vector_load %arg7[%get3A_801] {strides = array<i32>} : memref<480xi32, #tpu.memory_space<vmem>>, vector<16xi32>,
        %get3A_803 = vector.shape_cast %get3A_802 : vector<16xi32> to vector<16xi32>
        %add3A_804 = vector.broadcast %squeeze3A_28 : i32 to vector<16xi32>
        %add3A_805 = arith.addi %get3A_803, %add3A_804 : vector<16xi32>
        %shift_right_arithmetic3A_806 = arith.constant 2 : i32
        %shift_right_arithmetic3A_807 = vector.broadcast %shift_right_arithmetic3A_806 : i32 to vector<16xi32>
        %shift_right_arithmetic3A_808 = arith.shrsi %add3A_805, %shift_right_arithmetic3A_807 : vector<16xi32>
        %add3A_809 = vector.broadcast %squeeze3A_34 : i32 to vector<16xi32>
        %add3A_810 = arith.addi %shift_right_arithmetic3A_808, %add3A_809 : vector<16xi32>
        %jit3A_811 = arith.constant 0 : i32
        %jit3A_812 = arith.constant 63 : i32
        %max3A_813 = vector.broadcast %jit3A_811 : i32 to vector<16xi32>
        %max3A_814 = arith.maxsi %max3A_813, %add3A_810 : vector<16xi32>
        %min3A_815 = vector.broadcast %jit3A_812 : i32 to vector<16xi32>
        %min3A_816 = arith.minsi %min3A_815, %max3A_814 : vector<16xi32>
        %mul3A_817 = arith.constant 4096 : i32
        %mul3A_818 = vector.broadcast %mul3A_817 : i32 to vector<16xi32>
        %mul3A_819 = arith.muli %min3A_784, %mul3A_818 : vector<16xi32>
        %mul3A_820 = arith.constant 64 : i32
        %mul3A_821 = vector.broadcast %mul3A_820 : i32 to vector<16xi32>
        %mul3A_822 = arith.muli %min3A_800, %mul3A_821 : vector<16xi32>
        %add3A_823 = arith.addi %mul3A_819, %mul3A_822 : vector<16xi32>
        %add3A_824 = arith.addi %add3A_823, %min3A_816 : vector<16xi32>
        %swap3A_825 = arith.constant 0 : index
        %swap3A_826 = tpu.vector_load %arg16[%swap3A_825] {strides = array<i32>} : memref<80xi32, #tpu.memory_space<vmem>>, vector<16xi32>,
        %swap3A_827 = vector.shape_cast %swap3A_826 : vector<16xi32> to vector<16xi32>
        %swap3A_828 = vector.shape_cast %add3A_824 : vector<16xi32> to vector<16xi32>
        tpu.vector_store %arg16[%swap3A_825], %swap3A_828 {strides = array<i32>} : memref<80xi32, #tpu.memory_space<vmem>>, vector<16xi32>,
        %get3A_829 = arith.constant 16 : index
        %get3A_830 = tpu.vector_load %arg7[%get3A_829] {strides = array<i32>} : memref<480xi32, #tpu.memory_space<vmem>>, vector<16xi32>,
        %get3A_831 = vector.shape_cast %get3A_830 : vector<16xi32> to vector<16xi32>
        %add3A_832 = vector.broadcast %squeeze3A : i32 to vector<16xi32>
        %add3A_833 = arith.addi %get3A_831, %add3A_832 : vector<16xi32>
        %shift_right_arithmetic3A_834 = arith.constant 2 : i32
        %shift_right_arithmetic3A_835 = vector.broadcast %shift_right_arithmetic3A_834 : i32 to vector<16xi32>
        %shift_right_arithmetic3A_836 = arith.shrsi %add3A_833, %shift_right_arithmetic3A_835 : vector<16xi32>
        %add3A_837 = vector.broadcast %squeeze3A_30 : i32 to vector<16xi32>
        %add3A_838 = arith.addi %shift_right_arithmetic3A_836, %add3A_837 : vector<16xi32>
        %jit3A_839 = arith.constant 0 : i32
        %jit3A_840 = arith.constant 63 : i32
        %max3A_841 = vector.broadcast %jit3A_839 : i32 to vector<16xi32>
        %max3A_842 = arith.maxsi %max3A_841, %add3A_838 : vector<16xi32>
        %min3A_843 = vector.broadcast %jit3A_840 : i32 to vector<16xi32>
        %min3A_844 = arith.minsi %min3A_843, %max3A_842 : vector<16xi32>
        %get3A_845 = arith.constant 176 : index
        %get3A_846 = tpu.vector_load %arg7[%get3A_845] {strides = array<i32>} : memref<480xi32, #tpu.memory_space<vmem>>, vector<16xi32>,
        %get3A_847 = vector.shape_cast %get3A_846 : vector<16xi32> to vector<16xi32>
        %add3A_848 = vector.broadcast %squeeze3A_26 : i32 to vector<16xi32>
        %add3A_849 = arith.addi %get3A_847, %add3A_848 : vector<16xi32>
        %shift_right_arithmetic3A_850 = arith.constant 2 : i32
        %shift_right_arithmetic3A_851 = vector.broadcast %shift_right_arithmetic3A_850 : i32 to vector<16xi32>
        %shift_right_arithmetic3A_852 = arith.shrsi %add3A_849, %shift_right_arithmetic3A_851 : vector<16xi32>
        %add3A_853 = vector.broadcast %squeeze3A_32 : i32 to vector<16xi32>
        %add3A_854 = arith.addi %shift_right_arithmetic3A_852, %add3A_853 : vector<16xi32>
        %jit3A_855 = arith.constant 0 : i32
        %jit3A_856 = arith.constant 63 : i32
        %max3A_857 = vector.broadcast %jit3A_855 : i32 to vector<16xi32>
        %max3A_858 = arith.maxsi %max3A_857, %add3A_854 : vector<16xi32>
        %min3A_859 = vector.broadcast %jit3A_856 : i32 to vector<16xi32>
        %min3A_860 = arith.minsi %min3A_859, %max3A_858 : vector<16xi32>
        %get3A_861 = arith.constant 336 : index
        %get3A_862 = tpu.vector_load %arg7[%get3A_861] {strides = array<i32>} : memref<480xi32, #tpu.memory_space<vmem>>, vector<16xi32>,
        %get3A_863 = vector.shape_cast %get3A_862 : vector<16xi32> to vector<16xi32>
        %add3A_864 = vector.broadcast %squeeze3A_28 : i32 to vector<16xi32>
        %add3A_865 = arith.addi %get3A_863, %add3A_864 : vector<16xi32>
        %shift_right_arithmetic3A_866 = arith.constant 2 : i32
        %shift_right_arithmetic3A_867 = vector.broadcast %shift_right_arithmetic3A_866 : i32 to vector<16xi32>
        %shift_right_arithmetic3A_868 = arith.shrsi %add3A_865, %shift_right_arithmetic3A_867 : vector<16xi32>
        %add3A_869 = vector.broadcast %squeeze3A_34 : i32 to vector<16xi32>
        %add3A_870 = arith.addi %shift_right_arithmetic3A_868, %add3A_869 : vector<16xi32>
        %jit3A_871 = arith.constant 0 : i32
        %jit3A_872 = arith.constant 63 : i32
        %max3A_873 = vector.broadcast %jit3A_871 : i32 to vector<16xi32>
        %max3A_874 = arith.maxsi %max3A_873, %add3A_870 : vector<16xi32>
        %min3A_875 = vector.broadcast %jit3A_872 : i32 to vector<16xi32>
        %min3A_876 = arith.minsi %min3A_875, %max3A_874 : vector<16xi32>
        %mul3A_877 = arith.constant 4096 : i32
        %mul3A_878 = vector.broadcast %mul3A_877 : i32 to vector<16xi32>
        %mul3A_879 = arith.muli %min3A_844, %mul3A_878 : vector<16xi32>
        %mul3A_880 = arith.constant 64 : i32
        %mul3A_881 = vector.broadcast %mul3A_880 : i32 to vector<16xi32>
        %mul3A_882 = arith.muli %min3A_860, %mul3A_881 : vector<16xi32>
        %add3A_883 = arith.addi %mul3A_879, %mul3A_882 : vector<16xi32>
        %add3A_884 = arith.addi %add3A_883, %min3A_876 : vector<16xi32>
        %swap3A_885 = arith.constant 16 : index
        %swap3A_886 = tpu.vector_load %arg16[%swap3A_885] {strides = array<i32>} : memref<80xi32, #tpu.memory_space<vmem>>, vector<16xi32>,
        %swap3A_887 = vector.shape_cast %swap3A_886 : vector<16xi32> to vector<16xi32>
        %swap3A_888 = vector.shape_cast %add3A_884 : vector<16xi32> to vector<16xi32>
        tpu.vector_store %arg16[%swap3A_885], %swap3A_888 {strides = array<i32>} : memref<80xi32, #tpu.memory_space<vmem>>, vector<16xi32>,
        %get3A_889 = arith.constant 32 : index
        %get3A_890 = tpu.vector_load %arg7[%get3A_889] {strides = array<i32>} : memref<480xi32, #tpu.memory_space<vmem>>, vector<16xi32>,
        %get3A_891 = vector.shape_cast %get3A_890 : vector<16xi32> to vector<16xi32>
        %add3A_892 = vector.broadcast %squeeze3A : i32 to vector<16xi32>
        %add3A_893 = arith.addi %get3A_891, %add3A_892 : vector<16xi32>
        %shift_right_arithmetic3A_894 = arith.constant 2 : i32
        %shift_right_arithmetic3A_895 = vector.broadcast %shift_right_arithmetic3A_894 : i32 to vector<16xi32>
        %shift_right_arithmetic3A_896 = arith.shrsi %add3A_893, %shift_right_arithmetic3A_895 : vector<16xi32>
        %add3A_897 = vector.broadcast %squeeze3A_30 : i32 to vector<16xi32>
        %add3A_898 = arith.addi %shift_right_arithmetic3A_896, %add3A_897 : vector<16xi32>
        %jit3A_899 = arith.constant 0 : i32
        %jit3A_900 = arith.constant 63 : i32
        %max3A_901 = vector.broadcast %jit3A_899 : i32 to vector<16xi32>
        %max3A_902 = arith.maxsi %max3A_901, %add3A_898 : vector<16xi32>
        %min3A_903 = vector.broadcast %jit3A_900 : i32 to vector<16xi32>
        %min3A_904 = arith.minsi %min3A_903, %max3A_902 : vector<16xi32>
        %get3A_905 = arith.constant 192 : index
        %get3A_906 = tpu.vector_load %arg7[%get3A_905] {strides = array<i32>} : memref<480xi32, #tpu.memory_space<vmem>>, vector<16xi32>,
        %get3A_907 = vector.shape_cast %get3A_906 : vector<16xi32> to vector<16xi32>
        %add3A_908 = vector.broadcast %squeeze3A_26 : i32 to vector<16xi32>
        %add3A_909 = arith.addi %get3A_907, %add3A_908 : vector<16xi32>
        %shift_right_arithmetic3A_910 = arith.constant 2 : i32
        %shift_right_arithmetic3A_911 = vector.broadcast %shift_right_arithmetic3A_910 : i32 to vector<16xi32>
        %shift_right_arithmetic3A_912 = arith.shrsi %add3A_909, %shift_right_arithmetic3A_911 : vector<16xi32>
        %add3A_913 = vector.broadcast %squeeze3A_32 : i32 to vector<16xi32>
        %add3A_914 = arith.addi %shift_right_arithmetic3A_912, %add3A_913 : vector<16xi32>
        %jit3A_915 = arith.constant 0 : i32
        %jit3A_916 = arith.constant 63 : i32
        %max3A_917 = vector.broadcast %jit3A_915 : i32 to vector<16xi32>
        %max3A_918 = arith.maxsi %max3A_917, %add3A_914 : vector<16xi32>
        %min3A_919 = vector.broadcast %jit3A_916 : i32 to vector<16xi32>
        %min3A_920 = arith.minsi %min3A_919, %max3A_918 : vector<16xi32>
        %get3A_921 = arith.constant 352 : index
        %get3A_922 = tpu.vector_load %arg7[%get3A_921] {strides = array<i32>} : memref<480xi32, #tpu.memory_space<vmem>>, vector<16xi32>,
        %get3A_923 = vector.shape_cast %get3A_922 : vector<16xi32> to vector<16xi32>
        %add3A_924 = vector.broadcast %squeeze3A_28 : i32 to vector<16xi32>
        %add3A_925 = arith.addi %get3A_923, %add3A_924 : vector<16xi32>
        %shift_right_arithmetic3A_926 = arith.constant 2 : i32
        %shift_right_arithmetic3A_927 = vector.broadcast %shift_right_arithmetic3A_926 : i32 to vector<16xi32>
        %shift_right_arithmetic3A_928 = arith.shrsi %add3A_925, %shift_right_arithmetic3A_927 : vector<16xi32>
        %add3A_929 = vector.broadcast %squeeze3A_34 : i32 to vector<16xi32>
        %add3A_930 = arith.addi %shift_right_arithmetic3A_928, %add3A_929 : vector<16xi32>
        %jit3A_931 = arith.constant 0 : i32
        %jit3A_932 = arith.constant 63 : i32
        %max3A_933 = vector.broadcast %jit3A_931 : i32 to vector<16xi32>
        %max3A_934 = arith.maxsi %max3A_933, %add3A_930 : vector<16xi32>
        %min3A_935 = vector.broadcast %jit3A_932 : i32 to vector<16xi32>
        %min3A_936 = arith.minsi %min3A_935, %max3A_934 : vector<16xi32>
        %mul3A_937 = arith.constant 4096 : i32
        %mul3A_938 = vector.broadcast %mul3A_937 : i32 to vector<16xi32>
        %mul3A_939 = arith.muli %min3A_904, %mul3A_938 : vector<16xi32>
        %mul3A_940 = arith.constant 64 : i32
        %mul3A_941 = vector.broadcast %mul3A_940 : i32 to vector<16xi32>
        %mul3A_942 = arith.muli %min3A_920, %mul3A_941 : vector<16xi32>
        %add3A_943 = arith.addi %mul3A_939, %mul3A_942 : vector<16xi32>
        %add3A_944 = arith.addi %add3A_943, %min3A_936 : vector<16xi32>
        %swap3A_945 = arith.constant 32 : index
        %swap3A_946 = tpu.vector_load %arg16[%swap3A_945] {strides = array<i32>} : memref<80xi32, #tpu.memory_space<vmem>>, vector<16xi32>,
        %swap3A_947 = vector.shape_cast %swap3A_946 : vector<16xi32> to vector<16xi32>
        %swap3A_948 = vector.shape_cast %add3A_944 : vector<16xi32> to vector<16xi32>
        tpu.vector_store %arg16[%swap3A_945], %swap3A_948 {strides = array<i32>} : memref<80xi32, #tpu.memory_space<vmem>>, vector<16xi32>,
        %get3A_949 = arith.constant 48 : index
        %get3A_950 = tpu.vector_load %arg7[%get3A_949] {strides = array<i32>} : memref<480xi32, #tpu.memory_space<vmem>>, vector<16xi32>,
        %get3A_951 = vector.shape_cast %get3A_950 : vector<16xi32> to vector<16xi32>
        %add3A_952 = vector.broadcast %squeeze3A : i32 to vector<16xi32>
        %add3A_953 = arith.addi %get3A_951, %add3A_952 : vector<16xi32>
        %shift_right_arithmetic3A_954 = arith.constant 2 : i32
        %shift_right_arithmetic3A_955 = vector.broadcast %shift_right_arithmetic3A_954 : i32 to vector<16xi32>
        %shift_right_arithmetic3A_956 = arith.shrsi %add3A_953, %shift_right_arithmetic3A_955 : vector<16xi32>
        %add3A_957 = vector.broadcast %squeeze3A_30 : i32 to vector<16xi32>
        %add3A_958 = arith.addi %shift_right_arithmetic3A_956, %add3A_957 : vector<16xi32>
        %jit3A_959 = arith.constant 0 : i32
        %jit3A_960 = arith.constant 63 : i32
        %max3A_961 = vector.broadcast %jit3A_959 : i32 to vector<16xi32>
        %max3A_962 = arith.maxsi %max3A_961, %add3A_958 : vector<16xi32>
        %min3A_963 = vector.broadcast %jit3A_960 : i32 to vector<16xi32>
        %min3A_964 = arith.minsi %min3A_963, %max3A_962 : vector<16xi32>
        %get3A_965 = arith.constant 208 : index
        %get3A_966 = tpu.vector_load %arg7[%get3A_965] {strides = array<i32>} : memref<480xi32, #tpu.memory_space<vmem>>, vector<16xi32>,
        %get3A_967 = vector.shape_cast %get3A_966 : vector<16xi32> to vector<16xi32>
        %add3A_968 = vector.broadcast %squeeze3A_26 : i32 to vector<16xi32>
        %add3A_969 = arith.addi %get3A_967, %add3A_968 : vector<16xi32>
        %shift_right_arithmetic3A_970 = arith.constant 2 : i32
        %shift_right_arithmetic3A_971 = vector.broadcast %shift_right_arithmetic3A_970 : i32 to vector<16xi32>
        %shift_right_arithmetic3A_972 = arith.shrsi %add3A_969, %shift_right_arithmetic3A_971 : vector<16xi32>
        %add3A_973 = vector.broadcast %squeeze3A_32 : i32 to vector<16xi32>
        %add3A_974 = arith.addi %shift_right_arithmetic3A_972, %add3A_973 : vector<16xi32>
        %jit3A_975 = arith.constant 0 : i32
        %jit3A_976 = arith.constant 63 : i32
        %max3A_977 = vector.broadcast %jit3A_975 : i32 to vector<16xi32>
        %max3A_978 = arith.maxsi %max3A_977, %add3A_974 : vector<16xi32>
        %min3A_979 = vector.broadcast %jit3A_976 : i32 to vector<16xi32>
        %min3A_980 = arith.minsi %min3A_979, %max3A_978 : vector<16xi32>
        %get3A_981 = arith.constant 368 : index
        %get3A_982 = tpu.vector_load %arg7[%get3A_981] {strides = array<i32>} : memref<480xi32, #tpu.memory_space<vmem>>, vector<16xi32>,
        %get3A_983 = vector.shape_cast %get3A_982 : vector<16xi32> to vector<16xi32>
        %add3A_984 = vector.broadcast %squeeze3A_28 : i32 to vector<16xi32>
        %add3A_985 = arith.addi %get3A_983, %add3A_984 : vector<16xi32>
        %shift_right_arithmetic3A_986 = arith.constant 2 : i32
        %shift_right_arithmetic3A_987 = vector.broadcast %shift_right_arithmetic3A_986 : i32 to vector<16xi32>
        %shift_right_arithmetic3A_988 = arith.shrsi %add3A_985, %shift_right_arithmetic3A_987 : vector<16xi32>
        %add3A_989 = vector.broadcast %squeeze3A_34 : i32 to vector<16xi32>
        %add3A_990 = arith.addi %shift_right_arithmetic3A_988, %add3A_989 : vector<16xi32>
        %jit3A_991 = arith.constant 0 : i32
        %jit3A_992 = arith.constant 63 : i32
        %max3A_993 = vector.broadcast %jit3A_991 : i32 to vector<16xi32>
        %max3A_994 = arith.maxsi %max3A_993, %add3A_990 : vector<16xi32>
        %min3A_995 = vector.broadcast %jit3A_992 : i32 to vector<16xi32>
        %min3A_996 = arith.minsi %min3A_995, %max3A_994 : vector<16xi32>
        %mul3A_997 = arith.constant 4096 : i32
        %mul3A_998 = vector.broadcast %mul3A_997 : i32 to vector<16xi32>
        %mul3A_999 = arith.muli %min3A_964, %mul3A_998 : vector<16xi32>
        %mul3A_1000 = arith.constant 64 : i32
        %mul3A_1001 = vector.broadcast %mul3A_1000 : i32 to vector<16xi32>
        %mul3A_1002 = arith.muli %min3A_980, %mul3A_1001 : vector<16xi32>
        %add3A_1003 = arith.addi %mul3A_999, %mul3A_1002 : vector<16xi32>
        %add3A_1004 = arith.addi %add3A_1003, %min3A_996 : vector<16xi32>
        %swap3A_1005 = arith.constant 48 : index
        %swap3A_1006 = tpu.vector_load %arg16[%swap3A_1005] {strides = array<i32>} : memref<80xi32, #tpu.memory_space<vmem>>, vector<16xi32>,
        %swap3A_1007 = vector.shape_cast %swap3A_1006 : vector<16xi32> to vector<16xi32>
        %swap3A_1008 = vector.shape_cast %add3A_1004 : vector<16xi32> to vector<16xi32>
        tpu.vector_store %arg16[%swap3A_1005], %swap3A_1008 {strides = array<i32>} : memref<80xi32, #tpu.memory_space<vmem>>, vector<16xi32>,
        %get3A_1009 = arith.constant 64 : index
        %get3A_1010 = tpu.vector_load %arg7[%get3A_1009] {strides = array<i32>} : memref<480xi32, #tpu.memory_space<vmem>>, vector<16xi32>,
        %get3A_1011 = vector.shape_cast %get3A_1010 : vector<16xi32> to vector<16xi32>
        %add3A_1012 = vector.broadcast %squeeze3A : i32 to vector<16xi32>
        %add3A_1013 = arith.addi %get3A_1011, %add3A_1012 : vector<16xi32>
        %shift_right_arithmetic3A_1014 = arith.constant 2 : i32
        %shift_right_arithmetic3A_1015 = vector.broadcast %shift_right_arithmetic3A_1014 : i32 to vector<16xi32>
        %shift_right_arithmetic3A_1016 = arith.shrsi %add3A_1013, %shift_right_arithmetic3A_1015 : vector<16xi32>
        %add3A_1017 = vector.broadcast %squeeze3A_30 : i32 to vector<16xi32>
        %add3A_1018 = arith.addi %shift_right_arithmetic3A_1016, %add3A_1017 : vector<16xi32>
        %jit3A_1019 = arith.constant 0 : i32
        %jit3A_1020 = arith.constant 63 : i32
        %max3A_1021 = vector.broadcast %jit3A_1019 : i32 to vector<16xi32>
        %max3A_1022 = arith.maxsi %max3A_1021, %add3A_1018 : vector<16xi32>
        %min3A_1023 = vector.broadcast %jit3A_1020 : i32 to vector<16xi32>
        %min3A_1024 = arith.minsi %min3A_1023, %max3A_1022 : vector<16xi32>
        %get3A_1025 = arith.constant 224 : index
        %get3A_1026 = tpu.vector_load %arg7[%get3A_1025] {strides = array<i32>} : memref<480xi32, #tpu.memory_space<vmem>>, vector<16xi32>,
        %get3A_1027 = vector.shape_cast %get3A_1026 : vector<16xi32> to vector<16xi32>
        %add3A_1028 = vector.broadcast %squeeze3A_26 : i32 to vector<16xi32>
        %add3A_1029 = arith.addi %get3A_1027, %add3A_1028 : vector<16xi32>
        %shift_right_arithmetic3A_1030 = arith.constant 2 : i32
        %shift_right_arithmetic3A_1031 = vector.broadcast %shift_right_arithmetic3A_1030 : i32 to vector<16xi32>
        %shift_right_arithmetic3A_1032 = arith.shrsi %add3A_1029, %shift_right_arithmetic3A_1031 : vector<16xi32>
        %add3A_1033 = vector.broadcast %squeeze3A_32 : i32 to vector<16xi32>
        %add3A_1034 = arith.addi %shift_right_arithmetic3A_1032, %add3A_1033 : vector<16xi32>
        %jit3A_1035 = arith.constant 0 : i32
        %jit3A_1036 = arith.constant 63 : i32
        %max3A_1037 = vector.broadcast %jit3A_1035 : i32 to vector<16xi32>
        %max3A_1038 = arith.maxsi %max3A_1037, %add3A_1034 : vector<16xi32>
        %min3A_1039 = vector.broadcast %jit3A_1036 : i32 to vector<16xi32>
        %min3A_1040 = arith.minsi %min3A_1039, %max3A_1038 : vector<16xi32>
        %get3A_1041 = arith.constant 384 : index
        %get3A_1042 = tpu.vector_load %arg7[%get3A_1041] {strides = array<i32>} : memref<480xi32, #tpu.memory_space<vmem>>, vector<16xi32>,
        %get3A_1043 = vector.shape_cast %get3A_1042 : vector<16xi32> to vector<16xi32>
        %add3A_1044 = vector.broadcast %squeeze3A_28 : i32 to vector<16xi32>
        %add3A_1045 = arith.addi %get3A_1043, %add3A_1044 : vector<16xi32>
        %shift_right_arithmetic3A_1046 = arith.constant 2 : i32
        %shift_right_arithmetic3A_1047 = vector.broadcast %shift_right_arithmetic3A_1046 : i32 to vector<16xi32>
        %shift_right_arithmetic3A_1048 = arith.shrsi %add3A_1045, %shift_right_arithmetic3A_1047 : vector<16xi32>
        %add3A_1049 = vector.broadcast %squeeze3A_34 : i32 to vector<16xi32>
        %add3A_1050 = arith.addi %shift_right_arithmetic3A_1048, %add3A_1049 : vector<16xi32>
        %jit3A_1051 = arith.constant 0 : i32
        %jit3A_1052 = arith.constant 63 : i32
        %max3A_1053 = vector.broadcast %jit3A_1051 : i32 to vector<16xi32>
        %max3A_1054 = arith.maxsi %max3A_1053, %add3A_1050 : vector<16xi32>
        %min3A_1055 = vector.broadcast %jit3A_1052 : i32 to vector<16xi32>
        %min3A_1056 = arith.minsi %min3A_1055, %max3A_1054 : vector<16xi32>
        %mul3A_1057 = arith.constant 4096 : i32
        %mul3A_1058 = vector.broadcast %mul3A_1057 : i32 to vector<16xi32>
        %mul3A_1059 = arith.muli %min3A_1024, %mul3A_1058 : vector<16xi32>
        %mul3A_1060 = arith.constant 64 : i32
        %mul3A_1061 = vector.broadcast %mul3A_1060 : i32 to vector<16xi32>
        %mul3A_1062 = arith.muli %min3A_1040, %mul3A_1061 : vector<16xi32>
        %add3A_1063 = arith.addi %mul3A_1059, %mul3A_1062 : vector<16xi32>
        %add3A_1064 = arith.addi %add3A_1063, %min3A_1056 : vector<16xi32>
        %swap3A_1065 = arith.constant 64 : index
        %swap3A_1066 = tpu.vector_load %arg16[%swap3A_1065] {strides = array<i32>} : memref<80xi32, #tpu.memory_space<vmem>>, vector<16xi32>,
        %swap3A_1067 = vector.shape_cast %swap3A_1066 : vector<16xi32> to vector<16xi32>
        %swap3A_1068 = vector.shape_cast %add3A_1064 : vector<16xi32> to vector<16xi32>
        tpu.vector_store %arg16[%swap3A_1065], %swap3A_1068 {strides = array<i32>} : memref<80xi32, #tpu.memory_space<vmem>>, vector<16xi32>,
        %get3A_1069 = arith.constant 80 : index
        %get3A_1070 = tpu.vector_load %arg7[%get3A_1069] {strides = array<i32>} : memref<480xi32, #tpu.memory_space<vmem>>, vector<16xi32>,
        %get3A_1071 = vector.shape_cast %get3A_1070 : vector<16xi32> to vector<16xi32>
        %add3A_1072 = vector.broadcast %squeeze3A : i32 to vector<16xi32>
        %add3A_1073 = arith.addi %get3A_1071, %add3A_1072 : vector<16xi32>
        %shift_right_arithmetic3A_1074 = arith.constant 2 : i32
        %shift_right_arithmetic3A_1075 = vector.broadcast %shift_right_arithmetic3A_1074 : i32 to vector<16xi32>
        %shift_right_arithmetic3A_1076 = arith.shrsi %add3A_1073, %shift_right_arithmetic3A_1075 : vector<16xi32>
        %add3A_1077 = vector.broadcast %squeeze3A_30 : i32 to vector<16xi32>
        %add3A_1078 = arith.addi %shift_right_arithmetic3A_1076, %add3A_1077 : vector<16xi32>
        %jit3A_1079 = arith.constant 0 : i32
        %jit3A_1080 = arith.constant 63 : i32
        %max3A_1081 = vector.broadcast %jit3A_1079 : i32 to vector<16xi32>
        %max3A_1082 = arith.maxsi %max3A_1081, %add3A_1078 : vector<16xi32>
        %min3A_1083 = vector.broadcast %jit3A_1080 : i32 to vector<16xi32>
        %min3A_1084 = arith.minsi %min3A_1083, %max3A_1082 : vector<16xi32>
        %get3A_1085 = arith.constant 240 : index
        %get3A_1086 = tpu.vector_load %arg7[%get3A_1085] {strides = array<i32>} : memref<480xi32, #tpu.memory_space<vmem>>, vector<16xi32>,
        %get3A_1087 = vector.shape_cast %get3A_1086 : vector<16xi32> to vector<16xi32>
        %add3A_1088 = vector.broadcast %squeeze3A_26 : i32 to vector<16xi32>
        %add3A_1089 = arith.addi %get3A_1087, %add3A_1088 : vector<16xi32>
        %shift_right_arithmetic3A_1090 = arith.constant 2 : i32
        %shift_right_arithmetic3A_1091 = vector.broadcast %shift_right_arithmetic3A_1090 : i32 to vector<16xi32>
        %shift_right_arithmetic3A_1092 = arith.shrsi %add3A_1089, %shift_right_arithmetic3A_1091 : vector<16xi32>
        %add3A_1093 = vector.broadcast %squeeze3A_32 : i32 to vector<16xi32>
        %add3A_1094 = arith.addi %shift_right_arithmetic3A_1092, %add3A_1093 : vector<16xi32>
        %jit3A_1095 = arith.constant 0 : i32
        %jit3A_1096 = arith.constant 63 : i32
        %max3A_1097 = vector.broadcast %jit3A_1095 : i32 to vector<16xi32>
        %max3A_1098 = arith.maxsi %max3A_1097, %add3A_1094 : vector<16xi32>
        %min3A_1099 = vector.broadcast %jit3A_1096 : i32 to vector<16xi32>
        %min3A_1100 = arith.minsi %min3A_1099, %max3A_1098 : vector<16xi32>
        %get3A_1101 = arith.constant 400 : index
        %get3A_1102 = tpu.vector_load %arg7[%get3A_1101] {strides = array<i32>} : memref<480xi32, #tpu.memory_space<vmem>>, vector<16xi32>,
        %get3A_1103 = vector.shape_cast %get3A_1102 : vector<16xi32> to vector<16xi32>
        %add3A_1104 = vector.broadcast %squeeze3A_28 : i32 to vector<16xi32>
        %add3A_1105 = arith.addi %get3A_1103, %add3A_1104 : vector<16xi32>
        %shift_right_arithmetic3A_1106 = arith.constant 2 : i32
        %shift_right_arithmetic3A_1107 = vector.broadcast %shift_right_arithmetic3A_1106 : i32 to vector<16xi32>
        %shift_right_arithmetic3A_1108 = arith.shrsi %add3A_1105, %shift_right_arithmetic3A_1107 : vector<16xi32>
        %add3A_1109 = vector.broadcast %squeeze3A_34 : i32 to vector<16xi32>
        %add3A_1110 = arith.addi %shift_right_arithmetic3A_1108, %add3A_1109 : vector<16xi32>
        %jit3A_1111 = arith.constant 0 : i32
        %jit3A_1112 = arith.constant 63 : i32
        %max3A_1113 = vector.broadcast %jit3A_1111 : i32 to vector<16xi32>
        %max3A_1114 = arith.maxsi %max3A_1113, %add3A_1110 : vector<16xi32>
        %min3A_1115 = vector.broadcast %jit3A_1112 : i32 to vector<16xi32>
        %min3A_1116 = arith.minsi %min3A_1115, %max3A_1114 : vector<16xi32>
        %mul3A_1117 = arith.constant 4096 : i32
        %mul3A_1118 = vector.broadcast %mul3A_1117 : i32 to vector<16xi32>
        %mul3A_1119 = arith.muli %min3A_1084, %mul3A_1118 : vector<16xi32>
        %mul3A_1120 = arith.constant 64 : i32
        %mul3A_1121 = vector.broadcast %mul3A_1120 : i32 to vector<16xi32>
        %mul3A_1122 = arith.muli %min3A_1100, %mul3A_1121 : vector<16xi32>
        %add3A_1123 = arith.addi %mul3A_1119, %mul3A_1122 : vector<16xi32>
        %add3A_1124 = arith.addi %add3A_1123, %min3A_1116 : vector<16xi32>
        %swap3A_1125 = arith.constant 0 : index
        %swap3A_1126 = tpu.vector_load %arg17[%swap3A_1125] {strides = array<i32>} : memref<80xi32, #tpu.memory_space<vmem>>, vector<16xi32>,
        %swap3A_1127 = vector.shape_cast %swap3A_1126 : vector<16xi32> to vector<16xi32>
        %swap3A_1128 = vector.shape_cast %add3A_1124 : vector<16xi32> to vector<16xi32>
        tpu.vector_store %arg17[%swap3A_1125], %swap3A_1128 {strides = array<i32>} : memref<80xi32, #tpu.memory_space<vmem>>, vector<16xi32>,
        %get3A_1129 = arith.constant 96 : index
        %get3A_1130 = tpu.vector_load %arg7[%get3A_1129] {strides = array<i32>} : memref<480xi32, #tpu.memory_space<vmem>>, vector<16xi32>,
        %get3A_1131 = vector.shape_cast %get3A_1130 : vector<16xi32> to vector<16xi32>
        %add3A_1132 = vector.broadcast %squeeze3A : i32 to vector<16xi32>
        %add3A_1133 = arith.addi %get3A_1131, %add3A_1132 : vector<16xi32>
        %shift_right_arithmetic3A_1134 = arith.constant 2 : i32
        %shift_right_arithmetic3A_1135 = vector.broadcast %shift_right_arithmetic3A_1134 : i32 to vector<16xi32>
        %shift_right_arithmetic3A_1136 = arith.shrsi %add3A_1133, %shift_right_arithmetic3A_1135 : vector<16xi32>
        %add3A_1137 = vector.broadcast %squeeze3A_30 : i32 to vector<16xi32>
        %add3A_1138 = arith.addi %shift_right_arithmetic3A_1136, %add3A_1137 : vector<16xi32>
        %jit3A_1139 = arith.constant 0 : i32
        %jit3A_1140 = arith.constant 63 : i32
        %max3A_1141 = vector.broadcast %jit3A_1139 : i32 to vector<16xi32>
        %max3A_1142 = arith.maxsi %max3A_1141, %add3A_1138 : vector<16xi32>
        %min3A_1143 = vector.broadcast %jit3A_1140 : i32 to vector<16xi32>
        %min3A_1144 = arith.minsi %min3A_1143, %max3A_1142 : vector<16xi32>
        %get3A_1145 = arith.constant 256 : index
        %get3A_1146 = tpu.vector_load %arg7[%get3A_1145] {strides = array<i32>} : memref<480xi32, #tpu.memory_space<vmem>>, vector<16xi32>,
        %get3A_1147 = vector.shape_cast %get3A_1146 : vector<16xi32> to vector<16xi32>
        %add3A_1148 = vector.broadcast %squeeze3A_26 : i32 to vector<16xi32>
        %add3A_1149 = arith.addi %get3A_1147, %add3A_1148 : vector<16xi32>
        %shift_right_arithmetic3A_1150 = arith.constant 2 : i32
        %shift_right_arithmetic3A_1151 = vector.broadcast %shift_right_arithmetic3A_1150 : i32 to vector<16xi32>
        %shift_right_arithmetic3A_1152 = arith.shrsi %add3A_1149, %shift_right_arithmetic3A_1151 : vector<16xi32>
        %add3A_1153 = vector.broadcast %squeeze3A_32 : i32 to vector<16xi32>
        %add3A_1154 = arith.addi %shift_right_arithmetic3A_1152, %add3A_1153 : vector<16xi32>
        %jit3A_1155 = arith.constant 0 : i32
        %jit3A_1156 = arith.constant 63 : i32
        %max3A_1157 = vector.broadcast %jit3A_1155 : i32 to vector<16xi32>
        %max3A_1158 = arith.maxsi %max3A_1157, %add3A_1154 : vector<16xi32>
        %min3A_1159 = vector.broadcast %jit3A_1156 : i32 to vector<16xi32>
        %min3A_1160 = arith.minsi %min3A_1159, %max3A_1158 : vector<16xi32>
        %get3A_1161 = arith.constant 416 : index
        %get3A_1162 = tpu.vector_load %arg7[%get3A_1161] {strides = array<i32>} : memref<480xi32, #tpu.memory_space<vmem>>, vector<16xi32>,
        %get3A_1163 = vector.shape_cast %get3A_1162 : vector<16xi32> to vector<16xi32>
        %add3A_1164 = vector.broadcast %squeeze3A_28 : i32 to vector<16xi32>
        %add3A_1165 = arith.addi %get3A_1163, %add3A_1164 : vector<16xi32>
        %shift_right_arithmetic3A_1166 = arith.constant 2 : i32
        %shift_right_arithmetic3A_1167 = vector.broadcast %shift_right_arithmetic3A_1166 : i32 to vector<16xi32>
        %shift_right_arithmetic3A_1168 = arith.shrsi %add3A_1165, %shift_right_arithmetic3A_1167 : vector<16xi32>
        %add3A_1169 = vector.broadcast %squeeze3A_34 : i32 to vector<16xi32>
        %add3A_1170 = arith.addi %shift_right_arithmetic3A_1168, %add3A_1169 : vector<16xi32>
        %jit3A_1171 = arith.constant 0 : i32
        %jit3A_1172 = arith.constant 63 : i32
        %max3A_1173 = vector.broadcast %jit3A_1171 : i32 to vector<16xi32>
        %max3A_1174 = arith.maxsi %max3A_1173, %add3A_1170 : vector<16xi32>
        %min3A_1175 = vector.broadcast %jit3A_1172 : i32 to vector<16xi32>
        %min3A_1176 = arith.minsi %min3A_1175, %max3A_1174 : vector<16xi32>
        %mul3A_1177 = arith.constant 4096 : i32
        %mul3A_1178 = vector.broadcast %mul3A_1177 : i32 to vector<16xi32>
        %mul3A_1179 = arith.muli %min3A_1144, %mul3A_1178 : vector<16xi32>
        %mul3A_1180 = arith.constant 64 : i32
        %mul3A_1181 = vector.broadcast %mul3A_1180 : i32 to vector<16xi32>
        %mul3A_1182 = arith.muli %min3A_1160, %mul3A_1181 : vector<16xi32>
        %add3A_1183 = arith.addi %mul3A_1179, %mul3A_1182 : vector<16xi32>
        %add3A_1184 = arith.addi %add3A_1183, %min3A_1176 : vector<16xi32>
        %swap3A_1185 = arith.constant 16 : index
        %swap3A_1186 = tpu.vector_load %arg17[%swap3A_1185] {strides = array<i32>} : memref<80xi32, #tpu.memory_space<vmem>>, vector<16xi32>,
        %swap3A_1187 = vector.shape_cast %swap3A_1186 : vector<16xi32> to vector<16xi32>
        %swap3A_1188 = vector.shape_cast %add3A_1184 : vector<16xi32> to vector<16xi32>
        tpu.vector_store %arg17[%swap3A_1185], %swap3A_1188 {strides = array<i32>} : memref<80xi32, #tpu.memory_space<vmem>>, vector<16xi32>,
        %get3A_1189 = arith.constant 112 : index
        %get3A_1190 = tpu.vector_load %arg7[%get3A_1189] {strides = array<i32>} : memref<480xi32, #tpu.memory_space<vmem>>, vector<16xi32>,
        %get3A_1191 = vector.shape_cast %get3A_1190 : vector<16xi32> to vector<16xi32>
        %add3A_1192 = vector.broadcast %squeeze3A : i32 to vector<16xi32>
        %add3A_1193 = arith.addi %get3A_1191, %add3A_1192 : vector<16xi32>
        %shift_right_arithmetic3A_1194 = arith.constant 2 : i32
        %shift_right_arithmetic3A_1195 = vector.broadcast %shift_right_arithmetic3A_1194 : i32 to vector<16xi32>
        %shift_right_arithmetic3A_1196 = arith.shrsi %add3A_1193, %shift_right_arithmetic3A_1195 : vector<16xi32>
        %add3A_1197 = vector.broadcast %squeeze3A_30 : i32 to vector<16xi32>
        %add3A_1198 = arith.addi %shift_right_arithmetic3A_1196, %add3A_1197 : vector<16xi32>
        %jit3A_1199 = arith.constant 0 : i32
        %jit3A_1200 = arith.constant 63 : i32
        %max3A_1201 = vector.broadcast %jit3A_1199 : i32 to vector<16xi32>
        %max3A_1202 = arith.maxsi %max3A_1201, %add3A_1198 : vector<16xi32>
        %min3A_1203 = vector.broadcast %jit3A_1200 : i32 to vector<16xi32>
        %min3A_1204 = arith.minsi %min3A_1203, %max3A_1202 : vector<16xi32>
        %get3A_1205 = arith.constant 272 : index
        %get3A_1206 = tpu.vector_load %arg7[%get3A_1205] {strides = array<i32>} : memref<480xi32, #tpu.memory_space<vmem>>, vector<16xi32>,
        %get3A_1207 = vector.shape_cast %get3A_1206 : vector<16xi32> to vector<16xi32>
        %add3A_1208 = vector.broadcast %squeeze3A_26 : i32 to vector<16xi32>
        %add3A_1209 = arith.addi %get3A_1207, %add3A_1208 : vector<16xi32>
        %shift_right_arithmetic3A_1210 = arith.constant 2 : i32
        %shift_right_arithmetic3A_1211 = vector.broadcast %shift_right_arithmetic3A_1210 : i32 to vector<16xi32>
        %shift_right_arithmetic3A_1212 = arith.shrsi %add3A_1209, %shift_right_arithmetic3A_1211 : vector<16xi32>
        %add3A_1213 = vector.broadcast %squeeze3A_32 : i32 to vector<16xi32>
        %add3A_1214 = arith.addi %shift_right_arithmetic3A_1212, %add3A_1213 : vector<16xi32>
        %jit3A_1215 = arith.constant 0 : i32
        %jit3A_1216 = arith.constant 63 : i32
        %max3A_1217 = vector.broadcast %jit3A_1215 : i32 to vector<16xi32>
        %max3A_1218 = arith.maxsi %max3A_1217, %add3A_1214 : vector<16xi32>
        %min3A_1219 = vector.broadcast %jit3A_1216 : i32 to vector<16xi32>
        %min3A_1220 = arith.minsi %min3A_1219, %max3A_1218 : vector<16xi32>
        %get3A_1221 = arith.constant 432 : index
        %get3A_1222 = tpu.vector_load %arg7[%get3A_1221] {strides = array<i32>} : memref<480xi32, #tpu.memory_space<vmem>>, vector<16xi32>,
        %get3A_1223 = vector.shape_cast %get3A_1222 : vector<16xi32> to vector<16xi32>
        %add3A_1224 = vector.broadcast %squeeze3A_28 : i32 to vector<16xi32>
        %add3A_1225 = arith.addi %get3A_1223, %add3A_1224 : vector<16xi32>
        %shift_right_arithmetic3A_1226 = arith.constant 2 : i32
        %shift_right_arithmetic3A_1227 = vector.broadcast %shift_right_arithmetic3A_1226 : i32 to vector<16xi32>
        %shift_right_arithmetic3A_1228 = arith.shrsi %add3A_1225, %shift_right_arithmetic3A_1227 : vector<16xi32>
        %add3A_1229 = vector.broadcast %squeeze3A_34 : i32 to vector<16xi32>
        %add3A_1230 = arith.addi %shift_right_arithmetic3A_1228, %add3A_1229 : vector<16xi32>
        %jit3A_1231 = arith.constant 0 : i32
        %jit3A_1232 = arith.constant 63 : i32
        %max3A_1233 = vector.broadcast %jit3A_1231 : i32 to vector<16xi32>
        %max3A_1234 = arith.maxsi %max3A_1233, %add3A_1230 : vector<16xi32>
        %min3A_1235 = vector.broadcast %jit3A_1232 : i32 to vector<16xi32>
        %min3A_1236 = arith.minsi %min3A_1235, %max3A_1234 : vector<16xi32>
        %mul3A_1237 = arith.constant 4096 : i32
        %mul3A_1238 = vector.broadcast %mul3A_1237 : i32 to vector<16xi32>
        %mul3A_1239 = arith.muli %min3A_1204, %mul3A_1238 : vector<16xi32>
        %mul3A_1240 = arith.constant 64 : i32
        %mul3A_1241 = vector.broadcast %mul3A_1240 : i32 to vector<16xi32>
        %mul3A_1242 = arith.muli %min3A_1220, %mul3A_1241 : vector<16xi32>
        %add3A_1243 = arith.addi %mul3A_1239, %mul3A_1242 : vector<16xi32>
        %add3A_1244 = arith.addi %add3A_1243, %min3A_1236 : vector<16xi32>
        %swap3A_1245 = arith.constant 32 : index
        %swap3A_1246 = tpu.vector_load %arg17[%swap3A_1245] {strides = array<i32>} : memref<80xi32, #tpu.memory_space<vmem>>, vector<16xi32>,
        %swap3A_1247 = vector.shape_cast %swap3A_1246 : vector<16xi32> to vector<16xi32>
        %swap3A_1248 = vector.shape_cast %add3A_1244 : vector<16xi32> to vector<16xi32>
        tpu.vector_store %arg17[%swap3A_1245], %swap3A_1248 {strides = array<i32>} : memref<80xi32, #tpu.memory_space<vmem>>, vector<16xi32>,
        %get3A_1249 = arith.constant 128 : index
        %get3A_1250 = tpu.vector_load %arg7[%get3A_1249] {strides = array<i32>} : memref<480xi32, #tpu.memory_space<vmem>>, vector<16xi32>,
        %get3A_1251 = vector.shape_cast %get3A_1250 : vector<16xi32> to vector<16xi32>
        %add3A_1252 = vector.broadcast %squeeze3A : i32 to vector<16xi32>
        %add3A_1253 = arith.addi %get3A_1251, %add3A_1252 : vector<16xi32>
        %shift_right_arithmetic3A_1254 = arith.constant 2 : i32
        %shift_right_arithmetic3A_1255 = vector.broadcast %shift_right_arithmetic3A_1254 : i32 to vector<16xi32>
        %shift_right_arithmetic3A_1256 = arith.shrsi %add3A_1253, %shift_right_arithmetic3A_1255 : vector<16xi32>
        %add3A_1257 = vector.broadcast %squeeze3A_30 : i32 to vector<16xi32>
        %add3A_1258 = arith.addi %shift_right_arithmetic3A_1256, %add3A_1257 : vector<16xi32>
        %jit3A_1259 = arith.constant 0 : i32
        %jit3A_1260 = arith.constant 63 : i32
        %max3A_1261 = vector.broadcast %jit3A_1259 : i32 to vector<16xi32>
        %max3A_1262 = arith.maxsi %max3A_1261, %add3A_1258 : vector<16xi32>
        %min3A_1263 = vector.broadcast %jit3A_1260 : i32 to vector<16xi32>
        %min3A_1264 = arith.minsi %min3A_1263, %max3A_1262 : vector<16xi32>
        %get3A_1265 = arith.constant 288 : index
        %get3A_1266 = tpu.vector_load %arg7[%get3A_1265] {strides = array<i32>} : memref<480xi32, #tpu.memory_space<vmem>>, vector<16xi32>,
        %get3A_1267 = vector.shape_cast %get3A_1266 : vector<16xi32> to vector<16xi32>
        %add3A_1268 = vector.broadcast %squeeze3A_26 : i32 to vector<16xi32>
        %add3A_1269 = arith.addi %get3A_1267, %add3A_1268 : vector<16xi32>
        %shift_right_arithmetic3A_1270 = arith.constant 2 : i32
        %shift_right_arithmetic3A_1271 = vector.broadcast %shift_right_arithmetic3A_1270 : i32 to vector<16xi32>
        %shift_right_arithmetic3A_1272 = arith.shrsi %add3A_1269, %shift_right_arithmetic3A_1271 : vector<16xi32>
        %add3A_1273 = vector.broadcast %squeeze3A_32 : i32 to vector<16xi32>
        %add3A_1274 = arith.addi %shift_right_arithmetic3A_1272, %add3A_1273 : vector<16xi32>
        %jit3A_1275 = arith.constant 0 : i32
        %jit3A_1276 = arith.constant 63 : i32
        %max3A_1277 = vector.broadcast %jit3A_1275 : i32 to vector<16xi32>
        %max3A_1278 = arith.maxsi %max3A_1277, %add3A_1274 : vector<16xi32>
        %min3A_1279 = vector.broadcast %jit3A_1276 : i32 to vector<16xi32>
        %min3A_1280 = arith.minsi %min3A_1279, %max3A_1278 : vector<16xi32>
        %get3A_1281 = arith.constant 448 : index
        %get3A_1282 = tpu.vector_load %arg7[%get3A_1281] {strides = array<i32>} : memref<480xi32, #tpu.memory_space<vmem>>, vector<16xi32>,
        %get3A_1283 = vector.shape_cast %get3A_1282 : vector<16xi32> to vector<16xi32>
        %add3A_1284 = vector.broadcast %squeeze3A_28 : i32 to vector<16xi32>
        %add3A_1285 = arith.addi %get3A_1283, %add3A_1284 : vector<16xi32>
        %shift_right_arithmetic3A_1286 = arith.constant 2 : i32
        %shift_right_arithmetic3A_1287 = vector.broadcast %shift_right_arithmetic3A_1286 : i32 to vector<16xi32>
        %shift_right_arithmetic3A_1288 = arith.shrsi %add3A_1285, %shift_right_arithmetic3A_1287 : vector<16xi32>
        %add3A_1289 = vector.broadcast %squeeze3A_34 : i32 to vector<16xi32>
        %add3A_1290 = arith.addi %shift_right_arithmetic3A_1288, %add3A_1289 : vector<16xi32>
        %jit3A_1291 = arith.constant 0 : i32
        %jit3A_1292 = arith.constant 63 : i32
        %max3A_1293 = vector.broadcast %jit3A_1291 : i32 to vector<16xi32>
        %max3A_1294 = arith.maxsi %max3A_1293, %add3A_1290 : vector<16xi32>
        %min3A_1295 = vector.broadcast %jit3A_1292 : i32 to vector<16xi32>
        %min3A_1296 = arith.minsi %min3A_1295, %max3A_1294 : vector<16xi32>
        %mul3A_1297 = arith.constant 4096 : i32
        %mul3A_1298 = vector.broadcast %mul3A_1297 : i32 to vector<16xi32>
        %mul3A_1299 = arith.muli %min3A_1264, %mul3A_1298 : vector<16xi32>
        %mul3A_1300 = arith.constant 64 : i32
        %mul3A_1301 = vector.broadcast %mul3A_1300 : i32 to vector<16xi32>
        %mul3A_1302 = arith.muli %min3A_1280, %mul3A_1301 : vector<16xi32>
        %add3A_1303 = arith.addi %mul3A_1299, %mul3A_1302 : vector<16xi32>
        %add3A_1304 = arith.addi %add3A_1303, %min3A_1296 : vector<16xi32>
        %swap3A_1305 = arith.constant 48 : index
        %swap3A_1306 = tpu.vector_load %arg17[%swap3A_1305] {strides = array<i32>} : memref<80xi32, #tpu.memory_space<vmem>>, vector<16xi32>,
        %swap3A_1307 = vector.shape_cast %swap3A_1306 : vector<16xi32> to vector<16xi32>
        %swap3A_1308 = vector.shape_cast %add3A_1304 : vector<16xi32> to vector<16xi32>
        tpu.vector_store %arg17[%swap3A_1305], %swap3A_1308 {strides = array<i32>} : memref<80xi32, #tpu.memory_space<vmem>>, vector<16xi32>,
        %get3A_1309 = arith.constant 144 : index
        %get3A_1310 = tpu.vector_load %arg7[%get3A_1309] {strides = array<i32>} : memref<480xi32, #tpu.memory_space<vmem>>, vector<16xi32>,
        %get3A_1311 = vector.shape_cast %get3A_1310 : vector<16xi32> to vector<16xi32>
        %add3A_1312 = vector.broadcast %squeeze3A : i32 to vector<16xi32>
        %add3A_1313 = arith.addi %get3A_1311, %add3A_1312 : vector<16xi32>
        %shift_right_arithmetic3A_1314 = arith.constant 2 : i32
        %shift_right_arithmetic3A_1315 = vector.broadcast %shift_right_arithmetic3A_1314 : i32 to vector<16xi32>
        %shift_right_arithmetic3A_1316 = arith.shrsi %add3A_1313, %shift_right_arithmetic3A_1315 : vector<16xi32>
        %add3A_1317 = vector.broadcast %squeeze3A_30 : i32 to vector<16xi32>
        %add3A_1318 = arith.addi %shift_right_arithmetic3A_1316, %add3A_1317 : vector<16xi32>
        %jit3A_1319 = arith.constant 0 : i32
        %jit3A_1320 = arith.constant 63 : i32
        %max3A_1321 = vector.broadcast %jit3A_1319 : i32 to vector<16xi32>
        %max3A_1322 = arith.maxsi %max3A_1321, %add3A_1318 : vector<16xi32>
        %min3A_1323 = vector.broadcast %jit3A_1320 : i32 to vector<16xi32>
        %min3A_1324 = arith.minsi %min3A_1323, %max3A_1322 : vector<16xi32>
        %get3A_1325 = arith.constant 304 : index
        %get3A_1326 = tpu.vector_load %arg7[%get3A_1325] {strides = array<i32>} : memref<480xi32, #tpu.memory_space<vmem>>, vector<16xi32>,
        %get3A_1327 = vector.shape_cast %get3A_1326 : vector<16xi32> to vector<16xi32>
        %add3A_1328 = vector.broadcast %squeeze3A_26 : i32 to vector<16xi32>
        %add3A_1329 = arith.addi %get3A_1327, %add3A_1328 : vector<16xi32>
        %shift_right_arithmetic3A_1330 = arith.constant 2 : i32
        %shift_right_arithmetic3A_1331 = vector.broadcast %shift_right_arithmetic3A_1330 : i32 to vector<16xi32>
        %shift_right_arithmetic3A_1332 = arith.shrsi %add3A_1329, %shift_right_arithmetic3A_1331 : vector<16xi32>
        %add3A_1333 = vector.broadcast %squeeze3A_32 : i32 to vector<16xi32>
        %add3A_1334 = arith.addi %shift_right_arithmetic3A_1332, %add3A_1333 : vector<16xi32>
        %jit3A_1335 = arith.constant 0 : i32
        %jit3A_1336 = arith.constant 63 : i32
        %max3A_1337 = vector.broadcast %jit3A_1335 : i32 to vector<16xi32>
        %max3A_1338 = arith.maxsi %max3A_1337, %add3A_1334 : vector<16xi32>
        %min3A_1339 = vector.broadcast %jit3A_1336 : i32 to vector<16xi32>
        %min3A_1340 = arith.minsi %min3A_1339, %max3A_1338 : vector<16xi32>
        %get3A_1341 = arith.constant 464 : index
        %get3A_1342 = tpu.vector_load %arg7[%get3A_1341] {strides = array<i32>} : memref<480xi32, #tpu.memory_space<vmem>>, vector<16xi32>,
        %get3A_1343 = vector.shape_cast %get3A_1342 : vector<16xi32> to vector<16xi32>
        %add3A_1344 = vector.broadcast %squeeze3A_28 : i32 to vector<16xi32>
        %add3A_1345 = arith.addi %get3A_1343, %add3A_1344 : vector<16xi32>
        %shift_right_arithmetic3A_1346 = arith.constant 2 : i32
        %shift_right_arithmetic3A_1347 = vector.broadcast %shift_right_arithmetic3A_1346 : i32 to vector<16xi32>
        %shift_right_arithmetic3A_1348 = arith.shrsi %add3A_1345, %shift_right_arithmetic3A_1347 : vector<16xi32>
        %add3A_1349 = vector.broadcast %squeeze3A_34 : i32 to vector<16xi32>
        %add3A_1350 = arith.addi %shift_right_arithmetic3A_1348, %add3A_1349 : vector<16xi32>
        %jit3A_1351 = arith.constant 0 : i32
        %jit3A_1352 = arith.constant 63 : i32
        %max3A_1353 = vector.broadcast %jit3A_1351 : i32 to vector<16xi32>
        %max3A_1354 = arith.maxsi %max3A_1353, %add3A_1350 : vector<16xi32>
        %min3A_1355 = vector.broadcast %jit3A_1352 : i32 to vector<16xi32>
        %min3A_1356 = arith.minsi %min3A_1355, %max3A_1354 : vector<16xi32>
        %mul3A_1357 = arith.constant 4096 : i32
        %mul3A_1358 = vector.broadcast %mul3A_1357 : i32 to vector<16xi32>
        %mul3A_1359 = arith.muli %min3A_1324, %mul3A_1358 : vector<16xi32>
        %mul3A_1360 = arith.constant 64 : i32
        %mul3A_1361 = vector.broadcast %mul3A_1360 : i32 to vector<16xi32>
        %mul3A_1362 = arith.muli %min3A_1340, %mul3A_1361 : vector<16xi32>
        %add3A_1363 = arith.addi %mul3A_1359, %mul3A_1362 : vector<16xi32>
        %add3A_1364 = arith.addi %add3A_1363, %min3A_1356 : vector<16xi32>
        %swap3A_1365 = arith.constant 64 : index
        %swap3A_1366 = tpu.vector_load %arg17[%swap3A_1365] {strides = array<i32>} : memref<80xi32, #tpu.memory_space<vmem>>, vector<16xi32>,
        %swap3A_1367 = vector.shape_cast %swap3A_1366 : vector<16xi32> to vector<16xi32>
        %swap3A_1368 = vector.shape_cast %add3A_1364 : vector<16xi32> to vector<16xi32>
        tpu.vector_store %arg17[%swap3A_1365], %swap3A_1368 {strides = array<i32>} : memref<80xi32, #tpu.memory_space<vmem>>, vector<16xi32>,
        %dma_start3A_1369 = arith.constant 0 : i32
        %dma_start3A_1370 = arith.constant 0 : i32
        %dma_start3A_1371 = tpu.memref_slice %arg13[%dma_start3A_1369, %dma_start3A_1370] : memref<160x128xf32, #tpu.memory_space<vmem>> -> memref<80x128xf32, #tpu.memory_space<vmem>>
        %dma_start3A_1372 = arith.constant 0 : i32
        %dma_start3A_1373 = arith.constant 0 : i32
        %dma_start3A_1374 = tpu.memref_slice %arg4[%dma_start3A_1372, %dma_start3A_1373] : memref<262144x128xf32, #tpu.memory_space<hbm>> -> memref<262144x128xf32, #tpu.memory_space<hbm>>
        tpu.enqueue_indirect_dma source(%dma_start3A_1374 : memref<262144x128xf32, #tpu.memory_space<hbm>>) target(%dma_start3A_1371 : memref<80x128xf32, #tpu.memory_space<vmem>>) offsets(%arg16 : memref<80xi32, #tpu.memory_space<vmem>>) semaphore(%arg29 : memref<!tpu.dma_semaphore, #tpu.memory_space<semaphore_mem>>)
        %dma_start3A_1375 = arith.constant 80 : i32
        %dma_start3A_1376 = arith.constant 0 : i32
        %dma_start3A_1377 = tpu.memref_slice %arg13[%dma_start3A_1375, %dma_start3A_1376] : memref<160x128xf32, #tpu.memory_space<vmem>> -> memref<80x128xf32, #tpu.memory_space<vmem>>
        %dma_start3A_1378 = arith.constant 0 : i32
        %dma_start3A_1379 = arith.constant 0 : i32
        %dma_start3A_1380 = tpu.memref_slice %arg4[%dma_start3A_1378, %dma_start3A_1379] : memref<262144x128xf32, #tpu.memory_space<hbm>> -> memref<262144x128xf32, #tpu.memory_space<hbm>>
        tpu.enqueue_indirect_dma source(%dma_start3A_1380 : memref<262144x128xf32, #tpu.memory_space<hbm>>) target(%dma_start3A_1377 : memref<80x128xf32, #tpu.memory_space<vmem>>) offsets(%arg17 : memref<80xi32, #tpu.memory_space<vmem>>) semaphore(%arg30 : memref<!tpu.dma_semaphore, #tpu.memory_space<semaphore_mem>>)
      } else {
      }
    }
    %scan3A_681 = arith.constant 14 : i32
    %dma_wait3A_682 = arith.constant 0 : i32
    %dma_wait3A_683 = arith.constant 0 : i32
    %dma_wait3A_684 = tpu.memref_slice %arg6[%dma_wait3A_682, %dma_wait3A_683] : memref<200000x128xf32, #tpu.memory_space<hbm>> -> memref<160x128xf32, #tpu.memory_space<hbm>>
    %dma_wait3A_685 = arith.constant 0 : i32
    %dma_wait3A_686 = arith.constant 0 : i32
    %dma_wait3A_687 = tpu.memref_slice %arg6[%dma_wait3A_685, %dma_wait3A_686] : memref<200000x128xf32, #tpu.memory_space<hbm>> -> memref<160x128xf32, #tpu.memory_space<hbm>>
    tpu.wait_dma2 semaphore(%arg35 : memref<!tpu.dma_semaphore, #tpu.memory_space<semaphore_mem>>) src(%arg10 : memref<160x128xf32, #tpu.memory_space<vmem>>) dst(%dma_wait3A_687 : memref<160x128xf32, #tpu.memory_space<hbm>>)
    %dma_wait3A_688 = arith.constant 0 : i32
    %dma_wait3A_689 = arith.constant 0 : i32
    %dma_wait3A_690 = tpu.memref_slice %arg6[%dma_wait3A_688, %dma_wait3A_689] : memref<200000x128xf32, #tpu.memory_space<hbm>> -> memref<160x128xf32, #tpu.memory_space<hbm>>
    %dma_wait3A_691 = arith.constant 0 : i32
    %dma_wait3A_692 = arith.constant 0 : i32
    %dma_wait3A_693 = tpu.memref_slice %arg6[%dma_wait3A_691, %dma_wait3A_692] : memref<200000x128xf32, #tpu.memory_space<hbm>> -> memref<160x128xf32, #tpu.memory_space<hbm>>
    tpu.wait_dma2 semaphore(%arg36 : memref<!tpu.dma_semaphore, #tpu.memory_space<semaphore_mem>>) src(%arg11 : memref<160x128xf32, #tpu.memory_space<vmem>>) dst(%dma_wait3A_693 : memref<160x128xf32, #tpu.memory_space<hbm>>)
    %dma_wait3A_694 = arith.constant 0 : i32
    %dma_wait3A_695 = arith.constant 0 : i32
    %dma_wait3A_696 = tpu.memref_slice %arg6[%dma_wait3A_694, %dma_wait3A_695] : memref<200000x128xf32, #tpu.memory_space<hbm>> -> memref<160x128xf32, #tpu.memory_space<hbm>>
    %dma_wait3A_697 = arith.constant 0 : i32
    %dma_wait3A_698 = arith.constant 0 : i32
    %dma_wait3A_699 = tpu.memref_slice %arg6[%dma_wait3A_697, %dma_wait3A_698] : memref<200000x128xf32, #tpu.memory_space<hbm>> -> memref<160x128xf32, #tpu.memory_space<hbm>>
    tpu.wait_dma2 semaphore(%arg37 : memref<!tpu.dma_semaphore, #tpu.memory_space<semaphore_mem>>) src(%arg12 : memref<160x128xf32, #tpu.memory_space<vmem>>) dst(%dma_wait3A_699 : memref<160x128xf32, #tpu.memory_space<hbm>>)
    return
  }
}

</mosaic_0001>

<sc_bundles>
// kernel: _fusion.3.cloned.1.call-start
scs
__scs_entry_jumppad:
0x0: {  	(pc) =	sbr.rel $0x88, $3  }
0x1: {  	(tag) =	ssettag $0x0;
	lr =	simm.s32 $0x1  }
0x2: {  	[smem:$0x3F9D] =	sst lr;
	_ =	strace $0xD0000000  }
0x3: {  	_ = 	snop  }
0x4: {  	_ = 	snop  }
0x5: {  	_ = 	snop  }
0x6: {  	_ = 	snop  }
0x7: {  	_ = 	snop  }
__scs_overlays_trampoline_lowered:
0x8: {  	[smem:$0x3FAC] =	sst s0  }
0x9: {  	[smem:$0x3FAD] =	sst s1  }
0xa: {  	[smem:$0x3FAE] =	sst s2  }
0xb: {  	[smem:$0x3FAF] =	sst s3  }
0xc: {  	[smem:$0x3FB0] =	sst s4  }
0xd: {  	[smem:$0x3FB1] =	sst s5  }
0xe: {  	[smem:$0x3FB2] =	sst s6  }
0xf: {  	[smem:$0x3FB3] =	sst s7  }
0x10: {  	[smem:$0x3FB4] =	sst s8  }
0x11: {  	[smem:$0x3FB5] =	sst s9;
	s0 =	simm.s32 @!p0 $0x0  }
0x12: {  	s1 =	sld [smem:$0x3F9B];
	s0 =	simm.s32 @p0 $0x1  }
0x13: {  	[smem:$0x3FB6] =	sst s0;
	s0 =	simm.s32 @!p1 $0x0  }
0x14: {  	s2 =	sld [smem:$0x3F9A];
	s0 =	simm.s32 @p1 $0x1  }
0x15: {  	[smem:$0x3FB7] =	sst s0;
	s0 =	simm.s32 @!p2 $0x0  }
0x16: {  	s3 =	sld [smem:$0x3FDB];
	s0 =	simm.s32 @p2 $0x1  }
0x17: {  	s4 =	simm.s32 $0x1BF5;
	[smem:$0x3FB9] =	sst s0  }
0x18: {  	s0 =	sld [smem:$0x3F9C];
	_ =	swait.ge [sflag:s4], $0x0  }
0x19: {  	s7 =	sld [smem:$0x3F9D]  }
0x1a: {  	s8 =	sadd.s32 $0xFFFFE003, lr  }
0x1b: {  	s9 =	sadd.s32 $0xFFFFFEF7, lr;
	s5 =	simm.s32 $0xFFFFFFFF;
	p2 =	slt.u32 s8, $0xFFFFF086  }
0x1c: {  	p1 =	slt.u32 s9, $0xF7A;
	s5 =	simm.s32 @!p2 $0x0  }
0x1d: {  	s5 =	simm.s32 @p1 $0x1;
	p0 =	seq.s32 s7, s2  }
0x1e: {  	s7 =	smul.u32 @!p0 $0xF7A, s2;
	p2 =	seq.s32 @!p0 s5, $0x0  }
0x1f: {  	s9 =	smul.u32 $0xF7A, s1;
	s8 =	simm.s32 @!p0 $0x1BF5;
	p2 =	por !p2, p0  }
0x20: {  	[sflag:s8] =	ssyncset.s32 @!p0 $0xFFFFF086;
	s6 =	sadd.s32 @!p0 s3, s7;
	s7 =	simm.s32 @!p0 $0x108  }
0x21: {  	s3 =	sadd.s32 s3, s9;
	s6 =	sadd.s32 @!p0 $0x88, s6;
	s7 =	simm.s32 @p2 $0x1082  }
0x22: {  	[simem:s7], [sflag:s8] =	dma.local @!p0 [hbm:s6], $0xF7A  }
0x23: {  	s9 =	sor.u32 $0xD0000000, s2;
	s6 =	simm.s32 $0x108;
	_ =	swait.ge @!p0 [sflag:s8], $0x0  }
0x24: {  	s3 =	sadd.s32 $0x88, s3;
	s6 =	simm.s32 @!p1 $0x1082;
	[sflag:s4] =	ssyncset.s32 $0xFFFFF086  }
0x25: {  	[simem:s6], [sflag:s4] =	dma.local [hbm:s3], $0xF7A  }
0x26: {  	[smem:$0x3F9D] =	sst s1;
	(tag) =	ssettag s2;
	_ =	strace s9  }
0x27: {  	s1 =	sld [smem:$0x3FAD]  }
0x28: {  	s2 =	sld [smem:$0x3FAE]  }
0x29: {  	s4 =	sld [smem:$0x3FB0]  }
0x2a: {  	p0 =	seq.s32 s5, $0x0;
	s5 =	sld [smem:$0x3FB1]  }
0x2b: {  	s6 =	sld [smem:$0x3FB2]  }
0x2c: {  	s7 =	sld [smem:$0x3FB3]  }
0x2d: {  	s3 =	simm.s32 $0x108;
	s8 =	sld [smem:$0x3FB4]  }
0x2e: {  	s3 =	simm.s32 @!p0 $0x1082;
	s9 =	sld [smem:$0x3FB5]  }
0x2f: {  	lr =	sadd.s32 s0, s3;
	s0 =	sld [smem:$0x3FAC]  }
0x30: {  	s3 =	sld [smem:$0x3FAF]  }
0x31: {  	[smem:$0x3FB8] =	sst s10  }
0x32: {  	s10 =	sld [smem:$0x3FB6];
	_ =	sdelay $0x3  }
0x33: {  	p0 =	seq.s32 s10, $0x1;
	s10 =	sld [smem:$0x3FB8];
	_ =	sdelay $0x3  }
0x34: {  	[smem:$0x3FB8] =	sst s10  }
0x35: {  	s10 =	sld [smem:$0x3FB7];
	_ =	sdelay $0x3  }
0x36: {  	p1 =	seq.s32 s10, $0x1;
	s10 =	sld [smem:$0x3FB8];
	_ =	sdelay $0x3  }
0x37: {  	[smem:$0x3FB8] =	sst s10  }
0x38: {  	s10 =	sld [smem:$0x3FB9]  }
0x39: {  	_ = 	snop;
	(pc) =	sbr.ind lr, $3  }
0x3a: {  	_ = 	snop  }
0x3b: {  	_ = 	snop  }
0x3c: {  	p2 =	seq.s32 s10, $0x1;
	s10 =	sld [smem:$0x3FB8]  }
0x3d: {  	_ =	shalt  }
0x3e: {  	_ =	shalt  }
0x3f: {  	_ =	shalt  }
0x40: {  	_ =	shalt  }
0x41: {  	_ =	shalt  }
0x42: {  	_ =	shalt  }
0x43: {  	_ =	shalt  }
0x44: {  	_ =	shalt  }
0x45: {  	_ =	shalt  }
0x46: {  	_ =	shalt  }
0x47: {  	_ =	shalt  }
0x48: {  	_ =	shalt  }
0x49: {  	_ =	shalt  }
0x4a: {  	_ =	shalt  }
0x4b: {  	_ =	shalt  }
0x4c: {  	_ =	shalt  }
0x4d: {  	_ =	shalt  }
0x4e: {  	_ =	shalt  }
0x4f: {  	_ =	shalt  }
0x50: {  	_ =	shalt  }
0x51: {  	_ =	shalt  }
0x52: {  	_ =	shalt  }
0x53: {  	_ =	shalt  }
0x54: {  	_ =	shalt  }
0x55: {  	_ =	shalt  }
0x56: {  	_ =	shalt  }
0x57: {  	_ =	shalt  }
0x58: {  	_ =	shalt  }
0x59: {  	_ =	shalt  }
0x5a: {  	_ =	shalt  }
0x5b: {  	_ =	shalt  }
0x5c: {  	_ =	shalt  }
0x5d: {  	_ =	shalt  }
0x5e: {  	_ =	shalt  }
0x5f: {  	_ =	shalt  }
0x60: {  	_ =	shalt  }
0x61: {  	_ =	shalt  }
0x62: {  	_ =	shalt  }
0x63: {  	_ =	shalt  }
0x64: {  	_ =	shalt  }
0x65: {  	_ =	shalt  }
0x66: {  	_ =	shalt  }
0x67: {  	_ =	shalt  }
0x68: {  	_ =	shalt  }
0x69: {  	_ =	shalt  }
0x6a: {  	_ =	shalt  }
0x6b: {  	_ =	shalt  }
0x6c: {  	_ =	shalt  }
0x6d: {  	_ =	shalt  }
0x6e: {  	_ =	shalt  }
0x6f: {  	_ =	shalt  }
0x70: {  	_ =	shalt  }
0x71: {  	_ =	shalt  }
0x72: {  	_ =	shalt  }
0x73: {  	_ =	shalt  }
0x74: {  	_ =	shalt  }
0x75: {  	_ =	shalt  }
0x76: {  	_ =	shalt  }
0x77: {  	_ =	shalt  }
0x78: {  	_ =	shalt  }
0x79: {  	_ =	shalt  }
0x7a: {  	_ =	shalt  }
0x7b: {  	_ =	shalt  }
0x7c: {  	_ =	shalt  }
0x7d: {  	_ =	shalt  }
0x7e: {  	_ =	shalt  }
0x7f: {  	_ =	shalt  }
0x80: {  	_ =	shalt  }
0x81: {  	_ =	shalt  }
0x82: {  	_ =	shalt  }
0x83: {  	_ =	shalt  }
0x84: {  	_ =	shalt  }
0x85: {  	_ =	shalt  }
0x86: {  	_ =	shalt  }
0x87: {  	_ =	shalt  }
.Lfunc_end0:
.L_simem_size_0:
called_computation_lowered:
.L_overlay_start_0:
0x88: {  	s2 =	sld [smem:$0x3FD9]  }
0x89: {  	s3 =	sld [smem:$0x3FFE];
	_ =	sdelay $0x1  }
0x8a: {  	s1 =	srdreg.scid  }
0x8b: {  	s0 =	sand.u32 $0x1, s1  }
0x8c: {  	s17 =	sshll.u32 s0, $0xA;
	s2 =	sadd.s32 s3, s2  }
0x8d: {  	s2 =	sadd.s32 s2, s17  }
0x8e: {  	[smem:$0x3FC4] =	sst s2  }
0x8f: {  	_ = 	snop  }
0x90: {  	s2 =	sld [smem:$0x3FC8]  }
0x91: {  	s18 =	sld [smem:$0x3FC7]  }
0x92: {  	s4 =	sld [smem:$0x3FC6]  }
0x93: {  	s5 =	sld [smem:$0x3FD0];
	(tm) =	ssettm $0x1  }
0x94: {  	s6 =	sld [smem:$0x3FFB];
	_ =	sdelay $0x3  }
0x95: {  	_ =	strace s6  }
0x96: {  	s6 =	sld [smem:$0x3FFC];
	_ =	sdelay $0x3  }
0x97: {  	_ =	strace s6  }
0x98: {  	s6 =	sld [smem:$0x3FFD];
	_ =	sdelay $0x3  }
0x99: {  	_ =	strace s6  }
0x9a: {  	_ =	strace $0x8FFFFFFF  }
0x9b: {  	s19 =	sld [smem:$0x3FDB];
	_ =	sdelay $0x1  }
0x9c: {  	s7 =	simm.s32 $_scs_section_size  }
0x9d: {  	s8 =	simm.s32 $_size__tile_overlayer_lowered;
	s9 =	simm.s32 $_tile_overlayer_lowered  }
0x9e: {  	s22 =	simm.s32 $0x1BFF;
	s21 =	sshll.u32 s9, $0x1;
	s6 =	sadd.s32 s7, s19  }
0x9f: {  	s10 =	simm.s32 $0x0;
	s20 =	sshll.u32 s8, $0x1;
	s8 =	sadd.s32 s21, s6  }
0xa0: {  	[timem:s10], [sflag:s22] =	dma.local [hbm:s8], s20  }
0xa1: {  	_ =	swait.ge [sflag:s22], s20  }
0xa2: {  	s7 =	ssub.s32 $0x0, s20;
	[sflag:s22] =	ssyncset.done $0x0  }
0xa3: {  	[sflag:s22] =	ssyncadd.s32 s7;
	_ =	sdelay $0x1  }
0xa4: {  	s23 =	simm.s32 $0x1B8B  }
0xa5: {  	_ =	swait.ge [sflag:s23], $0x1  }
0xa6: {  	[sflag:s23] =	ssyncset.done $0x0  }
0xa7: {  	s25 =	simm.s32 $0x1B8E;
	s24 =	sld [smem:$0x3FFE];
	[sflag:s23] =	ssyncadd.s32 $0xFFFFFFFF  }
0xa8: {  	s26 =	simm.s32 $execute0_lowered;
	[smem:$0x3FD2] =	sst s25  }
0xa9: {  	s8 =	sshll.u32 s26, $0x1;
	_ =	strace $0x80000046;
	[dreg:$0x1] =	wrdreg $0xFFFFFFFF  }
0xaa: {  	s28 =	simm.s32 $_size_execute0_lowered;
	s6 =	sadd.s32 s6, s8;
	[dreg:$0x0] =	wrdreg $0x0  }
0xab: {  	s8 =	sshll.u32 s28, $0x1;
	[dreg:$0x2] =	wrdreg s6  }
0xac: {  	[dreg:$0x3] =	wrdreg s8  }
0xad: {  	[dreg:$0x4] =	wrdreg $0xC0  }
0xae: {  	_ =	task [dreg:s10], $0x5FFFF  }
0xaf: {  	[dreg:$0x1] =	wrdreg $0xFFFFFFFF  }
0xb0: {  	[dreg:$0x0] =	wrdreg $0x60  }
0xb1: {  	[dreg:$0x2] =	wrdreg s24  }
0xb2: {  	[dreg:$0x3] =	wrdreg s2  }
0xb3: {  	[dreg:$0x4] =	wrdreg s18  }
0xb4: {  	[dreg:$0x5] =	wrdreg s4  }
0xb5: {  	[dreg:$0x6] =	wrdreg s5  }
0xb6: {  	[dreg:$0x7] =	wrdreg $0x9  }
0xb7: {  	_ =	task.clear_ibuf [dreg:s10], $0x8FFFF;
	_ =	strace $0x90000046  }
0xb8: {  	s29 =	simm.s32 $0x9;
	_ =	strace $0x80000048  }
0xb9: {  	_ =	swait.ge [sflag:s29], $0x1  }
0xba: {  	[sflag:s29] =	ssyncadd.s32 $0xFFFFFFFF  }
0xbb: {  	_ =	strace $0x90000048  }
0xbc: {  	_ =	sfence  }
0xbd: {  	s30 =	sld [smem:$0x0];
	_ =	sdelay $0x2  }
0xbe: {  	s31 =	sshll.u32 s1, $0xD;
	s1 =	sshrl.u32 s1, $0x2  }
0xbf: {  	s3 =	sand.u32 $0x4000, s31;
	s1 =	sadd.s32 s1, s30  }
0xc0: {  	s0 =	sor.u32 s3, s0;
	s1 =	sshll.u32 s1, $0x11  }
0xc1: {  	s0 =	sor.u32 s1, s0  }
0xc2: {  	s0 =	sadd.s32 $0x8F2B, s0  }
0xc3: {  	[sflag:s0] =	ssyncadd.remote.s32 $0x1  }
0xc4: {  	_ =	sfence.sel $0xFFFF  }
0xc5: {  	[dreg:$0x0] =	wrdreg $0xFFFFFFFF;
	(pc) =	sbr.abs _section_cstart, $3  }
0xc6: {  	[dreg:$0x1] =	wrdreg $0xFFFFFFFF  }
0xc7: {  	_ =	task.clear_ibuf [dreg:s10], $0x2FFFF;
	_ =	strace $0x9FFFFFFF  }
0xc8: {  	(tm) =	ssettm $0x7FFFFFFF  }
0xc9: {  	_ =	shalt  }
tec
execute0_lowered:
.L_overlay_start_1:
0x0: {  	(tag) =	ssettag $0x1  }
0x1: {  	s0 =	rddreg [dreg:$0x0]  }
0x2: {  	s1 =	rddreg [dreg:$0x1]  }
0x3: {  	s2 =	rddreg [dreg:$0x2]  }
0x4: {  	s4 =	rddreg [dreg:$0x4];
	s3 =	srdreg.scid  }
0x5: {  	s6 =	simm.s32 $0x0;
	s9 =	stileid.u32;
	s28 =	simm.s32 $0x11E00  }
0x6: {  	s29 =	simm.s32 $0x4;
	s30 =	simm.s32 $0x7;
	s31 =	simm.s32 $0x8  }
0x7: {  	s17 =	simm.s32 $0x5;
	s18 =	simm.s32 $0x9;
	s3 =	sand.u32 $0x1, s3  }
0x8: {  	s15 =	simm.s32 $0xC;
	s14 =	simm.s32 $0x0;
	s5 =	ssub.s32 $0x2, s3  }
0x9: {  	[smem:$0x7FF] =	sst s6;
	s8 =	sshll.u32 s9, $0x1;
	s7 =	sshrl.u32 s5, $0x1  }
0xa: {  	s0 =	sadd.s32 $0x400, s0;
	s5 =	ssub.s32 s5, s7;
	s7 =	sor.u32 s3, s8  }
0xb: {  	s9 =	sshll.u32 s9, $0xA;
	_ =	strace $0x80000047;
	s3 =	ssub.s32 $0x501, s7  }
0xc: {  	s10 =	sshll.u32 s7, $0x7;
	s20 =	sor.u32 $0x20, s7;
	s12 =	smul.u32 $0xA00, s7  }
0xd: {  	s23 =	sshll.u32 s7, $0x4;
	s26 =	smax.u32 s5, $0x1;
	s5 =	simm.s32 $0x6  }
0xe: {  	s8 =	sshrl.u32 s3, $0x5;
	s19 =	sor.u32 s9, s10;
	s10 =	sand.u32 $0x380, s10  }
0xf: {  	s11 =	sshll.u32 s20, $0x9;
	s9 =	smul.u32 $0xA00, s20;
	s25 =	sand.u32 $0x70, s23  }
0x10: {  	[dreg:$0xa] =	wrdreg s26;
	s23 =	simm.s32 $0x50;
	s26 =	simm.s32 $0x1E680  }
0x11: {  	s3 =	sand.u32 $0x3380, s19;
	s11 =	sand.u32 $0x7000, s11;
	s22 =	sadd.s32 s1, s12  }
0x12: {  	s13 =	sadd.s32 s0, s25;
	s25 =	simm.s32 $0xF600;
	s3 =	sshrl.u32 s3, $0x3  }
.Ltmp0:
0x13: {  	s21 =	sor.u32 s10, s11;
	[dreg:$0x7] =	wrdreg s22;
	(pc) =	sbr.rel .LBB2_1-.Ltmp0, $4  }
0x14: {  	s24 =	sadd.s32 s1, s9;
	s22 =	simm.s32 $0x1;
	s3 =	sadd.s32 s0, s3  }
0x15: {  	s9 =	simm.s32 $0xA;
	[dreg:$0x6] =	wrdreg s3;
	s3 =	sshrl.u32 s21, $0x3  }
0x16: {  	s10 =	simm.s32 $0x3;
	[dreg:$0x9] =	wrdreg s24;
	s3 =	sadd.s32 s0, s3  }
0x17: {  	s0 =	simm.s32 $0x2;
	[dreg:$0x8] =	wrdreg s3;
	s3 =	simm.s32 $0xB  }
.LBB2_23:
0x18: {  	s11 =	simm.s32 $0xD  }
0x19: {  	_ =	swait.ge [sflag:s11], $0x5000  }
0x1a: {  	[sflag:s11] =	ssyncset.done $0x0  }
0x1b: {  	s21 =	simm.s32 $0xE;
	[sflag:s11] =	ssyncadd.s32 $0xFFFFB000  }
0x1c: {  	_ =	swait.ge [sflag:s21], $0x5000  }
0x1d: {  	[sflag:s21] =	ssyncset.done $0x0  }
0x1e: {  	s12 =	simm.s32 $0xF;
	[sflag:s21] =	ssyncadd.s32 $0xFFFFB000  }
0x1f: {  	_ =	swait.ge [sflag:s12], $0x5000  }
0x20: {  	s14 =	rddreg [dreg:$0xb]  }
0x21: {  	s24 =	rddreg [dreg:$0xa];
	s14 =	sadd.s32 $0x1, s14  }
0x22: {  	p0 =	sne.s32 s14, s24  }
.Ltmp1:
0x23: {  	_ = 	snop;
	(pc) =	sbr.rel @!p0 .LBB2_24-.Ltmp1, $3  }
0x24: {  	_ =	sdelay $0x1  }
0x25: {  	[sflag:s12] =	ssyncset.done $0x0  }
0x26: {  	[sflag:s12] =	ssyncadd.s32 $0xFFFFB000  }
.LBB2_1:
0x27: {  	[dreg:$0xb] =	wrdreg s14  }
0x28: {  	s11 =	rddreg [dreg:$0x3];
	s12 =	simm.s32 $0x1E900;
	s16 =	simm.s32 $0x10  }
0x29: {  	[tilespmem:s12], [sflag:$0x10] =	stream.linear.gather [hbm4b:s11+s6], $0x80, $0x38;
	[tilespmem:$0x1E980] =	vst v63  }
0x2a: {  	_ =	swait.ge [sflag:s16], $0x80  }
0x2b: {  	s20 =	simm.s32 $0x80;
	[sflag:s16] =	ssyncset.done $0x0  }
0x2c: {  	s21 =	simm.s32 $0x400;
	s19 =	rddreg [dreg:$0x6];
	[sflag:s16] =	ssyncadd.s32 $0xFFFFFF80  }
0x2d: {  	v5 =	vld [tilespmem:$0x1E900];
	[tilespmem:s6], [sflag:$0x1] =	stream.strided.gather [hbm4b:s19+s20], $0x200, s21, s20, $0x38  }
0x2e: {  	s24 =	rddreg [dreg:$0x7];
	s16 =	simm.s32 $0x600  }
0x2f: {  	[tilespmem:s16], [sflag:$0x4] =	stream.linear.gather [hbm4b:s24+s6], $0x5000, $0x38;
	[tilespmem:$0x1E980] =	vst v63  }
0x30: {  	s19 =	simm.s32 $0x200;
	s16 =	rddreg [dreg:$0x8]  }
0x31: {  	[tilespmem:s19], [sflag:$0x2] =	stream.strided.gather [hbm4b:s16+s20], $0x200, s21, s20, $0x38;
	[tilespmem:$0x1E980] =	vst v63  }
0x32: {  	s20 =	rddreg [dreg:$0x9];
	s21 =	simm.s32 $0x5600  }
0x33: {  	[tilespmem:s21], [sflag:$0x5] =	stream.linear.gather [hbm4b:s20+s6], $0x5000, $0x38;
	[tilespmem:$0x1E980] =	vst v63  }
0x34: {  	_ =	swait.ge [sflag:s22], $0x200  }
0x35: {  	[sflag:s22] =	ssyncset.done $0x0  }
0x36: {  	[sflag:s22] =	ssyncadd.s32 $0xFFFFFE00  }
0x37: {  	v3 =	vld [tilespmem:$0x0]  }
0x38: {  	v4 =	vld [tilespmem:$0xA0]  }
0x39: {  	v6 =	vld [tilespmem:$0x140]  }
0x3a: {  	v9 =	vld [tilespmem:$0x10]  }
0x3b: {  	v10 =	vld [tilespmem:$0xB0]  }
0x3c: {  	v11 =	vld [tilespmem:$0x150]  }
0x3d: {  	v44 =	vld [tilespmem:$0x20]  }
0x3e: {  	v12 =	vld [tilespmem:$0xC0]  }
0x3f: {  	v13 =	vld [tilespmem:$0x160]  }
0x40: {  	v49 =	vld [tilespmem:$0x30]  }
0x41: {  	v14 =	vld [tilespmem:$0xD0]  }
0x42: {  	v15 =	vld [tilespmem:$0x170]  }
0x43: {  	v55 =	vld [tilespmem:$0x40]  }
0x44: {  	v16 =	vld [tilespmem:$0xE0]  }
0x45: {  	v17 =	vld [tilespmem:$0x180]  }
0x46: {  	v63 =	vld [tilespmem:$0x50]  }
0x47: {  	v0 =	vbroadcast v5, $0x0;
	v1 =	vbroadcast v5, $0x1;
	v20 =	vld [tilespmem:$0xF0]  }
0x48: {  	v2 =	vbroadcast v5, $0x2;
	v21 =	vld [tilespmem:$0x190]  }
0x49: {  	v27 =	vld [tilespmem:$0x60];
	v7 =	vadd.s32 v0, v3;
	v3 =	vbroadcast v5, $0x3;
	v8 =	vadd.s32 v1, v4  }
0x4a: {  	v28 =	vld [tilespmem:$0x100];
	v4 =	vbroadcast v5, $0x4;
	v6 =	vadd.s32 v2, v6;
	v5 =	vbroadcast v5, $0x5  }
0x4b: {  	v18 =	vld [tilespmem:$0x1A0];
	v9 =	vadd.s32 v0, v9;
	v42 =	vadd.s32 v1, v10;
	v43 =	vadd.s32 v2, v11  }
0x4c: {  	v34 =	vld [tilespmem:$0x70];
	v46 =	vadd.s32 v0, v44;
	v47 =	vadd.s32 v1, v12;
	v48 =	vadd.s32 v2, v13  }
0x4d: {  	v52 =	vadd.s32 v0, v49;
	v53 =	vadd.s32 v1, v14;
	v54 =	vadd.s32 v2, v15  }
0x4e: {  	v59 =	vadd.s32 v0, v55;
	v61 =	vadd.s32 v1, v16;
	v62 =	vadd.s32 v2, v17  }
0x4f: {  	v24 =	vadd.s32 v0, v63;
	v25 =	vadd.s32 v1, v20;
	v26 =	vadd.s32 v2, v21  }
0x50: {  	v31 =	vadd.s32 v0, v27;
	v32 =	vadd.s32 v1, v28;
	v33 =	vadd.s32 v2, v18  }
0x51: {  	v39 =	vadd.s32 v0, v34;
	v7 =	vshra.s32 v7, $0x2;
	v8 =	vshra.s32 v8, $0x2  }
0x52: {  	v6 =	vshra.s32 v6, $0x2;
	v41 =	vshra.s32 v9, $0x2;
	v9 =	vshra.s32 v42, $0x2  }
0x53: {  	v10 =	vshra.s32 v43, $0x2;
	v11 =	vshra.s32 v47, $0x2;
	v12 =	vshra.s32 v48, $0x2  }
0x54: {  	v13 =	vshra.s32 v53, $0x2;
	v14 =	vshra.s32 v54, $0x2;
	v60 =	vshra.s32 v59, $0x2  }
0x55: {  	v15 =	vshra.s32 v26, $0x2;
	v16 =	vshra.s32 v32, $0x2;
	v17 =	vshra.s32 v33, $0x2  }
0x56: {  	v40 =	vshra.s32 v39, $0x2;
	v7 =	vadd.s32 v3, v7;
	v8 =	vadd.s32 v4, v8  }
0x57: {  	v6 =	vadd.s32 v5, v6;
	v9 =	vadd.s32 v4, v9;
	v10 =	vadd.s32 v5, v10  }
0x58: {  	v11 =	vadd.s32 v4, v11;
	v12 =	vadd.s32 v5, v12;
	v13 =	vadd.s32 v4, v13  }
0x59: {  	v14 =	vadd.s32 v5, v14;
	v15 =	vadd.s32 v5, v15;
	v16 =	vadd.s32 v4, v16  }
0x5a: {  	v17 =	vadd.s32 v5, v17;
	vm0 =	vgt.s32 v7, $0x0;
	vm1 =	vgt.s32 v8, $0x0  }
0x5b: {  	vm2 =	vgt.s32 v6, $0x0;
	vm14 =	vgt.s32 v9, $0x0;
	vm15 =	vgt.s32 v10, $0x0  }
0x5c: {  	vm5 =	vgt.s32 v11, $0x0;
	vm6 =	vgt.s32 v12, $0x0;
	vm8 =	vgt.s32 v13, $0x0  }
0x5d: {  	vm9 =	vgt.s32 v14, $0x0;
	v7 =	vnsel vm0, $0x0, v7;
	v8 =	vnsel vm1, $0x0, v8  }
0x5e: {  	v6 =	vnsel vm2, $0x0, v6;
	v45 =	vnsel vm15, $0x0, v10;
	v10 =	vshra.s32 v46, $0x2  }
0x5f: {  	v50 =	vnsel vm5, $0x0, v11;
	v51 =	vnsel vm6, $0x0, v12;
	v12 =	vshra.s32 v52, $0x2  }
0x60: {  	v36 =	vld [tilespmem:$0x1B0];
	v13 =	vnsel vm8, $0x0, v13;
	v56 =	vnsel vm9, $0x0, v14;
	v14 =	vshra.s32 v25, $0x2  }
0x61: {  	v20 =	vld [tilespmem:$0x1D0];
	vm15 =	vgt.s32 v15, $0x0;
	vm5 =	vgt.s32 v16, $0x0;
	vm6 =	vgt.s32 v17, $0x0  }
0x62: {  	v7 =	vmin.u32 v7, $0x3F;
	v8 =	vmin.u32 v8, $0x3F;
	v6 =	vmin.u32 v6, $0x3F  }
0x63: {  	v42 =	vld [tilespmem:$0x80];
	v10 =	vadd.s32 v3, v10;
	v11 =	vmin.u32 v51, $0x3F;
	v12 =	vadd.s32 v3, v12  }
0x64: {  	v43 =	vld [tilespmem:$0x120];
	v58 =	vmin.u32 v13, $0x3F;
	v13 =	vshra.s32 v62, $0x2;
	v14 =	vadd.s32 v4, v14  }
0x65: {  	v30 =	vnsel vm15, $0x0, v15;
	v15 =	vshra.s32 v31, $0x2;
	v35 =	vnsel vm5, $0x0, v16  }
0x66: {  	v37 =	vnsel vm6, $0x0, v17;
	v16 =	vadd.s32 v2, v36;
	v59 =	vadd.s32 v2, v20  }
0x67: {  	v19 =	vld [tilespmem:$0x110];
	v7 =	vshll.u32 v7, $0xC;
	v8 =	vshll.u32 v8, $0x6;
	vm4 =	vgt.s32 v10, $0x0  }
0x68: {  	vm7 =	vgt.s32 v12, $0x0;
	v13 =	vadd.s32 v5, v13;
	v15 =	vadd.s32 v3, v15  }
0x69: {  	v16 =	vshra.s32 v16, $0x2;
	v47 =	vadd.s32 v0, v42;
	v49 =	vadd.s32 v1, v43  }
0x6a: {  	v7 =	vor.u32 v7, v8;
	v8 =	vadd.s32 v3, v41;
	v10 =	vnsel vm4, $0x0, v10  }
0x6b: {  	v12 =	vnsel vm7, $0x0, v12;
	vm12 =	vgt.s32 v13, $0x0;
	vm4 =	vgt.s32 v15, $0x0  }
0x6c: {  	v41 =	vadd.s32 v1, v19;
	v16 =	vadd.s32 v5, v16;
	v48 =	vshra.s32 v47, $0x2  }
0x6d: {  	vm13 =	vgt.s32 v8, $0x0;
	v6 =	vor.u32 v6, v7;
	v7 =	vnsel vm14, $0x0, v9  }
0x6e: {  	v9 =	vmin.u32 v45, $0x3F;
	v10 =	vmin.u32 v10, $0x3F;
	v57 =	vmin.u32 v12, $0x3F  }
0x6f: {  	v12 =	vshra.s32 v61, $0x2;
	v23 =	vnsel vm12, $0x0, v13;
	v13 =	vshra.s32 v24, $0x2  }
0x70: {  	vm14 =	vgt.s32 v14, $0x0;
	v15 =	vnsel vm4, $0x0, v15;
	vm9 =	vgt.s32 v16, $0x0  }
0x71: {  	v51 =	vld [tilespmem:$0x90];
	v8 =	vnsel vm13, $0x0, v8;
	v7 =	vmin.u32 v7, $0x3F;
	v10 =	vshll.u32 v10, $0xC  }
0x72: {  	v12 =	vadd.s32 v4, v12;
	v13 =	vadd.s32 v3, v13;
	v29 =	vnsel vm14, $0x0, v14  }
0x73: {  	v14 =	vmin.u32 v30, $0x3F;
	v38 =	vmin.u32 v15, $0x3F;
	v15 =	vshra.s32 v41, $0x2  }
0x74: {  	v46 =	vnsel vm9, $0x0, v16;
	v16 =	vshra.s32 v49, $0x2;
	v8 =	vmin.u32 v8, $0x3F  }
0x75: {  	v44 =	vld [tilespmem:$0x1C0];
	v7 =	vshll.u32 v7, $0x6;
	vm11 =	vgt.s32 v12, $0x0;
	vm13 =	vgt.s32 v13, $0x0  }
0x76: {  	v15 =	vadd.s32 v4, v15;
	v16 =	vadd.s32 v4, v16;
	v54 =	vadd.s32 v0, v51  }
0x77: {  	v8 =	vshll.u32 v8, $0xC;
	v22 =	vnsel vm11, $0x0, v12;
	v12 =	vmin.u32 v23, $0x3F  }
0x78: {  	v13 =	vnsel vm13, $0x0, v13;
	vm8 =	vgt.s32 v15, $0x0;
	vm11 =	vgt.s32 v16, $0x0  }
0x79: {  	v55 =	vshra.s32 v54, $0x2;
	v7 =	vor.u32 v8, v7;
	v8 =	vmin.u32 v50, $0x3F  }
0x7a: {  	v13 =	vmin.u32 v13, $0x3F;
	v45 =	vnsel vm8, $0x0, v15;
	v50 =	vadd.s32 v2, v44  }
0x7b: {  	v15 =	vmin.u32 v46, $0x3F;
	v16 =	vnsel vm11, $0x0, v16;
	v8 =	vshll.u32 v8, $0x6  }
0x7c: {  	v13 =	vshll.u32 v13, $0xC;
	v10 =	vor.u32 v10, v8;
	v8 =	vor.u32 v9, v7  }
0x7d: {  	v52 =	vld [tilespmem:$0x130];
	v7 =	vor.u32 v11, v10;
	v10 =	vshll.u32 v57, $0xC;
	v11 =	vshll.u32 v58, $0x6  }
0x7e: {  	v17 =	vshra.s32 v50, $0x2;
	v10 =	vor.u32 v10, v11;
	v11 =	vadd.s32 v3, v60  }
0x7f: {  	v16 =	vmin.u32 v16, $0x3F;
	v9 =	vmin.u32 v56, $0x3F;
	vm10 =	vgt.s32 v11, $0x0  }
0x80: {  	[tilespmem:$0x1E600] =	vst v6;
	v17 =	vadd.s32 v5, v17;
	v6 =	vshll.u32 v16, $0x6;
	v11 =	vnsel vm10, $0x0, v11  }
0x81: {  	v9 =	vor.u32 v9, v10;
	v10 =	vmin.u32 v22, $0x3F;
	v11 =	vmin.u32 v11, $0x3F  }
0x82: {  	v56 =	vadd.s32 v1, v52;
	v10 =	vshll.u32 v10, $0x6;
	v11 =	vshll.u32 v11, $0xC  }
0x83: {  	vm12 =	vgt.s32 v17, $0x0;
	v10 =	vor.u32 v11, v10;
	v11 =	vmin.u32 v29, $0x3F  }
0x84: {  	v57 =	vadd.s32 v3, v55;
	v58 =	vshra.s32 v56, $0x2;
	v11 =	vshll.u32 v11, $0x6  }
0x85: {  	v53 =	vnsel vm12, $0x0, v17;
	v11 =	vor.u32 v13, v11;
	v13 =	vmin.u32 v35, $0x3F  }
0x86: {  	v11 =	vor.u32 v14, v11;
	v14 =	vshll.u32 v38, $0xC;
	v13 =	vshll.u32 v13, $0x6  }
0x87: {  	vm13 =	vgt.s32 v57, $0x0;
	v13 =	vor.u32 v14, v13;
	v14 =	vadd.s32 v3, v40  }
0x88: {  	[tilespmem:$0x1E620] =	vst v7;
	v7 =	vadd.s32 v4, v58;
	v60 =	vshra.s32 v59, $0x2;
	vm7 =	vgt.s32 v14, $0x0  }
0x89: {  	v10 =	vor.u32 v12, v10;
	v12 =	vmin.u32 v37, $0x3F;
	v14 =	vnsel vm7, $0x0, v14  }
0x8a: {  	v12 =	vor.u32 v12, v13;
	v13 =	vmin.u32 v45, $0x3F;
	v14 =	vmin.u32 v14, $0x3F  }
0x8b: {  	[tilespmem:$0x1E610] =	vst v8;
	v8 =	vnsel vm13, $0x0, v57;
	v13 =	vshll.u32 v13, $0x6;
	v14 =	vshll.u32 v14, $0xC  }
0x8c: {  	vm14 =	vgt.s32 v7, $0x0;
	v13 =	vor.u32 v14, v13;
	v14 =	vadd.s32 v3, v48  }
0x8d: {  	v61 =	vadd.s32 v5, v60;
	v62 =	vmin.u32 v53, $0x3F;
	vm10 =	vgt.s32 v14, $0x0  }
0x8e: {  	[tilespmem:$0x1E630] =	vst v9;
	v7 =	vnsel vm14, $0x0, v7;
	vm15 =	vgt.s32 v61, $0x0;
	v14 =	vnsel vm10, $0x0, v14  }
0x8f: {  	v8 =	vmin.u32 v8, $0x3F;
	v9 =	vnsel vm15, $0x0, v61;
	[tilespmem:$0x1E640] =	vst v10;
	v14 =	vmin.u32 v14, $0x3F  }
0x90: {  	v7 =	vmin.u32 v7, $0x3F;
	v8 =	vshll.u32 v8, $0xC;
	[tilespmem:$0x1E680] =	vst v11;
	v14 =	vshll.u32 v14, $0xC  }
0x91: {  	v7 =	vshll.u32 v7, $0x6;
	[tilespmem:$0x1E690] =	vst v12;
	v13 =	vor.u32 v15, v13;
	v6 =	vor.u32 v14, v6  }
0x92: {  	v63 =	vmin.u32 v9, $0x3F;
	v7 =	vor.u32 v8, v7;
	[tilespmem:$0x1E6A0] =	vst v13;
	v6 =	vor.u32 v62, v6  }
.Ltmp2:
0x93: {  	[tilespmem:$0x1E6B0] =	vst v6;
	v6 =	vor.u32 v63, v7;
	(pc) =	sbr.rel .LBB2_2-.Ltmp2, $4  }
0x94: {  	s24 =	simm.s32 $0x1E600;
	[tilespmem:$0x1E6C0] =	vst v6  }
0x95: {  	[tilespmem:s25], [sflag:$0x7] =	stream.indirect.gather [hbm4b:s2+s23], $0x80, s24, s23, $0xb8;
	[tilespmem:$0x1E980] =	vst v63  }
0x96: {  	s11 =	simm.s32 $0x0  }
0x97: {  	[tilespmem:s28], [sflag:$0x8] =	stream.indirect.gather [hbm4b:s2+s23], $0x80, s26, s23, $0xb8;
	[tilespmem:$0x1E980] =	vst v63  }
.LBB2_22:
0x98: {  	s11 =	sadd.s32 $0x1, s11  }
0x99: {  	p0 =	sne.s32 s11, $0xE  }
.Ltmp3:
0x9a: {  	_ = 	snop;
	(pc) =	sbr.rel @!p0 .LBB2_23-.Ltmp3, $1  }
0x9b: {  	_ =	sdelay $0x3  }
.LBB2_2:
0x9c: {  	s12 =	smul.u32 $0x3, s11;
	_ =	sdelay $0x1  }
0x9d: {  	p0 =	sge.u32 s12, s8  }
.Ltmp4:
0x9e: {  	_ = 	snop;
	(pc) =	sbr.rel @p0 .LBB2_8-.Ltmp4, $1  }
0x9f: {  	_ =	sdelay $0x3  }
0xa0: {  	_ =	swait.ge [sflag:s29], $0x5000  }
0xa1: {  	[sflag:s29] =	ssyncset.done $0x0  }
0xa2: {  	[sflag:s29] =	ssyncadd.s32 $0xFFFFB000  }
0xa3: {  	_ =	swait.ge [sflag:s30], $0x2800  }
0xa4: {  	[sflag:s30] =	ssyncset.done $0x0  }
0xa5: {  	s14 =	simm.s32 $0x0;
	s16 =	simm.s32 $0x200;
	[sflag:s30] =	ssyncadd.s32 $0xFFFFD800  }
.LBB2_4:
0xa6: {  	p0 =	sne.s32 s16, $0x9E00;
	v6 =	vld [tilespmem:s14+$0xF670]  }
0xa7: {  	v7 =	vld [tilespmem:s14+$0xF600]  }
0xa8: {  	v8 =	vld [tilespmem:s14+$0xF610]  }
0xa9: {  	v9 =	vld [tilespmem:s14+$0xF620]  }
0xaa: {  	v10 =	vld [tilespmem:s14+$0xF630]  }
0xab: {  	[tilespmem:s14+$0x670] =	vst.add.f32.msk $0xffff, v6  }
0xac: {  	v6 =	vld [tilespmem:s14+$0xF640]  }
0xad: {  	v11 =	vld [tilespmem:s14+$0xF650]  }
0xae: {  	v12 =	vld [tilespmem:s14+$0xF660]  }
0xaf: {  	[tilespmem:s14+$0x600] =	vst.add.f32.msk $0xffff, v7  }
0xb0: {  	[tilespmem:s14+$0x610] =	vst.add.f32.msk $0xffff, v8  }
.Ltmp5:
0xb1: {  	[tilespmem:s14+$0x620] =	vst.add.f32.msk $0xffff, v9;
	(pc) =	sbr.rel @p0 .LBB2_4-.Ltmp5, $4  }
0xb2: {  	[tilespmem:s14+$0x630] =	vst.add.f32.msk $0xffff, v10  }
0xb3: {  	[tilespmem:s14+$0x640] =	vst.add.f32.msk $0xffff, v6  }
0xb4: {  	[tilespmem:s14+$0x650] =	vst.add.f32.msk $0xffff, v11  }
0xb5: {  	[tilespmem:s14+$0x660] =	vst.add.f32.msk $0xffff, v12;
	s14 =	sshra.s32 s16, $0x2;
	s16 =	sadd.s32 $0x200, s16  }
0xb6: {  	v6 =	vld [tilespmem:s14+$0xF670]  }
0xb7: {  	v7 =	vld [tilespmem:s14+$0xF600]  }
0xb8: {  	v8 =	vld [tilespmem:s14+$0xF610]  }
0xb9: {  	v9 =	vld [tilespmem:s14+$0xF620]  }
0xba: {  	v10 =	vld [tilespmem:s14+$0xF630]  }
0xbb: {  	v11 =	vld [tilespmem:s14+$0xF650]  }
0xbc: {  	v12 =	vld [tilespmem:s14+$0xF660]  }
0xbd: {  	[tilespmem:s14+$0x670] =	vst.add.f32.msk $0xffff, v6  }
0xbe: {  	v6 =	vld [tilespmem:s14+$0xF640]  }
0xbf: {  	[tilespmem:s14+$0x600] =	vst.add.f32.msk $0xffff, v7  }
0xc0: {  	[tilespmem:s14+$0x610] =	vst.add.f32.msk $0xffff, v8  }
0xc1: {  	[tilespmem:s14+$0x620] =	vst.add.f32.msk $0xffff, v9  }
0xc2: {  	[tilespmem:s14+$0x630] =	vst.add.f32.msk $0xffff, v10  }
0xc3: {  	[tilespmem:s14+$0x650] =	vst.add.f32.msk $0xffff, v11  }
0xc4: {  	[tilespmem:s14+$0x660] =	vst.add.f32.msk $0xffff, v12  }
0xc5: {  	[tilespmem:s14+$0x640] =	vst.add.f32.msk $0xffff, v6  }
0xc6: {  	_ =	swait.ge [sflag:s31], $0x2800  }
0xc7: {  	[sflag:s31] =	ssyncset.done $0x0  }
0xc8: {  	s16 =	simm.s32 $0x200;
	s14 =	simm.s32 $0x0;
	[sflag:s31] =	ssyncadd.s32 $0xFFFFD800  }
.LBB2_6:
0xc9: {  	p0 =	sne.s32 s16, $0x9E00;
	v6 =	vld [tilespmem:s14+$0x11E70]  }
0xca: {  	v7 =	vld [tilespmem:s14+$0x11E00]  }
0xcb: {  	v8 =	vld [tilespmem:s14+$0x11E10]  }
0xcc: {  	v9 =	vld [tilespmem:s14+$0x11E20]  }
0xcd: {  	v10 =	vld [tilespmem:s14+$0x11E30]  }
0xce: {  	[tilespmem:s14+$0x2E70] =	vst.add.f32.msk $0xffff, v6  }
0xcf: {  	v6 =	vld [tilespmem:s14+$0x11E40]  }
0xd0: {  	v11 =	vld [tilespmem:s14+$0x11E50]  }
0xd1: {  	v12 =	vld [tilespmem:s14+$0x11E60]  }
0xd2: {  	[tilespmem:s14+$0x2E00] =	vst.add.f32.msk $0xffff, v7  }
0xd3: {  	[tilespmem:s14+$0x2E10] =	vst.add.f32.msk $0xffff, v8  }
.Ltmp6:
0xd4: {  	[tilespmem:s14+$0x2E20] =	vst.add.f32.msk $0xffff, v9;
	(pc) =	sbr.rel @p0 .LBB2_6-.Ltmp6, $4  }
0xd5: {  	[tilespmem:s14+$0x2E30] =	vst.add.f32.msk $0xffff, v10  }
0xd6: {  	[tilespmem:s14+$0x2E40] =	vst.add.f32.msk $0xffff, v6  }
0xd7: {  	[tilespmem:s14+$0x2E50] =	vst.add.f32.msk $0xffff, v11  }
0xd8: {  	[tilespmem:s14+$0x2E60] =	vst.add.f32.msk $0xffff, v12;
	s14 =	sshra.s32 s16, $0x2;
	s16 =	sadd.s32 $0x200, s16  }
0xd9: {  	v6 =	vld [tilespmem:s14+$0x11E70]  }
0xda: {  	v7 =	vld [tilespmem:s14+$0x11E00]  }
0xdb: {  	v8 =	vld [tilespmem:s14+$0x11E10]  }
0xdc: {  	v9 =	vld [tilespmem:s14+$0x11E20]  }
0xdd: {  	v10 =	vld [tilespmem:s14+$0x11E30]  }
0xde: {  	v11 =	vld [tilespmem:s14+$0x11E50]  }
0xdf: {  	v12 =	vld [tilespmem:s14+$0x11E60]  }
0xe0: {  	[tilespmem:s14+$0x2E70] =	vst.add.f32.msk $0xffff, v6  }
0xe1: {  	v6 =	vld [tilespmem:s14+$0x11E40]  }
0xe2: {  	[tilespmem:s14+$0x2E00] =	vst.add.f32.msk $0xffff, v7  }
0xe3: {  	s16 =	smul.u32 $0x60, s11;
	[tilespmem:s14+$0x2E10] =	vst.add.f32.msk $0xffff, v8  }
0xe4: {  	[tilespmem:s14+$0x2E20] =	vst.add.f32.msk $0xffff, v9  }
0xe5: {  	s16 =	sor.u32 s7, s16;
	[tilespmem:s14+$0x2E30] =	vst.add.f32.msk $0xffff, v10  }
0xe6: {  	s16 =	smul.u32 $0xA00, s16;
	[tilespmem:s14+$0x2E50] =	vst.add.f32.msk $0xffff, v11  }
0xe7: {  	[tilespmem:s14+$0x2E60] =	vst.add.f32.msk $0xffff, v12  }
0xe8: {  	s24 =	simm.s32 $0x600;
	s21 =	sadd.s32 s4, s16;
	[tilespmem:s14+$0x2E40] =	vst.add.f32.msk $0xffff, v6  }
0xe9: {  	[hbm4b:s21+s6] =	stream.linear.scatter [tilespmem:s24], [sflag:$0xD], $0x5000, $0x38;
	[tilespmem:$0x1E980] =	vst v63  }
.LBB2_8:
0xea: {  	s14 =	sadd.s32 $0x2, s12  }
0xeb: {  	p0 =	sge.u32 s14, s8  }
0xec: {  	p1 =	seq.s32 @!p0 s11, $0x0  }
0xed: {  	s16 =	sshll.u32 @!p0 s14, $0x5;
	p1 =	por p1, p0  }
0xee: {  	s16 =	sor.u32 @!p0 s7, s16;
	s19 =	simm.s32 @!p1 $0xF  }
0xef: {  	s21 =	simm.s32 @!p0 $0x400;
	s20 =	sshll.u32 @!p0 s16, $0x6;
	_ =	swait.ge @!p1 [sflag:s19], $0x5000  }
0xf0: {  	s16 =	smul.u32 @!p0 $0xA00, s16;
	s20 =	sand.u32 @!p0 $0xFFFFE00, s20;
	[sflag:s19] =	ssyncset.done @!p1 $0x0  }
0xf1: {  	[sflag:s19] =	ssyncadd.s32 @!p1 $0xFFFFB000;
	s19 =	sadd.s32 @!p0 s20, s13;
	s20 =	simm.s32 @!p0 $0x80  }
0xf2: {  	[tilespmem:s21], [sflag:$0x3] =	stream.strided.gather @!p0 [hbm4b:s19+s20], $0x200, s21, s20, $0x38;
	[tilespmem:$0x1E980] =	vst v63  }
0xf3: {  	s16 =	sadd.s32 @!p0 s1, s16;
	s19 =	simm.s32 @!p0 $0x0;
	s20 =	simm.s32 @!p0 $0xA600  }
0xf4: {  	[tilespmem:s20], [sflag:$0x6] =	stream.linear.gather @!p0 [hbm4b:s16+s19], $0x5000, $0x38;
	[tilespmem:$0x1E980] =	vst v63  }
0xf5: {  	s16 =	sadd.s32 $0x1, s12  }
0xf6: {  	p1 =	sge.u32 s16, s8  }
.Ltmp7:
0xf7: {  	_ = 	snop;
	(pc) =	sbr.rel @p1 .LBB2_14-.Ltmp7, $1  }
0xf8: {  	_ =	sdelay $0x3  }
0xf9: {  	_ =	swait.ge [sflag:s0], $0x200  }
0xfa: {  	[sflag:s0] =	ssyncset.done $0x0  }
0xfb: {  	[sflag:s0] =	ssyncadd.s32 $0xFFFFFE00  }
0xfc: {  	v6 =	vld [tilespmem:$0x200]  }
0xfd: {  	v7 =	vld [tilespmem:$0x2A0]  }
0xfe: {  	v8 =	vld [tilespmem:$0x340]  }
0xff: {  	v9 =	vld [tilespmem:$0x210]  }
0x100: {  	v10 =	vld [tilespmem:$0x2B0]  }
0x101: {  	v11 =	vld [tilespmem:$0x350]  }
0x102: {  	v43 =	vld [tilespmem:$0x220]  }
0x103: {  	v12 =	vld [tilespmem:$0x2C0]  }
0x104: {  	v13 =	vld [tilespmem:$0x360]  }
0x105: {  	v49 =	vld [tilespmem:$0x230]  }
0x106: {  	v14 =	vld [tilespmem:$0x2D0]  }
0x107: {  	v15 =	vld [tilespmem:$0x370]  }
0x108: {  	v55 =	vld [tilespmem:$0x240]  }
0x109: {  	v16 =	vld [tilespmem:$0x2E0]  }
0x10a: {  	v17 =	vld [tilespmem:$0x380]  }
0x10b: {  	v63 =	vld [tilespmem:$0x250]  }
0x10c: {  	v20 =	vld [tilespmem:$0x2F0]  }
0x10d: {  	v21 =	vld [tilespmem:$0x390]  }
0x10e: {  	v27 =	vld [tilespmem:$0x260]  }
0x10f: {  	v28 =	vld [tilespmem:$0x300];
	v6 =	vadd.s32 v0, v6;
	v7 =	vadd.s32 v1, v7;
	v8 =	vadd.s32 v2, v8  }
0x110: {  	v18 =	vld [tilespmem:$0x3A0];
	v9 =	vadd.s32 v0, v9;
	v41 =	vadd.s32 v1, v10;
	v42 =	vadd.s32 v2, v11  }
0x111: {  	v34 =	vld [tilespmem:$0x270];
	v46 =	vadd.s32 v0, v43;
	v47 =	vadd.s32 v1, v12;
	v48 =	vadd.s32 v2, v13  }
0x112: {  	v52 =	vadd.s32 v0, v49;
	v53 =	vadd.s32 v1, v14;
	v54 =	vadd.s32 v2, v15  }
0x113: {  	v59 =	vadd.s32 v0, v55;
	v61 =	vadd.s32 v1, v16;
	v62 =	vadd.s32 v2, v17  }
0x114: {  	v24 =	vadd.s32 v0, v63;
	v25 =	vadd.s32 v1, v20;
	v26 =	vadd.s32 v2, v21  }
0x115: {  	v31 =	vadd.s32 v0, v27;
	v32 =	vadd.s32 v1, v28;
	v33 =	vadd.s32 v2, v18  }
0x116: {  	v39 =	vadd.s32 v0, v34;
	v6 =	vshra.s32 v6, $0x2;
	v7 =	vshra.s32 v7, $0x2  }
0x117: {  	v8 =	vshra.s32 v8, $0x2;
	v10 =	vshra.s32 v42, $0x2;
	v11 =	vshra.s32 v47, $0x2  }
0x118: {  	v12 =	vshra.s32 v48, $0x2;
	v13 =	vshra.s32 v53, $0x2;
	v14 =	vshra.s32 v54, $0x2  }
0x119: {  	v60 =	vshra.s32 v59, $0x2;
	v15 =	vshra.s32 v26, $0x2;
	v16 =	vshra.s32 v32, $0x2  }
0x11a: {  	v17 =	vshra.s32 v33, $0x2;
	v40 =	vshra.s32 v39, $0x2;
	v6 =	vadd.s32 v3, v6  }
0x11b: {  	v7 =	vadd.s32 v4, v7;
	v8 =	vadd.s32 v5, v8;
	v10 =	vadd.s32 v5, v10  }
0x11c: {  	v11 =	vadd.s32 v4, v11;
	v12 =	vadd.s32 v5, v12;
	v13 =	vadd.s32 v4, v13  }
0x11d: {  	v14 =	vadd.s32 v5, v14;
	v15 =	vadd.s32 v5, v15;
	v16 =	vadd.s32 v4, v16  }
0x11e: {  	v17 =	vadd.s32 v5, v17;
	vm0 =	vgt.s32 v6, $0x0;
	vm1 =	vgt.s32 v7, $0x0  }
0x11f: {  	vm2 =	vgt.s32 v8, $0x0;
	vm15 =	vgt.s32 v10, $0x0;
	vm5 =	vgt.s32 v11, $0x0  }
0x120: {  	vm6 =	vgt.s32 v12, $0x0;
	vm8 =	vgt.s32 v13, $0x0;
	vm9 =	vgt.s32 v14, $0x0  }
0x121: {  	v6 =	vnsel vm0, $0x0, v6;
	v7 =	vnsel vm1, $0x0, v7;
	v8 =	vnsel vm2, $0x0, v8  }
0x122: {  	v45 =	vnsel vm15, $0x0, v10;
	v10 =	vshra.s32 v46, $0x2;
	v50 =	vnsel vm5, $0x0, v11  }
0x123: {  	v36 =	vld [tilespmem:$0x3B0];
	v51 =	vnsel vm6, $0x0, v12;
	v12 =	vshra.s32 v52, $0x2;
	v13 =	vnsel vm8, $0x0, v13  }
0x124: {  	v43 =	vld [tilespmem:$0x320];
	v56 =	vnsel vm9, $0x0, v14;
	v14 =	vshra.s32 v25, $0x2;
	vm15 =	vgt.s32 v15, $0x0  }
0x125: {  	v20 =	vld [tilespmem:$0x3D0];
	vm5 =	vgt.s32 v16, $0x0;
	vm6 =	vgt.s32 v17, $0x0;
	v6 =	vmin.u32 v6, $0x3F  }
0x126: {  	v7 =	vmin.u32 v7, $0x3F;
	v8 =	vmin.u32 v8, $0x3F;
	v10 =	vadd.s32 v3, v10  }
0x127: {  	v11 =	vmin.u32 v51, $0x3F;
	v12 =	vadd.s32 v3, v12;
	v58 =	vmin.u32 v13, $0x3F  }
0x128: {  	v42 =	vld [tilespmem:$0x280];
	v13 =	vshra.s32 v62, $0x2;
	v14 =	vadd.s32 v4, v14;
	v30 =	vnsel vm15, $0x0, v15  }
0x129: {  	v15 =	vshra.s32 v31, $0x2;
	v35 =	vnsel vm5, $0x0, v16;
	v37 =	vnsel vm6, $0x0, v17  }
0x12a: {  	v16 =	vadd.s32 v2, v36;
	v49 =	vadd.s32 v1, v43;
	v59 =	vadd.s32 v2, v20  }
0x12b: {  	v19 =	vld [tilespmem:$0x310];
	v6 =	vshll.u32 v6, $0xC;
	v7 =	vshll.u32 v7, $0x6;
	vm4 =	vgt.s32 v10, $0x0  }
0x12c: {  	vm7 =	vgt.s32 v12, $0x0;
	v13 =	vadd.s32 v5, v13;
	v15 =	vadd.s32 v3, v15  }
0x12d: {  	v16 =	vshra.s32 v16, $0x2;
	v47 =	vadd.s32 v0, v42;
	v6 =	vor.u32 v6, v7  }
0x12e: {  	v7 =	vshra.s32 v9, $0x2;
	v9 =	vshra.s32 v41, $0x2;
	v10 =	vnsel vm4, $0x0, v10  }
0x12f: {  	v12 =	vnsel vm7, $0x0, v12;
	vm12 =	vgt.s32 v13, $0x0;
	vm4 =	vgt.s32 v15, $0x0  }
0x130: {  	v41 =	vadd.s32 v1, v19;
	v16 =	vadd.s32 v5, v16;
	v48 =	vshra.s32 v47, $0x2  }
0x131: {  	v7 =	vadd.s32 v3, v7;
	v9 =	vadd.s32 v4, v9;
	v6 =	vor.u32 v8, v6  }
0x132: {  	v10 =	vmin.u32 v10, $0x3F;
	v57 =	vmin.u32 v12, $0x3F;
	v12 =	vshra.s32 v61, $0x2  }
0x133: {  	v23 =	vnsel vm12, $0x0, v13;
	v13 =	vshra.s32 v24, $0x2;
	v15 =	vnsel vm4, $0x0, v15  }
0x134: {  	vm9 =	vgt.s32 v16, $0x0;
	vm13 =	vgt.s32 v7, $0x0;
	vm14 =	vgt.s32 v9, $0x0  }
0x135: {  	v51 =	vld [tilespmem:$0x290];
	v10 =	vshll.u32 v10, $0xC;
	v12 =	vadd.s32 v4, v12;
	v13 =	vadd.s32 v3, v13  }
0x136: {  	v38 =	vmin.u32 v15, $0x3F;
	v15 =	vshra.s32 v41, $0x2;
	v46 =	vnsel vm9, $0x0, v16  }
0x137: {  	v16 =	vshra.s32 v49, $0x2;
	v7 =	vnsel vm13, $0x0, v7;
	v44 =	vnsel vm14, $0x0, v9  }
0x138: {  	v9 =	vmin.u32 v45, $0x3F;
	vm11 =	vgt.s32 v12, $0x0;
	vm13 =	vgt.s32 v13, $0x0  }
0x139: {  	vm14 =	vgt.s32 v14, $0x0;
	v15 =	vadd.s32 v4, v15;
	v16 =	vadd.s32 v4, v16  }
0x13a: {  	v54 =	vadd.s32 v0, v51;
	v7 =	vmin.u32 v7, $0x3F;
	v8 =	vmin.u32 v44, $0x3F  }
0x13b: {  	v22 =	vnsel vm11, $0x0, v12;
	v12 =	vmin.u32 v23, $0x3F;
	v13 =	vnsel vm13, $0x0, v13  }
0x13c: {  	v29 =	vnsel vm14, $0x0, v14;
	v14 =	vmin.u32 v30, $0x3F;
	vm8 =	vgt.s32 v15, $0x0  }
0x13d: {  	vm11 =	vgt.s32 v16, $0x0;
	v55 =	vshra.s32 v54, $0x2;
	v7 =	vshll.u32 v7, $0xC  }
0x13e: {  	v8 =	vshll.u32 v8, $0x6;
	v13 =	vmin.u32 v13, $0x3F;
	v45 =	vnsel vm8, $0x0, v15  }
0x13f: {  	v52 =	vld [tilespmem:$0x330];
	v15 =	vmin.u32 v46, $0x3F;
	v7 =	vor.u32 v7, v8;
	v8 =	vmin.u32 v50, $0x3F  }
0x140: {  	v44 =	vld [tilespmem:$0x3C0];
	v16 =	vnsel vm11, $0x0, v16;
	v13 =	vshll.u32 v13, $0xC;
	v8 =	vshll.u32 v8, $0x6  }
0x141: {  	v16 =	vmin.u32 v16, $0x3F;
	v10 =	vor.u32 v10, v8;
	v8 =	vor.u32 v9, v7  }
0x142: {  	v7 =	vor.u32 v11, v10;
	v10 =	vshll.u32 v57, $0xC;
	v11 =	vshll.u32 v58, $0x6  }
0x143: {  	[tilespmem:$0x1E700] =	vst v6;
	v6 =	vshll.u32 v16, $0x6;
	v10 =	vor.u32 v10, v11;
	v11 =	vadd.s32 v3, v60  }
0x144: {  	v9 =	vmin.u32 v56, $0x3F;
	v56 =	vadd.s32 v1, v52;
	vm10 =	vgt.s32 v11, $0x0  }
0x145: {  	v50 =	vadd.s32 v2, v44;
	v57 =	vadd.s32 v3, v55;
	v11 =	vnsel vm10, $0x0, v11  }
0x146: {  	v9 =	vor.u32 v9, v10;
	v10 =	vmin.u32 v22, $0x3F;
	v11 =	vmin.u32 v11, $0x3F  }
0x147: {  	v58 =	vshra.s32 v56, $0x2;
	v10 =	vshll.u32 v10, $0x6;
	v11 =	vshll.u32 v11, $0xC  }
0x148: {  	v17 =	vshra.s32 v50, $0x2;
	v10 =	vor.u32 v11, v10;
	v11 =	vmin.u32 v29, $0x3F  }
0x149: {  	[tilespmem:$0x1E720] =	vst v7;
	vm13 =	vgt.s32 v57, $0x0;
	v7 =	vadd.s32 v4, v58;
	v11 =	vshll.u32 v11, $0x6  }
0x14a: {  	v60 =	vshra.s32 v59, $0x2;
	v11 =	vor.u32 v13, v11;
	v13 =	vmin.u32 v35, $0x3F  }
0x14b: {  	v11 =	vor.u32 v14, v11;
	v14 =	vshll.u32 v38, $0xC;
	v13 =	vshll.u32 v13, $0x6  }
0x14c: {  	v17 =	vadd.s32 v5, v17;
	v13 =	vor.u32 v14, v13;
	v14 =	vadd.s32 v3, v40  }
0x14d: {  	[tilespmem:$0x1E710] =	vst v8;
	v8 =	vnsel vm13, $0x0, v57;
	vm14 =	vgt.s32 v7, $0x0;
	vm7 =	vgt.s32 v14, $0x0  }
0x14e: {  	v10 =	vor.u32 v12, v10;
	v12 =	vmin.u32 v37, $0x3F;
	v14 =	vnsel vm7, $0x0, v14  }
0x14f: {  	v12 =	vor.u32 v12, v13;
	v13 =	vmin.u32 v45, $0x3F;
	v14 =	vmin.u32 v14, $0x3F  }
0x150: {  	v61 =	vadd.s32 v5, v60;
	v13 =	vshll.u32 v13, $0x6;
	v14 =	vshll.u32 v14, $0xC  }
0x151: {  	vm12 =	vgt.s32 v17, $0x0;
	v13 =	vor.u32 v14, v13;
	v14 =	vadd.s32 v3, v48  }
0x152: {  	v7 =	vnsel vm14, $0x0, v7;
	vm15 =	vgt.s32 v61, $0x0;
	vm10 =	vgt.s32 v14, $0x0  }
0x153: {  	[tilespmem:$0x1E730] =	vst v9;
	v8 =	vmin.u32 v8, $0x3F;
	v53 =	vnsel vm12, $0x0, v17;
	v14 =	vnsel vm10, $0x0, v14  }
0x154: {  	v9 =	vnsel vm15, $0x0, v61;
	v7 =	vmin.u32 v7, $0x3F;
	[tilespmem:$0x1E740] =	vst v10;
	v14 =	vmin.u32 v14, $0x3F  }
0x155: {  	v8 =	vshll.u32 v8, $0xC;
	v62 =	vmin.u32 v53, $0x3F;
	[tilespmem:$0x1E780] =	vst v11;
	v14 =	vshll.u32 v14, $0xC  }
0x156: {  	v7 =	vshll.u32 v7, $0x6;
	[tilespmem:$0x1E790] =	vst v12;
	v13 =	vor.u32 v15, v13;
	v6 =	vor.u32 v14, v6  }
0x157: {  	v63 =	vmin.u32 v9, $0x3F;
	v7 =	vor.u32 v8, v7;
	[tilespmem:$0x1E7A0] =	vst v13;
	v6 =	vor.u32 v62, v6  }
0x158: {  	[tilespmem:$0x1E7B0] =	vst v6;
	v6 =	vor.u32 v63, v7  }
0x159: {  	s19 =	simm.s32 $0x1E700;
	s20 =	simm.s32 $0x14600;
	[tilespmem:$0x1E7C0] =	vst v6  }
0x15a: {  	[tilespmem:s20], [sflag:$0x9] =	stream.indirect.gather [hbm4b:s2+s23], $0x80, s19, s23, $0xb8;
	[tilespmem:$0x1E980] =	vst v63  }
0x15b: {  	s21 =	simm.s32 $0x1E780;
	s24 =	simm.s32 $0x16E00  }
0x15c: {  	[tilespmem:s24], [sflag:$0xA] =	stream.indirect.gather [hbm4b:s2+s23], $0x80, s21, s23, $0xb8;
	[tilespmem:$0x1E980] =	vst v63  }
0x15d: {  	_ =	swait.ge [sflag:s17], $0x5000  }
0x15e: {  	[sflag:s17] =	ssyncset.done $0x0  }
0x15f: {  	[sflag:s17] =	ssyncadd.s32 $0xFFFFB000  }
0x160: {  	_ =	swait.ge [sflag:s18], $0x2800  }
0x161: {  	[sflag:s18] =	ssyncset.done $0x0  }
0x162: {  	s20 =	simm.s32 $0x0;
	s19 =	simm.s32 $0x200;
	[sflag:s18] =	ssyncadd.s32 $0xFFFFD800  }
.LBB2_10:
0x163: {  	p1 =	sne.s32 s19, $0x9E00;
	v6 =	vld [tilespmem:s20+$0x14670]  }
0x164: {  	v7 =	vld [tilespmem:s20+$0x14600]  }
0x165: {  	v8 =	vld [tilespmem:s20+$0x14610]  }
0x166: {  	v9 =	vld [tilespmem:s20+$0x14620]  }
0x167: {  	v10 =	vld [tilespmem:s20+$0x14630]  }
0x168: {  	[tilespmem:s20+$0x5670] =	vst.add.f32.msk $0xffff, v6  }
0x169: {  	v6 =	vld [tilespmem:s20+$0x14640]  }
0x16a: {  	v11 =	vld [tilespmem:s20+$0x14650]  }
0x16b: {  	v12 =	vld [tilespmem:s20+$0x14660]  }
0x16c: {  	[tilespmem:s20+$0x5600] =	vst.add.f32.msk $0xffff, v7  }
0x16d: {  	[tilespmem:s20+$0x5610] =	vst.add.f32.msk $0xffff, v8  }
.Ltmp8:
0x16e: {  	[tilespmem:s20+$0x5620] =	vst.add.f32.msk $0xffff, v9;
	(pc) =	sbr.rel @p1 .LBB2_10-.Ltmp8, $4  }
0x16f: {  	[tilespmem:s20+$0x5630] =	vst.add.f32.msk $0xffff, v10  }
0x170: {  	[tilespmem:s20+$0x5640] =	vst.add.f32.msk $0xffff, v6  }
0x171: {  	[tilespmem:s20+$0x5650] =	vst.add.f32.msk $0xffff, v11  }
0x172: {  	[tilespmem:s20+$0x5660] =	vst.add.f32.msk $0xffff, v12;
	s20 =	sshra.s32 s19, $0x2;
	s19 =	sadd.s32 $0x200, s19  }
0x173: {  	v6 =	vld [tilespmem:s20+$0x14670]  }
0x174: {  	v7 =	vld [tilespmem:s20+$0x14600]  }
0x175: {  	v8 =	vld [tilespmem:s20+$0x14610]  }
0x176: {  	v9 =	vld [tilespmem:s20+$0x14620]  }
0x177: {  	v10 =	vld [tilespmem:s20+$0x14630]  }
0x178: {  	v11 =	vld [tilespmem:s20+$0x14650]  }
0x179: {  	v12 =	vld [tilespmem:s20+$0x14660]  }
0x17a: {  	[tilespmem:s20+$0x5670] =	vst.add.f32.msk $0xffff, v6  }
0x17b: {  	v6 =	vld [tilespmem:s20+$0x14640]  }
0x17c: {  	[tilespmem:s20+$0x5600] =	vst.add.f32.msk $0xffff, v7  }
0x17d: {  	[tilespmem:s20+$0x5610] =	vst.add.f32.msk $0xffff, v8  }
0x17e: {  	[tilespmem:s20+$0x5620] =	vst.add.f32.msk $0xffff, v9  }
0x17f: {  	[tilespmem:s20+$0x5630] =	vst.add.f32.msk $0xffff, v10  }
0x180: {  	[tilespmem:s20+$0x5650] =	vst.add.f32.msk $0xffff, v11  }
0x181: {  	[tilespmem:s20+$0x5660] =	vst.add.f32.msk $0xffff, v12  }
0x182: {  	[tilespmem:s20+$0x5640] =	vst.add.f32.msk $0xffff, v6  }
0x183: {  	_ =	swait.ge [sflag:s9], $0x2800  }
0x184: {  	[sflag:s9] =	ssyncset.done $0x0  }
0x185: {  	s19 =	simm.s32 $0x200;
	s20 =	simm.s32 $0x0;
	[sflag:s9] =	ssyncadd.s32 $0xFFFFD800  }
.LBB2_12:
0x186: {  	p1 =	sne.s32 s19, $0x9E00;
	v6 =	vld [tilespmem:s20+$0x16E70]  }
0x187: {  	v7 =	vld [tilespmem:s20+$0x16E00]  }
0x188: {  	v8 =	vld [tilespmem:s20+$0x16E10]  }
0x189: {  	v9 =	vld [tilespmem:s20+$0x16E20]  }
0x18a: {  	v10 =	vld [tilespmem:s20+$0x16E30]  }
0x18b: {  	[tilespmem:s20+$0x7E70] =	vst.add.f32.msk $0xffff, v6  }
0x18c: {  	v6 =	vld [tilespmem:s20+$0x16E40]  }
0x18d: {  	v11 =	vld [tilespmem:s20+$0x16E50]  }
0x18e: {  	v12 =	vld [tilespmem:s20+$0x16E60]  }
0x18f: {  	[tilespmem:s20+$0x7E00] =	vst.add.f32.msk $0xffff, v7  }
0x190: {  	[tilespmem:s20+$0x7E10] =	vst.add.f32.msk $0xffff, v8  }
.Ltmp9:
0x191: {  	[tilespmem:s20+$0x7E20] =	vst.add.f32.msk $0xffff, v9;
	(pc) =	sbr.rel @p1 .LBB2_12-.Ltmp9, $4  }
0x192: {  	[tilespmem:s20+$0x7E30] =	vst.add.f32.msk $0xffff, v10  }
0x193: {  	[tilespmem:s20+$0x7E40] =	vst.add.f32.msk $0xffff, v6  }
0x194: {  	[tilespmem:s20+$0x7E50] =	vst.add.f32.msk $0xffff, v11  }
0x195: {  	[tilespmem:s20+$0x7E60] =	vst.add.f32.msk $0xffff, v12;
	s20 =	sshra.s32 s19, $0x2;
	s19 =	sadd.s32 $0x200, s19  }
0x196: {  	v6 =	vld [tilespmem:s20+$0x16E70]  }
0x197: {  	v7 =	vld [tilespmem:s20+$0x16E00]  }
0x198: {  	v8 =	vld [tilespmem:s20+$0x16E10]  }
0x199: {  	v9 =	vld [tilespmem:s20+$0x16E20]  }
0x19a: {  	v10 =	vld [tilespmem:s20+$0x16E30]  }
0x19b: {  	v11 =	vld [tilespmem:s20+$0x16E50]  }
0x19c: {  	v12 =	vld [tilespmem:s20+$0x16E60]  }
0x19d: {  	[tilespmem:s20+$0x7E70] =	vst.add.f32.msk $0xffff, v6  }
0x19e: {  	v6 =	vld [tilespmem:s20+$0x16E40]  }
0x19f: {  	[tilespmem:s20+$0x7E00] =	vst.add.f32.msk $0xffff, v7  }
0x1a0: {  	[tilespmem:s20+$0x7E10] =	vst.add.f32.msk $0xffff, v8  }
0x1a1: {  	s16 =	sshll.u32 s16, $0x5;
	[tilespmem:s20+$0x7E20] =	vst.add.f32.msk $0xffff, v9  }
0x1a2: {  	s16 =	sor.u32 s7, s16;
	[tilespmem:s20+$0x7E30] =	vst.add.f32.msk $0xffff, v10  }
0x1a3: {  	s16 =	smul.u32 $0xA00, s16;
	[tilespmem:s20+$0x7E50] =	vst.add.f32.msk $0xffff, v11  }
0x1a4: {  	[tilespmem:s20+$0x7E60] =	vst.add.f32.msk $0xffff, v12  }
0x1a5: {  	s19 =	simm.s32 $0x5600;
	s16 =	sadd.s32 s4, s16;
	[tilespmem:s20+$0x7E40] =	vst.add.f32.msk $0xffff, v6  }
0x1a6: {  	[hbm4b:s16+s6] =	stream.linear.scatter [tilespmem:s19], [sflag:$0xE], $0x5000, $0x38;
	[tilespmem:$0x1E980] =	vst v63  }
.LBB2_14:
0x1a7: {  	s16 =	sadd.s32 $0x3, s12  }
0x1a8: {  	p1 =	sge.u32 s16, s8  }
0x1a9: {  	s16 =	sshll.u32 @!p1 s16, $0x5;
	s19 =	simm.s32 @!p1 $0xD  }
0x1aa: {  	s21 =	simm.s32 @!p1 $0x400;
	s24 =	simm.s32 @!p1 $0x0;
	s16 =	sor.u32 @!p1 s7, s16  }
0x1ab: {  	_ =	swait.ge @!p1 [sflag:s19], $0x5000;
	s20 =	sshll.u32 @!p1 s16, $0x6;
	s16 =	smul.u32 @!p1 $0xA00, s16  }
.Ltmp10:
0x1ac: {  	[sflag:s19] =	ssyncset.done @!p1 $0x0;
	s20 =	sand.u32 @!p1 $0xFFFFE00, s20;
	(pc) =	sbr.rel @p0 .LBB2_20-.Ltmp10, $4  }
0x1ad: {  	[sflag:s19] =	ssyncadd.s32 @!p1 $0xFFFFB000;
	s19 =	sadd.s32 @!p1 s20, s13;
	s20 =	simm.s32 @!p1 $0x80  }
0x1ae: {  	[tilespmem:s24], [sflag:$0x1] =	stream.strided.gather @!p1 [hbm4b:s19+s20], $0x200, s21, s20, $0x38;
	[tilespmem:$0x1E980] =	vst v63  }
0x1af: {  	s16 =	sadd.s32 @!p1 s1, s16;
	s19 =	simm.s32 @!p1 $0x600  }
0x1b0: {  	[tilespmem:s19], [sflag:$0x4] =	stream.linear.gather @!p1 [hbm4b:s16+s24], $0x5000, $0x38;
	[tilespmem:$0x1E980] =	vst v63  }
0x1b1: {  	_ =	swait.ge [sflag:s10], $0x200  }
0x1b2: {  	[sflag:s10] =	ssyncset.done $0x0  }
0x1b3: {  	[sflag:s10] =	ssyncadd.s32 $0xFFFFFE00  }
0x1b4: {  	v6 =	vld [tilespmem:$0x400]  }
0x1b5: {  	v7 =	vld [tilespmem:$0x4A0]  }
0x1b6: {  	v8 =	vld [tilespmem:$0x540]  }
0x1b7: {  	v9 =	vld [tilespmem:$0x410]  }
0x1b8: {  	v10 =	vld [tilespmem:$0x4B0]  }
0x1b9: {  	v11 =	vld [tilespmem:$0x550]  }
0x1ba: {  	v43 =	vld [tilespmem:$0x420]  }
0x1bb: {  	v12 =	vld [tilespmem:$0x4C0]  }
0x1bc: {  	v13 =	vld [tilespmem:$0x560]  }
0x1bd: {  	v49 =	vld [tilespmem:$0x430]  }
0x1be: {  	v14 =	vld [tilespmem:$0x4D0]  }
0x1bf: {  	v15 =	vld [tilespmem:$0x570]  }
0x1c0: {  	v55 =	vld [tilespmem:$0x440]  }
0x1c1: {  	v16 =	vld [tilespmem:$0x4E0]  }
0x1c2: {  	v17 =	vld [tilespmem:$0x580]  }
0x1c3: {  	v63 =	vld [tilespmem:$0x450]  }
0x1c4: {  	v20 =	vld [tilespmem:$0x4F0]  }
0x1c5: {  	v21 =	vld [tilespmem:$0x590]  }
0x1c6: {  	v27 =	vld [tilespmem:$0x460]  }
0x1c7: {  	v28 =	vld [tilespmem:$0x500];
	v6 =	vadd.s32 v0, v6;
	v7 =	vadd.s32 v1, v7;
	v8 =	vadd.s32 v2, v8  }
0x1c8: {  	v18 =	vld [tilespmem:$0x5A0];
	v9 =	vadd.s32 v0, v9;
	v41 =	vadd.s32 v1, v10;
	v42 =	vadd.s32 v2, v11  }
0x1c9: {  	v34 =	vld [tilespmem:$0x470];
	v46 =	vadd.s32 v0, v43;
	v47 =	vadd.s32 v1, v12;
	v48 =	vadd.s32 v2, v13  }
0x1ca: {  	v52 =	vadd.s32 v0, v49;
	v53 =	vadd.s32 v1, v14;
	v54 =	vadd.s32 v2, v15  }
0x1cb: {  	v59 =	vadd.s32 v0, v55;
	v61 =	vadd.s32 v1, v16;
	v62 =	vadd.s32 v2, v17  }
0x1cc: {  	v24 =	vadd.s32 v0, v63;
	v25 =	vadd.s32 v1, v20;
	v26 =	vadd.s32 v2, v21  }
0x1cd: {  	v31 =	vadd.s32 v0, v27;
	v32 =	vadd.s32 v1, v28;
	v33 =	vadd.s32 v2, v18  }
0x1ce: {  	v39 =	vadd.s32 v0, v34;
	v6 =	vshra.s32 v6, $0x2;
	v7 =	vshra.s32 v7, $0x2  }
0x1cf: {  	v8 =	vshra.s32 v8, $0x2;
	v10 =	vshra.s32 v42, $0x2;
	v11 =	vshra.s32 v47, $0x2  }
0x1d0: {  	v12 =	vshra.s32 v48, $0x2;
	v13 =	vshra.s32 v53, $0x2;
	v14 =	vshra.s32 v54, $0x2  }
0x1d1: {  	v60 =	vshra.s32 v59, $0x2;
	v15 =	vshra.s32 v26, $0x2;
	v16 =	vshra.s32 v32, $0x2  }
0x1d2: {  	v17 =	vshra.s32 v33, $0x2;
	v40 =	vshra.s32 v39, $0x2;
	v6 =	vadd.s32 v3, v6  }
0x1d3: {  	v7 =	vadd.s32 v4, v7;
	v8 =	vadd.s32 v5, v8;
	v10 =	vadd.s32 v5, v10  }
0x1d4: {  	v11 =	vadd.s32 v4, v11;
	v12 =	vadd.s32 v5, v12;
	v13 =	vadd.s32 v4, v13  }
0x1d5: {  	v14 =	vadd.s32 v5, v14;
	v15 =	vadd.s32 v5, v15;
	v16 =	vadd.s32 v4, v16  }
0x1d6: {  	v17 =	vadd.s32 v5, v17;
	vm0 =	vgt.s32 v6, $0x0;
	vm1 =	vgt.s32 v7, $0x0  }
0x1d7: {  	vm2 =	vgt.s32 v8, $0x0;
	vm15 =	vgt.s32 v10, $0x0;
	vm5 =	vgt.s32 v11, $0x0  }
0x1d8: {  	vm6 =	vgt.s32 v12, $0x0;
	vm8 =	vgt.s32 v13, $0x0;
	vm9 =	vgt.s32 v14, $0x0  }
0x1d9: {  	v6 =	vnsel vm0, $0x0, v6;
	v7 =	vnsel vm1, $0x0, v7;
	v8 =	vnsel vm2, $0x0, v8  }
0x1da: {  	v45 =	vnsel vm15, $0x0, v10;
	v10 =	vshra.s32 v46, $0x2;
	v50 =	vnsel vm5, $0x0, v11  }
0x1db: {  	v36 =	vld [tilespmem:$0x5B0];
	v51 =	vnsel vm6, $0x0, v12;
	v12 =	vshra.s32 v52, $0x2;
	v13 =	vnsel vm8, $0x0, v13  }
0x1dc: {  	v43 =	vld [tilespmem:$0x520];
	v56 =	vnsel vm9, $0x0, v14;
	v14 =	vshra.s32 v25, $0x2;
	vm15 =	vgt.s32 v15, $0x0  }
0x1dd: {  	v20 =	vld [tilespmem:$0x5D0];
	vm5 =	vgt.s32 v16, $0x0;
	vm6 =	vgt.s32 v17, $0x0;
	v6 =	vmin.u32 v6, $0x3F  }
0x1de: {  	v7 =	vmin.u32 v7, $0x3F;
	v8 =	vmin.u32 v8, $0x3F;
	v10 =	vadd.s32 v3, v10  }
0x1df: {  	v11 =	vmin.u32 v51, $0x3F;
	v12 =	vadd.s32 v3, v12;
	v58 =	vmin.u32 v13, $0x3F  }
0x1e0: {  	v42 =	vld [tilespmem:$0x480];
	v13 =	vshra.s32 v62, $0x2;
	v14 =	vadd.s32 v4, v14;
	v30 =	vnsel vm15, $0x0, v15  }
0x1e1: {  	v15 =	vshra.s32 v31, $0x2;
	v35 =	vnsel vm5, $0x0, v16;
	v37 =	vnsel vm6, $0x0, v17  }
0x1e2: {  	v16 =	vadd.s32 v2, v36;
	v49 =	vadd.s32 v1, v43;
	v59 =	vadd.s32 v2, v20  }
0x1e3: {  	v19 =	vld [tilespmem:$0x510];
	v6 =	vshll.u32 v6, $0xC;
	v7 =	vshll.u32 v7, $0x6;
	vm4 =	vgt.s32 v10, $0x0  }
0x1e4: {  	vm7 =	vgt.s32 v12, $0x0;
	v13 =	vadd.s32 v5, v13;
	v15 =	vadd.s32 v3, v15  }
0x1e5: {  	v16 =	vshra.s32 v16, $0x2;
	v47 =	vadd.s32 v0, v42;
	v6 =	vor.u32 v6, v7  }
0x1e6: {  	v7 =	vshra.s32 v9, $0x2;
	v9 =	vshra.s32 v41, $0x2;
	v10 =	vnsel vm4, $0x0, v10  }
0x1e7: {  	v12 =	vnsel vm7, $0x0, v12;
	vm12 =	vgt.s32 v13, $0x0;
	vm4 =	vgt.s32 v15, $0x0  }
0x1e8: {  	v41 =	vadd.s32 v1, v19;
	v16 =	vadd.s32 v5, v16;
	v48 =	vshra.s32 v47, $0x2  }
0x1e9: {  	v7 =	vadd.s32 v3, v7;
	v9 =	vadd.s32 v4, v9;
	v6 =	vor.u32 v8, v6  }
0x1ea: {  	v10 =	vmin.u32 v10, $0x3F;
	v57 =	vmin.u32 v12, $0x3F;
	v12 =	vshra.s32 v61, $0x2  }
0x1eb: {  	v23 =	vnsel vm12, $0x0, v13;
	v13 =	vshra.s32 v24, $0x2;
	v15 =	vnsel vm4, $0x0, v15  }
0x1ec: {  	vm9 =	vgt.s32 v16, $0x0;
	vm13 =	vgt.s32 v7, $0x0;
	vm14 =	vgt.s32 v9, $0x0  }
0x1ed: {  	v51 =	vld [tilespmem:$0x490];
	v10 =	vshll.u32 v10, $0xC;
	v12 =	vadd.s32 v4, v12;
	v13 =	vadd.s32 v3, v13  }
0x1ee: {  	v38 =	vmin.u32 v15, $0x3F;
	v15 =	vshra.s32 v41, $0x2;
	v46 =	vnsel vm9, $0x0, v16  }
0x1ef: {  	v16 =	vshra.s32 v49, $0x2;
	v7 =	vnsel vm13, $0x0, v7;
	v44 =	vnsel vm14, $0x0, v9  }
0x1f0: {  	v9 =	vmin.u32 v45, $0x3F;
	vm11 =	vgt.s32 v12, $0x0;
	vm13 =	vgt.s32 v13, $0x0  }
0x1f1: {  	vm14 =	vgt.s32 v14, $0x0;
	v15 =	vadd.s32 v4, v15;
	v16 =	vadd.s32 v4, v16  }
0x1f2: {  	v54 =	vadd.s32 v0, v51;
	v7 =	vmin.u32 v7, $0x3F;
	v8 =	vmin.u32 v44, $0x3F  }
0x1f3: {  	v22 =	vnsel vm11, $0x0, v12;
	v12 =	vmin.u32 v23, $0x3F;
	v13 =	vnsel vm13, $0x0, v13  }
0x1f4: {  	v29 =	vnsel vm14, $0x0, v14;
	v14 =	vmin.u32 v30, $0x3F;
	vm8 =	vgt.s32 v15, $0x0  }
0x1f5: {  	vm11 =	vgt.s32 v16, $0x0;
	v55 =	vshra.s32 v54, $0x2;
	v7 =	vshll.u32 v7, $0xC  }
0x1f6: {  	v8 =	vshll.u32 v8, $0x6;
	v13 =	vmin.u32 v13, $0x3F;
	v45 =	vnsel vm8, $0x0, v15  }
0x1f7: {  	v52 =	vld [tilespmem:$0x530];
	v15 =	vmin.u32 v46, $0x3F;
	v7 =	vor.u32 v7, v8;
	v8 =	vmin.u32 v50, $0x3F  }
0x1f8: {  	v44 =	vld [tilespmem:$0x5C0];
	v16 =	vnsel vm11, $0x0, v16;
	v13 =	vshll.u32 v13, $0xC;
	v8 =	vshll.u32 v8, $0x6  }
0x1f9: {  	v16 =	vmin.u32 v16, $0x3F;
	v10 =	vor.u32 v10, v8;
	v8 =	vor.u32 v9, v7  }
0x1fa: {  	v7 =	vor.u32 v11, v10;
	v10 =	vshll.u32 v57, $0xC;
	v11 =	vshll.u32 v58, $0x6  }
0x1fb: {  	[tilespmem:$0x1E800] =	vst v6;
	v6 =	vshll.u32 v16, $0x6;
	v10 =	vor.u32 v10, v11;
	v11 =	vadd.s32 v3, v60  }
0x1fc: {  	v9 =	vmin.u32 v56, $0x3F;
	v56 =	vadd.s32 v1, v52;
	vm10 =	vgt.s32 v11, $0x0  }
0x1fd: {  	v50 =	vadd.s32 v2, v44;
	v57 =	vadd.s32 v3, v55;
	v11 =	vnsel vm10, $0x0, v11  }
0x1fe: {  	v9 =	vor.u32 v9, v10;
	v10 =	vmin.u32 v22, $0x3F;
	v11 =	vmin.u32 v11, $0x3F  }
0x1ff: {  	v58 =	vshra.s32 v56, $0x2;
	v10 =	vshll.u32 v10, $0x6;
	v11 =	vshll.u32 v11, $0xC  }
0x200: {  	v17 =	vshra.s32 v50, $0x2;
	v10 =	vor.u32 v11, v10;
	v11 =	vmin.u32 v29, $0x3F  }
0x201: {  	[tilespmem:$0x1E820] =	vst v7;
	vm13 =	vgt.s32 v57, $0x0;
	v7 =	vadd.s32 v4, v58;
	v11 =	vshll.u32 v11, $0x6  }
0x202: {  	v60 =	vshra.s32 v59, $0x2;
	v11 =	vor.u32 v13, v11;
	v13 =	vmin.u32 v35, $0x3F  }
0x203: {  	v11 =	vor.u32 v14, v11;
	v14 =	vshll.u32 v38, $0xC;
	v13 =	vshll.u32 v13, $0x6  }
0x204: {  	v17 =	vadd.s32 v5, v17;
	v13 =	vor.u32 v14, v13;
	v14 =	vadd.s32 v3, v40  }
0x205: {  	[tilespmem:$0x1E810] =	vst v8;
	v8 =	vnsel vm13, $0x0, v57;
	vm14 =	vgt.s32 v7, $0x0;
	vm7 =	vgt.s32 v14, $0x0  }
0x206: {  	v10 =	vor.u32 v12, v10;
	v12 =	vmin.u32 v37, $0x3F;
	v14 =	vnsel vm7, $0x0, v14  }
0x207: {  	v12 =	vor.u32 v12, v13;
	v13 =	vmin.u32 v45, $0x3F;
	v14 =	vmin.u32 v14, $0x3F  }
0x208: {  	v61 =	vadd.s32 v5, v60;
	v13 =	vshll.u32 v13, $0x6;
	v14 =	vshll.u32 v14, $0xC  }
0x209: {  	vm12 =	vgt.s32 v17, $0x0;
	v13 =	vor.u32 v14, v13;
	v14 =	vadd.s32 v3, v48  }
0x20a: {  	v7 =	vnsel vm14, $0x0, v7;
	vm15 =	vgt.s32 v61, $0x0;
	vm10 =	vgt.s32 v14, $0x0  }
0x20b: {  	[tilespmem:$0x1E830] =	vst v9;
	v8 =	vmin.u32 v8, $0x3F;
	v53 =	vnsel vm12, $0x0, v17;
	v14 =	vnsel vm10, $0x0, v14  }
0x20c: {  	v9 =	vnsel vm15, $0x0, v61;
	v7 =	vmin.u32 v7, $0x3F;
	[tilespmem:$0x1E840] =	vst v10;
	v14 =	vmin.u32 v14, $0x3F  }
0x20d: {  	v8 =	vshll.u32 v8, $0xC;
	v62 =	vmin.u32 v53, $0x3F;
	[tilespmem:$0x1E880] =	vst v11;
	v14 =	vshll.u32 v14, $0xC  }
0x20e: {  	v7 =	vshll.u32 v7, $0x6;
	[tilespmem:$0x1E890] =	vst v12;
	v13 =	vor.u32 v15, v13;
	v6 =	vor.u32 v14, v6  }
0x20f: {  	v63 =	vmin.u32 v9, $0x3F;
	v7 =	vor.u32 v8, v7;
	[tilespmem:$0x1E8A0] =	vst v13;
	v6 =	vor.u32 v62, v6  }
0x210: {  	[tilespmem:$0x1E8B0] =	vst v6;
	v6 =	vor.u32 v63, v7  }
0x211: {  	s16 =	simm.s32 $0x1E800;
	s19 =	simm.s32 $0x19600;
	[tilespmem:$0x1E8C0] =	vst v6  }
0x212: {  	[tilespmem:s19], [sflag:$0xB] =	stream.indirect.gather [hbm4b:s2+s23], $0x80, s16, s23, $0xb8;
	[tilespmem:$0x1E980] =	vst v63  }
0x213: {  	s21 =	simm.s32 $0x1E880;
	s24 =	simm.s32 $0x1BE00  }
0x214: {  	[tilespmem:s24], [sflag:$0xC] =	stream.indirect.gather [hbm4b:s2+s23], $0x80, s21, s23, $0xb8;
	[tilespmem:$0x1E980] =	vst v63  }
0x215: {  	_ =	swait.ge [sflag:s5], $0x5000  }
0x216: {  	[sflag:s5] =	ssyncset.done $0x0  }
0x217: {  	[sflag:s5] =	ssyncadd.s32 $0xFFFFB000  }
0x218: {  	_ =	swait.ge [sflag:s3], $0x2800  }
0x219: {  	[sflag:s3] =	ssyncset.done $0x0  }
0x21a: {  	s16 =	simm.s32 $0x0;
	s19 =	simm.s32 $0x200;
	[sflag:s3] =	ssyncadd.s32 $0xFFFFD800  }
.LBB2_16:
0x21b: {  	p0 =	sne.s32 s19, $0x9E00;
	v6 =	vld [tilespmem:s16+$0x19670]  }
0x21c: {  	v7 =	vld [tilespmem:s16+$0x19600]  }
0x21d: {  	v8 =	vld [tilespmem:s16+$0x19610]  }
0x21e: {  	v9 =	vld [tilespmem:s16+$0x19620]  }
0x21f: {  	v10 =	vld [tilespmem:s16+$0x19630]  }
0x220: {  	[tilespmem:s16+$0xA670] =	vst.add.f32.msk $0xffff, v6  }
0x221: {  	v6 =	vld [tilespmem:s16+$0x19640]  }
0x222: {  	v11 =	vld [tilespmem:s16+$0x19650]  }
0x223: {  	v12 =	vld [tilespmem:s16+$0x19660]  }
0x224: {  	[tilespmem:s16+$0xA600] =	vst.add.f32.msk $0xffff, v7  }
0x225: {  	[tilespmem:s16+$0xA610] =	vst.add.f32.msk $0xffff, v8  }
.Ltmp11:
0x226: {  	[tilespmem:s16+$0xA620] =	vst.add.f32.msk $0xffff, v9;
	(pc) =	sbr.rel @p0 .LBB2_16-.Ltmp11, $4  }
0x227: {  	[tilespmem:s16+$0xA630] =	vst.add.f32.msk $0xffff, v10  }
0x228: {  	[tilespmem:s16+$0xA640] =	vst.add.f32.msk $0xffff, v6  }
0x229: {  	[tilespmem:s16+$0xA650] =	vst.add.f32.msk $0xffff, v11  }
0x22a: {  	[tilespmem:s16+$0xA660] =	vst.add.f32.msk $0xffff, v12;
	s16 =	sshra.s32 s19, $0x2;
	s19 =	sadd.s32 $0x200, s19  }
0x22b: {  	v6 =	vld [tilespmem:s16+$0x19670]  }
0x22c: {  	v7 =	vld [tilespmem:s16+$0x19600]  }
0x22d: {  	v8 =	vld [tilespmem:s16+$0x19610]  }
0x22e: {  	v9 =	vld [tilespmem:s16+$0x19620]  }
0x22f: {  	v10 =	vld [tilespmem:s16+$0x19630]  }
0x230: {  	v11 =	vld [tilespmem:s16+$0x19650]  }
0x231: {  	v12 =	vld [tilespmem:s16+$0x19660]  }
0x232: {  	[tilespmem:s16+$0xA670] =	vst.add.f32.msk $0xffff, v6  }
0x233: {  	v6 =	vld [tilespmem:s16+$0x19640]  }
0x234: {  	[tilespmem:s16+$0xA600] =	vst.add.f32.msk $0xffff, v7  }
0x235: {  	[tilespmem:s16+$0xA610] =	vst.add.f32.msk $0xffff, v8  }
0x236: {  	[tilespmem:s16+$0xA620] =	vst.add.f32.msk $0xffff, v9  }
0x237: {  	[tilespmem:s16+$0xA630] =	vst.add.f32.msk $0xffff, v10  }
0x238: {  	[tilespmem:s16+$0xA650] =	vst.add.f32.msk $0xffff, v11  }
0x239: {  	[tilespmem:s16+$0xA660] =	vst.add.f32.msk $0xffff, v12  }
0x23a: {  	[tilespmem:s16+$0xA640] =	vst.add.f32.msk $0xffff, v6  }
0x23b: {  	_ =	swait.ge [sflag:s15], $0x2800  }
0x23c: {  	[sflag:s15] =	ssyncset.done $0x0  }
0x23d: {  	s19 =	simm.s32 $0x200;
	s16 =	simm.s32 $0x0;
	[sflag:s15] =	ssyncadd.s32 $0xFFFFD800  }
.LBB2_18:
0x23e: {  	p0 =	sne.s32 s19, $0x9E00;
	v6 =	vld [tilespmem:s16+$0x1BE70]  }
0x23f: {  	v7 =	vld [tilespmem:s16+$0x1BE00]  }
0x240: {  	v8 =	vld [tilespmem:s16+$0x1BE10]  }
0x241: {  	v9 =	vld [tilespmem:s16+$0x1BE20]  }
0x242: {  	v10 =	vld [tilespmem:s16+$0x1BE30]  }
0x243: {  	[tilespmem:s16+$0xCE70] =	vst.add.f32.msk $0xffff, v6  }
0x244: {  	v6 =	vld [tilespmem:s16+$0x1BE40]  }
0x245: {  	v11 =	vld [tilespmem:s16+$0x1BE50]  }
0x246: {  	v12 =	vld [tilespmem:s16+$0x1BE60]  }
0x247: {  	[tilespmem:s16+$0xCE00] =	vst.add.f32.msk $0xffff, v7  }
0x248: {  	[tilespmem:s16+$0xCE10] =	vst.add.f32.msk $0xffff, v8  }
.Ltmp12:
0x249: {  	[tilespmem:s16+$0xCE20] =	vst.add.f32.msk $0xffff, v9;
	(pc) =	sbr.rel @p0 .LBB2_18-.Ltmp12, $4  }
0x24a: {  	[tilespmem:s16+$0xCE30] =	vst.add.f32.msk $0xffff, v10  }
0x24b: {  	[tilespmem:s16+$0xCE40] =	vst.add.f32.msk $0xffff, v6  }
0x24c: {  	[tilespmem:s16+$0xCE50] =	vst.add.f32.msk $0xffff, v11  }
0x24d: {  	[tilespmem:s16+$0xCE60] =	vst.add.f32.msk $0xffff, v12;
	s16 =	sshra.s32 s19, $0x2;
	s19 =	sadd.s32 $0x200, s19  }
0x24e: {  	v6 =	vld [tilespmem:s16+$0x1BE70]  }
0x24f: {  	v7 =	vld [tilespmem:s16+$0x1BE00]  }
0x250: {  	v8 =	vld [tilespmem:s16+$0x1BE10]  }
0x251: {  	v9 =	vld [tilespmem:s16+$0x1BE20]  }
0x252: {  	v10 =	vld [tilespmem:s16+$0x1BE30]  }
0x253: {  	v11 =	vld [tilespmem:s16+$0x1BE50]  }
0x254: {  	v12 =	vld [tilespmem:s16+$0x1BE60]  }
0x255: {  	[tilespmem:s16+$0xCE70] =	vst.add.f32.msk $0xffff, v6  }
0x256: {  	v6 =	vld [tilespmem:s16+$0x1BE40]  }
0x257: {  	[tilespmem:s16+$0xCE00] =	vst.add.f32.msk $0xffff, v7  }
0x258: {  	[tilespmem:s16+$0xCE10] =	vst.add.f32.msk $0xffff, v8  }
0x259: {  	s14 =	sshll.u32 s14, $0x5;
	[tilespmem:s16+$0xCE20] =	vst.add.f32.msk $0xffff, v9  }
0x25a: {  	s14 =	sor.u32 s7, s14;
	[tilespmem:s16+$0xCE30] =	vst.add.f32.msk $0xffff, v10  }
0x25b: {  	s14 =	smul.u32 $0xA00, s14;
	[tilespmem:s16+$0xCE50] =	vst.add.f32.msk $0xffff, v11  }
0x25c: {  	[tilespmem:s16+$0xCE60] =	vst.add.f32.msk $0xffff, v12  }
0x25d: {  	s24 =	simm.s32 $0xA600;
	s14 =	sadd.s32 s4, s14;
	[tilespmem:s16+$0xCE40] =	vst.add.f32.msk $0xffff, v6  }
0x25e: {  	[hbm4b:s14+s6] =	stream.linear.scatter [tilespmem:s24], [sflag:$0xF], $0x5000, $0x38;
	[tilespmem:$0x1E980] =	vst v63  }
.LBB2_20:
0x25f: {  	s12 =	sadd.s32 $0x4, s12  }
0x260: {  	p0 =	sge.u32 s12, s8  }
0x261: {  	s12 =	sshll.u32 @!p0 s12, $0x5;
	s14 =	simm.s32 @!p0 $0xE  }
0x262: {  	s19 =	simm.s32 @!p0 $0x400;
	s20 =	simm.s32 @!p0 $0x200;
	s12 =	sor.u32 @!p0 s7, s12  }
0x263: {  	_ =	swait.ge @!p0 [sflag:s14], $0x5000;
	s16 =	sshll.u32 @!p0 s12, $0x6;
	s12 =	smul.u32 @!p0 $0xA00, s12  }
.Ltmp13:
0x264: {  	[sflag:s14] =	ssyncset.done @!p0 $0x0;
	s16 =	sand.u32 @!p0 $0xFFFFE00, s16;
	(pc) =	sbr.rel @p1 .LBB2_22-.Ltmp13, $4  }
0x265: {  	[sflag:s14] =	ssyncadd.s32 @!p0 $0xFFFFB000;
	s14 =	sadd.s32 @!p0 s16, s13;
	s16 =	simm.s32 @!p0 $0x80  }
0x266: {  	[tilespmem:s20], [sflag:$0x2] =	stream.strided.gather @!p0 [hbm4b:s14+s16], $0x200, s19, s16, $0x38;
	[tilespmem:$0x1E980] =	vst v63  }
0x267: {  	s12 =	sadd.s32 @!p0 s1, s12;
	s14 =	simm.s32 @!p0 $0x0;
	s16 =	simm.s32 @!p0 $0x5600  }
0x268: {  	[tilespmem:s16], [sflag:$0x5] =	stream.linear.gather @!p0 [hbm4b:s12+s14], $0x5000, $0x38;
	[tilespmem:$0x1E980] =	vst v63  }
0x269: {  	_ =	swait.ge [sflag:s22], $0x200  }
0x26a: {  	[sflag:s22] =	ssyncset.done $0x0  }
0x26b: {  	[sflag:s22] =	ssyncadd.s32 $0xFFFFFE00  }
0x26c: {  	v6 =	vld [tilespmem:$0x0]  }
0x26d: {  	v7 =	vld [tilespmem:$0xA0]  }
0x26e: {  	v8 =	vld [tilespmem:$0x140]  }
0x26f: {  	v9 =	vld [tilespmem:$0x10]  }
0x270: {  	v10 =	vld [tilespmem:$0xB0]  }
0x271: {  	v11 =	vld [tilespmem:$0x150]  }
0x272: {  	v43 =	vld [tilespmem:$0x20]  }
0x273: {  	v12 =	vld [tilespmem:$0xC0]  }
0x274: {  	v13 =	vld [tilespmem:$0x160]  }
0x275: {  	v49 =	vld [tilespmem:$0x30]  }
0x276: {  	v14 =	vld [tilespmem:$0xD0]  }
0x277: {  	v15 =	vld [tilespmem:$0x170]  }
0x278: {  	v55 =	vld [tilespmem:$0x40]  }
0x279: {  	v16 =	vld [tilespmem:$0xE0]  }
0x27a: {  	v17 =	vld [tilespmem:$0x180]  }
0x27b: {  	v63 =	vld [tilespmem:$0x50]  }
0x27c: {  	v20 =	vld [tilespmem:$0xF0]  }
0x27d: {  	v21 =	vld [tilespmem:$0x190]  }
0x27e: {  	v27 =	vld [tilespmem:$0x60]  }
0x27f: {  	v28 =	vld [tilespmem:$0x100];
	v6 =	vadd.s32 v0, v6;
	v7 =	vadd.s32 v1, v7;
	v8 =	vadd.s32 v2, v8  }
0x280: {  	v18 =	vld [tilespmem:$0x1A0];
	v9 =	vadd.s32 v0, v9;
	v41 =	vadd.s32 v1, v10;
	v42 =	vadd.s32 v2, v11  }
0x281: {  	v34 =	vld [tilespmem:$0x70];
	v46 =	vadd.s32 v0, v43;
	v47 =	vadd.s32 v1, v12;
	v48 =	vadd.s32 v2, v13  }
0x282: {  	v52 =	vadd.s32 v0, v49;
	v53 =	vadd.s32 v1, v14;
	v54 =	vadd.s32 v2, v15  }
0x283: {  	v59 =	vadd.s32 v0, v55;
	v61 =	vadd.s32 v1, v16;
	v62 =	vadd.s32 v2, v17  }
0x284: {  	v24 =	vadd.s32 v0, v63;
	v25 =	vadd.s32 v1, v20;
	v26 =	vadd.s32 v2, v21  }
0x285: {  	v31 =	vadd.s32 v0, v27;
	v32 =	vadd.s32 v1, v28;
	v33 =	vadd.s32 v2, v18  }
0x286: {  	v39 =	vadd.s32 v0, v34;
	v6 =	vshra.s32 v6, $0x2;
	v7 =	vshra.s32 v7, $0x2  }
0x287: {  	v8 =	vshra.s32 v8, $0x2;
	v10 =	vshra.s32 v42, $0x2;
	v11 =	vshra.s32 v47, $0x2  }
0x288: {  	v12 =	vshra.s32 v48, $0x2;
	v13 =	vshra.s32 v53, $0x2;
	v14 =	vshra.s32 v54, $0x2  }
0x289: {  	v60 =	vshra.s32 v59, $0x2;
	v15 =	vshra.s32 v26, $0x2;
	v16 =	vshra.s32 v32, $0x2  }
0x28a: {  	v17 =	vshra.s32 v33, $0x2;
	v40 =	vshra.s32 v39, $0x2;
	v6 =	vadd.s32 v3, v6  }
0x28b: {  	v7 =	vadd.s32 v4, v7;
	v8 =	vadd.s32 v5, v8;
	v10 =	vadd.s32 v5, v10  }
0x28c: {  	v11 =	vadd.s32 v4, v11;
	v12 =	vadd.s32 v5, v12;
	v13 =	vadd.s32 v4, v13  }
0x28d: {  	v14 =	vadd.s32 v5, v14;
	v15 =	vadd.s32 v5, v15;
	v16 =	vadd.s32 v4, v16  }
0x28e: {  	v17 =	vadd.s32 v5, v17;
	vm0 =	vgt.s32 v6, $0x0;
	vm1 =	vgt.s32 v7, $0x0  }
0x28f: {  	vm2 =	vgt.s32 v8, $0x0;
	vm15 =	vgt.s32 v10, $0x0;
	vm5 =	vgt.s32 v11, $0x0  }
0x290: {  	vm6 =	vgt.s32 v12, $0x0;
	vm8 =	vgt.s32 v13, $0x0;
	vm9 =	vgt.s32 v14, $0x0  }
0x291: {  	v6 =	vnsel vm0, $0x0, v6;
	v7 =	vnsel vm1, $0x0, v7;
	v8 =	vnsel vm2, $0x0, v8  }
0x292: {  	v45 =	vnsel vm15, $0x0, v10;
	v10 =	vshra.s32 v46, $0x2;
	v50 =	vnsel vm5, $0x0, v11  }
0x293: {  	v36 =	vld [tilespmem:$0x1B0];
	v51 =	vnsel vm6, $0x0, v12;
	v12 =	vshra.s32 v52, $0x2;
	v13 =	vnsel vm8, $0x0, v13  }
0x294: {  	v43 =	vld [tilespmem:$0x120];
	v56 =	vnsel vm9, $0x0, v14;
	v14 =	vshra.s32 v25, $0x2;
	vm15 =	vgt.s32 v15, $0x0  }
0x295: {  	v20 =	vld [tilespmem:$0x1D0];
	vm5 =	vgt.s32 v16, $0x0;
	vm6 =	vgt.s32 v17, $0x0;
	v6 =	vmin.u32 v6, $0x3F  }
0x296: {  	v7 =	vmin.u32 v7, $0x3F;
	v8 =	vmin.u32 v8, $0x3F;
	v10 =	vadd.s32 v3, v10  }
0x297: {  	v11 =	vmin.u32 v51, $0x3F;
	v12 =	vadd.s32 v3, v12;
	v58 =	vmin.u32 v13, $0x3F  }
0x298: {  	v42 =	vld [tilespmem:$0x80];
	v13 =	vshra.s32 v62, $0x2;
	v14 =	vadd.s32 v4, v14;
	v30 =	vnsel vm15, $0x0, v15  }
0x299: {  	v15 =	vshra.s32 v31, $0x2;
	v35 =	vnsel vm5, $0x0, v16;
	v37 =	vnsel vm6, $0x0, v17  }
0x29a: {  	v16 =	vadd.s32 v2, v36;
	v49 =	vadd.s32 v1, v43;
	v59 =	vadd.s32 v2, v20  }
0x29b: {  	v19 =	vld [tilespmem:$0x110];
	v6 =	vshll.u32 v6, $0xC;
	v7 =	vshll.u32 v7, $0x6;
	vm4 =	vgt.s32 v10, $0x0  }
0x29c: {  	vm7 =	vgt.s32 v12, $0x0;
	v13 =	vadd.s32 v5, v13;
	v15 =	vadd.s32 v3, v15  }
0x29d: {  	v16 =	vshra.s32 v16, $0x2;
	v47 =	vadd.s32 v0, v42;
	v6 =	vor.u32 v6, v7  }
0x29e: {  	v7 =	vshra.s32 v9, $0x2;
	v9 =	vshra.s32 v41, $0x2;
	v10 =	vnsel vm4, $0x0, v10  }
0x29f: {  	v12 =	vnsel vm7, $0x0, v12;
	vm12 =	vgt.s32 v13, $0x0;
	vm4 =	vgt.s32 v15, $0x0  }
0x2a0: {  	v41 =	vadd.s32 v1, v19;
	v16 =	vadd.s32 v5, v16;
	v48 =	vshra.s32 v47, $0x2  }
0x2a1: {  	v7 =	vadd.s32 v3, v7;
	v9 =	vadd.s32 v4, v9;
	v6 =	vor.u32 v8, v6  }
0x2a2: {  	v10 =	vmin.u32 v10, $0x3F;
	v57 =	vmin.u32 v12, $0x3F;
	v12 =	vshra.s32 v61, $0x2  }
0x2a3: {  	v23 =	vnsel vm12, $0x0, v13;
	v13 =	vshra.s32 v24, $0x2;
	v15 =	vnsel vm4, $0x0, v15  }
0x2a4: {  	vm9 =	vgt.s32 v16, $0x0;
	vm13 =	vgt.s32 v7, $0x0;
	vm14 =	vgt.s32 v9, $0x0  }
0x2a5: {  	v51 =	vld [tilespmem:$0x90];
	v10 =	vshll.u32 v10, $0xC;
	v12 =	vadd.s32 v4, v12;
	v13 =	vadd.s32 v3, v13  }
0x2a6: {  	v38 =	vmin.u32 v15, $0x3F;
	v15 =	vshra.s32 v41, $0x2;
	v46 =	vnsel vm9, $0x0, v16  }
0x2a7: {  	v16 =	vshra.s32 v49, $0x2;
	v7 =	vnsel vm13, $0x0, v7;
	v44 =	vnsel vm14, $0x0, v9  }
0x2a8: {  	v9 =	vmin.u32 v45, $0x3F;
	vm11 =	vgt.s32 v12, $0x0;
	vm13 =	vgt.s32 v13, $0x0  }
0x2a9: {  	vm14 =	vgt.s32 v14, $0x0;
	v15 =	vadd.s32 v4, v15;
	v16 =	vadd.s32 v4, v16  }
0x2aa: {  	v54 =	vadd.s32 v0, v51;
	v7 =	vmin.u32 v7, $0x3F;
	v8 =	vmin.u32 v44, $0x3F  }
0x2ab: {  	v22 =	vnsel vm11, $0x0, v12;
	v12 =	vmin.u32 v23, $0x3F;
	v13 =	vnsel vm13, $0x0, v13  }
0x2ac: {  	v29 =	vnsel vm14, $0x0, v14;
	v14 =	vmin.u32 v30, $0x3F;
	vm8 =	vgt.s32 v15, $0x0  }
0x2ad: {  	vm11 =	vgt.s32 v16, $0x0;
	v55 =	vshra.s32 v54, $0x2;
	v7 =	vshll.u32 v7, $0xC  }
0x2ae: {  	v8 =	vshll.u32 v8, $0x6;
	v13 =	vmin.u32 v13, $0x3F;
	v45 =	vnsel vm8, $0x0, v15  }
0x2af: {  	v52 =	vld [tilespmem:$0x130];
	v15 =	vmin.u32 v46, $0x3F;
	v7 =	vor.u32 v7, v8;
	v8 =	vmin.u32 v50, $0x3F  }
0x2b0: {  	v44 =	vld [tilespmem:$0x1C0];
	v16 =	vnsel vm11, $0x0, v16;
	v13 =	vshll.u32 v13, $0xC;
	v8 =	vshll.u32 v8, $0x6  }
0x2b1: {  	v16 =	vmin.u32 v16, $0x3F;
	v10 =	vor.u32 v10, v8;
	v8 =	vor.u32 v9, v7  }
0x2b2: {  	v7 =	vor.u32 v11, v10;
	v10 =	vshll.u32 v57, $0xC;
	v11 =	vshll.u32 v58, $0x6  }
0x2b3: {  	[tilespmem:$0x1E600] =	vst v6;
	v6 =	vshll.u32 v16, $0x6;
	v10 =	vor.u32 v10, v11;
	v11 =	vadd.s32 v3, v60  }
0x2b4: {  	v9 =	vmin.u32 v56, $0x3F;
	v56 =	vadd.s32 v1, v52;
	vm10 =	vgt.s32 v11, $0x0  }
0x2b5: {  	v50 =	vadd.s32 v2, v44;
	v57 =	vadd.s32 v3, v55;
	v11 =	vnsel vm10, $0x0, v11  }
0x2b6: {  	v9 =	vor.u32 v9, v10;
	v10 =	vmin.u32 v22, $0x3F;
	v11 =	vmin.u32 v11, $0x3F  }
0x2b7: {  	v58 =	vshra.s32 v56, $0x2;
	v10 =	vshll.u32 v10, $0x6;
	v11 =	vshll.u32 v11, $0xC  }
0x2b8: {  	v17 =	vshra.s32 v50, $0x2;
	v10 =	vor.u32 v11, v10;
	v11 =	vmin.u32 v29, $0x3F  }
0x2b9: {  	[tilespmem:$0x1E620] =	vst v7;
	vm13 =	vgt.s32 v57, $0x0;
	v7 =	vadd.s32 v4, v58;
	v11 =	vshll.u32 v11, $0x6  }
0x2ba: {  	v60 =	vshra.s32 v59, $0x2;
	v11 =	vor.u32 v13, v11;
	v13 =	vmin.u32 v35, $0x3F  }
0x2bb: {  	v11 =	vor.u32 v14, v11;
	v14 =	vshll.u32 v38, $0xC;
	v13 =	vshll.u32 v13, $0x6  }
0x2bc: {  	v17 =	vadd.s32 v5, v17;
	v13 =	vor.u32 v14, v13;
	v14 =	vadd.s32 v3, v40  }
0x2bd: {  	[tilespmem:$0x1E610] =	vst v8;
	v8 =	vnsel vm13, $0x0, v57;
	vm14 =	vgt.s32 v7, $0x0;
	vm7 =	vgt.s32 v14, $0x0  }
0x2be: {  	v10 =	vor.u32 v12, v10;
	v12 =	vmin.u32 v37, $0x3F;
	v14 =	vnsel vm7, $0x0, v14  }
0x2bf: {  	v12 =	vor.u32 v12, v13;
	v13 =	vmin.u32 v45, $0x3F;
	v14 =	vmin.u32 v14, $0x3F  }
0x2c0: {  	v61 =	vadd.s32 v5, v60;
	v13 =	vshll.u32 v13, $0x6;
	v14 =	vshll.u32 v14, $0xC  }
0x2c1: {  	vm12 =	vgt.s32 v17, $0x0;
	v13 =	vor.u32 v14, v13;
	v14 =	vadd.s32 v3, v48  }
0x2c2: {  	v7 =	vnsel vm14, $0x0, v7;
	vm15 =	vgt.s32 v61, $0x0;
	vm10 =	vgt.s32 v14, $0x0  }
0x2c3: {  	[tilespmem:$0x1E630] =	vst v9;
	v8 =	vmin.u32 v8, $0x3F;
	v53 =	vnsel vm12, $0x0, v17;
	v14 =	vnsel vm10, $0x0, v14  }
0x2c4: {  	v9 =	vnsel vm15, $0x0, v61;
	v7 =	vmin.u32 v7, $0x3F;
	[tilespmem:$0x1E640] =	vst v10;
	v14 =	vmin.u32 v14, $0x3F  }
0x2c5: {  	v8 =	vshll.u32 v8, $0xC;
	v62 =	vmin.u32 v53, $0x3F;
	[tilespmem:$0x1E680] =	vst v11;
	v14 =	vshll.u32 v14, $0xC  }
0x2c6: {  	v7 =	vshll.u32 v7, $0x6;
	[tilespmem:$0x1E690] =	vst v12;
	v13 =	vor.u32 v15, v13;
	v6 =	vor.u32 v14, v6  }
0x2c7: {  	v63 =	vmin.u32 v9, $0x3F;
	v7 =	vor.u32 v8, v7;
	[tilespmem:$0x1E6A0] =	vst v13;
	v6 =	vor.u32 v62, v6  }
.Ltmp14:
0x2c8: {  	[tilespmem:$0x1E6B0] =	vst v6;
	v6 =	vor.u32 v63, v7;
	(pc) =	sbr.rel .LBB2_22-.Ltmp14, $4  }
0x2c9: {  	s12 =	simm.s32 $0x1E600;
	[tilespmem:$0x1E6C0] =	vst v6  }
0x2ca: {  	[tilespmem:s25], [sflag:$0x7] =	stream.indirect.gather [hbm4b:s2+s23], $0x80, s12, s23, $0xb8;
	[tilespmem:$0x1E980] =	vst v63  }
0x2cb: {  	_ = 	snop  }
0x2cc: {  	[tilespmem:s28], [sflag:$0x8] =	stream.indirect.gather [hbm4b:s2+s23], $0x80, s26, s23, $0xb8;
	[tilespmem:$0x1E980] =	vst v63  }
.LBB2_24:
0x2cd: {  	_ =	sfence.sel $0x180000  }
0x2ce: {  	[bflag:$0x0] =	sbarrier.arrive $0xFFFF  }
0x2cf: {  	_ =	strace $0x90000047  }
0x2d0: {  	s0 =	stileid.u32;
	[bflag:$0x2] =	sbarrier.arrive $0xFFFF  }
0x2d1: {  	p0 =	sne.s32 s0, $0x0;
	s0 =	rddreg [dreg:$0x5]  }
0x2d2: {  	s0 =	sadd.s32 @!p0 $0x100000, s0  }
0x2d3: {  	[sflag:s0] =	ssyncadd.tile.s32 @!p0 $0x1;
	_ =	shalt  }
.Lfunc_end2:
_tile_overlayer_lowered:
.L_overlay_start_2:
0x2d4: {  	(tag) =	ssettag $0x2  }
0x2d5: {  	s0 =	rddreg [dreg:$0x0];
	s2 =	stileid.u32  }
0x2d6: {  	s1 =	rddreg [dreg:$0x1];
	p0 =	sne.s32 s2, $0x0  }
0x2d7: {  	s3 =	rddreg [dreg:$0x2];
	[bflag:$0x3] =	sbarrier.arrive $0xFFFF;
	s2 =	simm.s32 @!p0 $0x1C10  }
0x2d8: {  	[timem:s3], [sflag:s2] =	dma.local @!p0 [hbm:s0], s1  }
0x2d9: {  	s0 =	simm.s32 @!p0 $0x10  }
0x2da: {  	_ =	swait.ge @!p0 [sflag:s0], s1  }
0x2db: {  	s1 =	ssub.s32 @!p0 $0x0, s1;
	[sflag:s0] =	ssyncset.done @!p0 $0x0  }
0x2dc: {  	[sflag:s0] =	ssyncadd.s32 @!p0 s1  }
0x2dd: {  	[bflag:$0x3] =	sbarrier.arrive $0xFFFF  }
0x2de: {  	_ =	shalt  }

</sc_bundles>
